<compile_context>
chip_gen: v7x
topology: tpu7x:2x2x1
jax: 0.10.2.dev20260603
libtpu: 0.0.44.dev20260713+nightly
codegen_flags: <defaults>
</compile_context>

<pallas_src>
import functools

import jax
import jax.numpy as jnp
from jax import lax
from jax.experimental import pallas as pl
from jax.experimental.pallas import tpu as pltpu
from jax.experimental.pallas import tpu_sc as plsc

N_NODES = 10000
N_FEAT = 128
N_EDGES = 320000
BN_EPS = 1e-5

NC = 2
NS = 16
NW = NC * NS

CHUNK = 120
CPT = 84
E_PAD = NW * CPT * CHUNK
N_PAD = 10112
ROWS_PER_TILE = N_PAD // NS

_sc_mesh = plsc.VectorSubcoreMesh(core_axis_name="c", subcore_axis_name="s")


@functools.partial(
    pl.kernel,
    mesh=_sc_mesh,
    out_type=jax.ShapeDtypeStruct((NC, N_PAD, N_FEAT), jnp.float32),
    scratch_types=(
        [
            pltpu.VMEM_SHARED((N_PAD, N_FEAT), jnp.float32),
            pltpu.VMEM((6, 2, CHUNK), jnp.int32),
            pltpu.VMEM((3, CHUNK, N_FEAT), jnp.float32),
        ]
        + [pltpu.SemaphoreType.DMA] * 13
    ),
)
def _sc_agg(x_hbm, sd_hbm, zeros_hbm, out_hbm,
            acc, idx, rows, *sems):
    c = lax.axis_index("c")
    s = lax.axis_index("s")
    w = s * NC + c
    sem_i = sems[0:6]
    sem_g = sems[6:9]
    sem_s = sems[9:12]
    sem_z = sems[12]

    pltpu.async_copy(zeros_hbm.at[pl.ds(s * ROWS_PER_TILE, ROWS_PER_TILE)],
                     acc.at[pl.ds(s * ROWS_PER_TILE, ROWS_PER_TILE)], sem_z)

    def idx_start(jd, kI):
        pltpu.async_copy(sd_hbm.at[w, jd], idx.at[kI], sem_i[kI])

    def idx_wait(kI):
        pltpu.make_async_copy(sd_hbm.at[w, 0], idx.at[kI], sem_i[kI]).wait()

    def gather_start(jd, kI, kR):
        pltpu.async_copy(x_hbm.at[idx.at[kI, 0]], rows.at[kR], sem_g[kR])

    def gather_wait(kR):
        pltpu.make_async_copy(x_hbm.at[pl.ds(0, CHUNK)], rows.at[kR],
                              sem_g[kR]).wait()

    def scat_start(kI, kR):
        pltpu.async_copy(rows.at[kR], acc.at[idx.at[kI, 1]], sem_s[kR],
                         add=True)

    def scat_wait(kR):
        pltpu.make_async_copy(rows.at[kR], acc.at[pl.ds(0, CHUNK)],
                              sem_s[kR]).wait()

    def step(jd, k, do_scat_wait, do_prefetch, do_drain):
        if do_scat_wait:
            scat_wait(k % 3)
        if do_prefetch:
            idx_start(jd + 3, (k + 3) % 6)
        idx_wait(k)
        gather_start(jd, k, k % 3)
        if do_drain:
            gather_wait((k - 2) % 3)
            scat_start((k - 2) % 6, (k - 2) % 3)

    for k in range(3):
        idx_start(k, k)
    for k in range(2):
        step(k, k, False, True, False)
    pltpu.make_async_copy(
        zeros_hbm.at[pl.ds(s * ROWS_PER_TILE, ROWS_PER_TILE)],
        acc.at[pl.ds(s * ROWS_PER_TILE, ROWS_PER_TILE)], sem_z).wait()
    plsc.subcore_barrier()
    for k in range(2, 6):
        step(k, k, k >= 3, True, k >= 2)

    def body(lv, _):
        jb = lv * 6
        for k in range(6):
            step(jb + k, k, True, True, True)
        return ()

    lax.fori_loop(1, CPT // 6 - 1, body, ())

    for k in range(6):
        step(CPT - 6 + k, k, True, k < 3, True)

    gather_wait((CPT - 2) % 3)
    scat_start((CPT - 2) % 6, (CPT - 2) % 3)
    gather_wait((CPT - 1) % 3)
    scat_start((CPT - 1) % 6, (CPT - 1) % 3)
    for r in range(3):
        scat_wait(r)

    plsc.subcore_barrier()
    pltpu.sync_copy(acc.at[pl.ds(s * ROWS_PER_TILE, ROWS_PER_TILE)],
                    out_hbm.at[c, pl.ds(s * ROWS_PER_TILE, ROWS_PER_TILE)])


def _dense_body(x_ref, p_ref, eps_ref, w_ref, b_ref, g_ref, be_ref, o_ref,
                *, pad_out):
    xs = x_ref[0:N_NODES, :]
    agg = p_ref[0, 0:N_NODES, :] + p_ref[1, 0:N_NODES, :]
    h = (1.0 + eps_ref[0, 0]) * xs + agg
    y = lax.dot_general(h, w_ref[...], (((1,), (1,)), ((), ())),
                        preferred_element_type=jnp.float32)
    y = y + b_ref[...]
    mean = jnp.mean(y, axis=0, keepdims=True)
    var = jnp.mean((y - mean) ** 2, axis=0, keepdims=True)
    z = (y - mean) * lax.rsqrt(var + BN_EPS) * g_ref[...] + be_ref[...]
    z = jnp.maximum(z, 0.0)
    o_ref[0:N_NODES, :] = z
    if pad_out:
        o_ref[N_NODES:, :] = jnp.zeros((N_PAD - N_NODES, N_FEAT), jnp.float32)


def _dense(x, p, eps, W, b, g, be, pad_out):
    rows_out = N_PAD if pad_out else N_NODES
    return pl.pallas_call(
        functools.partial(_dense_body, pad_out=pad_out),
        out_shape=jax.ShapeDtypeStruct((rows_out, N_FEAT), jnp.float32),
    )(x, p, eps.astype(jnp.float32).reshape(1, 1), W,
      b.reshape(1, N_FEAT), g.reshape(1, N_FEAT), be.reshape(1, N_FEAT))


def kernel(x, edge_index, eps1, W1, b1, g1, be1, eps2, W2, b2, g2, be2):
    n_extra = E_PAD - N_EDGES
    pad_idx = (N_NODES
               + (jnp.arange(n_extra, dtype=jnp.int32) % (N_PAD - N_NODES)))
    src = jnp.concatenate([edge_index[0], pad_idx]).reshape(NW, CPT, 1, CHUNK)
    dst = jnp.concatenate([edge_index[1], pad_idx]).reshape(NW, CPT, 1, CHUNK)
    sd = jnp.concatenate([src, dst], axis=2)

    xp = jnp.pad(x, ((0, N_PAD - N_NODES), (0, 0)))
    zeros = jnp.zeros((N_PAD, N_FEAT), jnp.float32)

    p1 = _sc_agg(xp, sd, zeros)
    h1 = _dense(xp, p1, eps1, W1, b1, g1, be1, pad_out=True)
    p2 = _sc_agg(h1, sd, zeros)
    h2 = _dense(h1, p2, eps2, W2, b2, g2, be2, pad_out=False)
    return h2

# --- scband reference (transcript-rebuilt; emitter-appended) ---
"""Pipeline reference for scband-gin-13761075216425 (READ-ONLY COPY).

The authoritative reference and input builder live on the scoring server;
editing this copy changes nothing except your own understanding.
"""

import jax, jax.numpy as jnp
import numpy as np

N_NODES = 10000
N_EDGES = 320000
N_FEAT = 128
N_HID = 128
BN_EPS = 1e-5


def _linear_init(key, fan_in, fan_out):
    k1, k2 = jax.random.split(key)
    bound = 1.0 / np.sqrt(fan_in)
    W = jax.random.uniform(k1, (fan_out, fan_in), minval=-bound, maxval=bound, dtype=jnp.float32)
    b = jax.random.uniform(k2, (fan_out,), minval=-bound, maxval=bound, dtype=jnp.float32)
    return W, b


def setup_inputs(seed: int = 0):
    key = jax.random.key(seed)
    ks = jax.random.split(key, 4)
    x = jax.random.normal(ks[0], (N_NODES, N_FEAT), dtype=jnp.float32)
    edge_index = jax.random.randint(ks[1], (2, N_EDGES), 0, N_NODES, dtype=jnp.int32)
    W1, b1 = _linear_init(ks[2], N_FEAT, N_HID)
    W2, b2 = _linear_init(ks[3], N_HID, N_HID)
    return {
        "x": x,
        "edge_index": edge_index,
        "eps1": jnp.zeros((), dtype=jnp.float32),
        "W1": W1,
        "b1": b1,
        "g1": jnp.ones((N_HID,), dtype=jnp.float32),
        "be1": jnp.zeros((N_HID,), dtype=jnp.float32),
        "eps2": jnp.zeros((), dtype=jnp.float32),
        "W2": W2,
        "b2": b2,
        "g2": jnp.ones((N_HID,), dtype=jnp.float32),
        "be2": jnp.zeros((N_HID,), dtype=jnp.float32),
    }


def _batch_norm(h, gamma, beta):
    mean = jnp.mean(h, axis=0)
    var = jnp.var(h, axis=0)
    return (h - mean) / jnp.sqrt(var + BN_EPS) * gamma + beta


def _gin_conv(x, edge_index, eps, W, b, gamma, beta):
    src = edge_index[0]
    dst = edge_index[1]
    # sum aggregation of neighbor messages (gather + scatter-add)
    agg = jax.ops.segment_sum(jnp.take(x, src, axis=0), dst, num_segments=x.shape[0])
    h = (1.0 + eps) * x + agg
    h = h @ W.T + b
    h = _batch_norm(h, gamma, beta)
    return h


def reference(x, edge_index, eps1, W1, b1, g1, be1, eps2, W2, b2, g2, be2):
    h = _gin_conv(x, edge_index, eps1, W1, b1, g1, be1)
    h = jax.nn.relu(h)
    # dropout is identity in eval mode
    h = _gin_conv(h, edge_index, eps2, W2, b2, g2, be2)
    h = jax.nn.relu(h)
    return h

if __name__ == "__main__":
    import jax
    _d = setup_inputs()
    print(jax.jit(kernel)(*tuple(_d.values())))

</pallas_src>

<mosaic_0001>
#map = affine_map<(d0, d1) -> (0, 0)>
#map1 = affine_map<(d0, d1) -> (0, 0, 0, 0)>
#map2 = affine_map<(d0, d1) -> (0, 0, 0)>
module attributes {stable_mosaic.version = 14 : i64} {
  func.func @_sc_agg(%arg0: i32, %arg1: i32, %arg2: memref<10112x128xf32, #tpu.memory_space<hbm>>, %arg3: memref<32x84x2x120xi32, #tpu.memory_space<hbm>>, %arg4: memref<10112x128xf32, #tpu.memory_space<hbm>>, %arg5: memref<2x10112x128xf32, #tpu.memory_space<hbm>>, %arg6: memref<10112x128xf32, #tpu.memory_space<vmem_shared>>, %arg7: memref<6x2x120xi32, #tpu.memory_space<vmem>>, %arg8: memref<3x120x128xf32, #tpu.memory_space<vmem>>, %arg9: memref<!tpu.dma_semaphore, #tpu.memory_space<semaphore_mem>>, %arg10: memref<!tpu.dma_semaphore, #tpu.memory_space<semaphore_mem>>, %arg11: memref<!tpu.dma_semaphore, #tpu.memory_space<semaphore_mem>>, %arg12: memref<!tpu.dma_semaphore, #tpu.memory_space<semaphore_mem>>, %arg13: memref<!tpu.dma_semaphore, #tpu.memory_space<semaphore_mem>>, %arg14: memref<!tpu.dma_semaphore, #tpu.memory_space<semaphore_mem>>, %arg15: memref<!tpu.dma_semaphore, #tpu.memory_space<semaphore_mem>>, %arg16: memref<!tpu.dma_semaphore, #tpu.memory_space<semaphore_mem>>, %arg17: memref<!tpu.dma_semaphore, #tpu.memory_space<semaphore_mem>>, %arg18: memref<!tpu.dma_semaphore, #tpu.memory_space<semaphore_mem>>, %arg19: memref<!tpu.dma_semaphore, #tpu.memory_space<semaphore_mem>>, %arg20: memref<!tpu.dma_semaphore, #tpu.memory_space<semaphore_mem>>, %arg21: memref<!tpu.dma_semaphore, #tpu.memory_space<semaphore_mem>>) attributes {dimension_semantics = [#tpu.dimension_semantics<core_parallel>, #tpu.dimension_semantics<subcore_parallel>], iteration_bounds = array<i64: 2, 16>, scalar_prefetch = 0 : i64, scratch_operands = 16 : i64, tpu.core_type = #tpu.core_type<sc_vector_subcore>, window_params = [{transform_indices = #map}, {transform_indices = #map1}, {transform_indices = #map}, {transform_indices = #map2}]} {
    %mul3A = arith.constant 2 : i32
    %mul3A_0 = arith.muli %arg1, %mul3A : i32
    %add3A = arith.addi %mul3A_0, %arg0 : i32
    %mul3A_1 = arith.constant 632 : i32
    %mul3A_2 = arith.muli %arg1, %mul3A_1 : i32
    %mul3A_3 = arith.constant 632 : i32
    %mul3A_4 = arith.muli %arg1, %mul3A_3 : i32
    %dma_start3A = arith.constant 0 : i32
    %dma_start3A_5 = tpu.memref_slice %arg6[%mul3A_4, %dma_start3A] : memref<10112x128xf32, #tpu.memory_space<vmem_shared>> -> memref<632x128xf32, #tpu.memory_space<vmem_shared>>
    %dma_start3A_6 = arith.constant 0 : i32
    %dma_start3A_7 = tpu.memref_slice %arg4[%mul3A_2, %dma_start3A_6] : memref<10112x128xf32, #tpu.memory_space<hbm>> -> memref<632x128xf32, #tpu.memory_space<hbm>>
    tpu.enqueue_dma source(%dma_start3A_7 : memref<632x128xf32, #tpu.memory_space<hbm>>) target(%dma_start3A_5 : memref<632x128xf32, #tpu.memory_space<vmem_shared>>) target_semaphore(%arg21 : memref<!tpu.dma_semaphore, #tpu.memory_space<semaphore_mem>>)
    %dma_start3A_8 = arith.constant 0 : i32
    %dma_start3A_9 = arith.constant 0 : i32
    %dma_start3A_10 = arith.constant 0 : i32
    %dma_start3A_11 = arith.constant 0 : i32
    %dma_start3A_12 = tpu.memref_slice %arg7[%dma_start3A_9, %dma_start3A_10, %dma_start3A_11] : memref<6x2x120xi32, #tpu.memory_space<vmem>> -> memref<1x2x120xi32, #tpu.memory_space<vmem>>
    %dma_start3A_13 = tpu.memref_squeeze %dma_start3A_12 : memref<1x2x120xi32, #tpu.memory_space<vmem>> -> memref<2x120xi32, #tpu.memory_space<vmem>>
    %dma_start3A_14 = arith.constant 0 : i32
    %dma_start3A_15 = arith.constant 0 : i32
    %dma_start3A_16 = tpu.memref_slice %arg3[%add3A, %dma_start3A_8, %dma_start3A_14, %dma_start3A_15] : memref<32x84x2x120xi32, #tpu.memory_space<hbm>> -> memref<1x1x2x120xi32, #tpu.memory_space<hbm>>
    %dma_start3A_17 = tpu.memref_squeeze %dma_start3A_16 : memref<1x1x2x120xi32, #tpu.memory_space<hbm>> -> memref<2x120xi32, #tpu.memory_space<hbm>>
    %dma_start3A_18 = arith.constant 0 : i32
    %dma_start3A_19 = arith.constant 0 : i32
    %dma_start3A_20 = tpu.memref_slice %arg7[%dma_start3A_9, %dma_start3A_18, %dma_start3A_19] : memref<6x2x120xi32, #tpu.memory_space<vmem>> -> memref<1x2x120xi32, #tpu.memory_space<vmem>>
    %dma_start3A_21 = tpu.memref_squeeze %dma_start3A_20 : memref<1x2x120xi32, #tpu.memory_space<vmem>> -> memref<2x120xi32, #tpu.memory_space<vmem>>
    %dma_start3A_22 = arith.constant 0 : i32
    %dma_start3A_23 = arith.constant 0 : i32
    %dma_start3A_24 = tpu.memref_slice %arg3[%add3A, %dma_start3A_8, %dma_start3A_22, %dma_start3A_23] : memref<32x84x2x120xi32, #tpu.memory_space<hbm>> -> memref<1x1x2x120xi32, #tpu.memory_space<hbm>>
    %dma_start3A_25 = tpu.memref_squeeze %dma_start3A_24 : memref<1x1x2x120xi32, #tpu.memory_space<hbm>> -> memref<2x120xi32, #tpu.memory_space<hbm>>
    tpu.enqueue_dma source(%dma_start3A_25 : memref<2x120xi32, #tpu.memory_space<hbm>>) target(%dma_start3A_21 : memref<2x120xi32, #tpu.memory_space<vmem>>) target_semaphore(%arg9 : memref<!tpu.dma_semaphore, #tpu.memory_space<semaphore_mem>>)
    %dma_start3A_26 = arith.constant 1 : i32
    %dma_start3A_27 = arith.constant 1 : i32
    %dma_start3A_28 = arith.constant 0 : i32
    %dma_start3A_29 = arith.constant 0 : i32
    %dma_start3A_30 = tpu.memref_slice %arg7[%dma_start3A_27, %dma_start3A_28, %dma_start3A_29] : memref<6x2x120xi32, #tpu.memory_space<vmem>> -> memref<1x2x120xi32, #tpu.memory_space<vmem>>
    %dma_start3A_31 = tpu.memref_squeeze %dma_start3A_30 : memref<1x2x120xi32, #tpu.memory_space<vmem>> -> memref<2x120xi32, #tpu.memory_space<vmem>>
    %dma_start3A_32 = arith.constant 0 : i32
    %dma_start3A_33 = arith.constant 0 : i32
    %dma_start3A_34 = tpu.memref_slice %arg3[%add3A, %dma_start3A_26, %dma_start3A_32, %dma_start3A_33] : memref<32x84x2x120xi32, #tpu.memory_space<hbm>> -> memref<1x1x2x120xi32, #tpu.memory_space<hbm>>
    %dma_start3A_35 = tpu.memref_squeeze %dma_start3A_34 : memref<1x1x2x120xi32, #tpu.memory_space<hbm>> -> memref<2x120xi32, #tpu.memory_space<hbm>>
    %dma_start3A_36 = arith.constant 0 : i32
    %dma_start3A_37 = arith.constant 0 : i32
    %dma_start3A_38 = tpu.memref_slice %arg7[%dma_start3A_27, %dma_start3A_36, %dma_start3A_37] : memref<6x2x120xi32, #tpu.memory_space<vmem>> -> memref<1x2x120xi32, #tpu.memory_space<vmem>>
    %dma_start3A_39 = tpu.memref_squeeze %dma_start3A_38 : memref<1x2x120xi32, #tpu.memory_space<vmem>> -> memref<2x120xi32, #tpu.memory_space<vmem>>
    %dma_start3A_40 = arith.constant 0 : i32
    %dma_start3A_41 = arith.constant 0 : i32
    %dma_start3A_42 = tpu.memref_slice %arg3[%add3A, %dma_start3A_26, %dma_start3A_40, %dma_start3A_41] : memref<32x84x2x120xi32, #tpu.memory_space<hbm>> -> memref<1x1x2x120xi32, #tpu.memory_space<hbm>>
    %dma_start3A_43 = tpu.memref_squeeze %dma_start3A_42 : memref<1x1x2x120xi32, #tpu.memory_space<hbm>> -> memref<2x120xi32, #tpu.memory_space<hbm>>
    tpu.enqueue_dma source(%dma_start3A_43 : memref<2x120xi32, #tpu.memory_space<hbm>>) target(%dma_start3A_39 : memref<2x120xi32, #tpu.memory_space<vmem>>) target_semaphore(%arg10 : memref<!tpu.dma_semaphore, #tpu.memory_space<semaphore_mem>>)
    %dma_start3A_44 = arith.constant 2 : i32
    %dma_start3A_45 = arith.constant 2 : i32
    %dma_start3A_46 = arith.constant 0 : i32
    %dma_start3A_47 = arith.constant 0 : i32
    %dma_start3A_48 = tpu.memref_slice %arg7[%dma_start3A_45, %dma_start3A_46, %dma_start3A_47] : memref<6x2x120xi32, #tpu.memory_space<vmem>> -> memref<1x2x120xi32, #tpu.memory_space<vmem>>
    %dma_start3A_49 = tpu.memref_squeeze %dma_start3A_48 : memref<1x2x120xi32, #tpu.memory_space<vmem>> -> memref<2x120xi32, #tpu.memory_space<vmem>>
    %dma_start3A_50 = arith.constant 0 : i32
    %dma_start3A_51 = arith.constant 0 : i32
    %dma_start3A_52 = tpu.memref_slice %arg3[%add3A, %dma_start3A_44, %dma_start3A_50, %dma_start3A_51] : memref<32x84x2x120xi32, #tpu.memory_space<hbm>> -> memref<1x1x2x120xi32, #tpu.memory_space<hbm>>
    %dma_start3A_53 = tpu.memref_squeeze %dma_start3A_52 : memref<1x1x2x120xi32, #tpu.memory_space<hbm>> -> memref<2x120xi32, #tpu.memory_space<hbm>>
    %dma_start3A_54 = arith.constant 0 : i32
    %dma_start3A_55 = arith.constant 0 : i32
    %dma_start3A_56 = tpu.memref_slice %arg7[%dma_start3A_45, %dma_start3A_54, %dma_start3A_55] : memref<6x2x120xi32, #tpu.memory_space<vmem>> -> memref<1x2x120xi32, #tpu.memory_space<vmem>>
    %dma_start3A_57 = tpu.memref_squeeze %dma_start3A_56 : memref<1x2x120xi32, #tpu.memory_space<vmem>> -> memref<2x120xi32, #tpu.memory_space<vmem>>
    %dma_start3A_58 = arith.constant 0 : i32
    %dma_start3A_59 = arith.constant 0 : i32
    %dma_start3A_60 = tpu.memref_slice %arg3[%add3A, %dma_start3A_44, %dma_start3A_58, %dma_start3A_59] : memref<32x84x2x120xi32, #tpu.memory_space<hbm>> -> memref<1x1x2x120xi32, #tpu.memory_space<hbm>>
    %dma_start3A_61 = tpu.memref_squeeze %dma_start3A_60 : memref<1x1x2x120xi32, #tpu.memory_space<hbm>> -> memref<2x120xi32, #tpu.memory_space<hbm>>
    tpu.enqueue_dma source(%dma_start3A_61 : memref<2x120xi32, #tpu.memory_space<hbm>>) target(%dma_start3A_57 : memref<2x120xi32, #tpu.memory_space<vmem>>) target_semaphore(%arg11 : memref<!tpu.dma_semaphore, #tpu.memory_space<semaphore_mem>>)
    %dma_start3A_62 = arith.constant 3 : i32
    %dma_start3A_63 = arith.constant 3 : i32
    %dma_start3A_64 = arith.constant 0 : i32
    %dma_start3A_65 = arith.constant 0 : i32
    %dma_start3A_66 = tpu.memref_slice %arg7[%dma_start3A_63, %dma_start3A_64, %dma_start3A_65] : memref<6x2x120xi32, #tpu.memory_space<vmem>> -> memref<1x2x120xi32, #tpu.memory_space<vmem>>
    %dma_start3A_67 = tpu.memref_squeeze %dma_start3A_66 : memref<1x2x120xi32, #tpu.memory_space<vmem>> -> memref<2x120xi32, #tpu.memory_space<vmem>>
    %dma_start3A_68 = arith.constant 0 : i32
    %dma_start3A_69 = arith.constant 0 : i32
    %dma_start3A_70 = tpu.memref_slice %arg3[%add3A, %dma_start3A_62, %dma_start3A_68, %dma_start3A_69] : memref<32x84x2x120xi32, #tpu.memory_space<hbm>> -> memref<1x1x2x120xi32, #tpu.memory_space<hbm>>
    %dma_start3A_71 = tpu.memref_squeeze %dma_start3A_70 : memref<1x1x2x120xi32, #tpu.memory_space<hbm>> -> memref<2x120xi32, #tpu.memory_space<hbm>>
    %dma_start3A_72 = arith.constant 0 : i32
    %dma_start3A_73 = arith.constant 0 : i32
    %dma_start3A_74 = tpu.memref_slice %arg7[%dma_start3A_63, %dma_start3A_72, %dma_start3A_73] : memref<6x2x120xi32, #tpu.memory_space<vmem>> -> memref<1x2x120xi32, #tpu.memory_space<vmem>>
    %dma_start3A_75 = tpu.memref_squeeze %dma_start3A_74 : memref<1x2x120xi32, #tpu.memory_space<vmem>> -> memref<2x120xi32, #tpu.memory_space<vmem>>
    %dma_start3A_76 = arith.constant 0 : i32
    %dma_start3A_77 = arith.constant 0 : i32
    %dma_start3A_78 = tpu.memref_slice %arg3[%add3A, %dma_start3A_62, %dma_start3A_76, %dma_start3A_77] : memref<32x84x2x120xi32, #tpu.memory_space<hbm>> -> memref<1x1x2x120xi32, #tpu.memory_space<hbm>>
    %dma_start3A_79 = tpu.memref_squeeze %dma_start3A_78 : memref<1x1x2x120xi32, #tpu.memory_space<hbm>> -> memref<2x120xi32, #tpu.memory_space<hbm>>
    tpu.enqueue_dma source(%dma_start3A_79 : memref<2x120xi32, #tpu.memory_space<hbm>>) target(%dma_start3A_75 : memref<2x120xi32, #tpu.memory_space<vmem>>) target_semaphore(%arg12 : memref<!tpu.dma_semaphore, #tpu.memory_space<semaphore_mem>>)
    %dma_wait3A = arith.constant 0 : i32
    %dma_wait3A_80 = arith.constant 0 : i32
    %dma_wait3A_81 = arith.constant 0 : i32
    %dma_wait3A_82 = arith.constant 0 : i32
    %dma_wait3A_83 = tpu.memref_slice %arg7[%dma_wait3A_80, %dma_wait3A_81, %dma_wait3A_82] : memref<6x2x120xi32, #tpu.memory_space<vmem>> -> memref<1x2x120xi32, #tpu.memory_space<vmem>>
    %dma_wait3A_84 = tpu.memref_squeeze %dma_wait3A_83 : memref<1x2x120xi32, #tpu.memory_space<vmem>> -> memref<2x120xi32, #tpu.memory_space<vmem>>
    %dma_wait3A_85 = arith.constant 0 : i32
    %dma_wait3A_86 = arith.constant 0 : i32
    %dma_wait3A_87 = tpu.memref_slice %arg3[%add3A, %dma_wait3A, %dma_wait3A_85, %dma_wait3A_86] : memref<32x84x2x120xi32, #tpu.memory_space<hbm>> -> memref<1x1x2x120xi32, #tpu.memory_space<hbm>>
    %dma_wait3A_88 = tpu.memref_squeeze %dma_wait3A_87 : memref<1x1x2x120xi32, #tpu.memory_space<hbm>> -> memref<2x120xi32, #tpu.memory_space<hbm>>
    %dma_wait3A_89 = arith.constant 0 : i32
    %dma_wait3A_90 = arith.constant 0 : i32
    %dma_wait3A_91 = tpu.memref_slice %arg7[%dma_wait3A_80, %dma_wait3A_89, %dma_wait3A_90] : memref<6x2x120xi32, #tpu.memory_space<vmem>> -> memref<1x2x120xi32, #tpu.memory_space<vmem>>
    %dma_wait3A_92 = tpu.memref_squeeze %dma_wait3A_91 : memref<1x2x120xi32, #tpu.memory_space<vmem>> -> memref<2x120xi32, #tpu.memory_space<vmem>>
    %dma_wait3A_93 = arith.constant 0 : i32
    %dma_wait3A_94 = arith.constant 0 : i32
    %dma_wait3A_95 = tpu.memref_slice %arg3[%add3A, %dma_wait3A, %dma_wait3A_93, %dma_wait3A_94] : memref<32x84x2x120xi32, #tpu.memory_space<hbm>> -> memref<1x1x2x120xi32, #tpu.memory_space<hbm>>
    %dma_wait3A_96 = tpu.memref_squeeze %dma_wait3A_95 : memref<1x1x2x120xi32, #tpu.memory_space<hbm>> -> memref<2x120xi32, #tpu.memory_space<hbm>>
    tpu.wait_dma2 semaphore(%arg9 : memref<!tpu.dma_semaphore, #tpu.memory_space<semaphore_mem>>) src(%dma_wait3A_96 : memref<2x120xi32, #tpu.memory_space<hbm>>) dst(%dma_wait3A_92 : memref<2x120xi32, #tpu.memory_space<vmem>>)
    %dma_start3A_97 = arith.constant 0 : i32
    %dma_start3A_98 = arith.constant 0 : i32
    %dma_start3A_99 = arith.constant 0 : i32
    %dma_start3A_100 = arith.constant 0 : i32
    %dma_start3A_101 = arith.constant 0 : i32
    %dma_start3A_102 = tpu.memref_slice %arg8[%dma_start3A_99, %dma_start3A_100, %dma_start3A_101] : memref<3x120x128xf32, #tpu.memory_space<vmem>> -> memref<1x120x128xf32, #tpu.memory_space<vmem>>
    %dma_start3A_103 = tpu.memref_squeeze %dma_start3A_102 : memref<1x120x128xf32, #tpu.memory_space<vmem>> -> memref<120x128xf32, #tpu.memory_space<vmem>>
    %dma_start3A_104 = arith.constant 0 : i32
    %dma_start3A_105 = tpu.memref_slice %arg7[%dma_start3A_97, %dma_start3A_98, %dma_start3A_104] : memref<6x2x120xi32, #tpu.memory_space<vmem>> -> memref<1x1x120xi32, #tpu.memory_space<vmem>>
    %dma_start3A_106 = tpu.memref_squeeze %dma_start3A_105 : memref<1x1x120xi32, #tpu.memory_space<vmem>> -> memref<120xi32, #tpu.memory_space<vmem>>
    %dma_start3A_107 = arith.constant 0 : i32
    %dma_start3A_108 = arith.constant 0 : i32
    %dma_start3A_109 = tpu.memref_slice %arg2[%dma_start3A_107, %dma_start3A_108] : memref<10112x128xf32, #tpu.memory_space<hbm>> -> memref<10112x128xf32, #tpu.memory_space<hbm>>
    tpu.enqueue_indirect_dma source(%dma_start3A_109 : memref<10112x128xf32, #tpu.memory_space<hbm>>) target(%dma_start3A_103 : memref<120x128xf32, #tpu.memory_space<vmem>>) offsets(%dma_start3A_106 : memref<120xi32, #tpu.memory_space<vmem>>) semaphore(%arg15 : memref<!tpu.dma_semaphore, #tpu.memory_space<semaphore_mem>>)
    %dma_start3A_110 = arith.constant 4 : i32
    %dma_start3A_111 = arith.constant 4 : i32
    %dma_start3A_112 = arith.constant 0 : i32
    %dma_start3A_113 = arith.constant 0 : i32
    %dma_start3A_114 = tpu.memref_slice %arg7[%dma_start3A_111, %dma_start3A_112, %dma_start3A_113] : memref<6x2x120xi32, #tpu.memory_space<vmem>> -> memref<1x2x120xi32, #tpu.memory_space<vmem>>
    %dma_start3A_115 = tpu.memref_squeeze %dma_start3A_114 : memref<1x2x120xi32, #tpu.memory_space<vmem>> -> memref<2x120xi32, #tpu.memory_space<vmem>>
    %dma_start3A_116 = arith.constant 0 : i32
    %dma_start3A_117 = arith.constant 0 : i32
    %dma_start3A_118 = tpu.memref_slice %arg3[%add3A, %dma_start3A_110, %dma_start3A_116, %dma_start3A_117] : memref<32x84x2x120xi32, #tpu.memory_space<hbm>> -> memref<1x1x2x120xi32, #tpu.memory_space<hbm>>
    %dma_start3A_119 = tpu.memref_squeeze %dma_start3A_118 : memref<1x1x2x120xi32, #tpu.memory_space<hbm>> -> memref<2x120xi32, #tpu.memory_space<hbm>>
    %dma_start3A_120 = arith.constant 0 : i32
    %dma_start3A_121 = arith.constant 0 : i32
    %dma_start3A_122 = tpu.memref_slice %arg7[%dma_start3A_111, %dma_start3A_120, %dma_start3A_121] : memref<6x2x120xi32, #tpu.memory_space<vmem>> -> memref<1x2x120xi32, #tpu.memory_space<vmem>>
    %dma_start3A_123 = tpu.memref_squeeze %dma_start3A_122 : memref<1x2x120xi32, #tpu.memory_space<vmem>> -> memref<2x120xi32, #tpu.memory_space<vmem>>
    %dma_start3A_124 = arith.constant 0 : i32
    %dma_start3A_125 = arith.constant 0 : i32
    %dma_start3A_126 = tpu.memref_slice %arg3[%add3A, %dma_start3A_110, %dma_start3A_124, %dma_start3A_125] : memref<32x84x2x120xi32, #tpu.memory_space<hbm>> -> memref<1x1x2x120xi32, #tpu.memory_space<hbm>>
    %dma_start3A_127 = tpu.memref_squeeze %dma_start3A_126 : memref<1x1x2x120xi32, #tpu.memory_space<hbm>> -> memref<2x120xi32, #tpu.memory_space<hbm>>
    tpu.enqueue_dma source(%dma_start3A_127 : memref<2x120xi32, #tpu.memory_space<hbm>>) target(%dma_start3A_123 : memref<2x120xi32, #tpu.memory_space<vmem>>) target_semaphore(%arg13 : memref<!tpu.dma_semaphore, #tpu.memory_space<semaphore_mem>>)
    %dma_wait3A_128 = arith.constant 0 : i32
    %dma_wait3A_129 = arith.constant 1 : i32
    %dma_wait3A_130 = arith.constant 0 : i32
    %dma_wait3A_131 = arith.constant 0 : i32
    %dma_wait3A_132 = tpu.memref_slice %arg7[%dma_wait3A_129, %dma_wait3A_130, %dma_wait3A_131] : memref<6x2x120xi32, #tpu.memory_space<vmem>> -> memref<1x2x120xi32, #tpu.memory_space<vmem>>
    %dma_wait3A_133 = tpu.memref_squeeze %dma_wait3A_132 : memref<1x2x120xi32, #tpu.memory_space<vmem>> -> memref<2x120xi32, #tpu.memory_space<vmem>>
    %dma_wait3A_134 = arith.constant 0 : i32
    %dma_wait3A_135 = arith.constant 0 : i32
    %dma_wait3A_136 = tpu.memref_slice %arg3[%add3A, %dma_wait3A_128, %dma_wait3A_134, %dma_wait3A_135] : memref<32x84x2x120xi32, #tpu.memory_space<hbm>> -> memref<1x1x2x120xi32, #tpu.memory_space<hbm>>
    %dma_wait3A_137 = tpu.memref_squeeze %dma_wait3A_136 : memref<1x1x2x120xi32, #tpu.memory_space<hbm>> -> memref<2x120xi32, #tpu.memory_space<hbm>>
    %dma_wait3A_138 = arith.constant 0 : i32
    %dma_wait3A_139 = arith.constant 0 : i32
    %dma_wait3A_140 = tpu.memref_slice %arg7[%dma_wait3A_129, %dma_wait3A_138, %dma_wait3A_139] : memref<6x2x120xi32, #tpu.memory_space<vmem>> -> memref<1x2x120xi32, #tpu.memory_space<vmem>>
    %dma_wait3A_141 = tpu.memref_squeeze %dma_wait3A_140 : memref<1x2x120xi32, #tpu.memory_space<vmem>> -> memref<2x120xi32, #tpu.memory_space<vmem>>
    %dma_wait3A_142 = arith.constant 0 : i32
    %dma_wait3A_143 = arith.constant 0 : i32
    %dma_wait3A_144 = tpu.memref_slice %arg3[%add3A, %dma_wait3A_128, %dma_wait3A_142, %dma_wait3A_143] : memref<32x84x2x120xi32, #tpu.memory_space<hbm>> -> memref<1x1x2x120xi32, #tpu.memory_space<hbm>>
    %dma_wait3A_145 = tpu.memref_squeeze %dma_wait3A_144 : memref<1x1x2x120xi32, #tpu.memory_space<hbm>> -> memref<2x120xi32, #tpu.memory_space<hbm>>
    tpu.wait_dma2 semaphore(%arg10 : memref<!tpu.dma_semaphore, #tpu.memory_space<semaphore_mem>>) src(%dma_wait3A_145 : memref<2x120xi32, #tpu.memory_space<hbm>>) dst(%dma_wait3A_141 : memref<2x120xi32, #tpu.memory_space<vmem>>)
    %dma_start3A_146 = arith.constant 1 : i32
    %dma_start3A_147 = arith.constant 0 : i32
    %dma_start3A_148 = arith.constant 1 : i32
    %dma_start3A_149 = arith.constant 0 : i32
    %dma_start3A_150 = arith.constant 0 : i32
    %dma_start3A_151 = tpu.memref_slice %arg8[%dma_start3A_148, %dma_start3A_149, %dma_start3A_150] : memref<3x120x128xf32, #tpu.memory_space<vmem>> -> memref<1x120x128xf32, #tpu.memory_space<vmem>>
    %dma_start3A_152 = tpu.memref_squeeze %dma_start3A_151 : memref<1x120x128xf32, #tpu.memory_space<vmem>> -> memref<120x128xf32, #tpu.memory_space<vmem>>
    %dma_start3A_153 = arith.constant 0 : i32
    %dma_start3A_154 = tpu.memref_slice %arg7[%dma_start3A_146, %dma_start3A_147, %dma_start3A_153] : memref<6x2x120xi32, #tpu.memory_space<vmem>> -> memref<1x1x120xi32, #tpu.memory_space<vmem>>
    %dma_start3A_155 = tpu.memref_squeeze %dma_start3A_154 : memref<1x1x120xi32, #tpu.memory_space<vmem>> -> memref<120xi32, #tpu.memory_space<vmem>>
    %dma_start3A_156 = arith.constant 0 : i32
    %dma_start3A_157 = arith.constant 0 : i32
    %dma_start3A_158 = tpu.memref_slice %arg2[%dma_start3A_156, %dma_start3A_157] : memref<10112x128xf32, #tpu.memory_space<hbm>> -> memref<10112x128xf32, #tpu.memory_space<hbm>>
    tpu.enqueue_indirect_dma source(%dma_start3A_158 : memref<10112x128xf32, #tpu.memory_space<hbm>>) target(%dma_start3A_152 : memref<120x128xf32, #tpu.memory_space<vmem>>) offsets(%dma_start3A_155 : memref<120xi32, #tpu.memory_space<vmem>>) semaphore(%arg16 : memref<!tpu.dma_semaphore, #tpu.memory_space<semaphore_mem>>)
    %mul3A_159 = arith.constant 632 : i32
    %mul3A_160 = arith.muli %arg1, %mul3A_159 : i32
    %mul3A_161 = arith.constant 632 : i32
    %mul3A_162 = arith.muli %arg1, %mul3A_161 : i32
    %dma_wait3A_163 = arith.constant 0 : i32
    %dma_wait3A_164 = tpu.memref_slice %arg6[%mul3A_162, %dma_wait3A_163] : memref<10112x128xf32, #tpu.memory_space<vmem_shared>> -> memref<632x128xf32, #tpu.memory_space<vmem_shared>>
    %dma_wait3A_165 = arith.constant 0 : i32
    %dma_wait3A_166 = tpu.memref_slice %arg4[%mul3A_160, %dma_wait3A_165] : memref<10112x128xf32, #tpu.memory_space<hbm>> -> memref<632x128xf32, #tpu.memory_space<hbm>>
    tpu.wait_dma2 semaphore(%arg21 : memref<!tpu.dma_semaphore, #tpu.memory_space<semaphore_mem>>) src(%dma_wait3A_166 : memref<632x128xf32, #tpu.memory_space<hbm>>) dst(%dma_wait3A_164 : memref<632x128xf32, #tpu.memory_space<vmem_shared>>)
    %barrier3A = arith.constant 0 : index
    tpu.barrier barrier_id(%barrier3A)
    %dma_start3A_167 = arith.constant 5 : i32
    %dma_start3A_168 = arith.constant 5 : i32
    %dma_start3A_169 = arith.constant 0 : i32
    %dma_start3A_170 = arith.constant 0 : i32
    %dma_start3A_171 = tpu.memref_slice %arg7[%dma_start3A_168, %dma_start3A_169, %dma_start3A_170] : memref<6x2x120xi32, #tpu.memory_space<vmem>> -> memref<1x2x120xi32, #tpu.memory_space<vmem>>
    %dma_start3A_172 = tpu.memref_squeeze %dma_start3A_171 : memref<1x2x120xi32, #tpu.memory_space<vmem>> -> memref<2x120xi32, #tpu.memory_space<vmem>>
    %dma_start3A_173 = arith.constant 0 : i32
    %dma_start3A_174 = arith.constant 0 : i32
    %dma_start3A_175 = tpu.memref_slice %arg3[%add3A, %dma_start3A_167, %dma_start3A_173, %dma_start3A_174] : memref<32x84x2x120xi32, #tpu.memory_space<hbm>> -> memref<1x1x2x120xi32, #tpu.memory_space<hbm>>
    %dma_start3A_176 = tpu.memref_squeeze %dma_start3A_175 : memref<1x1x2x120xi32, #tpu.memory_space<hbm>> -> memref<2x120xi32, #tpu.memory_space<hbm>>
    %dma_start3A_177 = arith.constant 0 : i32
    %dma_start3A_178 = arith.constant 0 : i32
    %dma_start3A_179 = tpu.memref_slice %arg7[%dma_start3A_168, %dma_start3A_177, %dma_start3A_178] : memref<6x2x120xi32, #tpu.memory_space<vmem>> -> memref<1x2x120xi32, #tpu.memory_space<vmem>>
    %dma_start3A_180 = tpu.memref_squeeze %dma_start3A_179 : memref<1x2x120xi32, #tpu.memory_space<vmem>> -> memref<2x120xi32, #tpu.memory_space<vmem>>
    %dma_start3A_181 = arith.constant 0 : i32
    %dma_start3A_182 = arith.constant 0 : i32
    %dma_start3A_183 = tpu.memref_slice %arg3[%add3A, %dma_start3A_167, %dma_start3A_181, %dma_start3A_182] : memref<32x84x2x120xi32, #tpu.memory_space<hbm>> -> memref<1x1x2x120xi32, #tpu.memory_space<hbm>>
    %dma_start3A_184 = tpu.memref_squeeze %dma_start3A_183 : memref<1x1x2x120xi32, #tpu.memory_space<hbm>> -> memref<2x120xi32, #tpu.memory_space<hbm>>
    tpu.enqueue_dma source(%dma_start3A_184 : memref<2x120xi32, #tpu.memory_space<hbm>>) target(%dma_start3A_180 : memref<2x120xi32, #tpu.memory_space<vmem>>) target_semaphore(%arg14 : memref<!tpu.dma_semaphore, #tpu.memory_space<semaphore_mem>>)
    %dma_wait3A_185 = arith.constant 0 : i32
    %dma_wait3A_186 = arith.constant 2 : i32
    %dma_wait3A_187 = arith.constant 0 : i32
    %dma_wait3A_188 = arith.constant 0 : i32
    %dma_wait3A_189 = tpu.memref_slice %arg7[%dma_wait3A_186, %dma_wait3A_187, %dma_wait3A_188] : memref<6x2x120xi32, #tpu.memory_space<vmem>> -> memref<1x2x120xi32, #tpu.memory_space<vmem>>
    %dma_wait3A_190 = tpu.memref_squeeze %dma_wait3A_189 : memref<1x2x120xi32, #tpu.memory_space<vmem>> -> memref<2x120xi32, #tpu.memory_space<vmem>>
    %dma_wait3A_191 = arith.constant 0 : i32
    %dma_wait3A_192 = arith.constant 0 : i32
    %dma_wait3A_193 = tpu.memref_slice %arg3[%add3A, %dma_wait3A_185, %dma_wait3A_191, %dma_wait3A_192] : memref<32x84x2x120xi32, #tpu.memory_space<hbm>> -> memref<1x1x2x120xi32, #tpu.memory_space<hbm>>
    %dma_wait3A_194 = tpu.memref_squeeze %dma_wait3A_193 : memref<1x1x2x120xi32, #tpu.memory_space<hbm>> -> memref<2x120xi32, #tpu.memory_space<hbm>>
    %dma_wait3A_195 = arith.constant 0 : i32
    %dma_wait3A_196 = arith.constant 0 : i32
    %dma_wait3A_197 = tpu.memref_slice %arg7[%dma_wait3A_186, %dma_wait3A_195, %dma_wait3A_196] : memref<6x2x120xi32, #tpu.memory_space<vmem>> -> memref<1x2x120xi32, #tpu.memory_space<vmem>>
    %dma_wait3A_198 = tpu.memref_squeeze %dma_wait3A_197 : memref<1x2x120xi32, #tpu.memory_space<vmem>> -> memref<2x120xi32, #tpu.memory_space<vmem>>
    %dma_wait3A_199 = arith.constant 0 : i32
    %dma_wait3A_200 = arith.constant 0 : i32
    %dma_wait3A_201 = tpu.memref_slice %arg3[%add3A, %dma_wait3A_185, %dma_wait3A_199, %dma_wait3A_200] : memref<32x84x2x120xi32, #tpu.memory_space<hbm>> -> memref<1x1x2x120xi32, #tpu.memory_space<hbm>>
    %dma_wait3A_202 = tpu.memref_squeeze %dma_wait3A_201 : memref<1x1x2x120xi32, #tpu.memory_space<hbm>> -> memref<2x120xi32, #tpu.memory_space<hbm>>
    tpu.wait_dma2 semaphore(%arg11 : memref<!tpu.dma_semaphore, #tpu.memory_space<semaphore_mem>>) src(%dma_wait3A_202 : memref<2x120xi32, #tpu.memory_space<hbm>>) dst(%dma_wait3A_198 : memref<2x120xi32, #tpu.memory_space<vmem>>)
    %dma_start3A_203 = arith.constant 2 : i32
    %dma_start3A_204 = arith.constant 0 : i32
    %dma_start3A_205 = arith.constant 2 : i32
    %dma_start3A_206 = arith.constant 0 : i32
    %dma_start3A_207 = arith.constant 0 : i32
    %dma_start3A_208 = tpu.memref_slice %arg8[%dma_start3A_205, %dma_start3A_206, %dma_start3A_207] : memref<3x120x128xf32, #tpu.memory_space<vmem>> -> memref<1x120x128xf32, #tpu.memory_space<vmem>>
    %dma_start3A_209 = tpu.memref_squeeze %dma_start3A_208 : memref<1x120x128xf32, #tpu.memory_space<vmem>> -> memref<120x128xf32, #tpu.memory_space<vmem>>
    %dma_start3A_210 = arith.constant 0 : i32
    %dma_start3A_211 = tpu.memref_slice %arg7[%dma_start3A_203, %dma_start3A_204, %dma_start3A_210] : memref<6x2x120xi32, #tpu.memory_space<vmem>> -> memref<1x1x120xi32, #tpu.memory_space<vmem>>
    %dma_start3A_212 = tpu.memref_squeeze %dma_start3A_211 : memref<1x1x120xi32, #tpu.memory_space<vmem>> -> memref<120xi32, #tpu.memory_space<vmem>>
    %dma_start3A_213 = arith.constant 0 : i32
    %dma_start3A_214 = arith.constant 0 : i32
    %dma_start3A_215 = tpu.memref_slice %arg2[%dma_start3A_213, %dma_start3A_214] : memref<10112x128xf32, #tpu.memory_space<hbm>> -> memref<10112x128xf32, #tpu.memory_space<hbm>>
    tpu.enqueue_indirect_dma source(%dma_start3A_215 : memref<10112x128xf32, #tpu.memory_space<hbm>>) target(%dma_start3A_209 : memref<120x128xf32, #tpu.memory_space<vmem>>) offsets(%dma_start3A_212 : memref<120xi32, #tpu.memory_space<vmem>>) semaphore(%arg17 : memref<!tpu.dma_semaphore, #tpu.memory_space<semaphore_mem>>)
    %dma_wait3A_216 = arith.constant 0 : i32
    %dma_wait3A_217 = arith.constant 0 : i32
    %dma_wait3A_218 = arith.constant 0 : i32
    %dma_wait3A_219 = tpu.memref_slice %arg8[%dma_wait3A_216, %dma_wait3A_217, %dma_wait3A_218] : memref<3x120x128xf32, #tpu.memory_space<vmem>> -> memref<1x120x128xf32, #tpu.memory_space<vmem>>
    %dma_wait3A_220 = tpu.memref_squeeze %dma_wait3A_219 : memref<1x120x128xf32, #tpu.memory_space<vmem>> -> memref<120x128xf32, #tpu.memory_space<vmem>>
    %dma_wait3A_221 = arith.constant 0 : i32
    %dma_wait3A_222 = arith.constant 0 : i32
    %dma_wait3A_223 = tpu.memref_slice %arg2[%dma_wait3A_221, %dma_wait3A_222] : memref<10112x128xf32, #tpu.memory_space<hbm>> -> memref<120x128xf32, #tpu.memory_space<hbm>>
    %dma_wait3A_224 = arith.constant 0 : i32
    %dma_wait3A_225 = arith.constant 0 : i32
    %dma_wait3A_226 = tpu.memref_slice %arg8[%dma_wait3A_216, %dma_wait3A_224, %dma_wait3A_225] : memref<3x120x128xf32, #tpu.memory_space<vmem>> -> memref<1x120x128xf32, #tpu.memory_space<vmem>>
    %dma_wait3A_227 = tpu.memref_squeeze %dma_wait3A_226 : memref<1x120x128xf32, #tpu.memory_space<vmem>> -> memref<120x128xf32, #tpu.memory_space<vmem>>
    %dma_wait3A_228 = arith.constant 0 : i32
    %dma_wait3A_229 = arith.constant 0 : i32
    %dma_wait3A_230 = tpu.memref_slice %arg2[%dma_wait3A_228, %dma_wait3A_229] : memref<10112x128xf32, #tpu.memory_space<hbm>> -> memref<120x128xf32, #tpu.memory_space<hbm>>
    tpu.wait_dma2 semaphore(%arg15 : memref<!tpu.dma_semaphore, #tpu.memory_space<semaphore_mem>>) src(%dma_wait3A_230 : memref<120x128xf32, #tpu.memory_space<hbm>>) dst(%dma_wait3A_227 : memref<120x128xf32, #tpu.memory_space<vmem>>)
    %dma_start3A_231 = arith.constant 0 : i32
    %dma_start3A_232 = arith.constant 0 : i32
    %dma_start3A_233 = arith.constant 1 : i32
    %dma_start3A_234 = arith.constant 0 : i32
    %dma_start3A_235 = arith.constant 0 : i32
    %dma_start3A_236 = tpu.memref_slice %arg8[%dma_start3A_231, %dma_start3A_234, %dma_start3A_235] : memref<3x120x128xf32, #tpu.memory_space<vmem>> -> memref<1x120x128xf32, #tpu.memory_space<vmem>>
    %dma_start3A_237 = tpu.memref_squeeze %dma_start3A_236 : memref<1x120x128xf32, #tpu.memory_space<vmem>> -> memref<120x128xf32, #tpu.memory_space<vmem>>
    %dma_start3A_238 = arith.constant 0 : i32
    %dma_start3A_239 = tpu.memref_slice %arg7[%dma_start3A_232, %dma_start3A_233, %dma_start3A_238] : memref<6x2x120xi32, #tpu.memory_space<vmem>> -> memref<1x1x120xi32, #tpu.memory_space<vmem>>
    %dma_start3A_240 = tpu.memref_squeeze %dma_start3A_239 : memref<1x1x120xi32, #tpu.memory_space<vmem>> -> memref<120xi32, #tpu.memory_space<vmem>>
    %dma_start3A_241 = arith.constant 0 : i32
    %dma_start3A_242 = arith.constant 0 : i32
    %dma_start3A_243 = tpu.memref_slice %arg6[%dma_start3A_241, %dma_start3A_242] : memref<10112x128xf32, #tpu.memory_space<vmem_shared>> -> memref<10112x128xf32, #tpu.memory_space<vmem_shared>>
    tpu.enqueue_indirect_dma source(%dma_start3A_237 : memref<120x128xf32, #tpu.memory_space<vmem>>) target(%dma_start3A_243 : memref<10112x128xf32, #tpu.memory_space<vmem_shared>>) offsets(%dma_start3A_240 : memref<120xi32, #tpu.memory_space<vmem>>) semaphore(%arg18 : memref<!tpu.dma_semaphore, #tpu.memory_space<semaphore_mem>>) {add = true}
    %dma_wait3A_244 = arith.constant 0 : i32
    %dma_wait3A_245 = arith.constant 0 : i32
    %dma_wait3A_246 = arith.constant 0 : i32
    %dma_wait3A_247 = tpu.memref_slice %arg8[%dma_wait3A_244, %dma_wait3A_245, %dma_wait3A_246] : memref<3x120x128xf32, #tpu.memory_space<vmem>> -> memref<1x120x128xf32, #tpu.memory_space<vmem>>
    %dma_wait3A_248 = tpu.memref_squeeze %dma_wait3A_247 : memref<1x120x128xf32, #tpu.memory_space<vmem>> -> memref<120x128xf32, #tpu.memory_space<vmem>>
    %dma_wait3A_249 = arith.constant 0 : i32
    %dma_wait3A_250 = arith.constant 0 : i32
    %dma_wait3A_251 = tpu.memref_slice %arg6[%dma_wait3A_249, %dma_wait3A_250] : memref<10112x128xf32, #tpu.memory_space<vmem_shared>> -> memref<120x128xf32, #tpu.memory_space<vmem_shared>>
    %dma_wait3A_252 = arith.constant 0 : i32
    %dma_wait3A_253 = arith.constant 0 : i32
    %dma_wait3A_254 = tpu.memref_slice %arg6[%dma_wait3A_252, %dma_wait3A_253] : memref<10112x128xf32, #tpu.memory_space<vmem_shared>> -> memref<120x128xf32, #tpu.memory_space<vmem_shared>>
    %dma_wait3A_255 = arith.constant 0 : i32
    %dma_wait3A_256 = arith.constant 0 : i32
    %dma_wait3A_257 = tpu.memref_slice %arg8[%dma_wait3A_244, %dma_wait3A_255, %dma_wait3A_256] : memref<3x120x128xf32, #tpu.memory_space<vmem>> -> memref<1x120x128xf32, #tpu.memory_space<vmem>>
    %dma_wait3A_258 = tpu.memref_squeeze %dma_wait3A_257 : memref<1x120x128xf32, #tpu.memory_space<vmem>> -> memref<120x128xf32, #tpu.memory_space<vmem>>
    tpu.wait_dma2 semaphore(%arg18 : memref<!tpu.dma_semaphore, #tpu.memory_space<semaphore_mem>>) src(%dma_wait3A_258 : memref<120x128xf32, #tpu.memory_space<vmem>>) dst(%dma_wait3A_254 : memref<120x128xf32, #tpu.memory_space<vmem_shared>>)
    %dma_start3A_259 = arith.constant 6 : i32
    %dma_start3A_260 = arith.constant 0 : i32
    %dma_start3A_261 = arith.constant 0 : i32
    %dma_start3A_262 = arith.constant 0 : i32
    %dma_start3A_263 = tpu.memref_slice %arg7[%dma_start3A_260, %dma_start3A_261, %dma_start3A_262] : memref<6x2x120xi32, #tpu.memory_space<vmem>> -> memref<1x2x120xi32, #tpu.memory_space<vmem>>
    %dma_start3A_264 = tpu.memref_squeeze %dma_start3A_263 : memref<1x2x120xi32, #tpu.memory_space<vmem>> -> memref<2x120xi32, #tpu.memory_space<vmem>>
    %dma_start3A_265 = arith.constant 0 : i32
    %dma_start3A_266 = arith.constant 0 : i32
    %dma_start3A_267 = tpu.memref_slice %arg3[%add3A, %dma_start3A_259, %dma_start3A_265, %dma_start3A_266] : memref<32x84x2x120xi32, #tpu.memory_space<hbm>> -> memref<1x1x2x120xi32, #tpu.memory_space<hbm>>
    %dma_start3A_268 = tpu.memref_squeeze %dma_start3A_267 : memref<1x1x2x120xi32, #tpu.memory_space<hbm>> -> memref<2x120xi32, #tpu.memory_space<hbm>>
    %dma_start3A_269 = arith.constant 0 : i32
    %dma_start3A_270 = arith.constant 0 : i32
    %dma_start3A_271 = tpu.memref_slice %arg7[%dma_start3A_260, %dma_start3A_269, %dma_start3A_270] : memref<6x2x120xi32, #tpu.memory_space<vmem>> -> memref<1x2x120xi32, #tpu.memory_space<vmem>>
    %dma_start3A_272 = tpu.memref_squeeze %dma_start3A_271 : memref<1x2x120xi32, #tpu.memory_space<vmem>> -> memref<2x120xi32, #tpu.memory_space<vmem>>
    %dma_start3A_273 = arith.constant 0 : i32
    %dma_start3A_274 = arith.constant 0 : i32
    %dma_start3A_275 = tpu.memref_slice %arg3[%add3A, %dma_start3A_259, %dma_start3A_273, %dma_start3A_274] : memref<32x84x2x120xi32, #tpu.memory_space<hbm>> -> memref<1x1x2x120xi32, #tpu.memory_space<hbm>>
    %dma_start3A_276 = tpu.memref_squeeze %dma_start3A_275 : memref<1x1x2x120xi32, #tpu.memory_space<hbm>> -> memref<2x120xi32, #tpu.memory_space<hbm>>
    tpu.enqueue_dma source(%dma_start3A_276 : memref<2x120xi32, #tpu.memory_space<hbm>>) target(%dma_start3A_272 : memref<2x120xi32, #tpu.memory_space<vmem>>) target_semaphore(%arg9 : memref<!tpu.dma_semaphore, #tpu.memory_space<semaphore_mem>>)
    %dma_wait3A_277 = arith.constant 0 : i32
    %dma_wait3A_278 = arith.constant 3 : i32
    %dma_wait3A_279 = arith.constant 0 : i32
    %dma_wait3A_280 = arith.constant 0 : i32
    %dma_wait3A_281 = tpu.memref_slice %arg7[%dma_wait3A_278, %dma_wait3A_279, %dma_wait3A_280] : memref<6x2x120xi32, #tpu.memory_space<vmem>> -> memref<1x2x120xi32, #tpu.memory_space<vmem>>
    %dma_wait3A_282 = tpu.memref_squeeze %dma_wait3A_281 : memref<1x2x120xi32, #tpu.memory_space<vmem>> -> memref<2x120xi32, #tpu.memory_space<vmem>>
    %dma_wait3A_283 = arith.constant 0 : i32
    %dma_wait3A_284 = arith.constant 0 : i32
    %dma_wait3A_285 = tpu.memref_slice %arg3[%add3A, %dma_wait3A_277, %dma_wait3A_283, %dma_wait3A_284] : memref<32x84x2x120xi32, #tpu.memory_space<hbm>> -> memref<1x1x2x120xi32, #tpu.memory_space<hbm>>
    %dma_wait3A_286 = tpu.memref_squeeze %dma_wait3A_285 : memref<1x1x2x120xi32, #tpu.memory_space<hbm>> -> memref<2x120xi32, #tpu.memory_space<hbm>>
    %dma_wait3A_287 = arith.constant 0 : i32
    %dma_wait3A_288 = arith.constant 0 : i32
    %dma_wait3A_289 = tpu.memref_slice %arg7[%dma_wait3A_278, %dma_wait3A_287, %dma_wait3A_288] : memref<6x2x120xi32, #tpu.memory_space<vmem>> -> memref<1x2x120xi32, #tpu.memory_space<vmem>>
    %dma_wait3A_290 = tpu.memref_squeeze %dma_wait3A_289 : memref<1x2x120xi32, #tpu.memory_space<vmem>> -> memref<2x120xi32, #tpu.memory_space<vmem>>
    %dma_wait3A_291 = arith.constant 0 : i32
    %dma_wait3A_292 = arith.constant 0 : i32
    %dma_wait3A_293 = tpu.memref_slice %arg3[%add3A, %dma_wait3A_277, %dma_wait3A_291, %dma_wait3A_292] : memref<32x84x2x120xi32, #tpu.memory_space<hbm>> -> memref<1x1x2x120xi32, #tpu.memory_space<hbm>>
    %dma_wait3A_294 = tpu.memref_squeeze %dma_wait3A_293 : memref<1x1x2x120xi32, #tpu.memory_space<hbm>> -> memref<2x120xi32, #tpu.memory_space<hbm>>
    tpu.wait_dma2 semaphore(%arg12 : memref<!tpu.dma_semaphore, #tpu.memory_space<semaphore_mem>>) src(%dma_wait3A_294 : memref<2x120xi32, #tpu.memory_space<hbm>>) dst(%dma_wait3A_290 : memref<2x120xi32, #tpu.memory_space<vmem>>)
    %dma_start3A_295 = arith.constant 3 : i32
    %dma_start3A_296 = arith.constant 0 : i32
    %dma_start3A_297 = arith.constant 0 : i32
    %dma_start3A_298 = arith.constant 0 : i32
    %dma_start3A_299 = arith.constant 0 : i32
    %dma_start3A_300 = tpu.memref_slice %arg8[%dma_start3A_297, %dma_start3A_298, %dma_start3A_299] : memref<3x120x128xf32, #tpu.memory_space<vmem>> -> memref<1x120x128xf32, #tpu.memory_space<vmem>>
    %dma_start3A_301 = tpu.memref_squeeze %dma_start3A_300 : memref<1x120x128xf32, #tpu.memory_space<vmem>> -> memref<120x128xf32, #tpu.memory_space<vmem>>
    %dma_start3A_302 = arith.constant 0 : i32
    %dma_start3A_303 = tpu.memref_slice %arg7[%dma_start3A_295, %dma_start3A_296, %dma_start3A_302] : memref<6x2x120xi32, #tpu.memory_space<vmem>> -> memref<1x1x120xi32, #tpu.memory_space<vmem>>
    %dma_start3A_304 = tpu.memref_squeeze %dma_start3A_303 : memref<1x1x120xi32, #tpu.memory_space<vmem>> -> memref<120xi32, #tpu.memory_space<vmem>>
    %dma_start3A_305 = arith.constant 0 : i32
    %dma_start3A_306 = arith.constant 0 : i32
    %dma_start3A_307 = tpu.memref_slice %arg2[%dma_start3A_305, %dma_start3A_306] : memref<10112x128xf32, #tpu.memory_space<hbm>> -> memref<10112x128xf32, #tpu.memory_space<hbm>>
    tpu.enqueue_indirect_dma source(%dma_start3A_307 : memref<10112x128xf32, #tpu.memory_space<hbm>>) target(%dma_start3A_301 : memref<120x128xf32, #tpu.memory_space<vmem>>) offsets(%dma_start3A_304 : memref<120xi32, #tpu.memory_space<vmem>>) semaphore(%arg15 : memref<!tpu.dma_semaphore, #tpu.memory_space<semaphore_mem>>)
    %dma_wait3A_308 = arith.constant 1 : i32
    %dma_wait3A_309 = arith.constant 0 : i32
    %dma_wait3A_310 = arith.constant 0 : i32
    %dma_wait3A_311 = tpu.memref_slice %arg8[%dma_wait3A_308, %dma_wait3A_309, %dma_wait3A_310] : memref<3x120x128xf32, #tpu.memory_space<vmem>> -> memref<1x120x128xf32, #tpu.memory_space<vmem>>
    %dma_wait3A_312 = tpu.memref_squeeze %dma_wait3A_311 : memref<1x120x128xf32, #tpu.memory_space<vmem>> -> memref<120x128xf32, #tpu.memory_space<vmem>>
    %dma_wait3A_313 = arith.constant 0 : i32
    %dma_wait3A_314 = arith.constant 0 : i32
    %dma_wait3A_315 = tpu.memref_slice %arg2[%dma_wait3A_313, %dma_wait3A_314] : memref<10112x128xf32, #tpu.memory_space<hbm>> -> memref<120x128xf32, #tpu.memory_space<hbm>>
    %dma_wait3A_316 = arith.constant 0 : i32
    %dma_wait3A_317 = arith.constant 0 : i32
    %dma_wait3A_318 = tpu.memref_slice %arg8[%dma_wait3A_308, %dma_wait3A_316, %dma_wait3A_317] : memref<3x120x128xf32, #tpu.memory_space<vmem>> -> memref<1x120x128xf32, #tpu.memory_space<vmem>>
    %dma_wait3A_319 = tpu.memref_squeeze %dma_wait3A_318 : memref<1x120x128xf32, #tpu.memory_space<vmem>> -> memref<120x128xf32, #tpu.memory_space<vmem>>
    %dma_wait3A_320 = arith.constant 0 : i32
    %dma_wait3A_321 = arith.constant 0 : i32
    %dma_wait3A_322 = tpu.memref_slice %arg2[%dma_wait3A_320, %dma_wait3A_321] : memref<10112x128xf32, #tpu.memory_space<hbm>> -> memref<120x128xf32, #tpu.memory_space<hbm>>
    tpu.wait_dma2 semaphore(%arg16 : memref<!tpu.dma_semaphore, #tpu.memory_space<semaphore_mem>>) src(%dma_wait3A_322 : memref<120x128xf32, #tpu.memory_space<hbm>>) dst(%dma_wait3A_319 : memref<120x128xf32, #tpu.memory_space<vmem>>)
    %dma_start3A_323 = arith.constant 1 : i32
    %dma_start3A_324 = arith.constant 1 : i32
    %dma_start3A_325 = arith.constant 1 : i32
    %dma_start3A_326 = arith.constant 0 : i32
    %dma_start3A_327 = arith.constant 0 : i32
    %dma_start3A_328 = tpu.memref_slice %arg8[%dma_start3A_323, %dma_start3A_326, %dma_start3A_327] : memref<3x120x128xf32, #tpu.memory_space<vmem>> -> memref<1x120x128xf32, #tpu.memory_space<vmem>>
    %dma_start3A_329 = tpu.memref_squeeze %dma_start3A_328 : memref<1x120x128xf32, #tpu.memory_space<vmem>> -> memref<120x128xf32, #tpu.memory_space<vmem>>
    %dma_start3A_330 = arith.constant 0 : i32
    %dma_start3A_331 = tpu.memref_slice %arg7[%dma_start3A_324, %dma_start3A_325, %dma_start3A_330] : memref<6x2x120xi32, #tpu.memory_space<vmem>> -> memref<1x1x120xi32, #tpu.memory_space<vmem>>
    %dma_start3A_332 = tpu.memref_squeeze %dma_start3A_331 : memref<1x1x120xi32, #tpu.memory_space<vmem>> -> memref<120xi32, #tpu.memory_space<vmem>>
    %dma_start3A_333 = arith.constant 0 : i32
    %dma_start3A_334 = arith.constant 0 : i32
    %dma_start3A_335 = tpu.memref_slice %arg6[%dma_start3A_333, %dma_start3A_334] : memref<10112x128xf32, #tpu.memory_space<vmem_shared>> -> memref<10112x128xf32, #tpu.memory_space<vmem_shared>>
    tpu.enqueue_indirect_dma source(%dma_start3A_329 : memref<120x128xf32, #tpu.memory_space<vmem>>) target(%dma_start3A_335 : memref<10112x128xf32, #tpu.memory_space<vmem_shared>>) offsets(%dma_start3A_332 : memref<120xi32, #tpu.memory_space<vmem>>) semaphore(%arg19 : memref<!tpu.dma_semaphore, #tpu.memory_space<semaphore_mem>>) {add = true}
    %dma_wait3A_336 = arith.constant 1 : i32
    %dma_wait3A_337 = arith.constant 0 : i32
    %dma_wait3A_338 = arith.constant 0 : i32
    %dma_wait3A_339 = tpu.memref_slice %arg8[%dma_wait3A_336, %dma_wait3A_337, %dma_wait3A_338] : memref<3x120x128xf32, #tpu.memory_space<vmem>> -> memref<1x120x128xf32, #tpu.memory_space<vmem>>
    %dma_wait3A_340 = tpu.memref_squeeze %dma_wait3A_339 : memref<1x120x128xf32, #tpu.memory_space<vmem>> -> memref<120x128xf32, #tpu.memory_space<vmem>>
    %dma_wait3A_341 = arith.constant 0 : i32
    %dma_wait3A_342 = arith.constant 0 : i32
    %dma_wait3A_343 = tpu.memref_slice %arg6[%dma_wait3A_341, %dma_wait3A_342] : memref<10112x128xf32, #tpu.memory_space<vmem_shared>> -> memref<120x128xf32, #tpu.memory_space<vmem_shared>>
    %dma_wait3A_344 = arith.constant 0 : i32
    %dma_wait3A_345 = arith.constant 0 : i32
    %dma_wait3A_346 = tpu.memref_slice %arg6[%dma_wait3A_344, %dma_wait3A_345] : memref<10112x128xf32, #tpu.memory_space<vmem_shared>> -> memref<120x128xf32, #tpu.memory_space<vmem_shared>>
    %dma_wait3A_347 = arith.constant 0 : i32
    %dma_wait3A_348 = arith.constant 0 : i32
    %dma_wait3A_349 = tpu.memref_slice %arg8[%dma_wait3A_336, %dma_wait3A_347, %dma_wait3A_348] : memref<3x120x128xf32, #tpu.memory_space<vmem>> -> memref<1x120x128xf32, #tpu.memory_space<vmem>>
    %dma_wait3A_350 = tpu.memref_squeeze %dma_wait3A_349 : memref<1x120x128xf32, #tpu.memory_space<vmem>> -> memref<120x128xf32, #tpu.memory_space<vmem>>
    tpu.wait_dma2 semaphore(%arg19 : memref<!tpu.dma_semaphore, #tpu.memory_space<semaphore_mem>>) src(%dma_wait3A_350 : memref<120x128xf32, #tpu.memory_space<vmem>>) dst(%dma_wait3A_346 : memref<120x128xf32, #tpu.memory_space<vmem_shared>>)
    %dma_start3A_351 = arith.constant 7 : i32
    %dma_start3A_352 = arith.constant 1 : i32
    %dma_start3A_353 = arith.constant 0 : i32
    %dma_start3A_354 = arith.constant 0 : i32
    %dma_start3A_355 = tpu.memref_slice %arg7[%dma_start3A_352, %dma_start3A_353, %dma_start3A_354] : memref<6x2x120xi32, #tpu.memory_space<vmem>> -> memref<1x2x120xi32, #tpu.memory_space<vmem>>
    %dma_start3A_356 = tpu.memref_squeeze %dma_start3A_355 : memref<1x2x120xi32, #tpu.memory_space<vmem>> -> memref<2x120xi32, #tpu.memory_space<vmem>>
    %dma_start3A_357 = arith.constant 0 : i32
    %dma_start3A_358 = arith.constant 0 : i32
    %dma_start3A_359 = tpu.memref_slice %arg3[%add3A, %dma_start3A_351, %dma_start3A_357, %dma_start3A_358] : memref<32x84x2x120xi32, #tpu.memory_space<hbm>> -> memref<1x1x2x120xi32, #tpu.memory_space<hbm>>
    %dma_start3A_360 = tpu.memref_squeeze %dma_start3A_359 : memref<1x1x2x120xi32, #tpu.memory_space<hbm>> -> memref<2x120xi32, #tpu.memory_space<hbm>>
    %dma_start3A_361 = arith.constant 0 : i32
    %dma_start3A_362 = arith.constant 0 : i32
    %dma_start3A_363 = tpu.memref_slice %arg7[%dma_start3A_352, %dma_start3A_361, %dma_start3A_362] : memref<6x2x120xi32, #tpu.memory_space<vmem>> -> memref<1x2x120xi32, #tpu.memory_space<vmem>>
    %dma_start3A_364 = tpu.memref_squeeze %dma_start3A_363 : memref<1x2x120xi32, #tpu.memory_space<vmem>> -> memref<2x120xi32, #tpu.memory_space<vmem>>
    %dma_start3A_365 = arith.constant 0 : i32
    %dma_start3A_366 = arith.constant 0 : i32
    %dma_start3A_367 = tpu.memref_slice %arg3[%add3A, %dma_start3A_351, %dma_start3A_365, %dma_start3A_366] : memref<32x84x2x120xi32, #tpu.memory_space<hbm>> -> memref<1x1x2x120xi32, #tpu.memory_space<hbm>>
    %dma_start3A_368 = tpu.memref_squeeze %dma_start3A_367 : memref<1x1x2x120xi32, #tpu.memory_space<hbm>> -> memref<2x120xi32, #tpu.memory_space<hbm>>
    tpu.enqueue_dma source(%dma_start3A_368 : memref<2x120xi32, #tpu.memory_space<hbm>>) target(%dma_start3A_364 : memref<2x120xi32, #tpu.memory_space<vmem>>) target_semaphore(%arg10 : memref<!tpu.dma_semaphore, #tpu.memory_space<semaphore_mem>>)
    %dma_wait3A_369 = arith.constant 0 : i32
    %dma_wait3A_370 = arith.constant 4 : i32
    %dma_wait3A_371 = arith.constant 0 : i32
    %dma_wait3A_372 = arith.constant 0 : i32
    %dma_wait3A_373 = tpu.memref_slice %arg7[%dma_wait3A_370, %dma_wait3A_371, %dma_wait3A_372] : memref<6x2x120xi32, #tpu.memory_space<vmem>> -> memref<1x2x120xi32, #tpu.memory_space<vmem>>
    %dma_wait3A_374 = tpu.memref_squeeze %dma_wait3A_373 : memref<1x2x120xi32, #tpu.memory_space<vmem>> -> memref<2x120xi32, #tpu.memory_space<vmem>>
    %dma_wait3A_375 = arith.constant 0 : i32
    %dma_wait3A_376 = arith.constant 0 : i32
    %dma_wait3A_377 = tpu.memref_slice %arg3[%add3A, %dma_wait3A_369, %dma_wait3A_375, %dma_wait3A_376] : memref<32x84x2x120xi32, #tpu.memory_space<hbm>> -> memref<1x1x2x120xi32, #tpu.memory_space<hbm>>
    %dma_wait3A_378 = tpu.memref_squeeze %dma_wait3A_377 : memref<1x1x2x120xi32, #tpu.memory_space<hbm>> -> memref<2x120xi32, #tpu.memory_space<hbm>>
    %dma_wait3A_379 = arith.constant 0 : i32
    %dma_wait3A_380 = arith.constant 0 : i32
    %dma_wait3A_381 = tpu.memref_slice %arg7[%dma_wait3A_370, %dma_wait3A_379, %dma_wait3A_380] : memref<6x2x120xi32, #tpu.memory_space<vmem>> -> memref<1x2x120xi32, #tpu.memory_space<vmem>>
    %dma_wait3A_382 = tpu.memref_squeeze %dma_wait3A_381 : memref<1x2x120xi32, #tpu.memory_space<vmem>> -> memref<2x120xi32, #tpu.memory_space<vmem>>
    %dma_wait3A_383 = arith.constant 0 : i32
    %dma_wait3A_384 = arith.constant 0 : i32
    %dma_wait3A_385 = tpu.memref_slice %arg3[%add3A, %dma_wait3A_369, %dma_wait3A_383, %dma_wait3A_384] : memref<32x84x2x120xi32, #tpu.memory_space<hbm>> -> memref<1x1x2x120xi32, #tpu.memory_space<hbm>>
    %dma_wait3A_386 = tpu.memref_squeeze %dma_wait3A_385 : memref<1x1x2x120xi32, #tpu.memory_space<hbm>> -> memref<2x120xi32, #tpu.memory_space<hbm>>
    tpu.wait_dma2 semaphore(%arg13 : memref<!tpu.dma_semaphore, #tpu.memory_space<semaphore_mem>>) src(%dma_wait3A_386 : memref<2x120xi32, #tpu.memory_space<hbm>>) dst(%dma_wait3A_382 : memref<2x120xi32, #tpu.memory_space<vmem>>)
    %dma_start3A_387 = arith.constant 4 : i32
    %dma_start3A_388 = arith.constant 0 : i32
    %dma_start3A_389 = arith.constant 1 : i32
    %dma_start3A_390 = arith.constant 0 : i32
    %dma_start3A_391 = arith.constant 0 : i32
    %dma_start3A_392 = tpu.memref_slice %arg8[%dma_start3A_389, %dma_start3A_390, %dma_start3A_391] : memref<3x120x128xf32, #tpu.memory_space<vmem>> -> memref<1x120x128xf32, #tpu.memory_space<vmem>>
    %dma_start3A_393 = tpu.memref_squeeze %dma_start3A_392 : memref<1x120x128xf32, #tpu.memory_space<vmem>> -> memref<120x128xf32, #tpu.memory_space<vmem>>
    %dma_start3A_394 = arith.constant 0 : i32
    %dma_start3A_395 = tpu.memref_slice %arg7[%dma_start3A_387, %dma_start3A_388, %dma_start3A_394] : memref<6x2x120xi32, #tpu.memory_space<vmem>> -> memref<1x1x120xi32, #tpu.memory_space<vmem>>
    %dma_start3A_396 = tpu.memref_squeeze %dma_start3A_395 : memref<1x1x120xi32, #tpu.memory_space<vmem>> -> memref<120xi32, #tpu.memory_space<vmem>>
    %dma_start3A_397 = arith.constant 0 : i32
    %dma_start3A_398 = arith.constant 0 : i32
    %dma_start3A_399 = tpu.memref_slice %arg2[%dma_start3A_397, %dma_start3A_398] : memref<10112x128xf32, #tpu.memory_space<hbm>> -> memref<10112x128xf32, #tpu.memory_space<hbm>>
    tpu.enqueue_indirect_dma source(%dma_start3A_399 : memref<10112x128xf32, #tpu.memory_space<hbm>>) target(%dma_start3A_393 : memref<120x128xf32, #tpu.memory_space<vmem>>) offsets(%dma_start3A_396 : memref<120xi32, #tpu.memory_space<vmem>>) semaphore(%arg16 : memref<!tpu.dma_semaphore, #tpu.memory_space<semaphore_mem>>)
    %dma_wait3A_400 = arith.constant 2 : i32
    %dma_wait3A_401 = arith.constant 0 : i32
    %dma_wait3A_402 = arith.constant 0 : i32
    %dma_wait3A_403 = tpu.memref_slice %arg8[%dma_wait3A_400, %dma_wait3A_401, %dma_wait3A_402] : memref<3x120x128xf32, #tpu.memory_space<vmem>> -> memref<1x120x128xf32, #tpu.memory_space<vmem>>
    %dma_wait3A_404 = tpu.memref_squeeze %dma_wait3A_403 : memref<1x120x128xf32, #tpu.memory_space<vmem>> -> memref<120x128xf32, #tpu.memory_space<vmem>>
    %dma_wait3A_405 = arith.constant 0 : i32
    %dma_wait3A_406 = arith.constant 0 : i32
    %dma_wait3A_407 = tpu.memref_slice %arg2[%dma_wait3A_405, %dma_wait3A_406] : memref<10112x128xf32, #tpu.memory_space<hbm>> -> memref<120x128xf32, #tpu.memory_space<hbm>>
    %dma_wait3A_408 = arith.constant 0 : i32
    %dma_wait3A_409 = arith.constant 0 : i32
    %dma_wait3A_410 = tpu.memref_slice %arg8[%dma_wait3A_400, %dma_wait3A_408, %dma_wait3A_409] : memref<3x120x128xf32, #tpu.memory_space<vmem>> -> memref<1x120x128xf32, #tpu.memory_space<vmem>>
    %dma_wait3A_411 = tpu.memref_squeeze %dma_wait3A_410 : memref<1x120x128xf32, #tpu.memory_space<vmem>> -> memref<120x128xf32, #tpu.memory_space<vmem>>
    %dma_wait3A_412 = arith.constant 0 : i32
    %dma_wait3A_413 = arith.constant 0 : i32
    %dma_wait3A_414 = tpu.memref_slice %arg2[%dma_wait3A_412, %dma_wait3A_413] : memref<10112x128xf32, #tpu.memory_space<hbm>> -> memref<120x128xf32, #tpu.memory_space<hbm>>
    tpu.wait_dma2 semaphore(%arg17 : memref<!tpu.dma_semaphore, #tpu.memory_space<semaphore_mem>>) src(%dma_wait3A_414 : memref<120x128xf32, #tpu.memory_space<hbm>>) dst(%dma_wait3A_411 : memref<120x128xf32, #tpu.memory_space<vmem>>)
    %dma_start3A_415 = arith.constant 2 : i32
    %dma_start3A_416 = arith.constant 2 : i32
    %dma_start3A_417 = arith.constant 1 : i32
    %dma_start3A_418 = arith.constant 0 : i32
    %dma_start3A_419 = arith.constant 0 : i32
    %dma_start3A_420 = tpu.memref_slice %arg8[%dma_start3A_415, %dma_start3A_418, %dma_start3A_419] : memref<3x120x128xf32, #tpu.memory_space<vmem>> -> memref<1x120x128xf32, #tpu.memory_space<vmem>>
    %dma_start3A_421 = tpu.memref_squeeze %dma_start3A_420 : memref<1x120x128xf32, #tpu.memory_space<vmem>> -> memref<120x128xf32, #tpu.memory_space<vmem>>
    %dma_start3A_422 = arith.constant 0 : i32
    %dma_start3A_423 = tpu.memref_slice %arg7[%dma_start3A_416, %dma_start3A_417, %dma_start3A_422] : memref<6x2x120xi32, #tpu.memory_space<vmem>> -> memref<1x1x120xi32, #tpu.memory_space<vmem>>
    %dma_start3A_424 = tpu.memref_squeeze %dma_start3A_423 : memref<1x1x120xi32, #tpu.memory_space<vmem>> -> memref<120xi32, #tpu.memory_space<vmem>>
    %dma_start3A_425 = arith.constant 0 : i32
    %dma_start3A_426 = arith.constant 0 : i32
    %dma_start3A_427 = tpu.memref_slice %arg6[%dma_start3A_425, %dma_start3A_426] : memref<10112x128xf32, #tpu.memory_space<vmem_shared>> -> memref<10112x128xf32, #tpu.memory_space<vmem_shared>>
    tpu.enqueue_indirect_dma source(%dma_start3A_421 : memref<120x128xf32, #tpu.memory_space<vmem>>) target(%dma_start3A_427 : memref<10112x128xf32, #tpu.memory_space<vmem_shared>>) offsets(%dma_start3A_424 : memref<120xi32, #tpu.memory_space<vmem>>) semaphore(%arg20 : memref<!tpu.dma_semaphore, #tpu.memory_space<semaphore_mem>>) {add = true}
    %dma_wait3A_428 = arith.constant 2 : i32
    %dma_wait3A_429 = arith.constant 0 : i32
    %dma_wait3A_430 = arith.constant 0 : i32
    %dma_wait3A_431 = tpu.memref_slice %arg8[%dma_wait3A_428, %dma_wait3A_429, %dma_wait3A_430] : memref<3x120x128xf32, #tpu.memory_space<vmem>> -> memref<1x120x128xf32, #tpu.memory_space<vmem>>
    %dma_wait3A_432 = tpu.memref_squeeze %dma_wait3A_431 : memref<1x120x128xf32, #tpu.memory_space<vmem>> -> memref<120x128xf32, #tpu.memory_space<vmem>>
    %dma_wait3A_433 = arith.constant 0 : i32
    %dma_wait3A_434 = arith.constant 0 : i32
    %dma_wait3A_435 = tpu.memref_slice %arg6[%dma_wait3A_433, %dma_wait3A_434] : memref<10112x128xf32, #tpu.memory_space<vmem_shared>> -> memref<120x128xf32, #tpu.memory_space<vmem_shared>>
    %dma_wait3A_436 = arith.constant 0 : i32
    %dma_wait3A_437 = arith.constant 0 : i32
    %dma_wait3A_438 = tpu.memref_slice %arg6[%dma_wait3A_436, %dma_wait3A_437] : memref<10112x128xf32, #tpu.memory_space<vmem_shared>> -> memref<120x128xf32, #tpu.memory_space<vmem_shared>>
    %dma_wait3A_439 = arith.constant 0 : i32
    %dma_wait3A_440 = arith.constant 0 : i32
    %dma_wait3A_441 = tpu.memref_slice %arg8[%dma_wait3A_428, %dma_wait3A_439, %dma_wait3A_440] : memref<3x120x128xf32, #tpu.memory_space<vmem>> -> memref<1x120x128xf32, #tpu.memory_space<vmem>>
    %dma_wait3A_442 = tpu.memref_squeeze %dma_wait3A_441 : memref<1x120x128xf32, #tpu.memory_space<vmem>> -> memref<120x128xf32, #tpu.memory_space<vmem>>
    tpu.wait_dma2 semaphore(%arg20 : memref<!tpu.dma_semaphore, #tpu.memory_space<semaphore_mem>>) src(%dma_wait3A_442 : memref<120x128xf32, #tpu.memory_space<vmem>>) dst(%dma_wait3A_438 : memref<120x128xf32, #tpu.memory_space<vmem_shared>>)
    %dma_start3A_443 = arith.constant 8 : i32
    %dma_start3A_444 = arith.constant 2 : i32
    %dma_start3A_445 = arith.constant 0 : i32
    %dma_start3A_446 = arith.constant 0 : i32
    %dma_start3A_447 = tpu.memref_slice %arg7[%dma_start3A_444, %dma_start3A_445, %dma_start3A_446] : memref<6x2x120xi32, #tpu.memory_space<vmem>> -> memref<1x2x120xi32, #tpu.memory_space<vmem>>
    %dma_start3A_448 = tpu.memref_squeeze %dma_start3A_447 : memref<1x2x120xi32, #tpu.memory_space<vmem>> -> memref<2x120xi32, #tpu.memory_space<vmem>>
    %dma_start3A_449 = arith.constant 0 : i32
    %dma_start3A_450 = arith.constant 0 : i32
    %dma_start3A_451 = tpu.memref_slice %arg3[%add3A, %dma_start3A_443, %dma_start3A_449, %dma_start3A_450] : memref<32x84x2x120xi32, #tpu.memory_space<hbm>> -> memref<1x1x2x120xi32, #tpu.memory_space<hbm>>
    %dma_start3A_452 = tpu.memref_squeeze %dma_start3A_451 : memref<1x1x2x120xi32, #tpu.memory_space<hbm>> -> memref<2x120xi32, #tpu.memory_space<hbm>>
    %dma_start3A_453 = arith.constant 0 : i32
    %dma_start3A_454 = arith.constant 0 : i32
    %dma_start3A_455 = tpu.memref_slice %arg7[%dma_start3A_444, %dma_start3A_453, %dma_start3A_454] : memref<6x2x120xi32, #tpu.memory_space<vmem>> -> memref<1x2x120xi32, #tpu.memory_space<vmem>>
    %dma_start3A_456 = tpu.memref_squeeze %dma_start3A_455 : memref<1x2x120xi32, #tpu.memory_space<vmem>> -> memref<2x120xi32, #tpu.memory_space<vmem>>
    %dma_start3A_457 = arith.constant 0 : i32
    %dma_start3A_458 = arith.constant 0 : i32
    %dma_start3A_459 = tpu.memref_slice %arg3[%add3A, %dma_start3A_443, %dma_start3A_457, %dma_start3A_458] : memref<32x84x2x120xi32, #tpu.memory_space<hbm>> -> memref<1x1x2x120xi32, #tpu.memory_space<hbm>>
    %dma_start3A_460 = tpu.memref_squeeze %dma_start3A_459 : memref<1x1x2x120xi32, #tpu.memory_space<hbm>> -> memref<2x120xi32, #tpu.memory_space<hbm>>
    tpu.enqueue_dma source(%dma_start3A_460 : memref<2x120xi32, #tpu.memory_space<hbm>>) target(%dma_start3A_456 : memref<2x120xi32, #tpu.memory_space<vmem>>) target_semaphore(%arg11 : memref<!tpu.dma_semaphore, #tpu.memory_space<semaphore_mem>>)
    %dma_wait3A_461 = arith.constant 0 : i32
    %dma_wait3A_462 = arith.constant 5 : i32
    %dma_wait3A_463 = arith.constant 0 : i32
    %dma_wait3A_464 = arith.constant 0 : i32
    %dma_wait3A_465 = tpu.memref_slice %arg7[%dma_wait3A_462, %dma_wait3A_463, %dma_wait3A_464] : memref<6x2x120xi32, #tpu.memory_space<vmem>> -> memref<1x2x120xi32, #tpu.memory_space<vmem>>
    %dma_wait3A_466 = tpu.memref_squeeze %dma_wait3A_465 : memref<1x2x120xi32, #tpu.memory_space<vmem>> -> memref<2x120xi32, #tpu.memory_space<vmem>>
    %dma_wait3A_467 = arith.constant 0 : i32
    %dma_wait3A_468 = arith.constant 0 : i32
    %dma_wait3A_469 = tpu.memref_slice %arg3[%add3A, %dma_wait3A_461, %dma_wait3A_467, %dma_wait3A_468] : memref<32x84x2x120xi32, #tpu.memory_space<hbm>> -> memref<1x1x2x120xi32, #tpu.memory_space<hbm>>
    %dma_wait3A_470 = tpu.memref_squeeze %dma_wait3A_469 : memref<1x1x2x120xi32, #tpu.memory_space<hbm>> -> memref<2x120xi32, #tpu.memory_space<hbm>>
    %dma_wait3A_471 = arith.constant 0 : i32
    %dma_wait3A_472 = arith.constant 0 : i32
    %dma_wait3A_473 = tpu.memref_slice %arg7[%dma_wait3A_462, %dma_wait3A_471, %dma_wait3A_472] : memref<6x2x120xi32, #tpu.memory_space<vmem>> -> memref<1x2x120xi32, #tpu.memory_space<vmem>>
    %dma_wait3A_474 = tpu.memref_squeeze %dma_wait3A_473 : memref<1x2x120xi32, #tpu.memory_space<vmem>> -> memref<2x120xi32, #tpu.memory_space<vmem>>
    %dma_wait3A_475 = arith.constant 0 : i32
    %dma_wait3A_476 = arith.constant 0 : i32
    %dma_wait3A_477 = tpu.memref_slice %arg3[%add3A, %dma_wait3A_461, %dma_wait3A_475, %dma_wait3A_476] : memref<32x84x2x120xi32, #tpu.memory_space<hbm>> -> memref<1x1x2x120xi32, #tpu.memory_space<hbm>>
    %dma_wait3A_478 = tpu.memref_squeeze %dma_wait3A_477 : memref<1x1x2x120xi32, #tpu.memory_space<hbm>> -> memref<2x120xi32, #tpu.memory_space<hbm>>
    tpu.wait_dma2 semaphore(%arg14 : memref<!tpu.dma_semaphore, #tpu.memory_space<semaphore_mem>>) src(%dma_wait3A_478 : memref<2x120xi32, #tpu.memory_space<hbm>>) dst(%dma_wait3A_474 : memref<2x120xi32, #tpu.memory_space<vmem>>)
    %dma_start3A_479 = arith.constant 5 : i32
    %dma_start3A_480 = arith.constant 0 : i32
    %dma_start3A_481 = arith.constant 2 : i32
    %dma_start3A_482 = arith.constant 0 : i32
    %dma_start3A_483 = arith.constant 0 : i32
    %dma_start3A_484 = tpu.memref_slice %arg8[%dma_start3A_481, %dma_start3A_482, %dma_start3A_483] : memref<3x120x128xf32, #tpu.memory_space<vmem>> -> memref<1x120x128xf32, #tpu.memory_space<vmem>>
    %dma_start3A_485 = tpu.memref_squeeze %dma_start3A_484 : memref<1x120x128xf32, #tpu.memory_space<vmem>> -> memref<120x128xf32, #tpu.memory_space<vmem>>
    %dma_start3A_486 = arith.constant 0 : i32
    %dma_start3A_487 = tpu.memref_slice %arg7[%dma_start3A_479, %dma_start3A_480, %dma_start3A_486] : memref<6x2x120xi32, #tpu.memory_space<vmem>> -> memref<1x1x120xi32, #tpu.memory_space<vmem>>
    %dma_start3A_488 = tpu.memref_squeeze %dma_start3A_487 : memref<1x1x120xi32, #tpu.memory_space<vmem>> -> memref<120xi32, #tpu.memory_space<vmem>>
    %dma_start3A_489 = arith.constant 0 : i32
    %dma_start3A_490 = arith.constant 0 : i32
    %dma_start3A_491 = tpu.memref_slice %arg2[%dma_start3A_489, %dma_start3A_490] : memref<10112x128xf32, #tpu.memory_space<hbm>> -> memref<10112x128xf32, #tpu.memory_space<hbm>>
    tpu.enqueue_indirect_dma source(%dma_start3A_491 : memref<10112x128xf32, #tpu.memory_space<hbm>>) target(%dma_start3A_485 : memref<120x128xf32, #tpu.memory_space<vmem>>) offsets(%dma_start3A_488 : memref<120xi32, #tpu.memory_space<vmem>>) semaphore(%arg17 : memref<!tpu.dma_semaphore, #tpu.memory_space<semaphore_mem>>)
    %dma_wait3A_492 = arith.constant 0 : i32
    %dma_wait3A_493 = arith.constant 0 : i32
    %dma_wait3A_494 = arith.constant 0 : i32
    %dma_wait3A_495 = tpu.memref_slice %arg8[%dma_wait3A_492, %dma_wait3A_493, %dma_wait3A_494] : memref<3x120x128xf32, #tpu.memory_space<vmem>> -> memref<1x120x128xf32, #tpu.memory_space<vmem>>
    %dma_wait3A_496 = tpu.memref_squeeze %dma_wait3A_495 : memref<1x120x128xf32, #tpu.memory_space<vmem>> -> memref<120x128xf32, #tpu.memory_space<vmem>>
    %dma_wait3A_497 = arith.constant 0 : i32
    %dma_wait3A_498 = arith.constant 0 : i32
    %dma_wait3A_499 = tpu.memref_slice %arg2[%dma_wait3A_497, %dma_wait3A_498] : memref<10112x128xf32, #tpu.memory_space<hbm>> -> memref<120x128xf32, #tpu.memory_space<hbm>>
    %dma_wait3A_500 = arith.constant 0 : i32
    %dma_wait3A_501 = arith.constant 0 : i32
    %dma_wait3A_502 = tpu.memref_slice %arg8[%dma_wait3A_492, %dma_wait3A_500, %dma_wait3A_501] : memref<3x120x128xf32, #tpu.memory_space<vmem>> -> memref<1x120x128xf32, #tpu.memory_space<vmem>>
    %dma_wait3A_503 = tpu.memref_squeeze %dma_wait3A_502 : memref<1x120x128xf32, #tpu.memory_space<vmem>> -> memref<120x128xf32, #tpu.memory_space<vmem>>
    %dma_wait3A_504 = arith.constant 0 : i32
    %dma_wait3A_505 = arith.constant 0 : i32
    %dma_wait3A_506 = tpu.memref_slice %arg2[%dma_wait3A_504, %dma_wait3A_505] : memref<10112x128xf32, #tpu.memory_space<hbm>> -> memref<120x128xf32, #tpu.memory_space<hbm>>
    tpu.wait_dma2 semaphore(%arg15 : memref<!tpu.dma_semaphore, #tpu.memory_space<semaphore_mem>>) src(%dma_wait3A_506 : memref<120x128xf32, #tpu.memory_space<hbm>>) dst(%dma_wait3A_503 : memref<120x128xf32, #tpu.memory_space<vmem>>)
    %dma_start3A_507 = arith.constant 0 : i32
    %dma_start3A_508 = arith.constant 3 : i32
    %dma_start3A_509 = arith.constant 1 : i32
    %dma_start3A_510 = arith.constant 0 : i32
    %dma_start3A_511 = arith.constant 0 : i32
    %dma_start3A_512 = tpu.memref_slice %arg8[%dma_start3A_507, %dma_start3A_510, %dma_start3A_511] : memref<3x120x128xf32, #tpu.memory_space<vmem>> -> memref<1x120x128xf32, #tpu.memory_space<vmem>>
    %dma_start3A_513 = tpu.memref_squeeze %dma_start3A_512 : memref<1x120x128xf32, #tpu.memory_space<vmem>> -> memref<120x128xf32, #tpu.memory_space<vmem>>
    %dma_start3A_514 = arith.constant 0 : i32
    %dma_start3A_515 = tpu.memref_slice %arg7[%dma_start3A_508, %dma_start3A_509, %dma_start3A_514] : memref<6x2x120xi32, #tpu.memory_space<vmem>> -> memref<1x1x120xi32, #tpu.memory_space<vmem>>
    %dma_start3A_516 = tpu.memref_squeeze %dma_start3A_515 : memref<1x1x120xi32, #tpu.memory_space<vmem>> -> memref<120xi32, #tpu.memory_space<vmem>>
    %dma_start3A_517 = arith.constant 0 : i32
    %dma_start3A_518 = arith.constant 0 : i32
    %dma_start3A_519 = tpu.memref_slice %arg6[%dma_start3A_517, %dma_start3A_518] : memref<10112x128xf32, #tpu.memory_space<vmem_shared>> -> memref<10112x128xf32, #tpu.memory_space<vmem_shared>>
    tpu.enqueue_indirect_dma source(%dma_start3A_513 : memref<120x128xf32, #tpu.memory_space<vmem>>) target(%dma_start3A_519 : memref<10112x128xf32, #tpu.memory_space<vmem_shared>>) offsets(%dma_start3A_516 : memref<120xi32, #tpu.memory_space<vmem>>) semaphore(%arg18 : memref<!tpu.dma_semaphore, #tpu.memory_space<semaphore_mem>>) {add = true}
    %scan3A = arith.constant 1 : i32
    %scan3A_520 = arith.constant 12 : i32
    %scan3A_521 = arith.addi %scan3A, %scan3A_520 : i32
    %scan3A_522 = arith.constant 1 : i32
    scf.for %scan3A_1128 = %scan3A to %scan3A_521 step %scan3A_522  : i32 {
      %mul3A_1129 = arith.constant 6 : i32
      %mul3A_1130 = arith.muli %scan3A_1128, %mul3A_1129 : i32
      %add3A_1131 = arith.constant 0 : i32
      %add3A_1132 = arith.addi %mul3A_1130, %add3A_1131 : i32
      %dma_wait3A_1133 = arith.constant 0 : i32
      %dma_wait3A_1134 = arith.constant 0 : i32
      %dma_wait3A_1135 = arith.constant 0 : i32
      %dma_wait3A_1136 = tpu.memref_slice %arg8[%dma_wait3A_1133, %dma_wait3A_1134, %dma_wait3A_1135] : memref<3x120x128xf32, #tpu.memory_space<vmem>> -> memref<1x120x128xf32, #tpu.memory_space<vmem>>
      %dma_wait3A_1137 = tpu.memref_squeeze %dma_wait3A_1136 : memref<1x120x128xf32, #tpu.memory_space<vmem>> -> memref<120x128xf32, #tpu.memory_space<vmem>>
      %dma_wait3A_1138 = arith.constant 0 : i32
      %dma_wait3A_1139 = arith.constant 0 : i32
      %dma_wait3A_1140 = tpu.memref_slice %arg6[%dma_wait3A_1138, %dma_wait3A_1139] : memref<10112x128xf32, #tpu.memory_space<vmem_shared>> -> memref<120x128xf32, #tpu.memory_space<vmem_shared>>
      %dma_wait3A_1141 = arith.constant 0 : i32
      %dma_wait3A_1142 = arith.constant 0 : i32
      %dma_wait3A_1143 = tpu.memref_slice %arg6[%dma_wait3A_1141, %dma_wait3A_1142] : memref<10112x128xf32, #tpu.memory_space<vmem_shared>> -> memref<120x128xf32, #tpu.memory_space<vmem_shared>>
      %dma_wait3A_1144 = arith.constant 0 : i32
      %dma_wait3A_1145 = arith.constant 0 : i32
      %dma_wait3A_1146 = tpu.memref_slice %arg8[%dma_wait3A_1133, %dma_wait3A_1144, %dma_wait3A_1145] : memref<3x120x128xf32, #tpu.memory_space<vmem>> -> memref<1x120x128xf32, #tpu.memory_space<vmem>>
      %dma_wait3A_1147 = tpu.memref_squeeze %dma_wait3A_1146 : memref<1x120x128xf32, #tpu.memory_space<vmem>> -> memref<120x128xf32, #tpu.memory_space<vmem>>
      tpu.wait_dma2 semaphore(%arg18 : memref<!tpu.dma_semaphore, #tpu.memory_space<semaphore_mem>>) src(%dma_wait3A_1147 : memref<120x128xf32, #tpu.memory_space<vmem>>) dst(%dma_wait3A_1143 : memref<120x128xf32, #tpu.memory_space<vmem_shared>>)
      %add3A_1148 = arith.constant 3 : i32
      %add3A_1149 = arith.addi %add3A_1132, %add3A_1148 : i32
      %dma_start3A_1150 = arith.constant 3 : i32
      %dma_start3A_1151 = arith.constant 0 : i32
      %dma_start3A_1152 = arith.constant 0 : i32
      %dma_start3A_1153 = tpu.memref_slice %arg7[%dma_start3A_1150, %dma_start3A_1151, %dma_start3A_1152] : memref<6x2x120xi32, #tpu.memory_space<vmem>> -> memref<1x2x120xi32, #tpu.memory_space<vmem>>
      %dma_start3A_1154 = tpu.memref_squeeze %dma_start3A_1153 : memref<1x2x120xi32, #tpu.memory_space<vmem>> -> memref<2x120xi32, #tpu.memory_space<vmem>>
      %dma_start3A_1155 = arith.constant 0 : i32
      %dma_start3A_1156 = arith.constant 0 : i32
      %dma_start3A_1157 = tpu.memref_slice %arg3[%add3A, %add3A_1149, %dma_start3A_1155, %dma_start3A_1156] : memref<32x84x2x120xi32, #tpu.memory_space<hbm>> -> memref<1x1x2x120xi32, #tpu.memory_space<hbm>>
      %dma_start3A_1158 = tpu.memref_squeeze %dma_start3A_1157 : memref<1x1x2x120xi32, #tpu.memory_space<hbm>> -> memref<2x120xi32, #tpu.memory_space<hbm>>
      %dma_start3A_1159 = arith.constant 0 : i32
      %dma_start3A_1160 = arith.constant 0 : i32
      %dma_start3A_1161 = tpu.memref_slice %arg7[%dma_start3A_1150, %dma_start3A_1159, %dma_start3A_1160] : memref<6x2x120xi32, #tpu.memory_space<vmem>> -> memref<1x2x120xi32, #tpu.memory_space<vmem>>
      %dma_start3A_1162 = tpu.memref_squeeze %dma_start3A_1161 : memref<1x2x120xi32, #tpu.memory_space<vmem>> -> memref<2x120xi32, #tpu.memory_space<vmem>>
      %dma_start3A_1163 = arith.constant 0 : i32
      %dma_start3A_1164 = arith.constant 0 : i32
      %dma_start3A_1165 = tpu.memref_slice %arg3[%add3A, %add3A_1149, %dma_start3A_1163, %dma_start3A_1164] : memref<32x84x2x120xi32, #tpu.memory_space<hbm>> -> memref<1x1x2x120xi32, #tpu.memory_space<hbm>>
      %dma_start3A_1166 = tpu.memref_squeeze %dma_start3A_1165 : memref<1x1x2x120xi32, #tpu.memory_space<hbm>> -> memref<2x120xi32, #tpu.memory_space<hbm>>
      tpu.enqueue_dma source(%dma_start3A_1166 : memref<2x120xi32, #tpu.memory_space<hbm>>) target(%dma_start3A_1162 : memref<2x120xi32, #tpu.memory_space<vmem>>) target_semaphore(%arg12 : memref<!tpu.dma_semaphore, #tpu.memory_space<semaphore_mem>>)
      %dma_wait3A_1167 = arith.constant 0 : i32
      %dma_wait3A_1168 = arith.constant 0 : i32
      %dma_wait3A_1169 = arith.constant 0 : i32
      %dma_wait3A_1170 = arith.constant 0 : i32
      %dma_wait3A_1171 = tpu.memref_slice %arg7[%dma_wait3A_1168, %dma_wait3A_1169, %dma_wait3A_1170] : memref<6x2x120xi32, #tpu.memory_space<vmem>> -> memref<1x2x120xi32, #tpu.memory_space<vmem>>
      %dma_wait3A_1172 = tpu.memref_squeeze %dma_wait3A_1171 : memref<1x2x120xi32, #tpu.memory_space<vmem>> -> memref<2x120xi32, #tpu.memory_space<vmem>>
      %dma_wait3A_1173 = arith.constant 0 : i32
      %dma_wait3A_1174 = arith.constant 0 : i32
      %dma_wait3A_1175 = tpu.memref_slice %arg3[%add3A, %dma_wait3A_1167, %dma_wait3A_1173, %dma_wait3A_1174] : memref<32x84x2x120xi32, #tpu.memory_space<hbm>> -> memref<1x1x2x120xi32, #tpu.memory_space<hbm>>
      %dma_wait3A_1176 = tpu.memref_squeeze %dma_wait3A_1175 : memref<1x1x2x120xi32, #tpu.memory_space<hbm>> -> memref<2x120xi32, #tpu.memory_space<hbm>>
      %dma_wait3A_1177 = arith.constant 0 : i32
      %dma_wait3A_1178 = arith.constant 0 : i32
      %dma_wait3A_1179 = tpu.memref_slice %arg7[%dma_wait3A_1168, %dma_wait3A_1177, %dma_wait3A_1178] : memref<6x2x120xi32, #tpu.memory_space<vmem>> -> memref<1x2x120xi32, #tpu.memory_space<vmem>>
      %dma_wait3A_1180 = tpu.memref_squeeze %dma_wait3A_1179 : memref<1x2x120xi32, #tpu.memory_space<vmem>> -> memref<2x120xi32, #tpu.memory_space<vmem>>
      %dma_wait3A_1181 = arith.constant 0 : i32
      %dma_wait3A_1182 = arith.constant 0 : i32
      %dma_wait3A_1183 = tpu.memref_slice %arg3[%add3A, %dma_wait3A_1167, %dma_wait3A_1181, %dma_wait3A_1182] : memref<32x84x2x120xi32, #tpu.memory_space<hbm>> -> memref<1x1x2x120xi32, #tpu.memory_space<hbm>>
      %dma_wait3A_1184 = tpu.memref_squeeze %dma_wait3A_1183 : memref<1x1x2x120xi32, #tpu.memory_space<hbm>> -> memref<2x120xi32, #tpu.memory_space<hbm>>
      tpu.wait_dma2 semaphore(%arg9 : memref<!tpu.dma_semaphore, #tpu.memory_space<semaphore_mem>>) src(%dma_wait3A_1184 : memref<2x120xi32, #tpu.memory_space<hbm>>) dst(%dma_wait3A_1180 : memref<2x120xi32, #tpu.memory_space<vmem>>)
      %dma_start3A_1185 = arith.constant 0 : i32
      %dma_start3A_1186 = arith.constant 0 : i32
      %dma_start3A_1187 = arith.constant 0 : i32
      %dma_start3A_1188 = arith.constant 0 : i32
      %dma_start3A_1189 = arith.constant 0 : i32
      %dma_start3A_1190 = tpu.memref_slice %arg8[%dma_start3A_1187, %dma_start3A_1188, %dma_start3A_1189] : memref<3x120x128xf32, #tpu.memory_space<vmem>> -> memref<1x120x128xf32, #tpu.memory_space<vmem>>
      %dma_start3A_1191 = tpu.memref_squeeze %dma_start3A_1190 : memref<1x120x128xf32, #tpu.memory_space<vmem>> -> memref<120x128xf32, #tpu.memory_space<vmem>>
      %dma_start3A_1192 = arith.constant 0 : i32
      %dma_start3A_1193 = tpu.memref_slice %arg7[%dma_start3A_1185, %dma_start3A_1186, %dma_start3A_1192] : memref<6x2x120xi32, #tpu.memory_space<vmem>> -> memref<1x1x120xi32, #tpu.memory_space<vmem>>
      %dma_start3A_1194 = tpu.memref_squeeze %dma_start3A_1193 : memref<1x1x120xi32, #tpu.memory_space<vmem>> -> memref<120xi32, #tpu.memory_space<vmem>>
      %dma_start3A_1195 = arith.constant 0 : i32
      %dma_start3A_1196 = arith.constant 0 : i32
      %dma_start3A_1197 = tpu.memref_slice %arg2[%dma_start3A_1195, %dma_start3A_1196] : memref<10112x128xf32, #tpu.memory_space<hbm>> -> memref<10112x128xf32, #tpu.memory_space<hbm>>
      tpu.enqueue_indirect_dma source(%dma_start3A_1197 : memref<10112x128xf32, #tpu.memory_space<hbm>>) target(%dma_start3A_1191 : memref<120x128xf32, #tpu.memory_space<vmem>>) offsets(%dma_start3A_1194 : memref<120xi32, #tpu.memory_space<vmem>>) semaphore(%arg15 : memref<!tpu.dma_semaphore, #tpu.memory_space<semaphore_mem>>)
      %dma_wait3A_1198 = arith.constant 1 : i32
      %dma_wait3A_1199 = arith.constant 0 : i32
      %dma_wait3A_1200 = arith.constant 0 : i32
      %dma_wait3A_1201 = tpu.memref_slice %arg8[%dma_wait3A_1198, %dma_wait3A_1199, %dma_wait3A_1200] : memref<3x120x128xf32, #tpu.memory_space<vmem>> -> memref<1x120x128xf32, #tpu.memory_space<vmem>>
      %dma_wait3A_1202 = tpu.memref_squeeze %dma_wait3A_1201 : memref<1x120x128xf32, #tpu.memory_space<vmem>> -> memref<120x128xf32, #tpu.memory_space<vmem>>
      %dma_wait3A_1203 = arith.constant 0 : i32
      %dma_wait3A_1204 = arith.constant 0 : i32
      %dma_wait3A_1205 = tpu.memref_slice %arg2[%dma_wait3A_1203, %dma_wait3A_1204] : memref<10112x128xf32, #tpu.memory_space<hbm>> -> memref<120x128xf32, #tpu.memory_space<hbm>>
      %dma_wait3A_1206 = arith.constant 0 : i32
      %dma_wait3A_1207 = arith.constant 0 : i32
      %dma_wait3A_1208 = tpu.memref_slice %arg8[%dma_wait3A_1198, %dma_wait3A_1206, %dma_wait3A_1207] : memref<3x120x128xf32, #tpu.memory_space<vmem>> -> memref<1x120x128xf32, #tpu.memory_space<vmem>>
      %dma_wait3A_1209 = tpu.memref_squeeze %dma_wait3A_1208 : memref<1x120x128xf32, #tpu.memory_space<vmem>> -> memref<120x128xf32, #tpu.memory_space<vmem>>
      %dma_wait3A_1210 = arith.constant 0 : i32
      %dma_wait3A_1211 = arith.constant 0 : i32
      %dma_wait3A_1212 = tpu.memref_slice %arg2[%dma_wait3A_1210, %dma_wait3A_1211] : memref<10112x128xf32, #tpu.memory_space<hbm>> -> memref<120x128xf32, #tpu.memory_space<hbm>>
      tpu.wait_dma2 semaphore(%arg16 : memref<!tpu.dma_semaphore, #tpu.memory_space<semaphore_mem>>) src(%dma_wait3A_1212 : memref<120x128xf32, #tpu.memory_space<hbm>>) dst(%dma_wait3A_1209 : memref<120x128xf32, #tpu.memory_space<vmem>>)
      %dma_start3A_1213 = arith.constant 1 : i32
      %dma_start3A_1214 = arith.constant 4 : i32
      %dma_start3A_1215 = arith.constant 1 : i32
      %dma_start3A_1216 = arith.constant 0 : i32
      %dma_start3A_1217 = arith.constant 0 : i32
      %dma_start3A_1218 = tpu.memref_slice %arg8[%dma_start3A_1213, %dma_start3A_1216, %dma_start3A_1217] : memref<3x120x128xf32, #tpu.memory_space<vmem>> -> memref<1x120x128xf32, #tpu.memory_space<vmem>>
      %dma_start3A_1219 = tpu.memref_squeeze %dma_start3A_1218 : memref<1x120x128xf32, #tpu.memory_space<vmem>> -> memref<120x128xf32, #tpu.memory_space<vmem>>
      %dma_start3A_1220 = arith.constant 0 : i32
      %dma_start3A_1221 = tpu.memref_slice %arg7[%dma_start3A_1214, %dma_start3A_1215, %dma_start3A_1220] : memref<6x2x120xi32, #tpu.memory_space<vmem>> -> memref<1x1x120xi32, #tpu.memory_space<vmem>>
      %dma_start3A_1222 = tpu.memref_squeeze %dma_start3A_1221 : memref<1x1x120xi32, #tpu.memory_space<vmem>> -> memref<120xi32, #tpu.memory_space<vmem>>
      %dma_start3A_1223 = arith.constant 0 : i32
      %dma_start3A_1224 = arith.constant 0 : i32
      %dma_start3A_1225 = tpu.memref_slice %arg6[%dma_start3A_1223, %dma_start3A_1224] : memref<10112x128xf32, #tpu.memory_space<vmem_shared>> -> memref<10112x128xf32, #tpu.memory_space<vmem_shared>>
      tpu.enqueue_indirect_dma source(%dma_start3A_1219 : memref<120x128xf32, #tpu.memory_space<vmem>>) target(%dma_start3A_1225 : memref<10112x128xf32, #tpu.memory_space<vmem_shared>>) offsets(%dma_start3A_1222 : memref<120xi32, #tpu.memory_space<vmem>>) semaphore(%arg19 : memref<!tpu.dma_semaphore, #tpu.memory_space<semaphore_mem>>) {add = true}
      %add3A_1226 = arith.constant 1 : i32
      %add3A_1227 = arith.addi %mul3A_1130, %add3A_1226 : i32
      %dma_wait3A_1228 = arith.constant 1 : i32
      %dma_wait3A_1229 = arith.constant 0 : i32
      %dma_wait3A_1230 = arith.constant 0 : i32
      %dma_wait3A_1231 = tpu.memref_slice %arg8[%dma_wait3A_1228, %dma_wait3A_1229, %dma_wait3A_1230] : memref<3x120x128xf32, #tpu.memory_space<vmem>> -> memref<1x120x128xf32, #tpu.memory_space<vmem>>
      %dma_wait3A_1232 = tpu.memref_squeeze %dma_wait3A_1231 : memref<1x120x128xf32, #tpu.memory_space<vmem>> -> memref<120x128xf32, #tpu.memory_space<vmem>>
      %dma_wait3A_1233 = arith.constant 0 : i32
      %dma_wait3A_1234 = arith.constant 0 : i32
      %dma_wait3A_1235 = tpu.memref_slice %arg6[%dma_wait3A_1233, %dma_wait3A_1234] : memref<10112x128xf32, #tpu.memory_space<vmem_shared>> -> memref<120x128xf32, #tpu.memory_space<vmem_shared>>
      %dma_wait3A_1236 = arith.constant 0 : i32
      %dma_wait3A_1237 = arith.constant 0 : i32
      %dma_wait3A_1238 = tpu.memref_slice %arg6[%dma_wait3A_1236, %dma_wait3A_1237] : memref<10112x128xf32, #tpu.memory_space<vmem_shared>> -> memref<120x128xf32, #tpu.memory_space<vmem_shared>>
      %dma_wait3A_1239 = arith.constant 0 : i32
      %dma_wait3A_1240 = arith.constant 0 : i32
      %dma_wait3A_1241 = tpu.memref_slice %arg8[%dma_wait3A_1228, %dma_wait3A_1239, %dma_wait3A_1240] : memref<3x120x128xf32, #tpu.memory_space<vmem>> -> memref<1x120x128xf32, #tpu.memory_space<vmem>>
      %dma_wait3A_1242 = tpu.memref_squeeze %dma_wait3A_1241 : memref<1x120x128xf32, #tpu.memory_space<vmem>> -> memref<120x128xf32, #tpu.memory_space<vmem>>
      tpu.wait_dma2 semaphore(%arg19 : memref<!tpu.dma_semaphore, #tpu.memory_space<semaphore_mem>>) src(%dma_wait3A_1242 : memref<120x128xf32, #tpu.memory_space<vmem>>) dst(%dma_wait3A_1238 : memref<120x128xf32, #tpu.memory_space<vmem_shared>>)
      %add3A_1243 = arith.constant 3 : i32
      %add3A_1244 = arith.addi %add3A_1227, %add3A_1243 : i32
      %dma_start3A_1245 = arith.constant 4 : i32
      %dma_start3A_1246 = arith.constant 0 : i32
      %dma_start3A_1247 = arith.constant 0 : i32
      %dma_start3A_1248 = tpu.memref_slice %arg7[%dma_start3A_1245, %dma_start3A_1246, %dma_start3A_1247] : memref<6x2x120xi32, #tpu.memory_space<vmem>> -> memref<1x2x120xi32, #tpu.memory_space<vmem>>
      %dma_start3A_1249 = tpu.memref_squeeze %dma_start3A_1248 : memref<1x2x120xi32, #tpu.memory_space<vmem>> -> memref<2x120xi32, #tpu.memory_space<vmem>>
      %dma_start3A_1250 = arith.constant 0 : i32
      %dma_start3A_1251 = arith.constant 0 : i32
      %dma_start3A_1252 = tpu.memref_slice %arg3[%add3A, %add3A_1244, %dma_start3A_1250, %dma_start3A_1251] : memref<32x84x2x120xi32, #tpu.memory_space<hbm>> -> memref<1x1x2x120xi32, #tpu.memory_space<hbm>>
      %dma_start3A_1253 = tpu.memref_squeeze %dma_start3A_1252 : memref<1x1x2x120xi32, #tpu.memory_space<hbm>> -> memref<2x120xi32, #tpu.memory_space<hbm>>
      %dma_start3A_1254 = arith.constant 0 : i32
      %dma_start3A_1255 = arith.constant 0 : i32
      %dma_start3A_1256 = tpu.memref_slice %arg7[%dma_start3A_1245, %dma_start3A_1254, %dma_start3A_1255] : memref<6x2x120xi32, #tpu.memory_space<vmem>> -> memref<1x2x120xi32, #tpu.memory_space<vmem>>
      %dma_start3A_1257 = tpu.memref_squeeze %dma_start3A_1256 : memref<1x2x120xi32, #tpu.memory_space<vmem>> -> memref<2x120xi32, #tpu.memory_space<vmem>>
      %dma_start3A_1258 = arith.constant 0 : i32
      %dma_start3A_1259 = arith.constant 0 : i32
      %dma_start3A_1260 = tpu.memref_slice %arg3[%add3A, %add3A_1244, %dma_start3A_1258, %dma_start3A_1259] : memref<32x84x2x120xi32, #tpu.memory_space<hbm>> -> memref<1x1x2x120xi32, #tpu.memory_space<hbm>>
      %dma_start3A_1261 = tpu.memref_squeeze %dma_start3A_1260 : memref<1x1x2x120xi32, #tpu.memory_space<hbm>> -> memref<2x120xi32, #tpu.memory_space<hbm>>
      tpu.enqueue_dma source(%dma_start3A_1261 : memref<2x120xi32, #tpu.memory_space<hbm>>) target(%dma_start3A_1257 : memref<2x120xi32, #tpu.memory_space<vmem>>) target_semaphore(%arg13 : memref<!tpu.dma_semaphore, #tpu.memory_space<semaphore_mem>>)
      %dma_wait3A_1262 = arith.constant 0 : i32
      %dma_wait3A_1263 = arith.constant 1 : i32
      %dma_wait3A_1264 = arith.constant 0 : i32
      %dma_wait3A_1265 = arith.constant 0 : i32
      %dma_wait3A_1266 = tpu.memref_slice %arg7[%dma_wait3A_1263, %dma_wait3A_1264, %dma_wait3A_1265] : memref<6x2x120xi32, #tpu.memory_space<vmem>> -> memref<1x2x120xi32, #tpu.memory_space<vmem>>
      %dma_wait3A_1267 = tpu.memref_squeeze %dma_wait3A_1266 : memref<1x2x120xi32, #tpu.memory_space<vmem>> -> memref<2x120xi32, #tpu.memory_space<vmem>>
      %dma_wait3A_1268 = arith.constant 0 : i32
      %dma_wait3A_1269 = arith.constant 0 : i32
      %dma_wait3A_1270 = tpu.memref_slice %arg3[%add3A, %dma_wait3A_1262, %dma_wait3A_1268, %dma_wait3A_1269] : memref<32x84x2x120xi32, #tpu.memory_space<hbm>> -> memref<1x1x2x120xi32, #tpu.memory_space<hbm>>
      %dma_wait3A_1271 = tpu.memref_squeeze %dma_wait3A_1270 : memref<1x1x2x120xi32, #tpu.memory_space<hbm>> -> memref<2x120xi32, #tpu.memory_space<hbm>>
      %dma_wait3A_1272 = arith.constant 0 : i32
      %dma_wait3A_1273 = arith.constant 0 : i32
      %dma_wait3A_1274 = tpu.memref_slice %arg7[%dma_wait3A_1263, %dma_wait3A_1272, %dma_wait3A_1273] : memref<6x2x120xi32, #tpu.memory_space<vmem>> -> memref<1x2x120xi32, #tpu.memory_space<vmem>>
      %dma_wait3A_1275 = tpu.memref_squeeze %dma_wait3A_1274 : memref<1x2x120xi32, #tpu.memory_space<vmem>> -> memref<2x120xi32, #tpu.memory_space<vmem>>
      %dma_wait3A_1276 = arith.constant 0 : i32
      %dma_wait3A_1277 = arith.constant 0 : i32
      %dma_wait3A_1278 = tpu.memref_slice %arg3[%add3A, %dma_wait3A_1262, %dma_wait3A_1276, %dma_wait3A_1277] : memref<32x84x2x120xi32, #tpu.memory_space<hbm>> -> memref<1x1x2x120xi32, #tpu.memory_space<hbm>>
      %dma_wait3A_1279 = tpu.memref_squeeze %dma_wait3A_1278 : memref<1x1x2x120xi32, #tpu.memory_space<hbm>> -> memref<2x120xi32, #tpu.memory_space<hbm>>
      tpu.wait_dma2 semaphore(%arg10 : memref<!tpu.dma_semaphore, #tpu.memory_space<semaphore_mem>>) src(%dma_wait3A_1279 : memref<2x120xi32, #tpu.memory_space<hbm>>) dst(%dma_wait3A_1275 : memref<2x120xi32, #tpu.memory_space<vmem>>)
      %dma_start3A_1280 = arith.constant 1 : i32
      %dma_start3A_1281 = arith.constant 0 : i32
      %dma_start3A_1282 = arith.constant 1 : i32
      %dma_start3A_1283 = arith.constant 0 : i32
      %dma_start3A_1284 = arith.constant 0 : i32
      %dma_start3A_1285 = tpu.memref_slice %arg8[%dma_start3A_1282, %dma_start3A_1283, %dma_start3A_1284] : memref<3x120x128xf32, #tpu.memory_space<vmem>> -> memref<1x120x128xf32, #tpu.memory_space<vmem>>
      %dma_start3A_1286 = tpu.memref_squeeze %dma_start3A_1285 : memref<1x120x128xf32, #tpu.memory_space<vmem>> -> memref<120x128xf32, #tpu.memory_space<vmem>>
      %dma_start3A_1287 = arith.constant 0 : i32
      %dma_start3A_1288 = tpu.memref_slice %arg7[%dma_start3A_1280, %dma_start3A_1281, %dma_start3A_1287] : memref<6x2x120xi32, #tpu.memory_space<vmem>> -> memref<1x1x120xi32, #tpu.memory_space<vmem>>
      %dma_start3A_1289 = tpu.memref_squeeze %dma_start3A_1288 : memref<1x1x120xi32, #tpu.memory_space<vmem>> -> memref<120xi32, #tpu.memory_space<vmem>>
      %dma_start3A_1290 = arith.constant 0 : i32
      %dma_start3A_1291 = arith.constant 0 : i32
      %dma_start3A_1292 = tpu.memref_slice %arg2[%dma_start3A_1290, %dma_start3A_1291] : memref<10112x128xf32, #tpu.memory_space<hbm>> -> memref<10112x128xf32, #tpu.memory_space<hbm>>
      tpu.enqueue_indirect_dma source(%dma_start3A_1292 : memref<10112x128xf32, #tpu.memory_space<hbm>>) target(%dma_start3A_1286 : memref<120x128xf32, #tpu.memory_space<vmem>>) offsets(%dma_start3A_1289 : memref<120xi32, #tpu.memory_space<vmem>>) semaphore(%arg16 : memref<!tpu.dma_semaphore, #tpu.memory_space<semaphore_mem>>)
      %dma_wait3A_1293 = arith.constant 2 : i32
      %dma_wait3A_1294 = arith.constant 0 : i32
      %dma_wait3A_1295 = arith.constant 0 : i32
      %dma_wait3A_1296 = tpu.memref_slice %arg8[%dma_wait3A_1293, %dma_wait3A_1294, %dma_wait3A_1295] : memref<3x120x128xf32, #tpu.memory_space<vmem>> -> memref<1x120x128xf32, #tpu.memory_space<vmem>>
      %dma_wait3A_1297 = tpu.memref_squeeze %dma_wait3A_1296 : memref<1x120x128xf32, #tpu.memory_space<vmem>> -> memref<120x128xf32, #tpu.memory_space<vmem>>
      %dma_wait3A_1298 = arith.constant 0 : i32
      %dma_wait3A_1299 = arith.constant 0 : i32
      %dma_wait3A_1300 = tpu.memref_slice %arg2[%dma_wait3A_1298, %dma_wait3A_1299] : memref<10112x128xf32, #tpu.memory_space<hbm>> -> memref<120x128xf32, #tpu.memory_space<hbm>>
      %dma_wait3A_1301 = arith.constant 0 : i32
      %dma_wait3A_1302 = arith.constant 0 : i32
      %dma_wait3A_1303 = tpu.memref_slice %arg8[%dma_wait3A_1293, %dma_wait3A_1301, %dma_wait3A_1302] : memref<3x120x128xf32, #tpu.memory_space<vmem>> -> memref<1x120x128xf32, #tpu.memory_space<vmem>>
      %dma_wait3A_1304 = tpu.memref_squeeze %dma_wait3A_1303 : memref<1x120x128xf32, #tpu.memory_space<vmem>> -> memref<120x128xf32, #tpu.memory_space<vmem>>
      %dma_wait3A_1305 = arith.constant 0 : i32
      %dma_wait3A_1306 = arith.constant 0 : i32
      %dma_wait3A_1307 = tpu.memref_slice %arg2[%dma_wait3A_1305, %dma_wait3A_1306] : memref<10112x128xf32, #tpu.memory_space<hbm>> -> memref<120x128xf32, #tpu.memory_space<hbm>>
      tpu.wait_dma2 semaphore(%arg17 : memref<!tpu.dma_semaphore, #tpu.memory_space<semaphore_mem>>) src(%dma_wait3A_1307 : memref<120x128xf32, #tpu.memory_space<hbm>>) dst(%dma_wait3A_1304 : memref<120x128xf32, #tpu.memory_space<vmem>>)
      %dma_start3A_1308 = arith.constant 2 : i32
      %dma_start3A_1309 = arith.constant 5 : i32
      %dma_start3A_1310 = arith.constant 1 : i32
      %dma_start3A_1311 = arith.constant 0 : i32
      %dma_start3A_1312 = arith.constant 0 : i32
      %dma_start3A_1313 = tpu.memref_slice %arg8[%dma_start3A_1308, %dma_start3A_1311, %dma_start3A_1312] : memref<3x120x128xf32, #tpu.memory_space<vmem>> -> memref<1x120x128xf32, #tpu.memory_space<vmem>>
      %dma_start3A_1314 = tpu.memref_squeeze %dma_start3A_1313 : memref<1x120x128xf32, #tpu.memory_space<vmem>> -> memref<120x128xf32, #tpu.memory_space<vmem>>
      %dma_start3A_1315 = arith.constant 0 : i32
      %dma_start3A_1316 = tpu.memref_slice %arg7[%dma_start3A_1309, %dma_start3A_1310, %dma_start3A_1315] : memref<6x2x120xi32, #tpu.memory_space<vmem>> -> memref<1x1x120xi32, #tpu.memory_space<vmem>>
      %dma_start3A_1317 = tpu.memref_squeeze %dma_start3A_1316 : memref<1x1x120xi32, #tpu.memory_space<vmem>> -> memref<120xi32, #tpu.memory_space<vmem>>
      %dma_start3A_1318 = arith.constant 0 : i32
      %dma_start3A_1319 = arith.constant 0 : i32
      %dma_start3A_1320 = tpu.memref_slice %arg6[%dma_start3A_1318, %dma_start3A_1319] : memref<10112x128xf32, #tpu.memory_space<vmem_shared>> -> memref<10112x128xf32, #tpu.memory_space<vmem_shared>>
      tpu.enqueue_indirect_dma source(%dma_start3A_1314 : memref<120x128xf32, #tpu.memory_space<vmem>>) target(%dma_start3A_1320 : memref<10112x128xf32, #tpu.memory_space<vmem_shared>>) offsets(%dma_start3A_1317 : memref<120xi32, #tpu.memory_space<vmem>>) semaphore(%arg20 : memref<!tpu.dma_semaphore, #tpu.memory_space<semaphore_mem>>) {add = true}
      %add3A_1321 = arith.constant 2 : i32
      %add3A_1322 = arith.addi %mul3A_1130, %add3A_1321 : i32
      %dma_wait3A_1323 = arith.constant 2 : i32
      %dma_wait3A_1324 = arith.constant 0 : i32
      %dma_wait3A_1325 = arith.constant 0 : i32
      %dma_wait3A_1326 = tpu.memref_slice %arg8[%dma_wait3A_1323, %dma_wait3A_1324, %dma_wait3A_1325] : memref<3x120x128xf32, #tpu.memory_space<vmem>> -> memref<1x120x128xf32, #tpu.memory_space<vmem>>
      %dma_wait3A_1327 = tpu.memref_squeeze %dma_wait3A_1326 : memref<1x120x128xf32, #tpu.memory_space<vmem>> -> memref<120x128xf32, #tpu.memory_space<vmem>>
      %dma_wait3A_1328 = arith.constant 0 : i32
      %dma_wait3A_1329 = arith.constant 0 : i32
      %dma_wait3A_1330 = tpu.memref_slice %arg6[%dma_wait3A_1328, %dma_wait3A_1329] : memref<10112x128xf32, #tpu.memory_space<vmem_shared>> -> memref<120x128xf32, #tpu.memory_space<vmem_shared>>
      %dma_wait3A_1331 = arith.constant 0 : i32
      %dma_wait3A_1332 = arith.constant 0 : i32
      %dma_wait3A_1333 = tpu.memref_slice %arg6[%dma_wait3A_1331, %dma_wait3A_1332] : memref<10112x128xf32, #tpu.memory_space<vmem_shared>> -> memref<120x128xf32, #tpu.memory_space<vmem_shared>>
      %dma_wait3A_1334 = arith.constant 0 : i32
      %dma_wait3A_1335 = arith.constant 0 : i32
      %dma_wait3A_1336 = tpu.memref_slice %arg8[%dma_wait3A_1323, %dma_wait3A_1334, %dma_wait3A_1335] : memref<3x120x128xf32, #tpu.memory_space<vmem>> -> memref<1x120x128xf32, #tpu.memory_space<vmem>>
      %dma_wait3A_1337 = tpu.memref_squeeze %dma_wait3A_1336 : memref<1x120x128xf32, #tpu.memory_space<vmem>> -> memref<120x128xf32, #tpu.memory_space<vmem>>
      tpu.wait_dma2 semaphore(%arg20 : memref<!tpu.dma_semaphore, #tpu.memory_space<semaphore_mem>>) src(%dma_wait3A_1337 : memref<120x128xf32, #tpu.memory_space<vmem>>) dst(%dma_wait3A_1333 : memref<120x128xf32, #tpu.memory_space<vmem_shared>>)
      %add3A_1338 = arith.constant 3 : i32
      %add3A_1339 = arith.addi %add3A_1322, %add3A_1338 : i32
      %dma_start3A_1340 = arith.constant 5 : i32
      %dma_start3A_1341 = arith.constant 0 : i32
      %dma_start3A_1342 = arith.constant 0 : i32
      %dma_start3A_1343 = tpu.memref_slice %arg7[%dma_start3A_1340, %dma_start3A_1341, %dma_start3A_1342] : memref<6x2x120xi32, #tpu.memory_space<vmem>> -> memref<1x2x120xi32, #tpu.memory_space<vmem>>
      %dma_start3A_1344 = tpu.memref_squeeze %dma_start3A_1343 : memref<1x2x120xi32, #tpu.memory_space<vmem>> -> memref<2x120xi32, #tpu.memory_space<vmem>>
      %dma_start3A_1345 = arith.constant 0 : i32
      %dma_start3A_1346 = arith.constant 0 : i32
      %dma_start3A_1347 = tpu.memref_slice %arg3[%add3A, %add3A_1339, %dma_start3A_1345, %dma_start3A_1346] : memref<32x84x2x120xi32, #tpu.memory_space<hbm>> -> memref<1x1x2x120xi32, #tpu.memory_space<hbm>>
      %dma_start3A_1348 = tpu.memref_squeeze %dma_start3A_1347 : memref<1x1x2x120xi32, #tpu.memory_space<hbm>> -> memref<2x120xi32, #tpu.memory_space<hbm>>
      %dma_start3A_1349 = arith.constant 0 : i32
      %dma_start3A_1350 = arith.constant 0 : i32
      %dma_start3A_1351 = tpu.memref_slice %arg7[%dma_start3A_1340, %dma_start3A_1349, %dma_start3A_1350] : memref<6x2x120xi32, #tpu.memory_space<vmem>> -> memref<1x2x120xi32, #tpu.memory_space<vmem>>
      %dma_start3A_1352 = tpu.memref_squeeze %dma_start3A_1351 : memref<1x2x120xi32, #tpu.memory_space<vmem>> -> memref<2x120xi32, #tpu.memory_space<vmem>>
      %dma_start3A_1353 = arith.constant 0 : i32
      %dma_start3A_1354 = arith.constant 0 : i32
      %dma_start3A_1355 = tpu.memref_slice %arg3[%add3A, %add3A_1339, %dma_start3A_1353, %dma_start3A_1354] : memref<32x84x2x120xi32, #tpu.memory_space<hbm>> -> memref<1x1x2x120xi32, #tpu.memory_space<hbm>>
      %dma_start3A_1356 = tpu.memref_squeeze %dma_start3A_1355 : memref<1x1x2x120xi32, #tpu.memory_space<hbm>> -> memref<2x120xi32, #tpu.memory_space<hbm>>
      tpu.enqueue_dma source(%dma_start3A_1356 : memref<2x120xi32, #tpu.memory_space<hbm>>) target(%dma_start3A_1352 : memref<2x120xi32, #tpu.memory_space<vmem>>) target_semaphore(%arg14 : memref<!tpu.dma_semaphore, #tpu.memory_space<semaphore_mem>>)
      %dma_wait3A_1357 = arith.constant 0 : i32
      %dma_wait3A_1358 = arith.constant 2 : i32
      %dma_wait3A_1359 = arith.constant 0 : i32
      %dma_wait3A_1360 = arith.constant 0 : i32
      %dma_wait3A_1361 = tpu.memref_slice %arg7[%dma_wait3A_1358, %dma_wait3A_1359, %dma_wait3A_1360] : memref<6x2x120xi32, #tpu.memory_space<vmem>> -> memref<1x2x120xi32, #tpu.memory_space<vmem>>
      %dma_wait3A_1362 = tpu.memref_squeeze %dma_wait3A_1361 : memref<1x2x120xi32, #tpu.memory_space<vmem>> -> memref<2x120xi32, #tpu.memory_space<vmem>>
      %dma_wait3A_1363 = arith.constant 0 : i32
      %dma_wait3A_1364 = arith.constant 0 : i32
      %dma_wait3A_1365 = tpu.memref_slice %arg3[%add3A, %dma_wait3A_1357, %dma_wait3A_1363, %dma_wait3A_1364] : memref<32x84x2x120xi32, #tpu.memory_space<hbm>> -> memref<1x1x2x120xi32, #tpu.memory_space<hbm>>
      %dma_wait3A_1366 = tpu.memref_squeeze %dma_wait3A_1365 : memref<1x1x2x120xi32, #tpu.memory_space<hbm>> -> memref<2x120xi32, #tpu.memory_space<hbm>>
      %dma_wait3A_1367 = arith.constant 0 : i32
      %dma_wait3A_1368 = arith.constant 0 : i32
      %dma_wait3A_1369 = tpu.memref_slice %arg7[%dma_wait3A_1358, %dma_wait3A_1367, %dma_wait3A_1368] : memref<6x2x120xi32, #tpu.memory_space<vmem>> -> memref<1x2x120xi32, #tpu.memory_space<vmem>>
      %dma_wait3A_1370 = tpu.memref_squeeze %dma_wait3A_1369 : memref<1x2x120xi32, #tpu.memory_space<vmem>> -> memref<2x120xi32, #tpu.memory_space<vmem>>
      %dma_wait3A_1371 = arith.constant 0 : i32
      %dma_wait3A_1372 = arith.constant 0 : i32
      %dma_wait3A_1373 = tpu.memref_slice %arg3[%add3A, %dma_wait3A_1357, %dma_wait3A_1371, %dma_wait3A_1372] : memref<32x84x2x120xi32, #tpu.memory_space<hbm>> -> memref<1x1x2x120xi32, #tpu.memory_space<hbm>>
      %dma_wait3A_1374 = tpu.memref_squeeze %dma_wait3A_1373 : memref<1x1x2x120xi32, #tpu.memory_space<hbm>> -> memref<2x120xi32, #tpu.memory_space<hbm>>
      tpu.wait_dma2 semaphore(%arg11 : memref<!tpu.dma_semaphore, #tpu.memory_space<semaphore_mem>>) src(%dma_wait3A_1374 : memref<2x120xi32, #tpu.memory_space<hbm>>) dst(%dma_wait3A_1370 : memref<2x120xi32, #tpu.memory_space<vmem>>)
      %dma_start3A_1375 = arith.constant 2 : i32
      %dma_start3A_1376 = arith.constant 0 : i32
      %dma_start3A_1377 = arith.constant 2 : i32
      %dma_start3A_1378 = arith.constant 0 : i32
      %dma_start3A_1379 = arith.constant 0 : i32
      %dma_start3A_1380 = tpu.memref_slice %arg8[%dma_start3A_1377, %dma_start3A_1378, %dma_start3A_1379] : memref<3x120x128xf32, #tpu.memory_space<vmem>> -> memref<1x120x128xf32, #tpu.memory_space<vmem>>
      %dma_start3A_1381 = tpu.memref_squeeze %dma_start3A_1380 : memref<1x120x128xf32, #tpu.memory_space<vmem>> -> memref<120x128xf32, #tpu.memory_space<vmem>>
      %dma_start3A_1382 = arith.constant 0 : i32
      %dma_start3A_1383 = tpu.memref_slice %arg7[%dma_start3A_1375, %dma_start3A_1376, %dma_start3A_1382] : memref<6x2x120xi32, #tpu.memory_space<vmem>> -> memref<1x1x120xi32, #tpu.memory_space<vmem>>
      %dma_start3A_1384 = tpu.memref_squeeze %dma_start3A_1383 : memref<1x1x120xi32, #tpu.memory_space<vmem>> -> memref<120xi32, #tpu.memory_space<vmem>>
      %dma_start3A_1385 = arith.constant 0 : i32
      %dma_start3A_1386 = arith.constant 0 : i32
      %dma_start3A_1387 = tpu.memref_slice %arg2[%dma_start3A_1385, %dma_start3A_1386] : memref<10112x128xf32, #tpu.memory_space<hbm>> -> memref<10112x128xf32, #tpu.memory_space<hbm>>
      tpu.enqueue_indirect_dma source(%dma_start3A_1387 : memref<10112x128xf32, #tpu.memory_space<hbm>>) target(%dma_start3A_1381 : memref<120x128xf32, #tpu.memory_space<vmem>>) offsets(%dma_start3A_1384 : memref<120xi32, #tpu.memory_space<vmem>>) semaphore(%arg17 : memref<!tpu.dma_semaphore, #tpu.memory_space<semaphore_mem>>)
      %dma_wait3A_1388 = arith.constant 0 : i32
      %dma_wait3A_1389 = arith.constant 0 : i32
      %dma_wait3A_1390 = arith.constant 0 : i32
      %dma_wait3A_1391 = tpu.memref_slice %arg8[%dma_wait3A_1388, %dma_wait3A_1389, %dma_wait3A_1390] : memref<3x120x128xf32, #tpu.memory_space<vmem>> -> memref<1x120x128xf32, #tpu.memory_space<vmem>>
      %dma_wait3A_1392 = tpu.memref_squeeze %dma_wait3A_1391 : memref<1x120x128xf32, #tpu.memory_space<vmem>> -> memref<120x128xf32, #tpu.memory_space<vmem>>
      %dma_wait3A_1393 = arith.constant 0 : i32
      %dma_wait3A_1394 = arith.constant 0 : i32
      %dma_wait3A_1395 = tpu.memref_slice %arg2[%dma_wait3A_1393, %dma_wait3A_1394] : memref<10112x128xf32, #tpu.memory_space<hbm>> -> memref<120x128xf32, #tpu.memory_space<hbm>>
      %dma_wait3A_1396 = arith.constant 0 : i32
      %dma_wait3A_1397 = arith.constant 0 : i32
      %dma_wait3A_1398 = tpu.memref_slice %arg8[%dma_wait3A_1388, %dma_wait3A_1396, %dma_wait3A_1397] : memref<3x120x128xf32, #tpu.memory_space<vmem>> -> memref<1x120x128xf32, #tpu.memory_space<vmem>>
      %dma_wait3A_1399 = tpu.memref_squeeze %dma_wait3A_1398 : memref<1x120x128xf32, #tpu.memory_space<vmem>> -> memref<120x128xf32, #tpu.memory_space<vmem>>
      %dma_wait3A_1400 = arith.constant 0 : i32
      %dma_wait3A_1401 = arith.constant 0 : i32
      %dma_wait3A_1402 = tpu.memref_slice %arg2[%dma_wait3A_1400, %dma_wait3A_1401] : memref<10112x128xf32, #tpu.memory_space<hbm>> -> memref<120x128xf32, #tpu.memory_space<hbm>>
      tpu.wait_dma2 semaphore(%arg15 : memref<!tpu.dma_semaphore, #tpu.memory_space<semaphore_mem>>) src(%dma_wait3A_1402 : memref<120x128xf32, #tpu.memory_space<hbm>>) dst(%dma_wait3A_1399 : memref<120x128xf32, #tpu.memory_space<vmem>>)
      %dma_start3A_1403 = arith.constant 0 : i32
      %dma_start3A_1404 = arith.constant 0 : i32
      %dma_start3A_1405 = arith.constant 1 : i32
      %dma_start3A_1406 = arith.constant 0 : i32
      %dma_start3A_1407 = arith.constant 0 : i32
      %dma_start3A_1408 = tpu.memref_slice %arg8[%dma_start3A_1403, %dma_start3A_1406, %dma_start3A_1407] : memref<3x120x128xf32, #tpu.memory_space<vmem>> -> memref<1x120x128xf32, #tpu.memory_space<vmem>>
      %dma_start3A_1409 = tpu.memref_squeeze %dma_start3A_1408 : memref<1x120x128xf32, #tpu.memory_space<vmem>> -> memref<120x128xf32, #tpu.memory_space<vmem>>
      %dma_start3A_1410 = arith.constant 0 : i32
      %dma_start3A_1411 = tpu.memref_slice %arg7[%dma_start3A_1404, %dma_start3A_1405, %dma_start3A_1410] : memref<6x2x120xi32, #tpu.memory_space<vmem>> -> memref<1x1x120xi32, #tpu.memory_space<vmem>>
      %dma_start3A_1412 = tpu.memref_squeeze %dma_start3A_1411 : memref<1x1x120xi32, #tpu.memory_space<vmem>> -> memref<120xi32, #tpu.memory_space<vmem>>
      %dma_start3A_1413 = arith.constant 0 : i32
      %dma_start3A_1414 = arith.constant 0 : i32
      %dma_start3A_1415 = tpu.memref_slice %arg6[%dma_start3A_1413, %dma_start3A_1414] : memref<10112x128xf32, #tpu.memory_space<vmem_shared>> -> memref<10112x128xf32, #tpu.memory_space<vmem_shared>>
      tpu.enqueue_indirect_dma source(%dma_start3A_1409 : memref<120x128xf32, #tpu.memory_space<vmem>>) target(%dma_start3A_1415 : memref<10112x128xf32, #tpu.memory_space<vmem_shared>>) offsets(%dma_start3A_1412 : memref<120xi32, #tpu.memory_space<vmem>>) semaphore(%arg18 : memref<!tpu.dma_semaphore, #tpu.memory_space<semaphore_mem>>) {add = true}
      %add3A_1416 = arith.constant 3 : i32
      %add3A_1417 = arith.addi %mul3A_1130, %add3A_1416 : i32
      %dma_wait3A_1418 = arith.constant 0 : i32
      %dma_wait3A_1419 = arith.constant 0 : i32
      %dma_wait3A_1420 = arith.constant 0 : i32
      %dma_wait3A_1421 = tpu.memref_slice %arg8[%dma_wait3A_1418, %dma_wait3A_1419, %dma_wait3A_1420] : memref<3x120x128xf32, #tpu.memory_space<vmem>> -> memref<1x120x128xf32, #tpu.memory_space<vmem>>
      %dma_wait3A_1422 = tpu.memref_squeeze %dma_wait3A_1421 : memref<1x120x128xf32, #tpu.memory_space<vmem>> -> memref<120x128xf32, #tpu.memory_space<vmem>>
      %dma_wait3A_1423 = arith.constant 0 : i32
      %dma_wait3A_1424 = arith.constant 0 : i32
      %dma_wait3A_1425 = tpu.memref_slice %arg6[%dma_wait3A_1423, %dma_wait3A_1424] : memref<10112x128xf32, #tpu.memory_space<vmem_shared>> -> memref<120x128xf32, #tpu.memory_space<vmem_shared>>
      %dma_wait3A_1426 = arith.constant 0 : i32
      %dma_wait3A_1427 = arith.constant 0 : i32
      %dma_wait3A_1428 = tpu.memref_slice %arg6[%dma_wait3A_1426, %dma_wait3A_1427] : memref<10112x128xf32, #tpu.memory_space<vmem_shared>> -> memref<120x128xf32, #tpu.memory_space<vmem_shared>>
      %dma_wait3A_1429 = arith.constant 0 : i32
      %dma_wait3A_1430 = arith.constant 0 : i32
      %dma_wait3A_1431 = tpu.memref_slice %arg8[%dma_wait3A_1418, %dma_wait3A_1429, %dma_wait3A_1430] : memref<3x120x128xf32, #tpu.memory_space<vmem>> -> memref<1x120x128xf32, #tpu.memory_space<vmem>>
      %dma_wait3A_1432 = tpu.memref_squeeze %dma_wait3A_1431 : memref<1x120x128xf32, #tpu.memory_space<vmem>> -> memref<120x128xf32, #tpu.memory_space<vmem>>
      tpu.wait_dma2 semaphore(%arg18 : memref<!tpu.dma_semaphore, #tpu.memory_space<semaphore_mem>>) src(%dma_wait3A_1432 : memref<120x128xf32, #tpu.memory_space<vmem>>) dst(%dma_wait3A_1428 : memref<120x128xf32, #tpu.memory_space<vmem_shared>>)
      %add3A_1433 = arith.constant 3 : i32
      %add3A_1434 = arith.addi %add3A_1417, %add3A_1433 : i32
      %dma_start3A_1435 = arith.constant 0 : i32
      %dma_start3A_1436 = arith.constant 0 : i32
      %dma_start3A_1437 = arith.constant 0 : i32
      %dma_start3A_1438 = tpu.memref_slice %arg7[%dma_start3A_1435, %dma_start3A_1436, %dma_start3A_1437] : memref<6x2x120xi32, #tpu.memory_space<vmem>> -> memref<1x2x120xi32, #tpu.memory_space<vmem>>
      %dma_start3A_1439 = tpu.memref_squeeze %dma_start3A_1438 : memref<1x2x120xi32, #tpu.memory_space<vmem>> -> memref<2x120xi32, #tpu.memory_space<vmem>>
      %dma_start3A_1440 = arith.constant 0 : i32
      %dma_start3A_1441 = arith.constant 0 : i32
      %dma_start3A_1442 = tpu.memref_slice %arg3[%add3A, %add3A_1434, %dma_start3A_1440, %dma_start3A_1441] : memref<32x84x2x120xi32, #tpu.memory_space<hbm>> -> memref<1x1x2x120xi32, #tpu.memory_space<hbm>>
      %dma_start3A_1443 = tpu.memref_squeeze %dma_start3A_1442 : memref<1x1x2x120xi32, #tpu.memory_space<hbm>> -> memref<2x120xi32, #tpu.memory_space<hbm>>
      %dma_start3A_1444 = arith.constant 0 : i32
      %dma_start3A_1445 = arith.constant 0 : i32
      %dma_start3A_1446 = tpu.memref_slice %arg7[%dma_start3A_1435, %dma_start3A_1444, %dma_start3A_1445] : memref<6x2x120xi32, #tpu.memory_space<vmem>> -> memref<1x2x120xi32, #tpu.memory_space<vmem>>
      %dma_start3A_1447 = tpu.memref_squeeze %dma_start3A_1446 : memref<1x2x120xi32, #tpu.memory_space<vmem>> -> memref<2x120xi32, #tpu.memory_space<vmem>>
      %dma_start3A_1448 = arith.constant 0 : i32
      %dma_start3A_1449 = arith.constant 0 : i32
      %dma_start3A_1450 = tpu.memref_slice %arg3[%add3A, %add3A_1434, %dma_start3A_1448, %dma_start3A_1449] : memref<32x84x2x120xi32, #tpu.memory_space<hbm>> -> memref<1x1x2x120xi32, #tpu.memory_space<hbm>>
      %dma_start3A_1451 = tpu.memref_squeeze %dma_start3A_1450 : memref<1x1x2x120xi32, #tpu.memory_space<hbm>> -> memref<2x120xi32, #tpu.memory_space<hbm>>
      tpu.enqueue_dma source(%dma_start3A_1451 : memref<2x120xi32, #tpu.memory_space<hbm>>) target(%dma_start3A_1447 : memref<2x120xi32, #tpu.memory_space<vmem>>) target_semaphore(%arg9 : memref<!tpu.dma_semaphore, #tpu.memory_space<semaphore_mem>>)
      %dma_wait3A_1452 = arith.constant 0 : i32
      %dma_wait3A_1453 = arith.constant 3 : i32
      %dma_wait3A_1454 = arith.constant 0 : i32
      %dma_wait3A_1455 = arith.constant 0 : i32
      %dma_wait3A_1456 = tpu.memref_slice %arg7[%dma_wait3A_1453, %dma_wait3A_1454, %dma_wait3A_1455] : memref<6x2x120xi32, #tpu.memory_space<vmem>> -> memref<1x2x120xi32, #tpu.memory_space<vmem>>
      %dma_wait3A_1457 = tpu.memref_squeeze %dma_wait3A_1456 : memref<1x2x120xi32, #tpu.memory_space<vmem>> -> memref<2x120xi32, #tpu.memory_space<vmem>>
      %dma_wait3A_1458 = arith.constant 0 : i32
      %dma_wait3A_1459 = arith.constant 0 : i32
      %dma_wait3A_1460 = tpu.memref_slice %arg3[%add3A, %dma_wait3A_1452, %dma_wait3A_1458, %dma_wait3A_1459] : memref<32x84x2x120xi32, #tpu.memory_space<hbm>> -> memref<1x1x2x120xi32, #tpu.memory_space<hbm>>
      %dma_wait3A_1461 = tpu.memref_squeeze %dma_wait3A_1460 : memref<1x1x2x120xi32, #tpu.memory_space<hbm>> -> memref<2x120xi32, #tpu.memory_space<hbm>>
      %dma_wait3A_1462 = arith.constant 0 : i32
      %dma_wait3A_1463 = arith.constant 0 : i32
      %dma_wait3A_1464 = tpu.memref_slice %arg7[%dma_wait3A_1453, %dma_wait3A_1462, %dma_wait3A_1463] : memref<6x2x120xi32, #tpu.memory_space<vmem>> -> memref<1x2x120xi32, #tpu.memory_space<vmem>>
      %dma_wait3A_1465 = tpu.memref_squeeze %dma_wait3A_1464 : memref<1x2x120xi32, #tpu.memory_space<vmem>> -> memref<2x120xi32, #tpu.memory_space<vmem>>
      %dma_wait3A_1466 = arith.constant 0 : i32
      %dma_wait3A_1467 = arith.constant 0 : i32
      %dma_wait3A_1468 = tpu.memref_slice %arg3[%add3A, %dma_wait3A_1452, %dma_wait3A_1466, %dma_wait3A_1467] : memref<32x84x2x120xi32, #tpu.memory_space<hbm>> -> memref<1x1x2x120xi32, #tpu.memory_space<hbm>>
      %dma_wait3A_1469 = tpu.memref_squeeze %dma_wait3A_1468 : memref<1x1x2x120xi32, #tpu.memory_space<hbm>> -> memref<2x120xi32, #tpu.memory_space<hbm>>
      tpu.wait_dma2 semaphore(%arg12 : memref<!tpu.dma_semaphore, #tpu.memory_space<semaphore_mem>>) src(%dma_wait3A_1469 : memref<2x120xi32, #tpu.memory_space<hbm>>) dst(%dma_wait3A_1465 : memref<2x120xi32, #tpu.memory_space<vmem>>)
      %dma_start3A_1470 = arith.constant 3 : i32
      %dma_start3A_1471 = arith.constant 0 : i32
      %dma_start3A_1472 = arith.constant 0 : i32
      %dma_start3A_1473 = arith.constant 0 : i32
      %dma_start3A_1474 = arith.constant 0 : i32
      %dma_start3A_1475 = tpu.memref_slice %arg8[%dma_start3A_1472, %dma_start3A_1473, %dma_start3A_1474] : memref<3x120x128xf32, #tpu.memory_space<vmem>> -> memref<1x120x128xf32, #tpu.memory_space<vmem>>
      %dma_start3A_1476 = tpu.memref_squeeze %dma_start3A_1475 : memref<1x120x128xf32, #tpu.memory_space<vmem>> -> memref<120x128xf32, #tpu.memory_space<vmem>>
      %dma_start3A_1477 = arith.constant 0 : i32
      %dma_start3A_1478 = tpu.memref_slice %arg7[%dma_start3A_1470, %dma_start3A_1471, %dma_start3A_1477] : memref<6x2x120xi32, #tpu.memory_space<vmem>> -> memref<1x1x120xi32, #tpu.memory_space<vmem>>
      %dma_start3A_1479 = tpu.memref_squeeze %dma_start3A_1478 : memref<1x1x120xi32, #tpu.memory_space<vmem>> -> memref<120xi32, #tpu.memory_space<vmem>>
      %dma_start3A_1480 = arith.constant 0 : i32
      %dma_start3A_1481 = arith.constant 0 : i32
      %dma_start3A_1482 = tpu.memref_slice %arg2[%dma_start3A_1480, %dma_start3A_1481] : memref<10112x128xf32, #tpu.memory_space<hbm>> -> memref<10112x128xf32, #tpu.memory_space<hbm>>
      tpu.enqueue_indirect_dma source(%dma_start3A_1482 : memref<10112x128xf32, #tpu.memory_space<hbm>>) target(%dma_start3A_1476 : memref<120x128xf32, #tpu.memory_space<vmem>>) offsets(%dma_start3A_1479 : memref<120xi32, #tpu.memory_space<vmem>>) semaphore(%arg15 : memref<!tpu.dma_semaphore, #tpu.memory_space<semaphore_mem>>)
      %dma_wait3A_1483 = arith.constant 1 : i32
      %dma_wait3A_1484 = arith.constant 0 : i32
      %dma_wait3A_1485 = arith.constant 0 : i32
      %dma_wait3A_1486 = tpu.memref_slice %arg8[%dma_wait3A_1483, %dma_wait3A_1484, %dma_wait3A_1485] : memref<3x120x128xf32, #tpu.memory_space<vmem>> -> memref<1x120x128xf32, #tpu.memory_space<vmem>>
      %dma_wait3A_1487 = tpu.memref_squeeze %dma_wait3A_1486 : memref<1x120x128xf32, #tpu.memory_space<vmem>> -> memref<120x128xf32, #tpu.memory_space<vmem>>
      %dma_wait3A_1488 = arith.constant 0 : i32
      %dma_wait3A_1489 = arith.constant 0 : i32
      %dma_wait3A_1490 = tpu.memref_slice %arg2[%dma_wait3A_1488, %dma_wait3A_1489] : memref<10112x128xf32, #tpu.memory_space<hbm>> -> memref<120x128xf32, #tpu.memory_space<hbm>>
      %dma_wait3A_1491 = arith.constant 0 : i32
      %dma_wait3A_1492 = arith.constant 0 : i32
      %dma_wait3A_1493 = tpu.memref_slice %arg8[%dma_wait3A_1483, %dma_wait3A_1491, %dma_wait3A_1492] : memref<3x120x128xf32, #tpu.memory_space<vmem>> -> memref<1x120x128xf32, #tpu.memory_space<vmem>>
      %dma_wait3A_1494 = tpu.memref_squeeze %dma_wait3A_1493 : memref<1x120x128xf32, #tpu.memory_space<vmem>> -> memref<120x128xf32, #tpu.memory_space<vmem>>
      %dma_wait3A_1495 = arith.constant 0 : i32
      %dma_wait3A_1496 = arith.constant 0 : i32
      %dma_wait3A_1497 = tpu.memref_slice %arg2[%dma_wait3A_1495, %dma_wait3A_1496] : memref<10112x128xf32, #tpu.memory_space<hbm>> -> memref<120x128xf32, #tpu.memory_space<hbm>>
      tpu.wait_dma2 semaphore(%arg16 : memref<!tpu.dma_semaphore, #tpu.memory_space<semaphore_mem>>) src(%dma_wait3A_1497 : memref<120x128xf32, #tpu.memory_space<hbm>>) dst(%dma_wait3A_1494 : memref<120x128xf32, #tpu.memory_space<vmem>>)
      %dma_start3A_1498 = arith.constant 1 : i32
      %dma_start3A_1499 = arith.constant 1 : i32
      %dma_start3A_1500 = arith.constant 1 : i32
      %dma_start3A_1501 = arith.constant 0 : i32
      %dma_start3A_1502 = arith.constant 0 : i32
      %dma_start3A_1503 = tpu.memref_slice %arg8[%dma_start3A_1498, %dma_start3A_1501, %dma_start3A_1502] : memref<3x120x128xf32, #tpu.memory_space<vmem>> -> memref<1x120x128xf32, #tpu.memory_space<vmem>>
      %dma_start3A_1504 = tpu.memref_squeeze %dma_start3A_1503 : memref<1x120x128xf32, #tpu.memory_space<vmem>> -> memref<120x128xf32, #tpu.memory_space<vmem>>
      %dma_start3A_1505 = arith.constant 0 : i32
      %dma_start3A_1506 = tpu.memref_slice %arg7[%dma_start3A_1499, %dma_start3A_1500, %dma_start3A_1505] : memref<6x2x120xi32, #tpu.memory_space<vmem>> -> memref<1x1x120xi32, #tpu.memory_space<vmem>>
      %dma_start3A_1507 = tpu.memref_squeeze %dma_start3A_1506 : memref<1x1x120xi32, #tpu.memory_space<vmem>> -> memref<120xi32, #tpu.memory_space<vmem>>
      %dma_start3A_1508 = arith.constant 0 : i32
      %dma_start3A_1509 = arith.constant 0 : i32
      %dma_start3A_1510 = tpu.memref_slice %arg6[%dma_start3A_1508, %dma_start3A_1509] : memref<10112x128xf32, #tpu.memory_space<vmem_shared>> -> memref<10112x128xf32, #tpu.memory_space<vmem_shared>>
      tpu.enqueue_indirect_dma source(%dma_start3A_1504 : memref<120x128xf32, #tpu.memory_space<vmem>>) target(%dma_start3A_1510 : memref<10112x128xf32, #tpu.memory_space<vmem_shared>>) offsets(%dma_start3A_1507 : memref<120xi32, #tpu.memory_space<vmem>>) semaphore(%arg19 : memref<!tpu.dma_semaphore, #tpu.memory_space<semaphore_mem>>) {add = true}
      %add3A_1511 = arith.constant 4 : i32
      %add3A_1512 = arith.addi %mul3A_1130, %add3A_1511 : i32
      %dma_wait3A_1513 = arith.constant 1 : i32
      %dma_wait3A_1514 = arith.constant 0 : i32
      %dma_wait3A_1515 = arith.constant 0 : i32
      %dma_wait3A_1516 = tpu.memref_slice %arg8[%dma_wait3A_1513, %dma_wait3A_1514, %dma_wait3A_1515] : memref<3x120x128xf32, #tpu.memory_space<vmem>> -> memref<1x120x128xf32, #tpu.memory_space<vmem>>
      %dma_wait3A_1517 = tpu.memref_squeeze %dma_wait3A_1516 : memref<1x120x128xf32, #tpu.memory_space<vmem>> -> memref<120x128xf32, #tpu.memory_space<vmem>>
      %dma_wait3A_1518 = arith.constant 0 : i32
      %dma_wait3A_1519 = arith.constant 0 : i32
      %dma_wait3A_1520 = tpu.memref_slice %arg6[%dma_wait3A_1518, %dma_wait3A_1519] : memref<10112x128xf32, #tpu.memory_space<vmem_shared>> -> memref<120x128xf32, #tpu.memory_space<vmem_shared>>
      %dma_wait3A_1521 = arith.constant 0 : i32
      %dma_wait3A_1522 = arith.constant 0 : i32
      %dma_wait3A_1523 = tpu.memref_slice %arg6[%dma_wait3A_1521, %dma_wait3A_1522] : memref<10112x128xf32, #tpu.memory_space<vmem_shared>> -> memref<120x128xf32, #tpu.memory_space<vmem_shared>>
      %dma_wait3A_1524 = arith.constant 0 : i32
      %dma_wait3A_1525 = arith.constant 0 : i32
      %dma_wait3A_1526 = tpu.memref_slice %arg8[%dma_wait3A_1513, %dma_wait3A_1524, %dma_wait3A_1525] : memref<3x120x128xf32, #tpu.memory_space<vmem>> -> memref<1x120x128xf32, #tpu.memory_space<vmem>>
      %dma_wait3A_1527 = tpu.memref_squeeze %dma_wait3A_1526 : memref<1x120x128xf32, #tpu.memory_space<vmem>> -> memref<120x128xf32, #tpu.memory_space<vmem>>
      tpu.wait_dma2 semaphore(%arg19 : memref<!tpu.dma_semaphore, #tpu.memory_space<semaphore_mem>>) src(%dma_wait3A_1527 : memref<120x128xf32, #tpu.memory_space<vmem>>) dst(%dma_wait3A_1523 : memref<120x128xf32, #tpu.memory_space<vmem_shared>>)
      %add3A_1528 = arith.constant 3 : i32
      %add3A_1529 = arith.addi %add3A_1512, %add3A_1528 : i32
      %dma_start3A_1530 = arith.constant 1 : i32
      %dma_start3A_1531 = arith.constant 0 : i32
      %dma_start3A_1532 = arith.constant 0 : i32
      %dma_start3A_1533 = tpu.memref_slice %arg7[%dma_start3A_1530, %dma_start3A_1531, %dma_start3A_1532] : memref<6x2x120xi32, #tpu.memory_space<vmem>> -> memref<1x2x120xi32, #tpu.memory_space<vmem>>
      %dma_start3A_1534 = tpu.memref_squeeze %dma_start3A_1533 : memref<1x2x120xi32, #tpu.memory_space<vmem>> -> memref<2x120xi32, #tpu.memory_space<vmem>>
      %dma_start3A_1535 = arith.constant 0 : i32
      %dma_start3A_1536 = arith.constant 0 : i32
      %dma_start3A_1537 = tpu.memref_slice %arg3[%add3A, %add3A_1529, %dma_start3A_1535, %dma_start3A_1536] : memref<32x84x2x120xi32, #tpu.memory_space<hbm>> -> memref<1x1x2x120xi32, #tpu.memory_space<hbm>>
      %dma_start3A_1538 = tpu.memref_squeeze %dma_start3A_1537 : memref<1x1x2x120xi32, #tpu.memory_space<hbm>> -> memref<2x120xi32, #tpu.memory_space<hbm>>
      %dma_start3A_1539 = arith.constant 0 : i32
      %dma_start3A_1540 = arith.constant 0 : i32
      %dma_start3A_1541 = tpu.memref_slice %arg7[%dma_start3A_1530, %dma_start3A_1539, %dma_start3A_1540] : memref<6x2x120xi32, #tpu.memory_space<vmem>> -> memref<1x2x120xi32, #tpu.memory_space<vmem>>
      %dma_start3A_1542 = tpu.memref_squeeze %dma_start3A_1541 : memref<1x2x120xi32, #tpu.memory_space<vmem>> -> memref<2x120xi32, #tpu.memory_space<vmem>>
      %dma_start3A_1543 = arith.constant 0 : i32
      %dma_start3A_1544 = arith.constant 0 : i32
      %dma_start3A_1545 = tpu.memref_slice %arg3[%add3A, %add3A_1529, %dma_start3A_1543, %dma_start3A_1544] : memref<32x84x2x120xi32, #tpu.memory_space<hbm>> -> memref<1x1x2x120xi32, #tpu.memory_space<hbm>>
      %dma_start3A_1546 = tpu.memref_squeeze %dma_start3A_1545 : memref<1x1x2x120xi32, #tpu.memory_space<hbm>> -> memref<2x120xi32, #tpu.memory_space<hbm>>
      tpu.enqueue_dma source(%dma_start3A_1546 : memref<2x120xi32, #tpu.memory_space<hbm>>) target(%dma_start3A_1542 : memref<2x120xi32, #tpu.memory_space<vmem>>) target_semaphore(%arg10 : memref<!tpu.dma_semaphore, #tpu.memory_space<semaphore_mem>>)
      %dma_wait3A_1547 = arith.constant 0 : i32
      %dma_wait3A_1548 = arith.constant 4 : i32
      %dma_wait3A_1549 = arith.constant 0 : i32
      %dma_wait3A_1550 = arith.constant 0 : i32
      %dma_wait3A_1551 = tpu.memref_slice %arg7[%dma_wait3A_1548, %dma_wait3A_1549, %dma_wait3A_1550] : memref<6x2x120xi32, #tpu.memory_space<vmem>> -> memref<1x2x120xi32, #tpu.memory_space<vmem>>
      %dma_wait3A_1552 = tpu.memref_squeeze %dma_wait3A_1551 : memref<1x2x120xi32, #tpu.memory_space<vmem>> -> memref<2x120xi32, #tpu.memory_space<vmem>>
      %dma_wait3A_1553 = arith.constant 0 : i32
      %dma_wait3A_1554 = arith.constant 0 : i32
      %dma_wait3A_1555 = tpu.memref_slice %arg3[%add3A, %dma_wait3A_1547, %dma_wait3A_1553, %dma_wait3A_1554] : memref<32x84x2x120xi32, #tpu.memory_space<hbm>> -> memref<1x1x2x120xi32, #tpu.memory_space<hbm>>
      %dma_wait3A_1556 = tpu.memref_squeeze %dma_wait3A_1555 : memref<1x1x2x120xi32, #tpu.memory_space<hbm>> -> memref<2x120xi32, #tpu.memory_space<hbm>>
      %dma_wait3A_1557 = arith.constant 0 : i32
      %dma_wait3A_1558 = arith.constant 0 : i32
      %dma_wait3A_1559 = tpu.memref_slice %arg7[%dma_wait3A_1548, %dma_wait3A_1557, %dma_wait3A_1558] : memref<6x2x120xi32, #tpu.memory_space<vmem>> -> memref<1x2x120xi32, #tpu.memory_space<vmem>>
      %dma_wait3A_1560 = tpu.memref_squeeze %dma_wait3A_1559 : memref<1x2x120xi32, #tpu.memory_space<vmem>> -> memref<2x120xi32, #tpu.memory_space<vmem>>
      %dma_wait3A_1561 = arith.constant 0 : i32
      %dma_wait3A_1562 = arith.constant 0 : i32
      %dma_wait3A_1563 = tpu.memref_slice %arg3[%add3A, %dma_wait3A_1547, %dma_wait3A_1561, %dma_wait3A_1562] : memref<32x84x2x120xi32, #tpu.memory_space<hbm>> -> memref<1x1x2x120xi32, #tpu.memory_space<hbm>>
      %dma_wait3A_1564 = tpu.memref_squeeze %dma_wait3A_1563 : memref<1x1x2x120xi32, #tpu.memory_space<hbm>> -> memref<2x120xi32, #tpu.memory_space<hbm>>
      tpu.wait_dma2 semaphore(%arg13 : memref<!tpu.dma_semaphore, #tpu.memory_space<semaphore_mem>>) src(%dma_wait3A_1564 : memref<2x120xi32, #tpu.memory_space<hbm>>) dst(%dma_wait3A_1560 : memref<2x120xi32, #tpu.memory_space<vmem>>)
      %dma_start3A_1565 = arith.constant 4 : i32
      %dma_start3A_1566 = arith.constant 0 : i32
      %dma_start3A_1567 = arith.constant 1 : i32
      %dma_start3A_1568 = arith.constant 0 : i32
      %dma_start3A_1569 = arith.constant 0 : i32
      %dma_start3A_1570 = tpu.memref_slice %arg8[%dma_start3A_1567, %dma_start3A_1568, %dma_start3A_1569] : memref<3x120x128xf32, #tpu.memory_space<vmem>> -> memref<1x120x128xf32, #tpu.memory_space<vmem>>
      %dma_start3A_1571 = tpu.memref_squeeze %dma_start3A_1570 : memref<1x120x128xf32, #tpu.memory_space<vmem>> -> memref<120x128xf32, #tpu.memory_space<vmem>>
      %dma_start3A_1572 = arith.constant 0 : i32
      %dma_start3A_1573 = tpu.memref_slice %arg7[%dma_start3A_1565, %dma_start3A_1566, %dma_start3A_1572] : memref<6x2x120xi32, #tpu.memory_space<vmem>> -> memref<1x1x120xi32, #tpu.memory_space<vmem>>
      %dma_start3A_1574 = tpu.memref_squeeze %dma_start3A_1573 : memref<1x1x120xi32, #tpu.memory_space<vmem>> -> memref<120xi32, #tpu.memory_space<vmem>>
      %dma_start3A_1575 = arith.constant 0 : i32
      %dma_start3A_1576 = arith.constant 0 : i32
      %dma_start3A_1577 = tpu.memref_slice %arg2[%dma_start3A_1575, %dma_start3A_1576] : memref<10112x128xf32, #tpu.memory_space<hbm>> -> memref<10112x128xf32, #tpu.memory_space<hbm>>
      tpu.enqueue_indirect_dma source(%dma_start3A_1577 : memref<10112x128xf32, #tpu.memory_space<hbm>>) target(%dma_start3A_1571 : memref<120x128xf32, #tpu.memory_space<vmem>>) offsets(%dma_start3A_1574 : memref<120xi32, #tpu.memory_space<vmem>>) semaphore(%arg16 : memref<!tpu.dma_semaphore, #tpu.memory_space<semaphore_mem>>)
      %dma_wait3A_1578 = arith.constant 2 : i32
      %dma_wait3A_1579 = arith.constant 0 : i32
      %dma_wait3A_1580 = arith.constant 0 : i32
      %dma_wait3A_1581 = tpu.memref_slice %arg8[%dma_wait3A_1578, %dma_wait3A_1579, %dma_wait3A_1580] : memref<3x120x128xf32, #tpu.memory_space<vmem>> -> memref<1x120x128xf32, #tpu.memory_space<vmem>>
      %dma_wait3A_1582 = tpu.memref_squeeze %dma_wait3A_1581 : memref<1x120x128xf32, #tpu.memory_space<vmem>> -> memref<120x128xf32, #tpu.memory_space<vmem>>
      %dma_wait3A_1583 = arith.constant 0 : i32
      %dma_wait3A_1584 = arith.constant 0 : i32
      %dma_wait3A_1585 = tpu.memref_slice %arg2[%dma_wait3A_1583, %dma_wait3A_1584] : memref<10112x128xf32, #tpu.memory_space<hbm>> -> memref<120x128xf32, #tpu.memory_space<hbm>>
      %dma_wait3A_1586 = arith.constant 0 : i32
      %dma_wait3A_1587 = arith.constant 0 : i32
      %dma_wait3A_1588 = tpu.memref_slice %arg8[%dma_wait3A_1578, %dma_wait3A_1586, %dma_wait3A_1587] : memref<3x120x128xf32, #tpu.memory_space<vmem>> -> memref<1x120x128xf32, #tpu.memory_space<vmem>>
      %dma_wait3A_1589 = tpu.memref_squeeze %dma_wait3A_1588 : memref<1x120x128xf32, #tpu.memory_space<vmem>> -> memref<120x128xf32, #tpu.memory_space<vmem>>
      %dma_wait3A_1590 = arith.constant 0 : i32
      %dma_wait3A_1591 = arith.constant 0 : i32
      %dma_wait3A_1592 = tpu.memref_slice %arg2[%dma_wait3A_1590, %dma_wait3A_1591] : memref<10112x128xf32, #tpu.memory_space<hbm>> -> memref<120x128xf32, #tpu.memory_space<hbm>>
      tpu.wait_dma2 semaphore(%arg17 : memref<!tpu.dma_semaphore, #tpu.memory_space<semaphore_mem>>) src(%dma_wait3A_1592 : memref<120x128xf32, #tpu.memory_space<hbm>>) dst(%dma_wait3A_1589 : memref<120x128xf32, #tpu.memory_space<vmem>>)
      %dma_start3A_1593 = arith.constant 2 : i32
      %dma_start3A_1594 = arith.constant 2 : i32
      %dma_start3A_1595 = arith.constant 1 : i32
      %dma_start3A_1596 = arith.constant 0 : i32
      %dma_start3A_1597 = arith.constant 0 : i32
      %dma_start3A_1598 = tpu.memref_slice %arg8[%dma_start3A_1593, %dma_start3A_1596, %dma_start3A_1597] : memref<3x120x128xf32, #tpu.memory_space<vmem>> -> memref<1x120x128xf32, #tpu.memory_space<vmem>>
      %dma_start3A_1599 = tpu.memref_squeeze %dma_start3A_1598 : memref<1x120x128xf32, #tpu.memory_space<vmem>> -> memref<120x128xf32, #tpu.memory_space<vmem>>
      %dma_start3A_1600 = arith.constant 0 : i32
      %dma_start3A_1601 = tpu.memref_slice %arg7[%dma_start3A_1594, %dma_start3A_1595, %dma_start3A_1600] : memref<6x2x120xi32, #tpu.memory_space<vmem>> -> memref<1x1x120xi32, #tpu.memory_space<vmem>>
      %dma_start3A_1602 = tpu.memref_squeeze %dma_start3A_1601 : memref<1x1x120xi32, #tpu.memory_space<vmem>> -> memref<120xi32, #tpu.memory_space<vmem>>
      %dma_start3A_1603 = arith.constant 0 : i32
      %dma_start3A_1604 = arith.constant 0 : i32
      %dma_start3A_1605 = tpu.memref_slice %arg6[%dma_start3A_1603, %dma_start3A_1604] : memref<10112x128xf32, #tpu.memory_space<vmem_shared>> -> memref<10112x128xf32, #tpu.memory_space<vmem_shared>>
      tpu.enqueue_indirect_dma source(%dma_start3A_1599 : memref<120x128xf32, #tpu.memory_space<vmem>>) target(%dma_start3A_1605 : memref<10112x128xf32, #tpu.memory_space<vmem_shared>>) offsets(%dma_start3A_1602 : memref<120xi32, #tpu.memory_space<vmem>>) semaphore(%arg20 : memref<!tpu.dma_semaphore, #tpu.memory_space<semaphore_mem>>) {add = true}
      %add3A_1606 = arith.constant 5 : i32
      %add3A_1607 = arith.addi %mul3A_1130, %add3A_1606 : i32
      %dma_wait3A_1608 = arith.constant 2 : i32
      %dma_wait3A_1609 = arith.constant 0 : i32
      %dma_wait3A_1610 = arith.constant 0 : i32
      %dma_wait3A_1611 = tpu.memref_slice %arg8[%dma_wait3A_1608, %dma_wait3A_1609, %dma_wait3A_1610] : memref<3x120x128xf32, #tpu.memory_space<vmem>> -> memref<1x120x128xf32, #tpu.memory_space<vmem>>
      %dma_wait3A_1612 = tpu.memref_squeeze %dma_wait3A_1611 : memref<1x120x128xf32, #tpu.memory_space<vmem>> -> memref<120x128xf32, #tpu.memory_space<vmem>>
      %dma_wait3A_1613 = arith.constant 0 : i32
      %dma_wait3A_1614 = arith.constant 0 : i32
      %dma_wait3A_1615 = tpu.memref_slice %arg6[%dma_wait3A_1613, %dma_wait3A_1614] : memref<10112x128xf32, #tpu.memory_space<vmem_shared>> -> memref<120x128xf32, #tpu.memory_space<vmem_shared>>
      %dma_wait3A_1616 = arith.constant 0 : i32
      %dma_wait3A_1617 = arith.constant 0 : i32
      %dma_wait3A_1618 = tpu.memref_slice %arg6[%dma_wait3A_1616, %dma_wait3A_1617] : memref<10112x128xf32, #tpu.memory_space<vmem_shared>> -> memref<120x128xf32, #tpu.memory_space<vmem_shared>>
      %dma_wait3A_1619 = arith.constant 0 : i32
      %dma_wait3A_1620 = arith.constant 0 : i32
      %dma_wait3A_1621 = tpu.memref_slice %arg8[%dma_wait3A_1608, %dma_wait3A_1619, %dma_wait3A_1620] : memref<3x120x128xf32, #tpu.memory_space<vmem>> -> memref<1x120x128xf32, #tpu.memory_space<vmem>>
      %dma_wait3A_1622 = tpu.memref_squeeze %dma_wait3A_1621 : memref<1x120x128xf32, #tpu.memory_space<vmem>> -> memref<120x128xf32, #tpu.memory_space<vmem>>
      tpu.wait_dma2 semaphore(%arg20 : memref<!tpu.dma_semaphore, #tpu.memory_space<semaphore_mem>>) src(%dma_wait3A_1622 : memref<120x128xf32, #tpu.memory_space<vmem>>) dst(%dma_wait3A_1618 : memref<120x128xf32, #tpu.memory_space<vmem_shared>>)
      %add3A_1623 = arith.constant 3 : i32
      %add3A_1624 = arith.addi %add3A_1607, %add3A_1623 : i32
      %dma_start3A_1625 = arith.constant 2 : i32
      %dma_start3A_1626 = arith.constant 0 : i32
      %dma_start3A_1627 = arith.constant 0 : i32
      %dma_start3A_1628 = tpu.memref_slice %arg7[%dma_start3A_1625, %dma_start3A_1626, %dma_start3A_1627] : memref<6x2x120xi32, #tpu.memory_space<vmem>> -> memref<1x2x120xi32, #tpu.memory_space<vmem>>
      %dma_start3A_1629 = tpu.memref_squeeze %dma_start3A_1628 : memref<1x2x120xi32, #tpu.memory_space<vmem>> -> memref<2x120xi32, #tpu.memory_space<vmem>>
      %dma_start3A_1630 = arith.constant 0 : i32
      %dma_start3A_1631 = arith.constant 0 : i32
      %dma_start3A_1632 = tpu.memref_slice %arg3[%add3A, %add3A_1624, %dma_start3A_1630, %dma_start3A_1631] : memref<32x84x2x120xi32, #tpu.memory_space<hbm>> -> memref<1x1x2x120xi32, #tpu.memory_space<hbm>>
      %dma_start3A_1633 = tpu.memref_squeeze %dma_start3A_1632 : memref<1x1x2x120xi32, #tpu.memory_space<hbm>> -> memref<2x120xi32, #tpu.memory_space<hbm>>
      %dma_start3A_1634 = arith.constant 0 : i32
      %dma_start3A_1635 = arith.constant 0 : i32
      %dma_start3A_1636 = tpu.memref_slice %arg7[%dma_start3A_1625, %dma_start3A_1634, %dma_start3A_1635] : memref<6x2x120xi32, #tpu.memory_space<vmem>> -> memref<1x2x120xi32, #tpu.memory_space<vmem>>
      %dma_start3A_1637 = tpu.memref_squeeze %dma_start3A_1636 : memref<1x2x120xi32, #tpu.memory_space<vmem>> -> memref<2x120xi32, #tpu.memory_space<vmem>>
      %dma_start3A_1638 = arith.constant 0 : i32
      %dma_start3A_1639 = arith.constant 0 : i32
      %dma_start3A_1640 = tpu.memref_slice %arg3[%add3A, %add3A_1624, %dma_start3A_1638, %dma_start3A_1639] : memref<32x84x2x120xi32, #tpu.memory_space<hbm>> -> memref<1x1x2x120xi32, #tpu.memory_space<hbm>>
      %dma_start3A_1641 = tpu.memref_squeeze %dma_start3A_1640 : memref<1x1x2x120xi32, #tpu.memory_space<hbm>> -> memref<2x120xi32, #tpu.memory_space<hbm>>
      tpu.enqueue_dma source(%dma_start3A_1641 : memref<2x120xi32, #tpu.memory_space<hbm>>) target(%dma_start3A_1637 : memref<2x120xi32, #tpu.memory_space<vmem>>) target_semaphore(%arg11 : memref<!tpu.dma_semaphore, #tpu.memory_space<semaphore_mem>>)
      %dma_wait3A_1642 = arith.constant 0 : i32
      %dma_wait3A_1643 = arith.constant 5 : i32
      %dma_wait3A_1644 = arith.constant 0 : i32
      %dma_wait3A_1645 = arith.constant 0 : i32
      %dma_wait3A_1646 = tpu.memref_slice %arg7[%dma_wait3A_1643, %dma_wait3A_1644, %dma_wait3A_1645] : memref<6x2x120xi32, #tpu.memory_space<vmem>> -> memref<1x2x120xi32, #tpu.memory_space<vmem>>
      %dma_wait3A_1647 = tpu.memref_squeeze %dma_wait3A_1646 : memref<1x2x120xi32, #tpu.memory_space<vmem>> -> memref<2x120xi32, #tpu.memory_space<vmem>>
      %dma_wait3A_1648 = arith.constant 0 : i32
      %dma_wait3A_1649 = arith.constant 0 : i32
      %dma_wait3A_1650 = tpu.memref_slice %arg3[%add3A, %dma_wait3A_1642, %dma_wait3A_1648, %dma_wait3A_1649] : memref<32x84x2x120xi32, #tpu.memory_space<hbm>> -> memref<1x1x2x120xi32, #tpu.memory_space<hbm>>
      %dma_wait3A_1651 = tpu.memref_squeeze %dma_wait3A_1650 : memref<1x1x2x120xi32, #tpu.memory_space<hbm>> -> memref<2x120xi32, #tpu.memory_space<hbm>>
      %dma_wait3A_1652 = arith.constant 0 : i32
      %dma_wait3A_1653 = arith.constant 0 : i32
      %dma_wait3A_1654 = tpu.memref_slice %arg7[%dma_wait3A_1643, %dma_wait3A_1652, %dma_wait3A_1653] : memref<6x2x120xi32, #tpu.memory_space<vmem>> -> memref<1x2x120xi32, #tpu.memory_space<vmem>>
      %dma_wait3A_1655 = tpu.memref_squeeze %dma_wait3A_1654 : memref<1x2x120xi32, #tpu.memory_space<vmem>> -> memref<2x120xi32, #tpu.memory_space<vmem>>
      %dma_wait3A_1656 = arith.constant 0 : i32
      %dma_wait3A_1657 = arith.constant 0 : i32
      %dma_wait3A_1658 = tpu.memref_slice %arg3[%add3A, %dma_wait3A_1642, %dma_wait3A_1656, %dma_wait3A_1657] : memref<32x84x2x120xi32, #tpu.memory_space<hbm>> -> memref<1x1x2x120xi32, #tpu.memory_space<hbm>>
      %dma_wait3A_1659 = tpu.memref_squeeze %dma_wait3A_1658 : memref<1x1x2x120xi32, #tpu.memory_space<hbm>> -> memref<2x120xi32, #tpu.memory_space<hbm>>
      tpu.wait_dma2 semaphore(%arg14 : memref<!tpu.dma_semaphore, #tpu.memory_space<semaphore_mem>>) src(%dma_wait3A_1659 : memref<2x120xi32, #tpu.memory_space<hbm>>) dst(%dma_wait3A_1655 : memref<2x120xi32, #tpu.memory_space<vmem>>)
      %dma_start3A_1660 = arith.constant 5 : i32
      %dma_start3A_1661 = arith.constant 0 : i32
      %dma_start3A_1662 = arith.constant 2 : i32
      %dma_start3A_1663 = arith.constant 0 : i32
      %dma_start3A_1664 = arith.constant 0 : i32
      %dma_start3A_1665 = tpu.memref_slice %arg8[%dma_start3A_1662, %dma_start3A_1663, %dma_start3A_1664] : memref<3x120x128xf32, #tpu.memory_space<vmem>> -> memref<1x120x128xf32, #tpu.memory_space<vmem>>
      %dma_start3A_1666 = tpu.memref_squeeze %dma_start3A_1665 : memref<1x120x128xf32, #tpu.memory_space<vmem>> -> memref<120x128xf32, #tpu.memory_space<vmem>>
      %dma_start3A_1667 = arith.constant 0 : i32
      %dma_start3A_1668 = tpu.memref_slice %arg7[%dma_start3A_1660, %dma_start3A_1661, %dma_start3A_1667] : memref<6x2x120xi32, #tpu.memory_space<vmem>> -> memref<1x1x120xi32, #tpu.memory_space<vmem>>
      %dma_start3A_1669 = tpu.memref_squeeze %dma_start3A_1668 : memref<1x1x120xi32, #tpu.memory_space<vmem>> -> memref<120xi32, #tpu.memory_space<vmem>>
      %dma_start3A_1670 = arith.constant 0 : i32
      %dma_start3A_1671 = arith.constant 0 : i32
      %dma_start3A_1672 = tpu.memref_slice %arg2[%dma_start3A_1670, %dma_start3A_1671] : memref<10112x128xf32, #tpu.memory_space<hbm>> -> memref<10112x128xf32, #tpu.memory_space<hbm>>
      tpu.enqueue_indirect_dma source(%dma_start3A_1672 : memref<10112x128xf32, #tpu.memory_space<hbm>>) target(%dma_start3A_1666 : memref<120x128xf32, #tpu.memory_space<vmem>>) offsets(%dma_start3A_1669 : memref<120xi32, #tpu.memory_space<vmem>>) semaphore(%arg17 : memref<!tpu.dma_semaphore, #tpu.memory_space<semaphore_mem>>)
      %dma_wait3A_1673 = arith.constant 0 : i32
      %dma_wait3A_1674 = arith.constant 0 : i32
      %dma_wait3A_1675 = arith.constant 0 : i32
      %dma_wait3A_1676 = tpu.memref_slice %arg8[%dma_wait3A_1673, %dma_wait3A_1674, %dma_wait3A_1675] : memref<3x120x128xf32, #tpu.memory_space<vmem>> -> memref<1x120x128xf32, #tpu.memory_space<vmem>>
      %dma_wait3A_1677 = tpu.memref_squeeze %dma_wait3A_1676 : memref<1x120x128xf32, #tpu.memory_space<vmem>> -> memref<120x128xf32, #tpu.memory_space<vmem>>
      %dma_wait3A_1678 = arith.constant 0 : i32
      %dma_wait3A_1679 = arith.constant 0 : i32
      %dma_wait3A_1680 = tpu.memref_slice %arg2[%dma_wait3A_1678, %dma_wait3A_1679] : memref<10112x128xf32, #tpu.memory_space<hbm>> -> memref<120x128xf32, #tpu.memory_space<hbm>>
      %dma_wait3A_1681 = arith.constant 0 : i32
      %dma_wait3A_1682 = arith.constant 0 : i32
      %dma_wait3A_1683 = tpu.memref_slice %arg8[%dma_wait3A_1673, %dma_wait3A_1681, %dma_wait3A_1682] : memref<3x120x128xf32, #tpu.memory_space<vmem>> -> memref<1x120x128xf32, #tpu.memory_space<vmem>>
      %dma_wait3A_1684 = tpu.memref_squeeze %dma_wait3A_1683 : memref<1x120x128xf32, #tpu.memory_space<vmem>> -> memref<120x128xf32, #tpu.memory_space<vmem>>
      %dma_wait3A_1685 = arith.constant 0 : i32
      %dma_wait3A_1686 = arith.constant 0 : i32
      %dma_wait3A_1687 = tpu.memref_slice %arg2[%dma_wait3A_1685, %dma_wait3A_1686] : memref<10112x128xf32, #tpu.memory_space<hbm>> -> memref<120x128xf32, #tpu.memory_space<hbm>>
      tpu.wait_dma2 semaphore(%arg15 : memref<!tpu.dma_semaphore, #tpu.memory_space<semaphore_mem>>) src(%dma_wait3A_1687 : memref<120x128xf32, #tpu.memory_space<hbm>>) dst(%dma_wait3A_1684 : memref<120x128xf32, #tpu.memory_space<vmem>>)
      %dma_start3A_1688 = arith.constant 0 : i32
      %dma_start3A_1689 = arith.constant 3 : i32
      %dma_start3A_1690 = arith.constant 1 : i32
      %dma_start3A_1691 = arith.constant 0 : i32
      %dma_start3A_1692 = arith.constant 0 : i32
      %dma_start3A_1693 = tpu.memref_slice %arg8[%dma_start3A_1688, %dma_start3A_1691, %dma_start3A_1692] : memref<3x120x128xf32, #tpu.memory_space<vmem>> -> memref<1x120x128xf32, #tpu.memory_space<vmem>>
      %dma_start3A_1694 = tpu.memref_squeeze %dma_start3A_1693 : memref<1x120x128xf32, #tpu.memory_space<vmem>> -> memref<120x128xf32, #tpu.memory_space<vmem>>
      %dma_start3A_1695 = arith.constant 0 : i32
      %dma_start3A_1696 = tpu.memref_slice %arg7[%dma_start3A_1689, %dma_start3A_1690, %dma_start3A_1695] : memref<6x2x120xi32, #tpu.memory_space<vmem>> -> memref<1x1x120xi32, #tpu.memory_space<vmem>>
      %dma_start3A_1697 = tpu.memref_squeeze %dma_start3A_1696 : memref<1x1x120xi32, #tpu.memory_space<vmem>> -> memref<120xi32, #tpu.memory_space<vmem>>
      %dma_start3A_1698 = arith.constant 0 : i32
      %dma_start3A_1699 = arith.constant 0 : i32
      %dma_start3A_1700 = tpu.memref_slice %arg6[%dma_start3A_1698, %dma_start3A_1699] : memref<10112x128xf32, #tpu.memory_space<vmem_shared>> -> memref<10112x128xf32, #tpu.memory_space<vmem_shared>>
      tpu.enqueue_indirect_dma source(%dma_start3A_1694 : memref<120x128xf32, #tpu.memory_space<vmem>>) target(%dma_start3A_1700 : memref<10112x128xf32, #tpu.memory_space<vmem_shared>>) offsets(%dma_start3A_1697 : memref<120xi32, #tpu.memory_space<vmem>>) semaphore(%arg18 : memref<!tpu.dma_semaphore, #tpu.memory_space<semaphore_mem>>) {add = true}
    }
    %scan3A_523 = arith.constant 12 : i32
    %dma_wait3A_524 = arith.constant 0 : i32
    %dma_wait3A_525 = arith.constant 0 : i32
    %dma_wait3A_526 = arith.constant 0 : i32
    %dma_wait3A_527 = tpu.memref_slice %arg8[%dma_wait3A_524, %dma_wait3A_525, %dma_wait3A_526] : memref<3x120x128xf32, #tpu.memory_space<vmem>> -> memref<1x120x128xf32, #tpu.memory_space<vmem>>
    %dma_wait3A_528 = tpu.memref_squeeze %dma_wait3A_527 : memref<1x120x128xf32, #tpu.memory_space<vmem>> -> memref<120x128xf32, #tpu.memory_space<vmem>>
    %dma_wait3A_529 = arith.constant 0 : i32
    %dma_wait3A_530 = arith.constant 0 : i32
    %dma_wait3A_531 = tpu.memref_slice %arg6[%dma_wait3A_529, %dma_wait3A_530] : memref<10112x128xf32, #tpu.memory_space<vmem_shared>> -> memref<120x128xf32, #tpu.memory_space<vmem_shared>>
    %dma_wait3A_532 = arith.constant 0 : i32
    %dma_wait3A_533 = arith.constant 0 : i32
    %dma_wait3A_534 = tpu.memref_slice %arg6[%dma_wait3A_532, %dma_wait3A_533] : memref<10112x128xf32, #tpu.memory_space<vmem_shared>> -> memref<120x128xf32, #tpu.memory_space<vmem_shared>>
    %dma_wait3A_535 = arith.constant 0 : i32
    %dma_wait3A_536 = arith.constant 0 : i32
    %dma_wait3A_537 = tpu.memref_slice %arg8[%dma_wait3A_524, %dma_wait3A_535, %dma_wait3A_536] : memref<3x120x128xf32, #tpu.memory_space<vmem>> -> memref<1x120x128xf32, #tpu.memory_space<vmem>>
    %dma_wait3A_538 = tpu.memref_squeeze %dma_wait3A_537 : memref<1x120x128xf32, #tpu.memory_space<vmem>> -> memref<120x128xf32, #tpu.memory_space<vmem>>
    tpu.wait_dma2 semaphore(%arg18 : memref<!tpu.dma_semaphore, #tpu.memory_space<semaphore_mem>>) src(%dma_wait3A_538 : memref<120x128xf32, #tpu.memory_space<vmem>>) dst(%dma_wait3A_534 : memref<120x128xf32, #tpu.memory_space<vmem_shared>>)
    %dma_start3A_539 = arith.constant 81 : i32
    %dma_start3A_540 = arith.constant 3 : i32
    %dma_start3A_541 = arith.constant 0 : i32
    %dma_start3A_542 = arith.constant 0 : i32
    %dma_start3A_543 = tpu.memref_slice %arg7[%dma_start3A_540, %dma_start3A_541, %dma_start3A_542] : memref<6x2x120xi32, #tpu.memory_space<vmem>> -> memref<1x2x120xi32, #tpu.memory_space<vmem>>
    %dma_start3A_544 = tpu.memref_squeeze %dma_start3A_543 : memref<1x2x120xi32, #tpu.memory_space<vmem>> -> memref<2x120xi32, #tpu.memory_space<vmem>>
    %dma_start3A_545 = arith.constant 0 : i32
    %dma_start3A_546 = arith.constant 0 : i32
    %dma_start3A_547 = tpu.memref_slice %arg3[%add3A, %dma_start3A_539, %dma_start3A_545, %dma_start3A_546] : memref<32x84x2x120xi32, #tpu.memory_space<hbm>> -> memref<1x1x2x120xi32, #tpu.memory_space<hbm>>
    %dma_start3A_548 = tpu.memref_squeeze %dma_start3A_547 : memref<1x1x2x120xi32, #tpu.memory_space<hbm>> -> memref<2x120xi32, #tpu.memory_space<hbm>>
    %dma_start3A_549 = arith.constant 0 : i32
    %dma_start3A_550 = arith.constant 0 : i32
    %dma_start3A_551 = tpu.memref_slice %arg7[%dma_start3A_540, %dma_start3A_549, %dma_start3A_550] : memref<6x2x120xi32, #tpu.memory_space<vmem>> -> memref<1x2x120xi32, #tpu.memory_space<vmem>>
    %dma_start3A_552 = tpu.memref_squeeze %dma_start3A_551 : memref<1x2x120xi32, #tpu.memory_space<vmem>> -> memref<2x120xi32, #tpu.memory_space<vmem>>
    %dma_start3A_553 = arith.constant 0 : i32
    %dma_start3A_554 = arith.constant 0 : i32
    %dma_start3A_555 = tpu.memref_slice %arg3[%add3A, %dma_start3A_539, %dma_start3A_553, %dma_start3A_554] : memref<32x84x2x120xi32, #tpu.memory_space<hbm>> -> memref<1x1x2x120xi32, #tpu.memory_space<hbm>>
    %dma_start3A_556 = tpu.memref_squeeze %dma_start3A_555 : memref<1x1x2x120xi32, #tpu.memory_space<hbm>> -> memref<2x120xi32, #tpu.memory_space<hbm>>
    tpu.enqueue_dma source(%dma_start3A_556 : memref<2x120xi32, #tpu.memory_space<hbm>>) target(%dma_start3A_552 : memref<2x120xi32, #tpu.memory_space<vmem>>) target_semaphore(%arg12 : memref<!tpu.dma_semaphore, #tpu.memory_space<semaphore_mem>>)
    %dma_wait3A_557 = arith.constant 0 : i32
    %dma_wait3A_558 = arith.constant 0 : i32
    %dma_wait3A_559 = arith.constant 0 : i32
    %dma_wait3A_560 = arith.constant 0 : i32
    %dma_wait3A_561 = tpu.memref_slice %arg7[%dma_wait3A_558, %dma_wait3A_559, %dma_wait3A_560] : memref<6x2x120xi32, #tpu.memory_space<vmem>> -> memref<1x2x120xi32, #tpu.memory_space<vmem>>
    %dma_wait3A_562 = tpu.memref_squeeze %dma_wait3A_561 : memref<1x2x120xi32, #tpu.memory_space<vmem>> -> memref<2x120xi32, #tpu.memory_space<vmem>>
    %dma_wait3A_563 = arith.constant 0 : i32
    %dma_wait3A_564 = arith.constant 0 : i32
    %dma_wait3A_565 = tpu.memref_slice %arg3[%add3A, %dma_wait3A_557, %dma_wait3A_563, %dma_wait3A_564] : memref<32x84x2x120xi32, #tpu.memory_space<hbm>> -> memref<1x1x2x120xi32, #tpu.memory_space<hbm>>
    %dma_wait3A_566 = tpu.memref_squeeze %dma_wait3A_565 : memref<1x1x2x120xi32, #tpu.memory_space<hbm>> -> memref<2x120xi32, #tpu.memory_space<hbm>>
    %dma_wait3A_567 = arith.constant 0 : i32
    %dma_wait3A_568 = arith.constant 0 : i32
    %dma_wait3A_569 = tpu.memref_slice %arg7[%dma_wait3A_558, %dma_wait3A_567, %dma_wait3A_568] : memref<6x2x120xi32, #tpu.memory_space<vmem>> -> memref<1x2x120xi32, #tpu.memory_space<vmem>>
    %dma_wait3A_570 = tpu.memref_squeeze %dma_wait3A_569 : memref<1x2x120xi32, #tpu.memory_space<vmem>> -> memref<2x120xi32, #tpu.memory_space<vmem>>
    %dma_wait3A_571 = arith.constant 0 : i32
    %dma_wait3A_572 = arith.constant 0 : i32
    %dma_wait3A_573 = tpu.memref_slice %arg3[%add3A, %dma_wait3A_557, %dma_wait3A_571, %dma_wait3A_572] : memref<32x84x2x120xi32, #tpu.memory_space<hbm>> -> memref<1x1x2x120xi32, #tpu.memory_space<hbm>>
    %dma_wait3A_574 = tpu.memref_squeeze %dma_wait3A_573 : memref<1x1x2x120xi32, #tpu.memory_space<hbm>> -> memref<2x120xi32, #tpu.memory_space<hbm>>
    tpu.wait_dma2 semaphore(%arg9 : memref<!tpu.dma_semaphore, #tpu.memory_space<semaphore_mem>>) src(%dma_wait3A_574 : memref<2x120xi32, #tpu.memory_space<hbm>>) dst(%dma_wait3A_570 : memref<2x120xi32, #tpu.memory_space<vmem>>)
    %dma_start3A_575 = arith.constant 0 : i32
    %dma_start3A_576 = arith.constant 0 : i32
    %dma_start3A_577 = arith.constant 0 : i32
    %dma_start3A_578 = arith.constant 0 : i32
    %dma_start3A_579 = arith.constant 0 : i32
    %dma_start3A_580 = tpu.memref_slice %arg8[%dma_start3A_577, %dma_start3A_578, %dma_start3A_579] : memref<3x120x128xf32, #tpu.memory_space<vmem>> -> memref<1x120x128xf32, #tpu.memory_space<vmem>>
    %dma_start3A_581 = tpu.memref_squeeze %dma_start3A_580 : memref<1x120x128xf32, #tpu.memory_space<vmem>> -> memref<120x128xf32, #tpu.memory_space<vmem>>
    %dma_start3A_582 = arith.constant 0 : i32
    %dma_start3A_583 = tpu.memref_slice %arg7[%dma_start3A_575, %dma_start3A_576, %dma_start3A_582] : memref<6x2x120xi32, #tpu.memory_space<vmem>> -> memref<1x1x120xi32, #tpu.memory_space<vmem>>
    %dma_start3A_584 = tpu.memref_squeeze %dma_start3A_583 : memref<1x1x120xi32, #tpu.memory_space<vmem>> -> memref<120xi32, #tpu.memory_space<vmem>>
    %dma_start3A_585 = arith.constant 0 : i32
    %dma_start3A_586 = arith.constant 0 : i32
    %dma_start3A_587 = tpu.memref_slice %arg2[%dma_start3A_585, %dma_start3A_586] : memref<10112x128xf32, #tpu.memory_space<hbm>> -> memref<10112x128xf32, #tpu.memory_space<hbm>>
    tpu.enqueue_indirect_dma source(%dma_start3A_587 : memref<10112x128xf32, #tpu.memory_space<hbm>>) target(%dma_start3A_581 : memref<120x128xf32, #tpu.memory_space<vmem>>) offsets(%dma_start3A_584 : memref<120xi32, #tpu.memory_space<vmem>>) semaphore(%arg15 : memref<!tpu.dma_semaphore, #tpu.memory_space<semaphore_mem>>)
    %dma_wait3A_588 = arith.constant 1 : i32
    %dma_wait3A_589 = arith.constant 0 : i32
    %dma_wait3A_590 = arith.constant 0 : i32
    %dma_wait3A_591 = tpu.memref_slice %arg8[%dma_wait3A_588, %dma_wait3A_589, %dma_wait3A_590] : memref<3x120x128xf32, #tpu.memory_space<vmem>> -> memref<1x120x128xf32, #tpu.memory_space<vmem>>
    %dma_wait3A_592 = tpu.memref_squeeze %dma_wait3A_591 : memref<1x120x128xf32, #tpu.memory_space<vmem>> -> memref<120x128xf32, #tpu.memory_space<vmem>>
    %dma_wait3A_593 = arith.constant 0 : i32
    %dma_wait3A_594 = arith.constant 0 : i32
    %dma_wait3A_595 = tpu.memref_slice %arg2[%dma_wait3A_593, %dma_wait3A_594] : memref<10112x128xf32, #tpu.memory_space<hbm>> -> memref<120x128xf32, #tpu.memory_space<hbm>>
    %dma_wait3A_596 = arith.constant 0 : i32
    %dma_wait3A_597 = arith.constant 0 : i32
    %dma_wait3A_598 = tpu.memref_slice %arg8[%dma_wait3A_588, %dma_wait3A_596, %dma_wait3A_597] : memref<3x120x128xf32, #tpu.memory_space<vmem>> -> memref<1x120x128xf32, #tpu.memory_space<vmem>>
    %dma_wait3A_599 = tpu.memref_squeeze %dma_wait3A_598 : memref<1x120x128xf32, #tpu.memory_space<vmem>> -> memref<120x128xf32, #tpu.memory_space<vmem>>
    %dma_wait3A_600 = arith.constant 0 : i32
    %dma_wait3A_601 = arith.constant 0 : i32
    %dma_wait3A_602 = tpu.memref_slice %arg2[%dma_wait3A_600, %dma_wait3A_601] : memref<10112x128xf32, #tpu.memory_space<hbm>> -> memref<120x128xf32, #tpu.memory_space<hbm>>
    tpu.wait_dma2 semaphore(%arg16 : memref<!tpu.dma_semaphore, #tpu.memory_space<semaphore_mem>>) src(%dma_wait3A_602 : memref<120x128xf32, #tpu.memory_space<hbm>>) dst(%dma_wait3A_599 : memref<120x128xf32, #tpu.memory_space<vmem>>)
    %dma_start3A_603 = arith.constant 1 : i32
    %dma_start3A_604 = arith.constant 4 : i32
    %dma_start3A_605 = arith.constant 1 : i32
    %dma_start3A_606 = arith.constant 0 : i32
    %dma_start3A_607 = arith.constant 0 : i32
    %dma_start3A_608 = tpu.memref_slice %arg8[%dma_start3A_603, %dma_start3A_606, %dma_start3A_607] : memref<3x120x128xf32, #tpu.memory_space<vmem>> -> memref<1x120x128xf32, #tpu.memory_space<vmem>>
    %dma_start3A_609 = tpu.memref_squeeze %dma_start3A_608 : memref<1x120x128xf32, #tpu.memory_space<vmem>> -> memref<120x128xf32, #tpu.memory_space<vmem>>
    %dma_start3A_610 = arith.constant 0 : i32
    %dma_start3A_611 = tpu.memref_slice %arg7[%dma_start3A_604, %dma_start3A_605, %dma_start3A_610] : memref<6x2x120xi32, #tpu.memory_space<vmem>> -> memref<1x1x120xi32, #tpu.memory_space<vmem>>
    %dma_start3A_612 = tpu.memref_squeeze %dma_start3A_611 : memref<1x1x120xi32, #tpu.memory_space<vmem>> -> memref<120xi32, #tpu.memory_space<vmem>>
    %dma_start3A_613 = arith.constant 0 : i32
    %dma_start3A_614 = arith.constant 0 : i32
    %dma_start3A_615 = tpu.memref_slice %arg6[%dma_start3A_613, %dma_start3A_614] : memref<10112x128xf32, #tpu.memory_space<vmem_shared>> -> memref<10112x128xf32, #tpu.memory_space<vmem_shared>>
    tpu.enqueue_indirect_dma source(%dma_start3A_609 : memref<120x128xf32, #tpu.memory_space<vmem>>) target(%dma_start3A_615 : memref<10112x128xf32, #tpu.memory_space<vmem_shared>>) offsets(%dma_start3A_612 : memref<120xi32, #tpu.memory_space<vmem>>) semaphore(%arg19 : memref<!tpu.dma_semaphore, #tpu.memory_space<semaphore_mem>>) {add = true}
    %dma_wait3A_616 = arith.constant 1 : i32
    %dma_wait3A_617 = arith.constant 0 : i32
    %dma_wait3A_618 = arith.constant 0 : i32
    %dma_wait3A_619 = tpu.memref_slice %arg8[%dma_wait3A_616, %dma_wait3A_617, %dma_wait3A_618] : memref<3x120x128xf32, #tpu.memory_space<vmem>> -> memref<1x120x128xf32, #tpu.memory_space<vmem>>
    %dma_wait3A_620 = tpu.memref_squeeze %dma_wait3A_619 : memref<1x120x128xf32, #tpu.memory_space<vmem>> -> memref<120x128xf32, #tpu.memory_space<vmem>>
    %dma_wait3A_621 = arith.constant 0 : i32
    %dma_wait3A_622 = arith.constant 0 : i32
    %dma_wait3A_623 = tpu.memref_slice %arg6[%dma_wait3A_621, %dma_wait3A_622] : memref<10112x128xf32, #tpu.memory_space<vmem_shared>> -> memref<120x128xf32, #tpu.memory_space<vmem_shared>>
    %dma_wait3A_624 = arith.constant 0 : i32
    %dma_wait3A_625 = arith.constant 0 : i32
    %dma_wait3A_626 = tpu.memref_slice %arg6[%dma_wait3A_624, %dma_wait3A_625] : memref<10112x128xf32, #tpu.memory_space<vmem_shared>> -> memref<120x128xf32, #tpu.memory_space<vmem_shared>>
    %dma_wait3A_627 = arith.constant 0 : i32
    %dma_wait3A_628 = arith.constant 0 : i32
    %dma_wait3A_629 = tpu.memref_slice %arg8[%dma_wait3A_616, %dma_wait3A_627, %dma_wait3A_628] : memref<3x120x128xf32, #tpu.memory_space<vmem>> -> memref<1x120x128xf32, #tpu.memory_space<vmem>>
    %dma_wait3A_630 = tpu.memref_squeeze %dma_wait3A_629 : memref<1x120x128xf32, #tpu.memory_space<vmem>> -> memref<120x128xf32, #tpu.memory_space<vmem>>
    tpu.wait_dma2 semaphore(%arg19 : memref<!tpu.dma_semaphore, #tpu.memory_space<semaphore_mem>>) src(%dma_wait3A_630 : memref<120x128xf32, #tpu.memory_space<vmem>>) dst(%dma_wait3A_626 : memref<120x128xf32, #tpu.memory_space<vmem_shared>>)
    %dma_start3A_631 = arith.constant 82 : i32
    %dma_start3A_632 = arith.constant 4 : i32
    %dma_start3A_633 = arith.constant 0 : i32
    %dma_start3A_634 = arith.constant 0 : i32
    %dma_start3A_635 = tpu.memref_slice %arg7[%dma_start3A_632, %dma_start3A_633, %dma_start3A_634] : memref<6x2x120xi32, #tpu.memory_space<vmem>> -> memref<1x2x120xi32, #tpu.memory_space<vmem>>
    %dma_start3A_636 = tpu.memref_squeeze %dma_start3A_635 : memref<1x2x120xi32, #tpu.memory_space<vmem>> -> memref<2x120xi32, #tpu.memory_space<vmem>>
    %dma_start3A_637 = arith.constant 0 : i32
    %dma_start3A_638 = arith.constant 0 : i32
    %dma_start3A_639 = tpu.memref_slice %arg3[%add3A, %dma_start3A_631, %dma_start3A_637, %dma_start3A_638] : memref<32x84x2x120xi32, #tpu.memory_space<hbm>> -> memref<1x1x2x120xi32, #tpu.memory_space<hbm>>
    %dma_start3A_640 = tpu.memref_squeeze %dma_start3A_639 : memref<1x1x2x120xi32, #tpu.memory_space<hbm>> -> memref<2x120xi32, #tpu.memory_space<hbm>>
    %dma_start3A_641 = arith.constant 0 : i32
    %dma_start3A_642 = arith.constant 0 : i32
    %dma_start3A_643 = tpu.memref_slice %arg7[%dma_start3A_632, %dma_start3A_641, %dma_start3A_642] : memref<6x2x120xi32, #tpu.memory_space<vmem>> -> memref<1x2x120xi32, #tpu.memory_space<vmem>>
    %dma_start3A_644 = tpu.memref_squeeze %dma_start3A_643 : memref<1x2x120xi32, #tpu.memory_space<vmem>> -> memref<2x120xi32, #tpu.memory_space<vmem>>
    %dma_start3A_645 = arith.constant 0 : i32
    %dma_start3A_646 = arith.constant 0 : i32
    %dma_start3A_647 = tpu.memref_slice %arg3[%add3A, %dma_start3A_631, %dma_start3A_645, %dma_start3A_646] : memref<32x84x2x120xi32, #tpu.memory_space<hbm>> -> memref<1x1x2x120xi32, #tpu.memory_space<hbm>>
    %dma_start3A_648 = tpu.memref_squeeze %dma_start3A_647 : memref<1x1x2x120xi32, #tpu.memory_space<hbm>> -> memref<2x120xi32, #tpu.memory_space<hbm>>
    tpu.enqueue_dma source(%dma_start3A_648 : memref<2x120xi32, #tpu.memory_space<hbm>>) target(%dma_start3A_644 : memref<2x120xi32, #tpu.memory_space<vmem>>) target_semaphore(%arg13 : memref<!tpu.dma_semaphore, #tpu.memory_space<semaphore_mem>>)
    %dma_wait3A_649 = arith.constant 0 : i32
    %dma_wait3A_650 = arith.constant 1 : i32
    %dma_wait3A_651 = arith.constant 0 : i32
    %dma_wait3A_652 = arith.constant 0 : i32
    %dma_wait3A_653 = tpu.memref_slice %arg7[%dma_wait3A_650, %dma_wait3A_651, %dma_wait3A_652] : memref<6x2x120xi32, #tpu.memory_space<vmem>> -> memref<1x2x120xi32, #tpu.memory_space<vmem>>
    %dma_wait3A_654 = tpu.memref_squeeze %dma_wait3A_653 : memref<1x2x120xi32, #tpu.memory_space<vmem>> -> memref<2x120xi32, #tpu.memory_space<vmem>>
    %dma_wait3A_655 = arith.constant 0 : i32
    %dma_wait3A_656 = arith.constant 0 : i32
    %dma_wait3A_657 = tpu.memref_slice %arg3[%add3A, %dma_wait3A_649, %dma_wait3A_655, %dma_wait3A_656] : memref<32x84x2x120xi32, #tpu.memory_space<hbm>> -> memref<1x1x2x120xi32, #tpu.memory_space<hbm>>
    %dma_wait3A_658 = tpu.memref_squeeze %dma_wait3A_657 : memref<1x1x2x120xi32, #tpu.memory_space<hbm>> -> memref<2x120xi32, #tpu.memory_space<hbm>>
    %dma_wait3A_659 = arith.constant 0 : i32
    %dma_wait3A_660 = arith.constant 0 : i32
    %dma_wait3A_661 = tpu.memref_slice %arg7[%dma_wait3A_650, %dma_wait3A_659, %dma_wait3A_660] : memref<6x2x120xi32, #tpu.memory_space<vmem>> -> memref<1x2x120xi32, #tpu.memory_space<vmem>>
    %dma_wait3A_662 = tpu.memref_squeeze %dma_wait3A_661 : memref<1x2x120xi32, #tpu.memory_space<vmem>> -> memref<2x120xi32, #tpu.memory_space<vmem>>
    %dma_wait3A_663 = arith.constant 0 : i32
    %dma_wait3A_664 = arith.constant 0 : i32
    %dma_wait3A_665 = tpu.memref_slice %arg3[%add3A, %dma_wait3A_649, %dma_wait3A_663, %dma_wait3A_664] : memref<32x84x2x120xi32, #tpu.memory_space<hbm>> -> memref<1x1x2x120xi32, #tpu.memory_space<hbm>>
    %dma_wait3A_666 = tpu.memref_squeeze %dma_wait3A_665 : memref<1x1x2x120xi32, #tpu.memory_space<hbm>> -> memref<2x120xi32, #tpu.memory_space<hbm>>
    tpu.wait_dma2 semaphore(%arg10 : memref<!tpu.dma_semaphore, #tpu.memory_space<semaphore_mem>>) src(%dma_wait3A_666 : memref<2x120xi32, #tpu.memory_space<hbm>>) dst(%dma_wait3A_662 : memref<2x120xi32, #tpu.memory_space<vmem>>)
    %dma_start3A_667 = arith.constant 1 : i32
    %dma_start3A_668 = arith.constant 0 : i32
    %dma_start3A_669 = arith.constant 1 : i32
    %dma_start3A_670 = arith.constant 0 : i32
    %dma_start3A_671 = arith.constant 0 : i32
    %dma_start3A_672 = tpu.memref_slice %arg8[%dma_start3A_669, %dma_start3A_670, %dma_start3A_671] : memref<3x120x128xf32, #tpu.memory_space<vmem>> -> memref<1x120x128xf32, #tpu.memory_space<vmem>>
    %dma_start3A_673 = tpu.memref_squeeze %dma_start3A_672 : memref<1x120x128xf32, #tpu.memory_space<vmem>> -> memref<120x128xf32, #tpu.memory_space<vmem>>
    %dma_start3A_674 = arith.constant 0 : i32
    %dma_start3A_675 = tpu.memref_slice %arg7[%dma_start3A_667, %dma_start3A_668, %dma_start3A_674] : memref<6x2x120xi32, #tpu.memory_space<vmem>> -> memref<1x1x120xi32, #tpu.memory_space<vmem>>
    %dma_start3A_676 = tpu.memref_squeeze %dma_start3A_675 : memref<1x1x120xi32, #tpu.memory_space<vmem>> -> memref<120xi32, #tpu.memory_space<vmem>>
    %dma_start3A_677 = arith.constant 0 : i32
    %dma_start3A_678 = arith.constant 0 : i32
    %dma_start3A_679 = tpu.memref_slice %arg2[%dma_start3A_677, %dma_start3A_678] : memref<10112x128xf32, #tpu.memory_space<hbm>> -> memref<10112x128xf32, #tpu.memory_space<hbm>>
    tpu.enqueue_indirect_dma source(%dma_start3A_679 : memref<10112x128xf32, #tpu.memory_space<hbm>>) target(%dma_start3A_673 : memref<120x128xf32, #tpu.memory_space<vmem>>) offsets(%dma_start3A_676 : memref<120xi32, #tpu.memory_space<vmem>>) semaphore(%arg16 : memref<!tpu.dma_semaphore, #tpu.memory_space<semaphore_mem>>)
    %dma_wait3A_680 = arith.constant 2 : i32
    %dma_wait3A_681 = arith.constant 0 : i32
    %dma_wait3A_682 = arith.constant 0 : i32
    %dma_wait3A_683 = tpu.memref_slice %arg8[%dma_wait3A_680, %dma_wait3A_681, %dma_wait3A_682] : memref<3x120x128xf32, #tpu.memory_space<vmem>> -> memref<1x120x128xf32, #tpu.memory_space<vmem>>
    %dma_wait3A_684 = tpu.memref_squeeze %dma_wait3A_683 : memref<1x120x128xf32, #tpu.memory_space<vmem>> -> memref<120x128xf32, #tpu.memory_space<vmem>>
    %dma_wait3A_685 = arith.constant 0 : i32
    %dma_wait3A_686 = arith.constant 0 : i32
    %dma_wait3A_687 = tpu.memref_slice %arg2[%dma_wait3A_685, %dma_wait3A_686] : memref<10112x128xf32, #tpu.memory_space<hbm>> -> memref<120x128xf32, #tpu.memory_space<hbm>>
    %dma_wait3A_688 = arith.constant 0 : i32
    %dma_wait3A_689 = arith.constant 0 : i32
    %dma_wait3A_690 = tpu.memref_slice %arg8[%dma_wait3A_680, %dma_wait3A_688, %dma_wait3A_689] : memref<3x120x128xf32, #tpu.memory_space<vmem>> -> memref<1x120x128xf32, #tpu.memory_space<vmem>>
    %dma_wait3A_691 = tpu.memref_squeeze %dma_wait3A_690 : memref<1x120x128xf32, #tpu.memory_space<vmem>> -> memref<120x128xf32, #tpu.memory_space<vmem>>
    %dma_wait3A_692 = arith.constant 0 : i32
    %dma_wait3A_693 = arith.constant 0 : i32
    %dma_wait3A_694 = tpu.memref_slice %arg2[%dma_wait3A_692, %dma_wait3A_693] : memref<10112x128xf32, #tpu.memory_space<hbm>> -> memref<120x128xf32, #tpu.memory_space<hbm>>
    tpu.wait_dma2 semaphore(%arg17 : memref<!tpu.dma_semaphore, #tpu.memory_space<semaphore_mem>>) src(%dma_wait3A_694 : memref<120x128xf32, #tpu.memory_space<hbm>>) dst(%dma_wait3A_691 : memref<120x128xf32, #tpu.memory_space<vmem>>)
    %dma_start3A_695 = arith.constant 2 : i32
    %dma_start3A_696 = arith.constant 5 : i32
    %dma_start3A_697 = arith.constant 1 : i32
    %dma_start3A_698 = arith.constant 0 : i32
    %dma_start3A_699 = arith.constant 0 : i32
    %dma_start3A_700 = tpu.memref_slice %arg8[%dma_start3A_695, %dma_start3A_698, %dma_start3A_699] : memref<3x120x128xf32, #tpu.memory_space<vmem>> -> memref<1x120x128xf32, #tpu.memory_space<vmem>>
    %dma_start3A_701 = tpu.memref_squeeze %dma_start3A_700 : memref<1x120x128xf32, #tpu.memory_space<vmem>> -> memref<120x128xf32, #tpu.memory_space<vmem>>
    %dma_start3A_702 = arith.constant 0 : i32
    %dma_start3A_703 = tpu.memref_slice %arg7[%dma_start3A_696, %dma_start3A_697, %dma_start3A_702] : memref<6x2x120xi32, #tpu.memory_space<vmem>> -> memref<1x1x120xi32, #tpu.memory_space<vmem>>
    %dma_start3A_704 = tpu.memref_squeeze %dma_start3A_703 : memref<1x1x120xi32, #tpu.memory_space<vmem>> -> memref<120xi32, #tpu.memory_space<vmem>>
    %dma_start3A_705 = arith.constant 0 : i32
    %dma_start3A_706 = arith.constant 0 : i32
    %dma_start3A_707 = tpu.memref_slice %arg6[%dma_start3A_705, %dma_start3A_706] : memref<10112x128xf32, #tpu.memory_space<vmem_shared>> -> memref<10112x128xf32, #tpu.memory_space<vmem_shared>>
    tpu.enqueue_indirect_dma source(%dma_start3A_701 : memref<120x128xf32, #tpu.memory_space<vmem>>) target(%dma_start3A_707 : memref<10112x128xf32, #tpu.memory_space<vmem_shared>>) offsets(%dma_start3A_704 : memref<120xi32, #tpu.memory_space<vmem>>) semaphore(%arg20 : memref<!tpu.dma_semaphore, #tpu.memory_space<semaphore_mem>>) {add = true}
    %dma_wait3A_708 = arith.constant 2 : i32
    %dma_wait3A_709 = arith.constant 0 : i32
    %dma_wait3A_710 = arith.constant 0 : i32
    %dma_wait3A_711 = tpu.memref_slice %arg8[%dma_wait3A_708, %dma_wait3A_709, %dma_wait3A_710] : memref<3x120x128xf32, #tpu.memory_space<vmem>> -> memref<1x120x128xf32, #tpu.memory_space<vmem>>
    %dma_wait3A_712 = tpu.memref_squeeze %dma_wait3A_711 : memref<1x120x128xf32, #tpu.memory_space<vmem>> -> memref<120x128xf32, #tpu.memory_space<vmem>>
    %dma_wait3A_713 = arith.constant 0 : i32
    %dma_wait3A_714 = arith.constant 0 : i32
    %dma_wait3A_715 = tpu.memref_slice %arg6[%dma_wait3A_713, %dma_wait3A_714] : memref<10112x128xf32, #tpu.memory_space<vmem_shared>> -> memref<120x128xf32, #tpu.memory_space<vmem_shared>>
    %dma_wait3A_716 = arith.constant 0 : i32
    %dma_wait3A_717 = arith.constant 0 : i32
    %dma_wait3A_718 = tpu.memref_slice %arg6[%dma_wait3A_716, %dma_wait3A_717] : memref<10112x128xf32, #tpu.memory_space<vmem_shared>> -> memref<120x128xf32, #tpu.memory_space<vmem_shared>>
    %dma_wait3A_719 = arith.constant 0 : i32
    %dma_wait3A_720 = arith.constant 0 : i32
    %dma_wait3A_721 = tpu.memref_slice %arg8[%dma_wait3A_708, %dma_wait3A_719, %dma_wait3A_720] : memref<3x120x128xf32, #tpu.memory_space<vmem>> -> memref<1x120x128xf32, #tpu.memory_space<vmem>>
    %dma_wait3A_722 = tpu.memref_squeeze %dma_wait3A_721 : memref<1x120x128xf32, #tpu.memory_space<vmem>> -> memref<120x128xf32, #tpu.memory_space<vmem>>
    tpu.wait_dma2 semaphore(%arg20 : memref<!tpu.dma_semaphore, #tpu.memory_space<semaphore_mem>>) src(%dma_wait3A_722 : memref<120x128xf32, #tpu.memory_space<vmem>>) dst(%dma_wait3A_718 : memref<120x128xf32, #tpu.memory_space<vmem_shared>>)
    %dma_start3A_723 = arith.constant 83 : i32
    %dma_start3A_724 = arith.constant 5 : i32
    %dma_start3A_725 = arith.constant 0 : i32
    %dma_start3A_726 = arith.constant 0 : i32
    %dma_start3A_727 = tpu.memref_slice %arg7[%dma_start3A_724, %dma_start3A_725, %dma_start3A_726] : memref<6x2x120xi32, #tpu.memory_space<vmem>> -> memref<1x2x120xi32, #tpu.memory_space<vmem>>
    %dma_start3A_728 = tpu.memref_squeeze %dma_start3A_727 : memref<1x2x120xi32, #tpu.memory_space<vmem>> -> memref<2x120xi32, #tpu.memory_space<vmem>>
    %dma_start3A_729 = arith.constant 0 : i32
    %dma_start3A_730 = arith.constant 0 : i32
    %dma_start3A_731 = tpu.memref_slice %arg3[%add3A, %dma_start3A_723, %dma_start3A_729, %dma_start3A_730] : memref<32x84x2x120xi32, #tpu.memory_space<hbm>> -> memref<1x1x2x120xi32, #tpu.memory_space<hbm>>
    %dma_start3A_732 = tpu.memref_squeeze %dma_start3A_731 : memref<1x1x2x120xi32, #tpu.memory_space<hbm>> -> memref<2x120xi32, #tpu.memory_space<hbm>>
    %dma_start3A_733 = arith.constant 0 : i32
    %dma_start3A_734 = arith.constant 0 : i32
    %dma_start3A_735 = tpu.memref_slice %arg7[%dma_start3A_724, %dma_start3A_733, %dma_start3A_734] : memref<6x2x120xi32, #tpu.memory_space<vmem>> -> memref<1x2x120xi32, #tpu.memory_space<vmem>>
    %dma_start3A_736 = tpu.memref_squeeze %dma_start3A_735 : memref<1x2x120xi32, #tpu.memory_space<vmem>> -> memref<2x120xi32, #tpu.memory_space<vmem>>
    %dma_start3A_737 = arith.constant 0 : i32
    %dma_start3A_738 = arith.constant 0 : i32
    %dma_start3A_739 = tpu.memref_slice %arg3[%add3A, %dma_start3A_723, %dma_start3A_737, %dma_start3A_738] : memref<32x84x2x120xi32, #tpu.memory_space<hbm>> -> memref<1x1x2x120xi32, #tpu.memory_space<hbm>>
    %dma_start3A_740 = tpu.memref_squeeze %dma_start3A_739 : memref<1x1x2x120xi32, #tpu.memory_space<hbm>> -> memref<2x120xi32, #tpu.memory_space<hbm>>
    tpu.enqueue_dma source(%dma_start3A_740 : memref<2x120xi32, #tpu.memory_space<hbm>>) target(%dma_start3A_736 : memref<2x120xi32, #tpu.memory_space<vmem>>) target_semaphore(%arg14 : memref<!tpu.dma_semaphore, #tpu.memory_space<semaphore_mem>>)
    %dma_wait3A_741 = arith.constant 0 : i32
    %dma_wait3A_742 = arith.constant 2 : i32
    %dma_wait3A_743 = arith.constant 0 : i32
    %dma_wait3A_744 = arith.constant 0 : i32
    %dma_wait3A_745 = tpu.memref_slice %arg7[%dma_wait3A_742, %dma_wait3A_743, %dma_wait3A_744] : memref<6x2x120xi32, #tpu.memory_space<vmem>> -> memref<1x2x120xi32, #tpu.memory_space<vmem>>
    %dma_wait3A_746 = tpu.memref_squeeze %dma_wait3A_745 : memref<1x2x120xi32, #tpu.memory_space<vmem>> -> memref<2x120xi32, #tpu.memory_space<vmem>>
    %dma_wait3A_747 = arith.constant 0 : i32
    %dma_wait3A_748 = arith.constant 0 : i32
    %dma_wait3A_749 = tpu.memref_slice %arg3[%add3A, %dma_wait3A_741, %dma_wait3A_747, %dma_wait3A_748] : memref<32x84x2x120xi32, #tpu.memory_space<hbm>> -> memref<1x1x2x120xi32, #tpu.memory_space<hbm>>
    %dma_wait3A_750 = tpu.memref_squeeze %dma_wait3A_749 : memref<1x1x2x120xi32, #tpu.memory_space<hbm>> -> memref<2x120xi32, #tpu.memory_space<hbm>>
    %dma_wait3A_751 = arith.constant 0 : i32
    %dma_wait3A_752 = arith.constant 0 : i32
    %dma_wait3A_753 = tpu.memref_slice %arg7[%dma_wait3A_742, %dma_wait3A_751, %dma_wait3A_752] : memref<6x2x120xi32, #tpu.memory_space<vmem>> -> memref<1x2x120xi32, #tpu.memory_space<vmem>>
    %dma_wait3A_754 = tpu.memref_squeeze %dma_wait3A_753 : memref<1x2x120xi32, #tpu.memory_space<vmem>> -> memref<2x120xi32, #tpu.memory_space<vmem>>
    %dma_wait3A_755 = arith.constant 0 : i32
    %dma_wait3A_756 = arith.constant 0 : i32
    %dma_wait3A_757 = tpu.memref_slice %arg3[%add3A, %dma_wait3A_741, %dma_wait3A_755, %dma_wait3A_756] : memref<32x84x2x120xi32, #tpu.memory_space<hbm>> -> memref<1x1x2x120xi32, #tpu.memory_space<hbm>>
    %dma_wait3A_758 = tpu.memref_squeeze %dma_wait3A_757 : memref<1x1x2x120xi32, #tpu.memory_space<hbm>> -> memref<2x120xi32, #tpu.memory_space<hbm>>
    tpu.wait_dma2 semaphore(%arg11 : memref<!tpu.dma_semaphore, #tpu.memory_space<semaphore_mem>>) src(%dma_wait3A_758 : memref<2x120xi32, #tpu.memory_space<hbm>>) dst(%dma_wait3A_754 : memref<2x120xi32, #tpu.memory_space<vmem>>)
    %dma_start3A_759 = arith.constant 2 : i32
    %dma_start3A_760 = arith.constant 0 : i32
    %dma_start3A_761 = arith.constant 2 : i32
    %dma_start3A_762 = arith.constant 0 : i32
    %dma_start3A_763 = arith.constant 0 : i32
    %dma_start3A_764 = tpu.memref_slice %arg8[%dma_start3A_761, %dma_start3A_762, %dma_start3A_763] : memref<3x120x128xf32, #tpu.memory_space<vmem>> -> memref<1x120x128xf32, #tpu.memory_space<vmem>>
    %dma_start3A_765 = tpu.memref_squeeze %dma_start3A_764 : memref<1x120x128xf32, #tpu.memory_space<vmem>> -> memref<120x128xf32, #tpu.memory_space<vmem>>
    %dma_start3A_766 = arith.constant 0 : i32
    %dma_start3A_767 = tpu.memref_slice %arg7[%dma_start3A_759, %dma_start3A_760, %dma_start3A_766] : memref<6x2x120xi32, #tpu.memory_space<vmem>> -> memref<1x1x120xi32, #tpu.memory_space<vmem>>
    %dma_start3A_768 = tpu.memref_squeeze %dma_start3A_767 : memref<1x1x120xi32, #tpu.memory_space<vmem>> -> memref<120xi32, #tpu.memory_space<vmem>>
    %dma_start3A_769 = arith.constant 0 : i32
    %dma_start3A_770 = arith.constant 0 : i32
    %dma_start3A_771 = tpu.memref_slice %arg2[%dma_start3A_769, %dma_start3A_770] : memref<10112x128xf32, #tpu.memory_space<hbm>> -> memref<10112x128xf32, #tpu.memory_space<hbm>>
    tpu.enqueue_indirect_dma source(%dma_start3A_771 : memref<10112x128xf32, #tpu.memory_space<hbm>>) target(%dma_start3A_765 : memref<120x128xf32, #tpu.memory_space<vmem>>) offsets(%dma_start3A_768 : memref<120xi32, #tpu.memory_space<vmem>>) semaphore(%arg17 : memref<!tpu.dma_semaphore, #tpu.memory_space<semaphore_mem>>)
    %dma_wait3A_772 = arith.constant 0 : i32
    %dma_wait3A_773 = arith.constant 0 : i32
    %dma_wait3A_774 = arith.constant 0 : i32
    %dma_wait3A_775 = tpu.memref_slice %arg8[%dma_wait3A_772, %dma_wait3A_773, %dma_wait3A_774] : memref<3x120x128xf32, #tpu.memory_space<vmem>> -> memref<1x120x128xf32, #tpu.memory_space<vmem>>
    %dma_wait3A_776 = tpu.memref_squeeze %dma_wait3A_775 : memref<1x120x128xf32, #tpu.memory_space<vmem>> -> memref<120x128xf32, #tpu.memory_space<vmem>>
    %dma_wait3A_777 = arith.constant 0 : i32
    %dma_wait3A_778 = arith.constant 0 : i32
    %dma_wait3A_779 = tpu.memref_slice %arg2[%dma_wait3A_777, %dma_wait3A_778] : memref<10112x128xf32, #tpu.memory_space<hbm>> -> memref<120x128xf32, #tpu.memory_space<hbm>>
    %dma_wait3A_780 = arith.constant 0 : i32
    %dma_wait3A_781 = arith.constant 0 : i32
    %dma_wait3A_782 = tpu.memref_slice %arg8[%dma_wait3A_772, %dma_wait3A_780, %dma_wait3A_781] : memref<3x120x128xf32, #tpu.memory_space<vmem>> -> memref<1x120x128xf32, #tpu.memory_space<vmem>>
    %dma_wait3A_783 = tpu.memref_squeeze %dma_wait3A_782 : memref<1x120x128xf32, #tpu.memory_space<vmem>> -> memref<120x128xf32, #tpu.memory_space<vmem>>
    %dma_wait3A_784 = arith.constant 0 : i32
    %dma_wait3A_785 = arith.constant 0 : i32
    %dma_wait3A_786 = tpu.memref_slice %arg2[%dma_wait3A_784, %dma_wait3A_785] : memref<10112x128xf32, #tpu.memory_space<hbm>> -> memref<120x128xf32, #tpu.memory_space<hbm>>
    tpu.wait_dma2 semaphore(%arg15 : memref<!tpu.dma_semaphore, #tpu.memory_space<semaphore_mem>>) src(%dma_wait3A_786 : memref<120x128xf32, #tpu.memory_space<hbm>>) dst(%dma_wait3A_783 : memref<120x128xf32, #tpu.memory_space<vmem>>)
    %dma_start3A_787 = arith.constant 0 : i32
    %dma_start3A_788 = arith.constant 0 : i32
    %dma_start3A_789 = arith.constant 1 : i32
    %dma_start3A_790 = arith.constant 0 : i32
    %dma_start3A_791 = arith.constant 0 : i32
    %dma_start3A_792 = tpu.memref_slice %arg8[%dma_start3A_787, %dma_start3A_790, %dma_start3A_791] : memref<3x120x128xf32, #tpu.memory_space<vmem>> -> memref<1x120x128xf32, #tpu.memory_space<vmem>>
    %dma_start3A_793 = tpu.memref_squeeze %dma_start3A_792 : memref<1x120x128xf32, #tpu.memory_space<vmem>> -> memref<120x128xf32, #tpu.memory_space<vmem>>
    %dma_start3A_794 = arith.constant 0 : i32
    %dma_start3A_795 = tpu.memref_slice %arg7[%dma_start3A_788, %dma_start3A_789, %dma_start3A_794] : memref<6x2x120xi32, #tpu.memory_space<vmem>> -> memref<1x1x120xi32, #tpu.memory_space<vmem>>
    %dma_start3A_796 = tpu.memref_squeeze %dma_start3A_795 : memref<1x1x120xi32, #tpu.memory_space<vmem>> -> memref<120xi32, #tpu.memory_space<vmem>>
    %dma_start3A_797 = arith.constant 0 : i32
    %dma_start3A_798 = arith.constant 0 : i32
    %dma_start3A_799 = tpu.memref_slice %arg6[%dma_start3A_797, %dma_start3A_798] : memref<10112x128xf32, #tpu.memory_space<vmem_shared>> -> memref<10112x128xf32, #tpu.memory_space<vmem_shared>>
    tpu.enqueue_indirect_dma source(%dma_start3A_793 : memref<120x128xf32, #tpu.memory_space<vmem>>) target(%dma_start3A_799 : memref<10112x128xf32, #tpu.memory_space<vmem_shared>>) offsets(%dma_start3A_796 : memref<120xi32, #tpu.memory_space<vmem>>) semaphore(%arg18 : memref<!tpu.dma_semaphore, #tpu.memory_space<semaphore_mem>>) {add = true}
    %dma_wait3A_800 = arith.constant 0 : i32
    %dma_wait3A_801 = arith.constant 0 : i32
    %dma_wait3A_802 = arith.constant 0 : i32
    %dma_wait3A_803 = tpu.memref_slice %arg8[%dma_wait3A_800, %dma_wait3A_801, %dma_wait3A_802] : memref<3x120x128xf32, #tpu.memory_space<vmem>> -> memref<1x120x128xf32, #tpu.memory_space<vmem>>
    %dma_wait3A_804 = tpu.memref_squeeze %dma_wait3A_803 : memref<1x120x128xf32, #tpu.memory_space<vmem>> -> memref<120x128xf32, #tpu.memory_space<vmem>>
    %dma_wait3A_805 = arith.constant 0 : i32
    %dma_wait3A_806 = arith.constant 0 : i32
    %dma_wait3A_807 = tpu.memref_slice %arg6[%dma_wait3A_805, %dma_wait3A_806] : memref<10112x128xf32, #tpu.memory_space<vmem_shared>> -> memref<120x128xf32, #tpu.memory_space<vmem_shared>>
    %dma_wait3A_808 = arith.constant 0 : i32
    %dma_wait3A_809 = arith.constant 0 : i32
    %dma_wait3A_810 = tpu.memref_slice %arg6[%dma_wait3A_808, %dma_wait3A_809] : memref<10112x128xf32, #tpu.memory_space<vmem_shared>> -> memref<120x128xf32, #tpu.memory_space<vmem_shared>>
    %dma_wait3A_811 = arith.constant 0 : i32
    %dma_wait3A_812 = arith.constant 0 : i32
    %dma_wait3A_813 = tpu.memref_slice %arg8[%dma_wait3A_800, %dma_wait3A_811, %dma_wait3A_812] : memref<3x120x128xf32, #tpu.memory_space<vmem>> -> memref<1x120x128xf32, #tpu.memory_space<vmem>>
    %dma_wait3A_814 = tpu.memref_squeeze %dma_wait3A_813 : memref<1x120x128xf32, #tpu.memory_space<vmem>> -> memref<120x128xf32, #tpu.memory_space<vmem>>
    tpu.wait_dma2 semaphore(%arg18 : memref<!tpu.dma_semaphore, #tpu.memory_space<semaphore_mem>>) src(%dma_wait3A_814 : memref<120x128xf32, #tpu.memory_space<vmem>>) dst(%dma_wait3A_810 : memref<120x128xf32, #tpu.memory_space<vmem_shared>>)
    %dma_wait3A_815 = arith.constant 0 : i32
    %dma_wait3A_816 = arith.constant 3 : i32
    %dma_wait3A_817 = arith.constant 0 : i32
    %dma_wait3A_818 = arith.constant 0 : i32
    %dma_wait3A_819 = tpu.memref_slice %arg7[%dma_wait3A_816, %dma_wait3A_817, %dma_wait3A_818] : memref<6x2x120xi32, #tpu.memory_space<vmem>> -> memref<1x2x120xi32, #tpu.memory_space<vmem>>
    %dma_wait3A_820 = tpu.memref_squeeze %dma_wait3A_819 : memref<1x2x120xi32, #tpu.memory_space<vmem>> -> memref<2x120xi32, #tpu.memory_space<vmem>>
    %dma_wait3A_821 = arith.constant 0 : i32
    %dma_wait3A_822 = arith.constant 0 : i32
    %dma_wait3A_823 = tpu.memref_slice %arg3[%add3A, %dma_wait3A_815, %dma_wait3A_821, %dma_wait3A_822] : memref<32x84x2x120xi32, #tpu.memory_space<hbm>> -> memref<1x1x2x120xi32, #tpu.memory_space<hbm>>
    %dma_wait3A_824 = tpu.memref_squeeze %dma_wait3A_823 : memref<1x1x2x120xi32, #tpu.memory_space<hbm>> -> memref<2x120xi32, #tpu.memory_space<hbm>>
    %dma_wait3A_825 = arith.constant 0 : i32
    %dma_wait3A_826 = arith.constant 0 : i32
    %dma_wait3A_827 = tpu.memref_slice %arg7[%dma_wait3A_816, %dma_wait3A_825, %dma_wait3A_826] : memref<6x2x120xi32, #tpu.memory_space<vmem>> -> memref<1x2x120xi32, #tpu.memory_space<vmem>>
    %dma_wait3A_828 = tpu.memref_squeeze %dma_wait3A_827 : memref<1x2x120xi32, #tpu.memory_space<vmem>> -> memref<2x120xi32, #tpu.memory_space<vmem>>
    %dma_wait3A_829 = arith.constant 0 : i32
    %dma_wait3A_830 = arith.constant 0 : i32
    %dma_wait3A_831 = tpu.memref_slice %arg3[%add3A, %dma_wait3A_815, %dma_wait3A_829, %dma_wait3A_830] : memref<32x84x2x120xi32, #tpu.memory_space<hbm>> -> memref<1x1x2x120xi32, #tpu.memory_space<hbm>>
    %dma_wait3A_832 = tpu.memref_squeeze %dma_wait3A_831 : memref<1x1x2x120xi32, #tpu.memory_space<hbm>> -> memref<2x120xi32, #tpu.memory_space<hbm>>
    tpu.wait_dma2 semaphore(%arg12 : memref<!tpu.dma_semaphore, #tpu.memory_space<semaphore_mem>>) src(%dma_wait3A_832 : memref<2x120xi32, #tpu.memory_space<hbm>>) dst(%dma_wait3A_828 : memref<2x120xi32, #tpu.memory_space<vmem>>)
    %dma_start3A_833 = arith.constant 3 : i32
    %dma_start3A_834 = arith.constant 0 : i32
    %dma_start3A_835 = arith.constant 0 : i32
    %dma_start3A_836 = arith.constant 0 : i32
    %dma_start3A_837 = arith.constant 0 : i32
    %dma_start3A_838 = tpu.memref_slice %arg8[%dma_start3A_835, %dma_start3A_836, %dma_start3A_837] : memref<3x120x128xf32, #tpu.memory_space<vmem>> -> memref<1x120x128xf32, #tpu.memory_space<vmem>>
    %dma_start3A_839 = tpu.memref_squeeze %dma_start3A_838 : memref<1x120x128xf32, #tpu.memory_space<vmem>> -> memref<120x128xf32, #tpu.memory_space<vmem>>
    %dma_start3A_840 = arith.constant 0 : i32
    %dma_start3A_841 = tpu.memref_slice %arg7[%dma_start3A_833, %dma_start3A_834, %dma_start3A_840] : memref<6x2x120xi32, #tpu.memory_space<vmem>> -> memref<1x1x120xi32, #tpu.memory_space<vmem>>
    %dma_start3A_842 = tpu.memref_squeeze %dma_start3A_841 : memref<1x1x120xi32, #tpu.memory_space<vmem>> -> memref<120xi32, #tpu.memory_space<vmem>>
    %dma_start3A_843 = arith.constant 0 : i32
    %dma_start3A_844 = arith.constant 0 : i32
    %dma_start3A_845 = tpu.memref_slice %arg2[%dma_start3A_843, %dma_start3A_844] : memref<10112x128xf32, #tpu.memory_space<hbm>> -> memref<10112x128xf32, #tpu.memory_space<hbm>>
    tpu.enqueue_indirect_dma source(%dma_start3A_845 : memref<10112x128xf32, #tpu.memory_space<hbm>>) target(%dma_start3A_839 : memref<120x128xf32, #tpu.memory_space<vmem>>) offsets(%dma_start3A_842 : memref<120xi32, #tpu.memory_space<vmem>>) semaphore(%arg15 : memref<!tpu.dma_semaphore, #tpu.memory_space<semaphore_mem>>)
    %dma_wait3A_846 = arith.constant 1 : i32
    %dma_wait3A_847 = arith.constant 0 : i32
    %dma_wait3A_848 = arith.constant 0 : i32
    %dma_wait3A_849 = tpu.memref_slice %arg8[%dma_wait3A_846, %dma_wait3A_847, %dma_wait3A_848] : memref<3x120x128xf32, #tpu.memory_space<vmem>> -> memref<1x120x128xf32, #tpu.memory_space<vmem>>
    %dma_wait3A_850 = tpu.memref_squeeze %dma_wait3A_849 : memref<1x120x128xf32, #tpu.memory_space<vmem>> -> memref<120x128xf32, #tpu.memory_space<vmem>>
    %dma_wait3A_851 = arith.constant 0 : i32
    %dma_wait3A_852 = arith.constant 0 : i32
    %dma_wait3A_853 = tpu.memref_slice %arg2[%dma_wait3A_851, %dma_wait3A_852] : memref<10112x128xf32, #tpu.memory_space<hbm>> -> memref<120x128xf32, #tpu.memory_space<hbm>>
    %dma_wait3A_854 = arith.constant 0 : i32
    %dma_wait3A_855 = arith.constant 0 : i32
    %dma_wait3A_856 = tpu.memref_slice %arg8[%dma_wait3A_846, %dma_wait3A_854, %dma_wait3A_855] : memref<3x120x128xf32, #tpu.memory_space<vmem>> -> memref<1x120x128xf32, #tpu.memory_space<vmem>>
    %dma_wait3A_857 = tpu.memref_squeeze %dma_wait3A_856 : memref<1x120x128xf32, #tpu.memory_space<vmem>> -> memref<120x128xf32, #tpu.memory_space<vmem>>
    %dma_wait3A_858 = arith.constant 0 : i32
    %dma_wait3A_859 = arith.constant 0 : i32
    %dma_wait3A_860 = tpu.memref_slice %arg2[%dma_wait3A_858, %dma_wait3A_859] : memref<10112x128xf32, #tpu.memory_space<hbm>> -> memref<120x128xf32, #tpu.memory_space<hbm>>
    tpu.wait_dma2 semaphore(%arg16 : memref<!tpu.dma_semaphore, #tpu.memory_space<semaphore_mem>>) src(%dma_wait3A_860 : memref<120x128xf32, #tpu.memory_space<hbm>>) dst(%dma_wait3A_857 : memref<120x128xf32, #tpu.memory_space<vmem>>)
    %dma_start3A_861 = arith.constant 1 : i32
    %dma_start3A_862 = arith.constant 1 : i32
    %dma_start3A_863 = arith.constant 1 : i32
    %dma_start3A_864 = arith.constant 0 : i32
    %dma_start3A_865 = arith.constant 0 : i32
    %dma_start3A_866 = tpu.memref_slice %arg8[%dma_start3A_861, %dma_start3A_864, %dma_start3A_865] : memref<3x120x128xf32, #tpu.memory_space<vmem>> -> memref<1x120x128xf32, #tpu.memory_space<vmem>>
    %dma_start3A_867 = tpu.memref_squeeze %dma_start3A_866 : memref<1x120x128xf32, #tpu.memory_space<vmem>> -> memref<120x128xf32, #tpu.memory_space<vmem>>
    %dma_start3A_868 = arith.constant 0 : i32
    %dma_start3A_869 = tpu.memref_slice %arg7[%dma_start3A_862, %dma_start3A_863, %dma_start3A_868] : memref<6x2x120xi32, #tpu.memory_space<vmem>> -> memref<1x1x120xi32, #tpu.memory_space<vmem>>
    %dma_start3A_870 = tpu.memref_squeeze %dma_start3A_869 : memref<1x1x120xi32, #tpu.memory_space<vmem>> -> memref<120xi32, #tpu.memory_space<vmem>>
    %dma_start3A_871 = arith.constant 0 : i32
    %dma_start3A_872 = arith.constant 0 : i32
    %dma_start3A_873 = tpu.memref_slice %arg6[%dma_start3A_871, %dma_start3A_872] : memref<10112x128xf32, #tpu.memory_space<vmem_shared>> -> memref<10112x128xf32, #tpu.memory_space<vmem_shared>>
    tpu.enqueue_indirect_dma source(%dma_start3A_867 : memref<120x128xf32, #tpu.memory_space<vmem>>) target(%dma_start3A_873 : memref<10112x128xf32, #tpu.memory_space<vmem_shared>>) offsets(%dma_start3A_870 : memref<120xi32, #tpu.memory_space<vmem>>) semaphore(%arg19 : memref<!tpu.dma_semaphore, #tpu.memory_space<semaphore_mem>>) {add = true}
    %dma_wait3A_874 = arith.constant 1 : i32
    %dma_wait3A_875 = arith.constant 0 : i32
    %dma_wait3A_876 = arith.constant 0 : i32
    %dma_wait3A_877 = tpu.memref_slice %arg8[%dma_wait3A_874, %dma_wait3A_875, %dma_wait3A_876] : memref<3x120x128xf32, #tpu.memory_space<vmem>> -> memref<1x120x128xf32, #tpu.memory_space<vmem>>
    %dma_wait3A_878 = tpu.memref_squeeze %dma_wait3A_877 : memref<1x120x128xf32, #tpu.memory_space<vmem>> -> memref<120x128xf32, #tpu.memory_space<vmem>>
    %dma_wait3A_879 = arith.constant 0 : i32
    %dma_wait3A_880 = arith.constant 0 : i32
    %dma_wait3A_881 = tpu.memref_slice %arg6[%dma_wait3A_879, %dma_wait3A_880] : memref<10112x128xf32, #tpu.memory_space<vmem_shared>> -> memref<120x128xf32, #tpu.memory_space<vmem_shared>>
    %dma_wait3A_882 = arith.constant 0 : i32
    %dma_wait3A_883 = arith.constant 0 : i32
    %dma_wait3A_884 = tpu.memref_slice %arg6[%dma_wait3A_882, %dma_wait3A_883] : memref<10112x128xf32, #tpu.memory_space<vmem_shared>> -> memref<120x128xf32, #tpu.memory_space<vmem_shared>>
    %dma_wait3A_885 = arith.constant 0 : i32
    %dma_wait3A_886 = arith.constant 0 : i32
    %dma_wait3A_887 = tpu.memref_slice %arg8[%dma_wait3A_874, %dma_wait3A_885, %dma_wait3A_886] : memref<3x120x128xf32, #tpu.memory_space<vmem>> -> memref<1x120x128xf32, #tpu.memory_space<vmem>>
    %dma_wait3A_888 = tpu.memref_squeeze %dma_wait3A_887 : memref<1x120x128xf32, #tpu.memory_space<vmem>> -> memref<120x128xf32, #tpu.memory_space<vmem>>
    tpu.wait_dma2 semaphore(%arg19 : memref<!tpu.dma_semaphore, #tpu.memory_space<semaphore_mem>>) src(%dma_wait3A_888 : memref<120x128xf32, #tpu.memory_space<vmem>>) dst(%dma_wait3A_884 : memref<120x128xf32, #tpu.memory_space<vmem_shared>>)
    %dma_wait3A_889 = arith.constant 0 : i32
    %dma_wait3A_890 = arith.constant 4 : i32
    %dma_wait3A_891 = arith.constant 0 : i32
    %dma_wait3A_892 = arith.constant 0 : i32
    %dma_wait3A_893 = tpu.memref_slice %arg7[%dma_wait3A_890, %dma_wait3A_891, %dma_wait3A_892] : memref<6x2x120xi32, #tpu.memory_space<vmem>> -> memref<1x2x120xi32, #tpu.memory_space<vmem>>
    %dma_wait3A_894 = tpu.memref_squeeze %dma_wait3A_893 : memref<1x2x120xi32, #tpu.memory_space<vmem>> -> memref<2x120xi32, #tpu.memory_space<vmem>>
    %dma_wait3A_895 = arith.constant 0 : i32
    %dma_wait3A_896 = arith.constant 0 : i32
    %dma_wait3A_897 = tpu.memref_slice %arg3[%add3A, %dma_wait3A_889, %dma_wait3A_895, %dma_wait3A_896] : memref<32x84x2x120xi32, #tpu.memory_space<hbm>> -> memref<1x1x2x120xi32, #tpu.memory_space<hbm>>
    %dma_wait3A_898 = tpu.memref_squeeze %dma_wait3A_897 : memref<1x1x2x120xi32, #tpu.memory_space<hbm>> -> memref<2x120xi32, #tpu.memory_space<hbm>>
    %dma_wait3A_899 = arith.constant 0 : i32
    %dma_wait3A_900 = arith.constant 0 : i32
    %dma_wait3A_901 = tpu.memref_slice %arg7[%dma_wait3A_890, %dma_wait3A_899, %dma_wait3A_900] : memref<6x2x120xi32, #tpu.memory_space<vmem>> -> memref<1x2x120xi32, #tpu.memory_space<vmem>>
    %dma_wait3A_902 = tpu.memref_squeeze %dma_wait3A_901 : memref<1x2x120xi32, #tpu.memory_space<vmem>> -> memref<2x120xi32, #tpu.memory_space<vmem>>
    %dma_wait3A_903 = arith.constant 0 : i32
    %dma_wait3A_904 = arith.constant 0 : i32
    %dma_wait3A_905 = tpu.memref_slice %arg3[%add3A, %dma_wait3A_889, %dma_wait3A_903, %dma_wait3A_904] : memref<32x84x2x120xi32, #tpu.memory_space<hbm>> -> memref<1x1x2x120xi32, #tpu.memory_space<hbm>>
    %dma_wait3A_906 = tpu.memref_squeeze %dma_wait3A_905 : memref<1x1x2x120xi32, #tpu.memory_space<hbm>> -> memref<2x120xi32, #tpu.memory_space<hbm>>
    tpu.wait_dma2 semaphore(%arg13 : memref<!tpu.dma_semaphore, #tpu.memory_space<semaphore_mem>>) src(%dma_wait3A_906 : memref<2x120xi32, #tpu.memory_space<hbm>>) dst(%dma_wait3A_902 : memref<2x120xi32, #tpu.memory_space<vmem>>)
    %dma_start3A_907 = arith.constant 4 : i32
    %dma_start3A_908 = arith.constant 0 : i32
    %dma_start3A_909 = arith.constant 1 : i32
    %dma_start3A_910 = arith.constant 0 : i32
    %dma_start3A_911 = arith.constant 0 : i32
    %dma_start3A_912 = tpu.memref_slice %arg8[%dma_start3A_909, %dma_start3A_910, %dma_start3A_911] : memref<3x120x128xf32, #tpu.memory_space<vmem>> -> memref<1x120x128xf32, #tpu.memory_space<vmem>>
    %dma_start3A_913 = tpu.memref_squeeze %dma_start3A_912 : memref<1x120x128xf32, #tpu.memory_space<vmem>> -> memref<120x128xf32, #tpu.memory_space<vmem>>
    %dma_start3A_914 = arith.constant 0 : i32
    %dma_start3A_915 = tpu.memref_slice %arg7[%dma_start3A_907, %dma_start3A_908, %dma_start3A_914] : memref<6x2x120xi32, #tpu.memory_space<vmem>> -> memref<1x1x120xi32, #tpu.memory_space<vmem>>
    %dma_start3A_916 = tpu.memref_squeeze %dma_start3A_915 : memref<1x1x120xi32, #tpu.memory_space<vmem>> -> memref<120xi32, #tpu.memory_space<vmem>>
    %dma_start3A_917 = arith.constant 0 : i32
    %dma_start3A_918 = arith.constant 0 : i32
    %dma_start3A_919 = tpu.memref_slice %arg2[%dma_start3A_917, %dma_start3A_918] : memref<10112x128xf32, #tpu.memory_space<hbm>> -> memref<10112x128xf32, #tpu.memory_space<hbm>>
    tpu.enqueue_indirect_dma source(%dma_start3A_919 : memref<10112x128xf32, #tpu.memory_space<hbm>>) target(%dma_start3A_913 : memref<120x128xf32, #tpu.memory_space<vmem>>) offsets(%dma_start3A_916 : memref<120xi32, #tpu.memory_space<vmem>>) semaphore(%arg16 : memref<!tpu.dma_semaphore, #tpu.memory_space<semaphore_mem>>)
    %dma_wait3A_920 = arith.constant 2 : i32
    %dma_wait3A_921 = arith.constant 0 : i32
    %dma_wait3A_922 = arith.constant 0 : i32
    %dma_wait3A_923 = tpu.memref_slice %arg8[%dma_wait3A_920, %dma_wait3A_921, %dma_wait3A_922] : memref<3x120x128xf32, #tpu.memory_space<vmem>> -> memref<1x120x128xf32, #tpu.memory_space<vmem>>
    %dma_wait3A_924 = tpu.memref_squeeze %dma_wait3A_923 : memref<1x120x128xf32, #tpu.memory_space<vmem>> -> memref<120x128xf32, #tpu.memory_space<vmem>>
    %dma_wait3A_925 = arith.constant 0 : i32
    %dma_wait3A_926 = arith.constant 0 : i32
    %dma_wait3A_927 = tpu.memref_slice %arg2[%dma_wait3A_925, %dma_wait3A_926] : memref<10112x128xf32, #tpu.memory_space<hbm>> -> memref<120x128xf32, #tpu.memory_space<hbm>>
    %dma_wait3A_928 = arith.constant 0 : i32
    %dma_wait3A_929 = arith.constant 0 : i32
    %dma_wait3A_930 = tpu.memref_slice %arg8[%dma_wait3A_920, %dma_wait3A_928, %dma_wait3A_929] : memref<3x120x128xf32, #tpu.memory_space<vmem>> -> memref<1x120x128xf32, #tpu.memory_space<vmem>>
    %dma_wait3A_931 = tpu.memref_squeeze %dma_wait3A_930 : memref<1x120x128xf32, #tpu.memory_space<vmem>> -> memref<120x128xf32, #tpu.memory_space<vmem>>
    %dma_wait3A_932 = arith.constant 0 : i32
    %dma_wait3A_933 = arith.constant 0 : i32
    %dma_wait3A_934 = tpu.memref_slice %arg2[%dma_wait3A_932, %dma_wait3A_933] : memref<10112x128xf32, #tpu.memory_space<hbm>> -> memref<120x128xf32, #tpu.memory_space<hbm>>
    tpu.wait_dma2 semaphore(%arg17 : memref<!tpu.dma_semaphore, #tpu.memory_space<semaphore_mem>>) src(%dma_wait3A_934 : memref<120x128xf32, #tpu.memory_space<hbm>>) dst(%dma_wait3A_931 : memref<120x128xf32, #tpu.memory_space<vmem>>)
    %dma_start3A_935 = arith.constant 2 : i32
    %dma_start3A_936 = arith.constant 2 : i32
    %dma_start3A_937 = arith.constant 1 : i32
    %dma_start3A_938 = arith.constant 0 : i32
    %dma_start3A_939 = arith.constant 0 : i32
    %dma_start3A_940 = tpu.memref_slice %arg8[%dma_start3A_935, %dma_start3A_938, %dma_start3A_939] : memref<3x120x128xf32, #tpu.memory_space<vmem>> -> memref<1x120x128xf32, #tpu.memory_space<vmem>>
    %dma_start3A_941 = tpu.memref_squeeze %dma_start3A_940 : memref<1x120x128xf32, #tpu.memory_space<vmem>> -> memref<120x128xf32, #tpu.memory_space<vmem>>
    %dma_start3A_942 = arith.constant 0 : i32
    %dma_start3A_943 = tpu.memref_slice %arg7[%dma_start3A_936, %dma_start3A_937, %dma_start3A_942] : memref<6x2x120xi32, #tpu.memory_space<vmem>> -> memref<1x1x120xi32, #tpu.memory_space<vmem>>
    %dma_start3A_944 = tpu.memref_squeeze %dma_start3A_943 : memref<1x1x120xi32, #tpu.memory_space<vmem>> -> memref<120xi32, #tpu.memory_space<vmem>>
    %dma_start3A_945 = arith.constant 0 : i32
    %dma_start3A_946 = arith.constant 0 : i32
    %dma_start3A_947 = tpu.memref_slice %arg6[%dma_start3A_945, %dma_start3A_946] : memref<10112x128xf32, #tpu.memory_space<vmem_shared>> -> memref<10112x128xf32, #tpu.memory_space<vmem_shared>>
    tpu.enqueue_indirect_dma source(%dma_start3A_941 : memref<120x128xf32, #tpu.memory_space<vmem>>) target(%dma_start3A_947 : memref<10112x128xf32, #tpu.memory_space<vmem_shared>>) offsets(%dma_start3A_944 : memref<120xi32, #tpu.memory_space<vmem>>) semaphore(%arg20 : memref<!tpu.dma_semaphore, #tpu.memory_space<semaphore_mem>>) {add = true}
    %dma_wait3A_948 = arith.constant 2 : i32
    %dma_wait3A_949 = arith.constant 0 : i32
    %dma_wait3A_950 = arith.constant 0 : i32
    %dma_wait3A_951 = tpu.memref_slice %arg8[%dma_wait3A_948, %dma_wait3A_949, %dma_wait3A_950] : memref<3x120x128xf32, #tpu.memory_space<vmem>> -> memref<1x120x128xf32, #tpu.memory_space<vmem>>
    %dma_wait3A_952 = tpu.memref_squeeze %dma_wait3A_951 : memref<1x120x128xf32, #tpu.memory_space<vmem>> -> memref<120x128xf32, #tpu.memory_space<vmem>>
    %dma_wait3A_953 = arith.constant 0 : i32
    %dma_wait3A_954 = arith.constant 0 : i32
    %dma_wait3A_955 = tpu.memref_slice %arg6[%dma_wait3A_953, %dma_wait3A_954] : memref<10112x128xf32, #tpu.memory_space<vmem_shared>> -> memref<120x128xf32, #tpu.memory_space<vmem_shared>>
    %dma_wait3A_956 = arith.constant 0 : i32
    %dma_wait3A_957 = arith.constant 0 : i32
    %dma_wait3A_958 = tpu.memref_slice %arg6[%dma_wait3A_956, %dma_wait3A_957] : memref<10112x128xf32, #tpu.memory_space<vmem_shared>> -> memref<120x128xf32, #tpu.memory_space<vmem_shared>>
    %dma_wait3A_959 = arith.constant 0 : i32
    %dma_wait3A_960 = arith.constant 0 : i32
    %dma_wait3A_961 = tpu.memref_slice %arg8[%dma_wait3A_948, %dma_wait3A_959, %dma_wait3A_960] : memref<3x120x128xf32, #tpu.memory_space<vmem>> -> memref<1x120x128xf32, #tpu.memory_space<vmem>>
    %dma_wait3A_962 = tpu.memref_squeeze %dma_wait3A_961 : memref<1x120x128xf32, #tpu.memory_space<vmem>> -> memref<120x128xf32, #tpu.memory_space<vmem>>
    tpu.wait_dma2 semaphore(%arg20 : memref<!tpu.dma_semaphore, #tpu.memory_space<semaphore_mem>>) src(%dma_wait3A_962 : memref<120x128xf32, #tpu.memory_space<vmem>>) dst(%dma_wait3A_958 : memref<120x128xf32, #tpu.memory_space<vmem_shared>>)
    %dma_wait3A_963 = arith.constant 0 : i32
    %dma_wait3A_964 = arith.constant 5 : i32
    %dma_wait3A_965 = arith.constant 0 : i32
    %dma_wait3A_966 = arith.constant 0 : i32
    %dma_wait3A_967 = tpu.memref_slice %arg7[%dma_wait3A_964, %dma_wait3A_965, %dma_wait3A_966] : memref<6x2x120xi32, #tpu.memory_space<vmem>> -> memref<1x2x120xi32, #tpu.memory_space<vmem>>
    %dma_wait3A_968 = tpu.memref_squeeze %dma_wait3A_967 : memref<1x2x120xi32, #tpu.memory_space<vmem>> -> memref<2x120xi32, #tpu.memory_space<vmem>>
    %dma_wait3A_969 = arith.constant 0 : i32
    %dma_wait3A_970 = arith.constant 0 : i32
    %dma_wait3A_971 = tpu.memref_slice %arg3[%add3A, %dma_wait3A_963, %dma_wait3A_969, %dma_wait3A_970] : memref<32x84x2x120xi32, #tpu.memory_space<hbm>> -> memref<1x1x2x120xi32, #tpu.memory_space<hbm>>
    %dma_wait3A_972 = tpu.memref_squeeze %dma_wait3A_971 : memref<1x1x2x120xi32, #tpu.memory_space<hbm>> -> memref<2x120xi32, #tpu.memory_space<hbm>>
    %dma_wait3A_973 = arith.constant 0 : i32
    %dma_wait3A_974 = arith.constant 0 : i32
    %dma_wait3A_975 = tpu.memref_slice %arg7[%dma_wait3A_964, %dma_wait3A_973, %dma_wait3A_974] : memref<6x2x120xi32, #tpu.memory_space<vmem>> -> memref<1x2x120xi32, #tpu.memory_space<vmem>>
    %dma_wait3A_976 = tpu.memref_squeeze %dma_wait3A_975 : memref<1x2x120xi32, #tpu.memory_space<vmem>> -> memref<2x120xi32, #tpu.memory_space<vmem>>
    %dma_wait3A_977 = arith.constant 0 : i32
    %dma_wait3A_978 = arith.constant 0 : i32
    %dma_wait3A_979 = tpu.memref_slice %arg3[%add3A, %dma_wait3A_963, %dma_wait3A_977, %dma_wait3A_978] : memref<32x84x2x120xi32, #tpu.memory_space<hbm>> -> memref<1x1x2x120xi32, #tpu.memory_space<hbm>>
    %dma_wait3A_980 = tpu.memref_squeeze %dma_wait3A_979 : memref<1x1x2x120xi32, #tpu.memory_space<hbm>> -> memref<2x120xi32, #tpu.memory_space<hbm>>
    tpu.wait_dma2 semaphore(%arg14 : memref<!tpu.dma_semaphore, #tpu.memory_space<semaphore_mem>>) src(%dma_wait3A_980 : memref<2x120xi32, #tpu.memory_space<hbm>>) dst(%dma_wait3A_976 : memref<2x120xi32, #tpu.memory_space<vmem>>)
    %dma_start3A_981 = arith.constant 5 : i32
    %dma_start3A_982 = arith.constant 0 : i32
    %dma_start3A_983 = arith.constant 2 : i32
    %dma_start3A_984 = arith.constant 0 : i32
    %dma_start3A_985 = arith.constant 0 : i32
    %dma_start3A_986 = tpu.memref_slice %arg8[%dma_start3A_983, %dma_start3A_984, %dma_start3A_985] : memref<3x120x128xf32, #tpu.memory_space<vmem>> -> memref<1x120x128xf32, #tpu.memory_space<vmem>>
    %dma_start3A_987 = tpu.memref_squeeze %dma_start3A_986 : memref<1x120x128xf32, #tpu.memory_space<vmem>> -> memref<120x128xf32, #tpu.memory_space<vmem>>
    %dma_start3A_988 = arith.constant 0 : i32
    %dma_start3A_989 = tpu.memref_slice %arg7[%dma_start3A_981, %dma_start3A_982, %dma_start3A_988] : memref<6x2x120xi32, #tpu.memory_space<vmem>> -> memref<1x1x120xi32, #tpu.memory_space<vmem>>
    %dma_start3A_990 = tpu.memref_squeeze %dma_start3A_989 : memref<1x1x120xi32, #tpu.memory_space<vmem>> -> memref<120xi32, #tpu.memory_space<vmem>>
    %dma_start3A_991 = arith.constant 0 : i32
    %dma_start3A_992 = arith.constant 0 : i32
    %dma_start3A_993 = tpu.memref_slice %arg2[%dma_start3A_991, %dma_start3A_992] : memref<10112x128xf32, #tpu.memory_space<hbm>> -> memref<10112x128xf32, #tpu.memory_space<hbm>>
    tpu.enqueue_indirect_dma source(%dma_start3A_993 : memref<10112x128xf32, #tpu.memory_space<hbm>>) target(%dma_start3A_987 : memref<120x128xf32, #tpu.memory_space<vmem>>) offsets(%dma_start3A_990 : memref<120xi32, #tpu.memory_space<vmem>>) semaphore(%arg17 : memref<!tpu.dma_semaphore, #tpu.memory_space<semaphore_mem>>)
    %dma_wait3A_994 = arith.constant 0 : i32
    %dma_wait3A_995 = arith.constant 0 : i32
    %dma_wait3A_996 = arith.constant 0 : i32
    %dma_wait3A_997 = tpu.memref_slice %arg8[%dma_wait3A_994, %dma_wait3A_995, %dma_wait3A_996] : memref<3x120x128xf32, #tpu.memory_space<vmem>> -> memref<1x120x128xf32, #tpu.memory_space<vmem>>
    %dma_wait3A_998 = tpu.memref_squeeze %dma_wait3A_997 : memref<1x120x128xf32, #tpu.memory_space<vmem>> -> memref<120x128xf32, #tpu.memory_space<vmem>>
    %dma_wait3A_999 = arith.constant 0 : i32
    %dma_wait3A_1000 = arith.constant 0 : i32
    %dma_wait3A_1001 = tpu.memref_slice %arg2[%dma_wait3A_999, %dma_wait3A_1000] : memref<10112x128xf32, #tpu.memory_space<hbm>> -> memref<120x128xf32, #tpu.memory_space<hbm>>
    %dma_wait3A_1002 = arith.constant 0 : i32
    %dma_wait3A_1003 = arith.constant 0 : i32
    %dma_wait3A_1004 = tpu.memref_slice %arg8[%dma_wait3A_994, %dma_wait3A_1002, %dma_wait3A_1003] : memref<3x120x128xf32, #tpu.memory_space<vmem>> -> memref<1x120x128xf32, #tpu.memory_space<vmem>>
    %dma_wait3A_1005 = tpu.memref_squeeze %dma_wait3A_1004 : memref<1x120x128xf32, #tpu.memory_space<vmem>> -> memref<120x128xf32, #tpu.memory_space<vmem>>
    %dma_wait3A_1006 = arith.constant 0 : i32
    %dma_wait3A_1007 = arith.constant 0 : i32
    %dma_wait3A_1008 = tpu.memref_slice %arg2[%dma_wait3A_1006, %dma_wait3A_1007] : memref<10112x128xf32, #tpu.memory_space<hbm>> -> memref<120x128xf32, #tpu.memory_space<hbm>>
    tpu.wait_dma2 semaphore(%arg15 : memref<!tpu.dma_semaphore, #tpu.memory_space<semaphore_mem>>) src(%dma_wait3A_1008 : memref<120x128xf32, #tpu.memory_space<hbm>>) dst(%dma_wait3A_1005 : memref<120x128xf32, #tpu.memory_space<vmem>>)
    %dma_start3A_1009 = arith.constant 0 : i32
    %dma_start3A_1010 = arith.constant 3 : i32
    %dma_start3A_1011 = arith.constant 1 : i32
    %dma_start3A_1012 = arith.constant 0 : i32
    %dma_start3A_1013 = arith.constant 0 : i32
    %dma_start3A_1014 = tpu.memref_slice %arg8[%dma_start3A_1009, %dma_start3A_1012, %dma_start3A_1013] : memref<3x120x128xf32, #tpu.memory_space<vmem>> -> memref<1x120x128xf32, #tpu.memory_space<vmem>>
    %dma_start3A_1015 = tpu.memref_squeeze %dma_start3A_1014 : memref<1x120x128xf32, #tpu.memory_space<vmem>> -> memref<120x128xf32, #tpu.memory_space<vmem>>
    %dma_start3A_1016 = arith.constant 0 : i32
    %dma_start3A_1017 = tpu.memref_slice %arg7[%dma_start3A_1010, %dma_start3A_1011, %dma_start3A_1016] : memref<6x2x120xi32, #tpu.memory_space<vmem>> -> memref<1x1x120xi32, #tpu.memory_space<vmem>>
    %dma_start3A_1018 = tpu.memref_squeeze %dma_start3A_1017 : memref<1x1x120xi32, #tpu.memory_space<vmem>> -> memref<120xi32, #tpu.memory_space<vmem>>
    %dma_start3A_1019 = arith.constant 0 : i32
    %dma_start3A_1020 = arith.constant 0 : i32
    %dma_start3A_1021 = tpu.memref_slice %arg6[%dma_start3A_1019, %dma_start3A_1020] : memref<10112x128xf32, #tpu.memory_space<vmem_shared>> -> memref<10112x128xf32, #tpu.memory_space<vmem_shared>>
    tpu.enqueue_indirect_dma source(%dma_start3A_1015 : memref<120x128xf32, #tpu.memory_space<vmem>>) target(%dma_start3A_1021 : memref<10112x128xf32, #tpu.memory_space<vmem_shared>>) offsets(%dma_start3A_1018 : memref<120xi32, #tpu.memory_space<vmem>>) semaphore(%arg18 : memref<!tpu.dma_semaphore, #tpu.memory_space<semaphore_mem>>) {add = true}
    %dma_wait3A_1022 = arith.constant 1 : i32
    %dma_wait3A_1023 = arith.constant 0 : i32
    %dma_wait3A_1024 = arith.constant 0 : i32
    %dma_wait3A_1025 = tpu.memref_slice %arg8[%dma_wait3A_1022, %dma_wait3A_1023, %dma_wait3A_1024] : memref<3x120x128xf32, #tpu.memory_space<vmem>> -> memref<1x120x128xf32, #tpu.memory_space<vmem>>
    %dma_wait3A_1026 = tpu.memref_squeeze %dma_wait3A_1025 : memref<1x120x128xf32, #tpu.memory_space<vmem>> -> memref<120x128xf32, #tpu.memory_space<vmem>>
    %dma_wait3A_1027 = arith.constant 0 : i32
    %dma_wait3A_1028 = arith.constant 0 : i32
    %dma_wait3A_1029 = tpu.memref_slice %arg2[%dma_wait3A_1027, %dma_wait3A_1028] : memref<10112x128xf32, #tpu.memory_space<hbm>> -> memref<120x128xf32, #tpu.memory_space<hbm>>
    %dma_wait3A_1030 = arith.constant 0 : i32
    %dma_wait3A_1031 = arith.constant 0 : i32
    %dma_wait3A_1032 = tpu.memref_slice %arg8[%dma_wait3A_1022, %dma_wait3A_1030, %dma_wait3A_1031] : memref<3x120x128xf32, #tpu.memory_space<vmem>> -> memref<1x120x128xf32, #tpu.memory_space<vmem>>
    %dma_wait3A_1033 = tpu.memref_squeeze %dma_wait3A_1032 : memref<1x120x128xf32, #tpu.memory_space<vmem>> -> memref<120x128xf32, #tpu.memory_space<vmem>>
    %dma_wait3A_1034 = arith.constant 0 : i32
    %dma_wait3A_1035 = arith.constant 0 : i32
    %dma_wait3A_1036 = tpu.memref_slice %arg2[%dma_wait3A_1034, %dma_wait3A_1035] : memref<10112x128xf32, #tpu.memory_space<hbm>> -> memref<120x128xf32, #tpu.memory_space<hbm>>
    tpu.wait_dma2 semaphore(%arg16 : memref<!tpu.dma_semaphore, #tpu.memory_space<semaphore_mem>>) src(%dma_wait3A_1036 : memref<120x128xf32, #tpu.memory_space<hbm>>) dst(%dma_wait3A_1033 : memref<120x128xf32, #tpu.memory_space<vmem>>)
    %dma_start3A_1037 = arith.constant 1 : i32
    %dma_start3A_1038 = arith.constant 4 : i32
    %dma_start3A_1039 = arith.constant 1 : i32
    %dma_start3A_1040 = arith.constant 0 : i32
    %dma_start3A_1041 = arith.constant 0 : i32
    %dma_start3A_1042 = tpu.memref_slice %arg8[%dma_start3A_1037, %dma_start3A_1040, %dma_start3A_1041] : memref<3x120x128xf32, #tpu.memory_space<vmem>> -> memref<1x120x128xf32, #tpu.memory_space<vmem>>
    %dma_start3A_1043 = tpu.memref_squeeze %dma_start3A_1042 : memref<1x120x128xf32, #tpu.memory_space<vmem>> -> memref<120x128xf32, #tpu.memory_space<vmem>>
    %dma_start3A_1044 = arith.constant 0 : i32
    %dma_start3A_1045 = tpu.memref_slice %arg7[%dma_start3A_1038, %dma_start3A_1039, %dma_start3A_1044] : memref<6x2x120xi32, #tpu.memory_space<vmem>> -> memref<1x1x120xi32, #tpu.memory_space<vmem>>
    %dma_start3A_1046 = tpu.memref_squeeze %dma_start3A_1045 : memref<1x1x120xi32, #tpu.memory_space<vmem>> -> memref<120xi32, #tpu.memory_space<vmem>>
    %dma_start3A_1047 = arith.constant 0 : i32
    %dma_start3A_1048 = arith.constant 0 : i32
    %dma_start3A_1049 = tpu.memref_slice %arg6[%dma_start3A_1047, %dma_start3A_1048] : memref<10112x128xf32, #tpu.memory_space<vmem_shared>> -> memref<10112x128xf32, #tpu.memory_space<vmem_shared>>
    tpu.enqueue_indirect_dma source(%dma_start3A_1043 : memref<120x128xf32, #tpu.memory_space<vmem>>) target(%dma_start3A_1049 : memref<10112x128xf32, #tpu.memory_space<vmem_shared>>) offsets(%dma_start3A_1046 : memref<120xi32, #tpu.memory_space<vmem>>) semaphore(%arg19 : memref<!tpu.dma_semaphore, #tpu.memory_space<semaphore_mem>>) {add = true}
    %dma_wait3A_1050 = arith.constant 2 : i32
    %dma_wait3A_1051 = arith.constant 0 : i32
    %dma_wait3A_1052 = arith.constant 0 : i32
    %dma_wait3A_1053 = tpu.memref_slice %arg8[%dma_wait3A_1050, %dma_wait3A_1051, %dma_wait3A_1052] : memref<3x120x128xf32, #tpu.memory_space<vmem>> -> memref<1x120x128xf32, #tpu.memory_space<vmem>>
    %dma_wait3A_1054 = tpu.memref_squeeze %dma_wait3A_1053 : memref<1x120x128xf32, #tpu.memory_space<vmem>> -> memref<120x128xf32, #tpu.memory_space<vmem>>
    %dma_wait3A_1055 = arith.constant 0 : i32
    %dma_wait3A_1056 = arith.constant 0 : i32
    %dma_wait3A_1057 = tpu.memref_slice %arg2[%dma_wait3A_1055, %dma_wait3A_1056] : memref<10112x128xf32, #tpu.memory_space<hbm>> -> memref<120x128xf32, #tpu.memory_space<hbm>>
    %dma_wait3A_1058 = arith.constant 0 : i32
    %dma_wait3A_1059 = arith.constant 0 : i32
    %dma_wait3A_1060 = tpu.memref_slice %arg8[%dma_wait3A_1050, %dma_wait3A_1058, %dma_wait3A_1059] : memref<3x120x128xf32, #tpu.memory_space<vmem>> -> memref<1x120x128xf32, #tpu.memory_space<vmem>>
    %dma_wait3A_1061 = tpu.memref_squeeze %dma_wait3A_1060 : memref<1x120x128xf32, #tpu.memory_space<vmem>> -> memref<120x128xf32, #tpu.memory_space<vmem>>
    %dma_wait3A_1062 = arith.constant 0 : i32
    %dma_wait3A_1063 = arith.constant 0 : i32
    %dma_wait3A_1064 = tpu.memref_slice %arg2[%dma_wait3A_1062, %dma_wait3A_1063] : memref<10112x128xf32, #tpu.memory_space<hbm>> -> memref<120x128xf32, #tpu.memory_space<hbm>>
    tpu.wait_dma2 semaphore(%arg17 : memref<!tpu.dma_semaphore, #tpu.memory_space<semaphore_mem>>) src(%dma_wait3A_1064 : memref<120x128xf32, #tpu.memory_space<hbm>>) dst(%dma_wait3A_1061 : memref<120x128xf32, #tpu.memory_space<vmem>>)
    %dma_start3A_1065 = arith.constant 2 : i32
    %dma_start3A_1066 = arith.constant 5 : i32
    %dma_start3A_1067 = arith.constant 1 : i32
    %dma_start3A_1068 = arith.constant 0 : i32
    %dma_start3A_1069 = arith.constant 0 : i32
    %dma_start3A_1070 = tpu.memref_slice %arg8[%dma_start3A_1065, %dma_start3A_1068, %dma_start3A_1069] : memref<3x120x128xf32, #tpu.memory_space<vmem>> -> memref<1x120x128xf32, #tpu.memory_space<vmem>>
    %dma_start3A_1071 = tpu.memref_squeeze %dma_start3A_1070 : memref<1x120x128xf32, #tpu.memory_space<vmem>> -> memref<120x128xf32, #tpu.memory_space<vmem>>
    %dma_start3A_1072 = arith.constant 0 : i32
    %dma_start3A_1073 = tpu.memref_slice %arg7[%dma_start3A_1066, %dma_start3A_1067, %dma_start3A_1072] : memref<6x2x120xi32, #tpu.memory_space<vmem>> -> memref<1x1x120xi32, #tpu.memory_space<vmem>>
    %dma_start3A_1074 = tpu.memref_squeeze %dma_start3A_1073 : memref<1x1x120xi32, #tpu.memory_space<vmem>> -> memref<120xi32, #tpu.memory_space<vmem>>
    %dma_start3A_1075 = arith.constant 0 : i32
    %dma_start3A_1076 = arith.constant 0 : i32
    %dma_start3A_1077 = tpu.memref_slice %arg6[%dma_start3A_1075, %dma_start3A_1076] : memref<10112x128xf32, #tpu.memory_space<vmem_shared>> -> memref<10112x128xf32, #tpu.memory_space<vmem_shared>>
    tpu.enqueue_indirect_dma source(%dma_start3A_1071 : memref<120x128xf32, #tpu.memory_space<vmem>>) target(%dma_start3A_1077 : memref<10112x128xf32, #tpu.memory_space<vmem_shared>>) offsets(%dma_start3A_1074 : memref<120xi32, #tpu.memory_space<vmem>>) semaphore(%arg20 : memref<!tpu.dma_semaphore, #tpu.memory_space<semaphore_mem>>) {add = true}
    %dma_wait3A_1078 = arith.constant 0 : i32
    %dma_wait3A_1079 = arith.constant 0 : i32
    %dma_wait3A_1080 = arith.constant 0 : i32
    %dma_wait3A_1081 = tpu.memref_slice %arg8[%dma_wait3A_1078, %dma_wait3A_1079, %dma_wait3A_1080] : memref<3x120x128xf32, #tpu.memory_space<vmem>> -> memref<1x120x128xf32, #tpu.memory_space<vmem>>
    %dma_wait3A_1082 = tpu.memref_squeeze %dma_wait3A_1081 : memref<1x120x128xf32, #tpu.memory_space<vmem>> -> memref<120x128xf32, #tpu.memory_space<vmem>>
    %dma_wait3A_1083 = arith.constant 0 : i32
    %dma_wait3A_1084 = arith.constant 0 : i32
    %dma_wait3A_1085 = tpu.memref_slice %arg6[%dma_wait3A_1083, %dma_wait3A_1084] : memref<10112x128xf32, #tpu.memory_space<vmem_shared>> -> memref<120x128xf32, #tpu.memory_space<vmem_shared>>
    %dma_wait3A_1086 = arith.constant 0 : i32
    %dma_wait3A_1087 = arith.constant 0 : i32
    %dma_wait3A_1088 = tpu.memref_slice %arg6[%dma_wait3A_1086, %dma_wait3A_1087] : memref<10112x128xf32, #tpu.memory_space<vmem_shared>> -> memref<120x128xf32, #tpu.memory_space<vmem_shared>>
    %dma_wait3A_1089 = arith.constant 0 : i32
    %dma_wait3A_1090 = arith.constant 0 : i32
    %dma_wait3A_1091 = tpu.memref_slice %arg8[%dma_wait3A_1078, %dma_wait3A_1089, %dma_wait3A_1090] : memref<3x120x128xf32, #tpu.memory_space<vmem>> -> memref<1x120x128xf32, #tpu.memory_space<vmem>>
    %dma_wait3A_1092 = tpu.memref_squeeze %dma_wait3A_1091 : memref<1x120x128xf32, #tpu.memory_space<vmem>> -> memref<120x128xf32, #tpu.memory_space<vmem>>
    tpu.wait_dma2 semaphore(%arg18 : memref<!tpu.dma_semaphore, #tpu.memory_space<semaphore_mem>>) src(%dma_wait3A_1092 : memref<120x128xf32, #tpu.memory_space<vmem>>) dst(%dma_wait3A_1088 : memref<120x128xf32, #tpu.memory_space<vmem_shared>>)
    %dma_wait3A_1093 = arith.constant 1 : i32
    %dma_wait3A_1094 = arith.constant 0 : i32
    %dma_wait3A_1095 = arith.constant 0 : i32
    %dma_wait3A_1096 = tpu.memref_slice %arg8[%dma_wait3A_1093, %dma_wait3A_1094, %dma_wait3A_1095] : memref<3x120x128xf32, #tpu.memory_space<vmem>> -> memref<1x120x128xf32, #tpu.memory_space<vmem>>
    %dma_wait3A_1097 = tpu.memref_squeeze %dma_wait3A_1096 : memref<1x120x128xf32, #tpu.memory_space<vmem>> -> memref<120x128xf32, #tpu.memory_space<vmem>>
    %dma_wait3A_1098 = arith.constant 0 : i32
    %dma_wait3A_1099 = arith.constant 0 : i32
    %dma_wait3A_1100 = tpu.memref_slice %arg6[%dma_wait3A_1098, %dma_wait3A_1099] : memref<10112x128xf32, #tpu.memory_space<vmem_shared>> -> memref<120x128xf32, #tpu.memory_space<vmem_shared>>
    %dma_wait3A_1101 = arith.constant 0 : i32
    %dma_wait3A_1102 = arith.constant 0 : i32
    %dma_wait3A_1103 = tpu.memref_slice %arg6[%dma_wait3A_1101, %dma_wait3A_1102] : memref<10112x128xf32, #tpu.memory_space<vmem_shared>> -> memref<120x128xf32, #tpu.memory_space<vmem_shared>>
    %dma_wait3A_1104 = arith.constant 0 : i32
    %dma_wait3A_1105 = arith.constant 0 : i32
    %dma_wait3A_1106 = tpu.memref_slice %arg8[%dma_wait3A_1093, %dma_wait3A_1104, %dma_wait3A_1105] : memref<3x120x128xf32, #tpu.memory_space<vmem>> -> memref<1x120x128xf32, #tpu.memory_space<vmem>>
    %dma_wait3A_1107 = tpu.memref_squeeze %dma_wait3A_1106 : memref<1x120x128xf32, #tpu.memory_space<vmem>> -> memref<120x128xf32, #tpu.memory_space<vmem>>
    tpu.wait_dma2 semaphore(%arg19 : memref<!tpu.dma_semaphore, #tpu.memory_space<semaphore_mem>>) src(%dma_wait3A_1107 : memref<120x128xf32, #tpu.memory_space<vmem>>) dst(%dma_wait3A_1103 : memref<120x128xf32, #tpu.memory_space<vmem_shared>>)
    %dma_wait3A_1108 = arith.constant 2 : i32
    %dma_wait3A_1109 = arith.constant 0 : i32
    %dma_wait3A_1110 = arith.constant 0 : i32
    %dma_wait3A_1111 = tpu.memref_slice %arg8[%dma_wait3A_1108, %dma_wait3A_1109, %dma_wait3A_1110] : memref<3x120x128xf32, #tpu.memory_space<vmem>> -> memref<1x120x128xf32, #tpu.memory_space<vmem>>
    %dma_wait3A_1112 = tpu.memref_squeeze %dma_wait3A_1111 : memref<1x120x128xf32, #tpu.memory_space<vmem>> -> memref<120x128xf32, #tpu.memory_space<vmem>>
    %dma_wait3A_1113 = arith.constant 0 : i32
    %dma_wait3A_1114 = arith.constant 0 : i32
    %dma_wait3A_1115 = tpu.memref_slice %arg6[%dma_wait3A_1113, %dma_wait3A_1114] : memref<10112x128xf32, #tpu.memory_space<vmem_shared>> -> memref<120x128xf32, #tpu.memory_space<vmem_shared>>
    %dma_wait3A_1116 = arith.constant 0 : i32
    %dma_wait3A_1117 = arith.constant 0 : i32
    %dma_wait3A_1118 = tpu.memref_slice %arg6[%dma_wait3A_1116, %dma_wait3A_1117] : memref<10112x128xf32, #tpu.memory_space<vmem_shared>> -> memref<120x128xf32, #tpu.memory_space<vmem_shared>>
    %dma_wait3A_1119 = arith.constant 0 : i32
    %dma_wait3A_1120 = arith.constant 0 : i32
    %dma_wait3A_1121 = tpu.memref_slice %arg8[%dma_wait3A_1108, %dma_wait3A_1119, %dma_wait3A_1120] : memref<3x120x128xf32, #tpu.memory_space<vmem>> -> memref<1x120x128xf32, #tpu.memory_space<vmem>>
    %dma_wait3A_1122 = tpu.memref_squeeze %dma_wait3A_1121 : memref<1x120x128xf32, #tpu.memory_space<vmem>> -> memref<120x128xf32, #tpu.memory_space<vmem>>
    tpu.wait_dma2 semaphore(%arg20 : memref<!tpu.dma_semaphore, #tpu.memory_space<semaphore_mem>>) src(%dma_wait3A_1122 : memref<120x128xf32, #tpu.memory_space<vmem>>) dst(%dma_wait3A_1118 : memref<120x128xf32, #tpu.memory_space<vmem_shared>>)
    %barrier3A_1123 = arith.constant 0 : index
    tpu.barrier barrier_id(%barrier3A_1123)
    %mul3A_1124 = arith.constant 632 : i32
    %mul3A_1125 = arith.muli %arg1, %mul3A_1124 : i32
    %mul3A_1126 = arith.constant 632 : i32
    %mul3A_1127 = arith.muli %arg1, %mul3A_1126 : i32
    "tpu.region"() ({
      %run_scoped3A = tpu.sem_alloc : memref<!tpu.dma_semaphore, #tpu.memory_space<semaphore_mem>>
      %dma_start3A_1128 = arith.constant 0 : i32
      %dma_start3A_1129 = tpu.memref_slice %arg5[%arg0, %mul3A_1127, %dma_start3A_1128] : memref<2x10112x128xf32, #tpu.memory_space<hbm>> -> memref<1x632x128xf32, #tpu.memory_space<hbm>>
      %dma_start3A_1130 = tpu.memref_squeeze %dma_start3A_1129 : memref<1x632x128xf32, #tpu.memory_space<hbm>> -> memref<632x128xf32, #tpu.memory_space<hbm>>
      %dma_start3A_1131 = arith.constant 0 : i32
      %dma_start3A_1132 = tpu.memref_slice %arg6[%mul3A_1125, %dma_start3A_1131] : memref<10112x128xf32, #tpu.memory_space<vmem_shared>> -> memref<632x128xf32, #tpu.memory_space<vmem_shared>>
      tpu.enqueue_dma source(%dma_start3A_1132 : memref<632x128xf32, #tpu.memory_space<vmem_shared>>) target(%dma_start3A_1130 : memref<632x128xf32, #tpu.memory_space<hbm>>) target_semaphore(%run_scoped3A : memref<!tpu.dma_semaphore, #tpu.memory_space<semaphore_mem>>)
      %dma_wait3A_1133 = arith.constant 0 : i32
      %dma_wait3A_1134 = tpu.memref_slice %arg5[%arg0, %mul3A_1127, %dma_wait3A_1133] : memref<2x10112x128xf32, #tpu.memory_space<hbm>> -> memref<1x632x128xf32, #tpu.memory_space<hbm>>
      %dma_wait3A_1135 = tpu.memref_squeeze %dma_wait3A_1134 : memref<1x632x128xf32, #tpu.memory_space<hbm>> -> memref<632x128xf32, #tpu.memory_space<hbm>>
      %dma_wait3A_1136 = arith.constant 0 : i32
      %dma_wait3A_1137 = tpu.memref_slice %arg6[%mul3A_1125, %dma_wait3A_1136] : memref<10112x128xf32, #tpu.memory_space<vmem_shared>> -> memref<632x128xf32, #tpu.memory_space<vmem_shared>>
      tpu.wait_dma2 semaphore(%run_scoped3A : memref<!tpu.dma_semaphore, #tpu.memory_space<semaphore_mem>>) src(%dma_wait3A_1137 : memref<632x128xf32, #tpu.memory_space<vmem_shared>>) dst(%dma_wait3A_1135 : memref<632x128xf32, #tpu.memory_space<hbm>>)
      tpu.yield
    }) : () -> ()
    return
  }
}

#map = affine_map<(d0, d1) -> (0, 0)>
#map1 = affine_map<(d0, d1) -> (0, 0, 0, 0)>
#map2 = affine_map<(d0, d1) -> (0, 0, 0)>
module attributes {stable_mosaic.version = 14 : i64} {
  func.func @_sc_agg(%arg0: i32, %arg1: i32, %arg2: memref<10112x128xf32, #tpu.memory_space<hbm>>, %arg3: memref<32x84x2x120xi32, #tpu.memory_space<hbm>>, %arg4: memref<10112x128xf32, #tpu.memory_space<hbm>>, %arg5: memref<2x10112x128xf32, #tpu.memory_space<hbm>>, %arg6: memref<10112x128xf32, #tpu.memory_space<vmem_shared>>, %arg7: memref<6x2x120xi32, #tpu.memory_space<vmem>>, %arg8: memref<3x120x128xf32, #tpu.memory_space<vmem>>, %arg9: memref<!tpu.dma_semaphore, #tpu.memory_space<semaphore_mem>>, %arg10: memref<!tpu.dma_semaphore, #tpu.memory_space<semaphore_mem>>, %arg11: memref<!tpu.dma_semaphore, #tpu.memory_space<semaphore_mem>>, %arg12: memref<!tpu.dma_semaphore, #tpu.memory_space<semaphore_mem>>, %arg13: memref<!tpu.dma_semaphore, #tpu.memory_space<semaphore_mem>>, %arg14: memref<!tpu.dma_semaphore, #tpu.memory_space<semaphore_mem>>, %arg15: memref<!tpu.dma_semaphore, #tpu.memory_space<semaphore_mem>>, %arg16: memref<!tpu.dma_semaphore, #tpu.memory_space<semaphore_mem>>, %arg17: memref<!tpu.dma_semaphore, #tpu.memory_space<semaphore_mem>>, %arg18: memref<!tpu.dma_semaphore, #tpu.memory_space<semaphore_mem>>, %arg19: memref<!tpu.dma_semaphore, #tpu.memory_space<semaphore_mem>>, %arg20: memref<!tpu.dma_semaphore, #tpu.memory_space<semaphore_mem>>, %arg21: memref<!tpu.dma_semaphore, #tpu.memory_space<semaphore_mem>>) attributes {dimension_semantics = [#tpu.dimension_semantics<core_parallel>, #tpu.dimension_semantics<subcore_parallel>], iteration_bounds = array<i64: 2, 16>, scalar_prefetch = 0 : i64, scratch_operands = 16 : i64, tpu.core_type = #tpu.core_type<sc_vector_subcore>, window_params = [{transform_indices = #map}, {transform_indices = #map1}, {transform_indices = #map}, {transform_indices = #map2}]} {
    %mul3A = arith.constant 2 : i32
    %mul3A_0 = arith.muli %arg1, %mul3A : i32
    %add3A = arith.addi %mul3A_0, %arg0 : i32
    %mul3A_1 = arith.constant 632 : i32
    %mul3A_2 = arith.muli %arg1, %mul3A_1 : i32
    %mul3A_3 = arith.constant 632 : i32
    %mul3A_4 = arith.muli %arg1, %mul3A_3 : i32
    %dma_start3A = arith.constant 0 : i32
    %dma_start3A_5 = tpu.memref_slice %arg6[%mul3A_4, %dma_start3A] : memref<10112x128xf32, #tpu.memory_space<vmem_shared>> -> memref<632x128xf32, #tpu.memory_space<vmem_shared>>
    %dma_start3A_6 = arith.constant 0 : i32
    %dma_start3A_7 = tpu.memref_slice %arg4[%mul3A_2, %dma_start3A_6] : memref<10112x128xf32, #tpu.memory_space<hbm>> -> memref<632x128xf32, #tpu.memory_space<hbm>>
    tpu.enqueue_dma source(%dma_start3A_7 : memref<632x128xf32, #tpu.memory_space<hbm>>) target(%dma_start3A_5 : memref<632x128xf32, #tpu.memory_space<vmem_shared>>) target_semaphore(%arg21 : memref<!tpu.dma_semaphore, #tpu.memory_space<semaphore_mem>>)
    %dma_start3A_8 = arith.constant 0 : i32
    %dma_start3A_9 = arith.constant 0 : i32
    %dma_start3A_10 = arith.constant 0 : i32
    %dma_start3A_11 = arith.constant 0 : i32
    %dma_start3A_12 = tpu.memref_slice %arg7[%dma_start3A_9, %dma_start3A_10, %dma_start3A_11] : memref<6x2x120xi32, #tpu.memory_space<vmem>> -> memref<1x2x120xi32, #tpu.memory_space<vmem>>
    %dma_start3A_13 = tpu.memref_squeeze %dma_start3A_12 : memref<1x2x120xi32, #tpu.memory_space<vmem>> -> memref<2x120xi32, #tpu.memory_space<vmem>>
    %dma_start3A_14 = arith.constant 0 : i32
    %dma_start3A_15 = arith.constant 0 : i32
    %dma_start3A_16 = tpu.memref_slice %arg3[%add3A, %dma_start3A_8, %dma_start3A_14, %dma_start3A_15] : memref<32x84x2x120xi32, #tpu.memory_space<hbm>> -> memref<1x1x2x120xi32, #tpu.memory_space<hbm>>
    %dma_start3A_17 = tpu.memref_squeeze %dma_start3A_16 : memref<1x1x2x120xi32, #tpu.memory_space<hbm>> -> memref<2x120xi32, #tpu.memory_space<hbm>>
    %dma_start3A_18 = arith.constant 0 : i32
    %dma_start3A_19 = arith.constant 0 : i32
    %dma_start3A_20 = tpu.memref_slice %arg7[%dma_start3A_9, %dma_start3A_18, %dma_start3A_19] : memref<6x2x120xi32, #tpu.memory_space<vmem>> -> memref<1x2x120xi32, #tpu.memory_space<vmem>>
    %dma_start3A_21 = tpu.memref_squeeze %dma_start3A_20 : memref<1x2x120xi32, #tpu.memory_space<vmem>> -> memref<2x120xi32, #tpu.memory_space<vmem>>
    %dma_start3A_22 = arith.constant 0 : i32
    %dma_start3A_23 = arith.constant 0 : i32
    %dma_start3A_24 = tpu.memref_slice %arg3[%add3A, %dma_start3A_8, %dma_start3A_22, %dma_start3A_23] : memref<32x84x2x120xi32, #tpu.memory_space<hbm>> -> memref<1x1x2x120xi32, #tpu.memory_space<hbm>>
    %dma_start3A_25 = tpu.memref_squeeze %dma_start3A_24 : memref<1x1x2x120xi32, #tpu.memory_space<hbm>> -> memref<2x120xi32, #tpu.memory_space<hbm>>
    tpu.enqueue_dma source(%dma_start3A_25 : memref<2x120xi32, #tpu.memory_space<hbm>>) target(%dma_start3A_21 : memref<2x120xi32, #tpu.memory_space<vmem>>) target_semaphore(%arg9 : memref<!tpu.dma_semaphore, #tpu.memory_space<semaphore_mem>>)
    %dma_start3A_26 = arith.constant 1 : i32
    %dma_start3A_27 = arith.constant 1 : i32
    %dma_start3A_28 = arith.constant 0 : i32
    %dma_start3A_29 = arith.constant 0 : i32
    %dma_start3A_30 = tpu.memref_slice %arg7[%dma_start3A_27, %dma_start3A_28, %dma_start3A_29] : memref<6x2x120xi32, #tpu.memory_space<vmem>> -> memref<1x2x120xi32, #tpu.memory_space<vmem>>
    %dma_start3A_31 = tpu.memref_squeeze %dma_start3A_30 : memref<1x2x120xi32, #tpu.memory_space<vmem>> -> memref<2x120xi32, #tpu.memory_space<vmem>>
    %dma_start3A_32 = arith.constant 0 : i32
    %dma_start3A_33 = arith.constant 0 : i32
    %dma_start3A_34 = tpu.memref_slice %arg3[%add3A, %dma_start3A_26, %dma_start3A_32, %dma_start3A_33] : memref<32x84x2x120xi32, #tpu.memory_space<hbm>> -> memref<1x1x2x120xi32, #tpu.memory_space<hbm>>
    %dma_start3A_35 = tpu.memref_squeeze %dma_start3A_34 : memref<1x1x2x120xi32, #tpu.memory_space<hbm>> -> memref<2x120xi32, #tpu.memory_space<hbm>>
    %dma_start3A_36 = arith.constant 0 : i32
    %dma_start3A_37 = arith.constant 0 : i32
    %dma_start3A_38 = tpu.memref_slice %arg7[%dma_start3A_27, %dma_start3A_36, %dma_start3A_37] : memref<6x2x120xi32, #tpu.memory_space<vmem>> -> memref<1x2x120xi32, #tpu.memory_space<vmem>>
    %dma_start3A_39 = tpu.memref_squeeze %dma_start3A_38 : memref<1x2x120xi32, #tpu.memory_space<vmem>> -> memref<2x120xi32, #tpu.memory_space<vmem>>
    %dma_start3A_40 = arith.constant 0 : i32
    %dma_start3A_41 = arith.constant 0 : i32
    %dma_start3A_42 = tpu.memref_slice %arg3[%add3A, %dma_start3A_26, %dma_start3A_40, %dma_start3A_41] : memref<32x84x2x120xi32, #tpu.memory_space<hbm>> -> memref<1x1x2x120xi32, #tpu.memory_space<hbm>>
    %dma_start3A_43 = tpu.memref_squeeze %dma_start3A_42 : memref<1x1x2x120xi32, #tpu.memory_space<hbm>> -> memref<2x120xi32, #tpu.memory_space<hbm>>
    tpu.enqueue_dma source(%dma_start3A_43 : memref<2x120xi32, #tpu.memory_space<hbm>>) target(%dma_start3A_39 : memref<2x120xi32, #tpu.memory_space<vmem>>) target_semaphore(%arg10 : memref<!tpu.dma_semaphore, #tpu.memory_space<semaphore_mem>>)
    %dma_start3A_44 = arith.constant 2 : i32
    %dma_start3A_45 = arith.constant 2 : i32
    %dma_start3A_46 = arith.constant 0 : i32
    %dma_start3A_47 = arith.constant 0 : i32
    %dma_start3A_48 = tpu.memref_slice %arg7[%dma_start3A_45, %dma_start3A_46, %dma_start3A_47] : memref<6x2x120xi32, #tpu.memory_space<vmem>> -> memref<1x2x120xi32, #tpu.memory_space<vmem>>
    %dma_start3A_49 = tpu.memref_squeeze %dma_start3A_48 : memref<1x2x120xi32, #tpu.memory_space<vmem>> -> memref<2x120xi32, #tpu.memory_space<vmem>>
    %dma_start3A_50 = arith.constant 0 : i32
    %dma_start3A_51 = arith.constant 0 : i32
    %dma_start3A_52 = tpu.memref_slice %arg3[%add3A, %dma_start3A_44, %dma_start3A_50, %dma_start3A_51] : memref<32x84x2x120xi32, #tpu.memory_space<hbm>> -> memref<1x1x2x120xi32, #tpu.memory_space<hbm>>
    %dma_start3A_53 = tpu.memref_squeeze %dma_start3A_52 : memref<1x1x2x120xi32, #tpu.memory_space<hbm>> -> memref<2x120xi32, #tpu.memory_space<hbm>>
    %dma_start3A_54 = arith.constant 0 : i32
    %dma_start3A_55 = arith.constant 0 : i32
    %dma_start3A_56 = tpu.memref_slice %arg7[%dma_start3A_45, %dma_start3A_54, %dma_start3A_55] : memref<6x2x120xi32, #tpu.memory_space<vmem>> -> memref<1x2x120xi32, #tpu.memory_space<vmem>>
    %dma_start3A_57 = tpu.memref_squeeze %dma_start3A_56 : memref<1x2x120xi32, #tpu.memory_space<vmem>> -> memref<2x120xi32, #tpu.memory_space<vmem>>
    %dma_start3A_58 = arith.constant 0 : i32
    %dma_start3A_59 = arith.constant 0 : i32
    %dma_start3A_60 = tpu.memref_slice %arg3[%add3A, %dma_start3A_44, %dma_start3A_58, %dma_start3A_59] : memref<32x84x2x120xi32, #tpu.memory_space<hbm>> -> memref<1x1x2x120xi32, #tpu.memory_space<hbm>>
    %dma_start3A_61 = tpu.memref_squeeze %dma_start3A_60 : memref<1x1x2x120xi32, #tpu.memory_space<hbm>> -> memref<2x120xi32, #tpu.memory_space<hbm>>
    tpu.enqueue_dma source(%dma_start3A_61 : memref<2x120xi32, #tpu.memory_space<hbm>>) target(%dma_start3A_57 : memref<2x120xi32, #tpu.memory_space<vmem>>) target_semaphore(%arg11 : memref<!tpu.dma_semaphore, #tpu.memory_space<semaphore_mem>>)
    %dma_start3A_62 = arith.constant 3 : i32
    %dma_start3A_63 = arith.constant 3 : i32
    %dma_start3A_64 = arith.constant 0 : i32
    %dma_start3A_65 = arith.constant 0 : i32
    %dma_start3A_66 = tpu.memref_slice %arg7[%dma_start3A_63, %dma_start3A_64, %dma_start3A_65] : memref<6x2x120xi32, #tpu.memory_space<vmem>> -> memref<1x2x120xi32, #tpu.memory_space<vmem>>
    %dma_start3A_67 = tpu.memref_squeeze %dma_start3A_66 : memref<1x2x120xi32, #tpu.memory_space<vmem>> -> memref<2x120xi32, #tpu.memory_space<vmem>>
    %dma_start3A_68 = arith.constant 0 : i32
    %dma_start3A_69 = arith.constant 0 : i32
    %dma_start3A_70 = tpu.memref_slice %arg3[%add3A, %dma_start3A_62, %dma_start3A_68, %dma_start3A_69] : memref<32x84x2x120xi32, #tpu.memory_space<hbm>> -> memref<1x1x2x120xi32, #tpu.memory_space<hbm>>
    %dma_start3A_71 = tpu.memref_squeeze %dma_start3A_70 : memref<1x1x2x120xi32, #tpu.memory_space<hbm>> -> memref<2x120xi32, #tpu.memory_space<hbm>>
    %dma_start3A_72 = arith.constant 0 : i32
    %dma_start3A_73 = arith.constant 0 : i32
    %dma_start3A_74 = tpu.memref_slice %arg7[%dma_start3A_63, %dma_start3A_72, %dma_start3A_73] : memref<6x2x120xi32, #tpu.memory_space<vmem>> -> memref<1x2x120xi32, #tpu.memory_space<vmem>>
    %dma_start3A_75 = tpu.memref_squeeze %dma_start3A_74 : memref<1x2x120xi32, #tpu.memory_space<vmem>> -> memref<2x120xi32, #tpu.memory_space<vmem>>
    %dma_start3A_76 = arith.constant 0 : i32
    %dma_start3A_77 = arith.constant 0 : i32
    %dma_start3A_78 = tpu.memref_slice %arg3[%add3A, %dma_start3A_62, %dma_start3A_76, %dma_start3A_77] : memref<32x84x2x120xi32, #tpu.memory_space<hbm>> -> memref<1x1x2x120xi32, #tpu.memory_space<hbm>>
    %dma_start3A_79 = tpu.memref_squeeze %dma_start3A_78 : memref<1x1x2x120xi32, #tpu.memory_space<hbm>> -> memref<2x120xi32, #tpu.memory_space<hbm>>
    tpu.enqueue_dma source(%dma_start3A_79 : memref<2x120xi32, #tpu.memory_space<hbm>>) target(%dma_start3A_75 : memref<2x120xi32, #tpu.memory_space<vmem>>) target_semaphore(%arg12 : memref<!tpu.dma_semaphore, #tpu.memory_space<semaphore_mem>>)
    %dma_wait3A = arith.constant 0 : i32
    %dma_wait3A_80 = arith.constant 0 : i32
    %dma_wait3A_81 = arith.constant 0 : i32
    %dma_wait3A_82 = arith.constant 0 : i32
    %dma_wait3A_83 = tpu.memref_slice %arg7[%dma_wait3A_80, %dma_wait3A_81, %dma_wait3A_82] : memref<6x2x120xi32, #tpu.memory_space<vmem>> -> memref<1x2x120xi32, #tpu.memory_space<vmem>>
    %dma_wait3A_84 = tpu.memref_squeeze %dma_wait3A_83 : memref<1x2x120xi32, #tpu.memory_space<vmem>> -> memref<2x120xi32, #tpu.memory_space<vmem>>
    %dma_wait3A_85 = arith.constant 0 : i32
    %dma_wait3A_86 = arith.constant 0 : i32
    %dma_wait3A_87 = tpu.memref_slice %arg3[%add3A, %dma_wait3A, %dma_wait3A_85, %dma_wait3A_86] : memref<32x84x2x120xi32, #tpu.memory_space<hbm>> -> memref<1x1x2x120xi32, #tpu.memory_space<hbm>>
    %dma_wait3A_88 = tpu.memref_squeeze %dma_wait3A_87 : memref<1x1x2x120xi32, #tpu.memory_space<hbm>> -> memref<2x120xi32, #tpu.memory_space<hbm>>
    %dma_wait3A_89 = arith.constant 0 : i32
    %dma_wait3A_90 = arith.constant 0 : i32
    %dma_wait3A_91 = tpu.memref_slice %arg7[%dma_wait3A_80, %dma_wait3A_89, %dma_wait3A_90] : memref<6x2x120xi32, #tpu.memory_space<vmem>> -> memref<1x2x120xi32, #tpu.memory_space<vmem>>
    %dma_wait3A_92 = tpu.memref_squeeze %dma_wait3A_91 : memref<1x2x120xi32, #tpu.memory_space<vmem>> -> memref<2x120xi32, #tpu.memory_space<vmem>>
    %dma_wait3A_93 = arith.constant 0 : i32
    %dma_wait3A_94 = arith.constant 0 : i32
    %dma_wait3A_95 = tpu.memref_slice %arg3[%add3A, %dma_wait3A, %dma_wait3A_93, %dma_wait3A_94] : memref<32x84x2x120xi32, #tpu.memory_space<hbm>> -> memref<1x1x2x120xi32, #tpu.memory_space<hbm>>
    %dma_wait3A_96 = tpu.memref_squeeze %dma_wait3A_95 : memref<1x1x2x120xi32, #tpu.memory_space<hbm>> -> memref<2x120xi32, #tpu.memory_space<hbm>>
    tpu.wait_dma2 semaphore(%arg9 : memref<!tpu.dma_semaphore, #tpu.memory_space<semaphore_mem>>) src(%dma_wait3A_96 : memref<2x120xi32, #tpu.memory_space<hbm>>) dst(%dma_wait3A_92 : memref<2x120xi32, #tpu.memory_space<vmem>>)
    %dma_start3A_97 = arith.constant 0 : i32
    %dma_start3A_98 = arith.constant 0 : i32
    %dma_start3A_99 = arith.constant 0 : i32
    %dma_start3A_100 = arith.constant 0 : i32
    %dma_start3A_101 = arith.constant 0 : i32
    %dma_start3A_102 = tpu.memref_slice %arg8[%dma_start3A_99, %dma_start3A_100, %dma_start3A_101] : memref<3x120x128xf32, #tpu.memory_space<vmem>> -> memref<1x120x128xf32, #tpu.memory_space<vmem>>
    %dma_start3A_103 = tpu.memref_squeeze %dma_start3A_102 : memref<1x120x128xf32, #tpu.memory_space<vmem>> -> memref<120x128xf32, #tpu.memory_space<vmem>>
    %dma_start3A_104 = arith.constant 0 : i32
    %dma_start3A_105 = tpu.memref_slice %arg7[%dma_start3A_97, %dma_start3A_98, %dma_start3A_104] : memref<6x2x120xi32, #tpu.memory_space<vmem>> -> memref<1x1x120xi32, #tpu.memory_space<vmem>>
    %dma_start3A_106 = tpu.memref_squeeze %dma_start3A_105 : memref<1x1x120xi32, #tpu.memory_space<vmem>> -> memref<120xi32, #tpu.memory_space<vmem>>
    %dma_start3A_107 = arith.constant 0 : i32
    %dma_start3A_108 = arith.constant 0 : i32
    %dma_start3A_109 = tpu.memref_slice %arg2[%dma_start3A_107, %dma_start3A_108] : memref<10112x128xf32, #tpu.memory_space<hbm>> -> memref<10112x128xf32, #tpu.memory_space<hbm>>
    tpu.enqueue_indirect_dma source(%dma_start3A_109 : memref<10112x128xf32, #tpu.memory_space<hbm>>) target(%dma_start3A_103 : memref<120x128xf32, #tpu.memory_space<vmem>>) offsets(%dma_start3A_106 : memref<120xi32, #tpu.memory_space<vmem>>) semaphore(%arg15 : memref<!tpu.dma_semaphore, #tpu.memory_space<semaphore_mem>>)
    %dma_start3A_110 = arith.constant 4 : i32
    %dma_start3A_111 = arith.constant 4 : i32
    %dma_start3A_112 = arith.constant 0 : i32
    %dma_start3A_113 = arith.constant 0 : i32
    %dma_start3A_114 = tpu.memref_slice %arg7[%dma_start3A_111, %dma_start3A_112, %dma_start3A_113] : memref<6x2x120xi32, #tpu.memory_space<vmem>> -> memref<1x2x120xi32, #tpu.memory_space<vmem>>
    %dma_start3A_115 = tpu.memref_squeeze %dma_start3A_114 : memref<1x2x120xi32, #tpu.memory_space<vmem>> -> memref<2x120xi32, #tpu.memory_space<vmem>>
    %dma_start3A_116 = arith.constant 0 : i32
    %dma_start3A_117 = arith.constant 0 : i32
    %dma_start3A_118 = tpu.memref_slice %arg3[%add3A, %dma_start3A_110, %dma_start3A_116, %dma_start3A_117] : memref<32x84x2x120xi32, #tpu.memory_space<hbm>> -> memref<1x1x2x120xi32, #tpu.memory_space<hbm>>
    %dma_start3A_119 = tpu.memref_squeeze %dma_start3A_118 : memref<1x1x2x120xi32, #tpu.memory_space<hbm>> -> memref<2x120xi32, #tpu.memory_space<hbm>>
    %dma_start3A_120 = arith.constant 0 : i32
    %dma_start3A_121 = arith.constant 0 : i32
    %dma_start3A_122 = tpu.memref_slice %arg7[%dma_start3A_111, %dma_start3A_120, %dma_start3A_121] : memref<6x2x120xi32, #tpu.memory_space<vmem>> -> memref<1x2x120xi32, #tpu.memory_space<vmem>>
    %dma_start3A_123 = tpu.memref_squeeze %dma_start3A_122 : memref<1x2x120xi32, #tpu.memory_space<vmem>> -> memref<2x120xi32, #tpu.memory_space<vmem>>
    %dma_start3A_124 = arith.constant 0 : i32
    %dma_start3A_125 = arith.constant 0 : i32
    %dma_start3A_126 = tpu.memref_slice %arg3[%add3A, %dma_start3A_110, %dma_start3A_124, %dma_start3A_125] : memref<32x84x2x120xi32, #tpu.memory_space<hbm>> -> memref<1x1x2x120xi32, #tpu.memory_space<hbm>>
    %dma_start3A_127 = tpu.memref_squeeze %dma_start3A_126 : memref<1x1x2x120xi32, #tpu.memory_space<hbm>> -> memref<2x120xi32, #tpu.memory_space<hbm>>
    tpu.enqueue_dma source(%dma_start3A_127 : memref<2x120xi32, #tpu.memory_space<hbm>>) target(%dma_start3A_123 : memref<2x120xi32, #tpu.memory_space<vmem>>) target_semaphore(%arg13 : memref<!tpu.dma_semaphore, #tpu.memory_space<semaphore_mem>>)
    %dma_wait3A_128 = arith.constant 0 : i32
    %dma_wait3A_129 = arith.constant 1 : i32
    %dma_wait3A_130 = arith.constant 0 : i32
    %dma_wait3A_131 = arith.constant 0 : i32
    %dma_wait3A_132 = tpu.memref_slice %arg7[%dma_wait3A_129, %dma_wait3A_130, %dma_wait3A_131] : memref<6x2x120xi32, #tpu.memory_space<vmem>> -> memref<1x2x120xi32, #tpu.memory_space<vmem>>
    %dma_wait3A_133 = tpu.memref_squeeze %dma_wait3A_132 : memref<1x2x120xi32, #tpu.memory_space<vmem>> -> memref<2x120xi32, #tpu.memory_space<vmem>>
    %dma_wait3A_134 = arith.constant 0 : i32
    %dma_wait3A_135 = arith.constant 0 : i32
    %dma_wait3A_136 = tpu.memref_slice %arg3[%add3A, %dma_wait3A_128, %dma_wait3A_134, %dma_wait3A_135] : memref<32x84x2x120xi32, #tpu.memory_space<hbm>> -> memref<1x1x2x120xi32, #tpu.memory_space<hbm>>
    %dma_wait3A_137 = tpu.memref_squeeze %dma_wait3A_136 : memref<1x1x2x120xi32, #tpu.memory_space<hbm>> -> memref<2x120xi32, #tpu.memory_space<hbm>>
    %dma_wait3A_138 = arith.constant 0 : i32
    %dma_wait3A_139 = arith.constant 0 : i32
    %dma_wait3A_140 = tpu.memref_slice %arg7[%dma_wait3A_129, %dma_wait3A_138, %dma_wait3A_139] : memref<6x2x120xi32, #tpu.memory_space<vmem>> -> memref<1x2x120xi32, #tpu.memory_space<vmem>>
    %dma_wait3A_141 = tpu.memref_squeeze %dma_wait3A_140 : memref<1x2x120xi32, #tpu.memory_space<vmem>> -> memref<2x120xi32, #tpu.memory_space<vmem>>
    %dma_wait3A_142 = arith.constant 0 : i32
    %dma_wait3A_143 = arith.constant 0 : i32
    %dma_wait3A_144 = tpu.memref_slice %arg3[%add3A, %dma_wait3A_128, %dma_wait3A_142, %dma_wait3A_143] : memref<32x84x2x120xi32, #tpu.memory_space<hbm>> -> memref<1x1x2x120xi32, #tpu.memory_space<hbm>>
    %dma_wait3A_145 = tpu.memref_squeeze %dma_wait3A_144 : memref<1x1x2x120xi32, #tpu.memory_space<hbm>> -> memref<2x120xi32, #tpu.memory_space<hbm>>
    tpu.wait_dma2 semaphore(%arg10 : memref<!tpu.dma_semaphore, #tpu.memory_space<semaphore_mem>>) src(%dma_wait3A_145 : memref<2x120xi32, #tpu.memory_space<hbm>>) dst(%dma_wait3A_141 : memref<2x120xi32, #tpu.memory_space<vmem>>)
    %dma_start3A_146 = arith.constant 1 : i32
    %dma_start3A_147 = arith.constant 0 : i32
    %dma_start3A_148 = arith.constant 1 : i32
    %dma_start3A_149 = arith.constant 0 : i32
    %dma_start3A_150 = arith.constant 0 : i32
    %dma_start3A_151 = tpu.memref_slice %arg8[%dma_start3A_148, %dma_start3A_149, %dma_start3A_150] : memref<3x120x128xf32, #tpu.memory_space<vmem>> -> memref<1x120x128xf32, #tpu.memory_space<vmem>>
    %dma_start3A_152 = tpu.memref_squeeze %dma_start3A_151 : memref<1x120x128xf32, #tpu.memory_space<vmem>> -> memref<120x128xf32, #tpu.memory_space<vmem>>
    %dma_start3A_153 = arith.constant 0 : i32
    %dma_start3A_154 = tpu.memref_slice %arg7[%dma_start3A_146, %dma_start3A_147, %dma_start3A_153] : memref<6x2x120xi32, #tpu.memory_space<vmem>> -> memref<1x1x120xi32, #tpu.memory_space<vmem>>
    %dma_start3A_155 = tpu.memref_squeeze %dma_start3A_154 : memref<1x1x120xi32, #tpu.memory_space<vmem>> -> memref<120xi32, #tpu.memory_space<vmem>>
    %dma_start3A_156 = arith.constant 0 : i32
    %dma_start3A_157 = arith.constant 0 : i32
    %dma_start3A_158 = tpu.memref_slice %arg2[%dma_start3A_156, %dma_start3A_157] : memref<10112x128xf32, #tpu.memory_space<hbm>> -> memref<10112x128xf32, #tpu.memory_space<hbm>>
    tpu.enqueue_indirect_dma source(%dma_start3A_158 : memref<10112x128xf32, #tpu.memory_space<hbm>>) target(%dma_start3A_152 : memref<120x128xf32, #tpu.memory_space<vmem>>) offsets(%dma_start3A_155 : memref<120xi32, #tpu.memory_space<vmem>>) semaphore(%arg16 : memref<!tpu.dma_semaphore, #tpu.memory_space<semaphore_mem>>)
    %mul3A_159 = arith.constant 632 : i32
    %mul3A_160 = arith.muli %arg1, %mul3A_159 : i32
    %mul3A_161 = arith.constant 632 : i32
    %mul3A_162 = arith.muli %arg1, %mul3A_161 : i32
    %dma_wait3A_163 = arith.constant 0 : i32
    %dma_wait3A_164 = tpu.memref_slice %arg6[%mul3A_162, %dma_wait3A_163] : memref<10112x128xf32, #tpu.memory_space<vmem_shared>> -> memref<632x128xf32, #tpu.memory_space<vmem_shared>>
    %dma_wait3A_165 = arith.constant 0 : i32
    %dma_wait3A_166 = tpu.memref_slice %arg4[%mul3A_160, %dma_wait3A_165] : memref<10112x128xf32, #tpu.memory_space<hbm>> -> memref<632x128xf32, #tpu.memory_space<hbm>>
    tpu.wait_dma2 semaphore(%arg21 : memref<!tpu.dma_semaphore, #tpu.memory_space<semaphore_mem>>) src(%dma_wait3A_166 : memref<632x128xf32, #tpu.memory_space<hbm>>) dst(%dma_wait3A_164 : memref<632x128xf32, #tpu.memory_space<vmem_shared>>)
    %barrier3A = arith.constant 0 : index
    tpu.barrier barrier_id(%barrier3A)
    %dma_start3A_167 = arith.constant 5 : i32
    %dma_start3A_168 = arith.constant 5 : i32
    %dma_start3A_169 = arith.constant 0 : i32
    %dma_start3A_170 = arith.constant 0 : i32
    %dma_start3A_171 = tpu.memref_slice %arg7[%dma_start3A_168, %dma_start3A_169, %dma_start3A_170] : memref<6x2x120xi32, #tpu.memory_space<vmem>> -> memref<1x2x120xi32, #tpu.memory_space<vmem>>
    %dma_start3A_172 = tpu.memref_squeeze %dma_start3A_171 : memref<1x2x120xi32, #tpu.memory_space<vmem>> -> memref<2x120xi32, #tpu.memory_space<vmem>>
    %dma_start3A_173 = arith.constant 0 : i32
    %dma_start3A_174 = arith.constant 0 : i32
    %dma_start3A_175 = tpu.memref_slice %arg3[%add3A, %dma_start3A_167, %dma_start3A_173, %dma_start3A_174] : memref<32x84x2x120xi32, #tpu.memory_space<hbm>> -> memref<1x1x2x120xi32, #tpu.memory_space<hbm>>
    %dma_start3A_176 = tpu.memref_squeeze %dma_start3A_175 : memref<1x1x2x120xi32, #tpu.memory_space<hbm>> -> memref<2x120xi32, #tpu.memory_space<hbm>>
    %dma_start3A_177 = arith.constant 0 : i32
    %dma_start3A_178 = arith.constant 0 : i32
    %dma_start3A_179 = tpu.memref_slice %arg7[%dma_start3A_168, %dma_start3A_177, %dma_start3A_178] : memref<6x2x120xi32, #tpu.memory_space<vmem>> -> memref<1x2x120xi32, #tpu.memory_space<vmem>>
    %dma_start3A_180 = tpu.memref_squeeze %dma_start3A_179 : memref<1x2x120xi32, #tpu.memory_space<vmem>> -> memref<2x120xi32, #tpu.memory_space<vmem>>
    %dma_start3A_181 = arith.constant 0 : i32
    %dma_start3A_182 = arith.constant 0 : i32
    %dma_start3A_183 = tpu.memref_slice %arg3[%add3A, %dma_start3A_167, %dma_start3A_181, %dma_start3A_182] : memref<32x84x2x120xi32, #tpu.memory_space<hbm>> -> memref<1x1x2x120xi32, #tpu.memory_space<hbm>>
    %dma_start3A_184 = tpu.memref_squeeze %dma_start3A_183 : memref<1x1x2x120xi32, #tpu.memory_space<hbm>> -> memref<2x120xi32, #tpu.memory_space<hbm>>
    tpu.enqueue_dma source(%dma_start3A_184 : memref<2x120xi32, #tpu.memory_space<hbm>>) target(%dma_start3A_180 : memref<2x120xi32, #tpu.memory_space<vmem>>) target_semaphore(%arg14 : memref<!tpu.dma_semaphore, #tpu.memory_space<semaphore_mem>>)
    %dma_wait3A_185 = arith.constant 0 : i32
    %dma_wait3A_186 = arith.constant 2 : i32
    %dma_wait3A_187 = arith.constant 0 : i32
    %dma_wait3A_188 = arith.constant 0 : i32
    %dma_wait3A_189 = tpu.memref_slice %arg7[%dma_wait3A_186, %dma_wait3A_187, %dma_wait3A_188] : memref<6x2x120xi32, #tpu.memory_space<vmem>> -> memref<1x2x120xi32, #tpu.memory_space<vmem>>
    %dma_wait3A_190 = tpu.memref_squeeze %dma_wait3A_189 : memref<1x2x120xi32, #tpu.memory_space<vmem>> -> memref<2x120xi32, #tpu.memory_space<vmem>>
    %dma_wait3A_191 = arith.constant 0 : i32
    %dma_wait3A_192 = arith.constant 0 : i32
    %dma_wait3A_193 = tpu.memref_slice %arg3[%add3A, %dma_wait3A_185, %dma_wait3A_191, %dma_wait3A_192] : memref<32x84x2x120xi32, #tpu.memory_space<hbm>> -> memref<1x1x2x120xi32, #tpu.memory_space<hbm>>
    %dma_wait3A_194 = tpu.memref_squeeze %dma_wait3A_193 : memref<1x1x2x120xi32, #tpu.memory_space<hbm>> -> memref<2x120xi32, #tpu.memory_space<hbm>>
    %dma_wait3A_195 = arith.constant 0 : i32
    %dma_wait3A_196 = arith.constant 0 : i32
    %dma_wait3A_197 = tpu.memref_slice %arg7[%dma_wait3A_186, %dma_wait3A_195, %dma_wait3A_196] : memref<6x2x120xi32, #tpu.memory_space<vmem>> -> memref<1x2x120xi32, #tpu.memory_space<vmem>>
    %dma_wait3A_198 = tpu.memref_squeeze %dma_wait3A_197 : memref<1x2x120xi32, #tpu.memory_space<vmem>> -> memref<2x120xi32, #tpu.memory_space<vmem>>
    %dma_wait3A_199 = arith.constant 0 : i32
    %dma_wait3A_200 = arith.constant 0 : i32
    %dma_wait3A_201 = tpu.memref_slice %arg3[%add3A, %dma_wait3A_185, %dma_wait3A_199, %dma_wait3A_200] : memref<32x84x2x120xi32, #tpu.memory_space<hbm>> -> memref<1x1x2x120xi32, #tpu.memory_space<hbm>>
    %dma_wait3A_202 = tpu.memref_squeeze %dma_wait3A_201 : memref<1x1x2x120xi32, #tpu.memory_space<hbm>> -> memref<2x120xi32, #tpu.memory_space<hbm>>
    tpu.wait_dma2 semaphore(%arg11 : memref<!tpu.dma_semaphore, #tpu.memory_space<semaphore_mem>>) src(%dma_wait3A_202 : memref<2x120xi32, #tpu.memory_space<hbm>>) dst(%dma_wait3A_198 : memref<2x120xi32, #tpu.memory_space<vmem>>)
    %dma_start3A_203 = arith.constant 2 : i32
    %dma_start3A_204 = arith.constant 0 : i32
    %dma_start3A_205 = arith.constant 2 : i32
    %dma_start3A_206 = arith.constant 0 : i32
    %dma_start3A_207 = arith.constant 0 : i32
    %dma_start3A_208 = tpu.memref_slice %arg8[%dma_start3A_205, %dma_start3A_206, %dma_start3A_207] : memref<3x120x128xf32, #tpu.memory_space<vmem>> -> memref<1x120x128xf32, #tpu.memory_space<vmem>>
    %dma_start3A_209 = tpu.memref_squeeze %dma_start3A_208 : memref<1x120x128xf32, #tpu.memory_space<vmem>> -> memref<120x128xf32, #tpu.memory_space<vmem>>
    %dma_start3A_210 = arith.constant 0 : i32
    %dma_start3A_211 = tpu.memref_slice %arg7[%dma_start3A_203, %dma_start3A_204, %dma_start3A_210] : memref<6x2x120xi32, #tpu.memory_space<vmem>> -> memref<1x1x120xi32, #tpu.memory_space<vmem>>
    %dma_start3A_212 = tpu.memref_squeeze %dma_start3A_211 : memref<1x1x120xi32, #tpu.memory_space<vmem>> -> memref<120xi32, #tpu.memory_space<vmem>>
    %dma_start3A_213 = arith.constant 0 : i32
    %dma_start3A_214 = arith.constant 0 : i32
    %dma_start3A_215 = tpu.memref_slice %arg2[%dma_start3A_213, %dma_start3A_214] : memref<10112x128xf32, #tpu.memory_space<hbm>> -> memref<10112x128xf32, #tpu.memory_space<hbm>>
    tpu.enqueue_indirect_dma source(%dma_start3A_215 : memref<10112x128xf32, #tpu.memory_space<hbm>>) target(%dma_start3A_209 : memref<120x128xf32, #tpu.memory_space<vmem>>) offsets(%dma_start3A_212 : memref<120xi32, #tpu.memory_space<vmem>>) semaphore(%arg17 : memref<!tpu.dma_semaphore, #tpu.memory_space<semaphore_mem>>)
    %dma_wait3A_216 = arith.constant 0 : i32
    %dma_wait3A_217 = arith.constant 0 : i32
    %dma_wait3A_218 = arith.constant 0 : i32
    %dma_wait3A_219 = tpu.memref_slice %arg8[%dma_wait3A_216, %dma_wait3A_217, %dma_wait3A_218] : memref<3x120x128xf32, #tpu.memory_space<vmem>> -> memref<1x120x128xf32, #tpu.memory_space<vmem>>
    %dma_wait3A_220 = tpu.memref_squeeze %dma_wait3A_219 : memref<1x120x128xf32, #tpu.memory_space<vmem>> -> memref<120x128xf32, #tpu.memory_space<vmem>>
    %dma_wait3A_221 = arith.constant 0 : i32
    %dma_wait3A_222 = arith.constant 0 : i32
    %dma_wait3A_223 = tpu.memref_slice %arg2[%dma_wait3A_221, %dma_wait3A_222] : memref<10112x128xf32, #tpu.memory_space<hbm>> -> memref<120x128xf32, #tpu.memory_space<hbm>>
    %dma_wait3A_224 = arith.constant 0 : i32
    %dma_wait3A_225 = arith.constant 0 : i32
    %dma_wait3A_226 = tpu.memref_slice %arg8[%dma_wait3A_216, %dma_wait3A_224, %dma_wait3A_225] : memref<3x120x128xf32, #tpu.memory_space<vmem>> -> memref<1x120x128xf32, #tpu.memory_space<vmem>>
    %dma_wait3A_227 = tpu.memref_squeeze %dma_wait3A_226 : memref<1x120x128xf32, #tpu.memory_space<vmem>> -> memref<120x128xf32, #tpu.memory_space<vmem>>
    %dma_wait3A_228 = arith.constant 0 : i32
    %dma_wait3A_229 = arith.constant 0 : i32
    %dma_wait3A_230 = tpu.memref_slice %arg2[%dma_wait3A_228, %dma_wait3A_229] : memref<10112x128xf32, #tpu.memory_space<hbm>> -> memref<120x128xf32, #tpu.memory_space<hbm>>
    tpu.wait_dma2 semaphore(%arg15 : memref<!tpu.dma_semaphore, #tpu.memory_space<semaphore_mem>>) src(%dma_wait3A_230 : memref<120x128xf32, #tpu.memory_space<hbm>>) dst(%dma_wait3A_227 : memref<120x128xf32, #tpu.memory_space<vmem>>)
    %dma_start3A_231 = arith.constant 0 : i32
    %dma_start3A_232 = arith.constant 0 : i32
    %dma_start3A_233 = arith.constant 1 : i32
    %dma_start3A_234 = arith.constant 0 : i32
    %dma_start3A_235 = arith.constant 0 : i32
    %dma_start3A_236 = tpu.memref_slice %arg8[%dma_start3A_231, %dma_start3A_234, %dma_start3A_235] : memref<3x120x128xf32, #tpu.memory_space<vmem>> -> memref<1x120x128xf32, #tpu.memory_space<vmem>>
    %dma_start3A_237 = tpu.memref_squeeze %dma_start3A_236 : memref<1x120x128xf32, #tpu.memory_space<vmem>> -> memref<120x128xf32, #tpu.memory_space<vmem>>
    %dma_start3A_238 = arith.constant 0 : i32
    %dma_start3A_239 = tpu.memref_slice %arg7[%dma_start3A_232, %dma_start3A_233, %dma_start3A_238] : memref<6x2x120xi32, #tpu.memory_space<vmem>> -> memref<1x1x120xi32, #tpu.memory_space<vmem>>
    %dma_start3A_240 = tpu.memref_squeeze %dma_start3A_239 : memref<1x1x120xi32, #tpu.memory_space<vmem>> -> memref<120xi32, #tpu.memory_space<vmem>>
    %dma_start3A_241 = arith.constant 0 : i32
    %dma_start3A_242 = arith.constant 0 : i32
    %dma_start3A_243 = tpu.memref_slice %arg6[%dma_start3A_241, %dma_start3A_242] : memref<10112x128xf32, #tpu.memory_space<vmem_shared>> -> memref<10112x128xf32, #tpu.memory_space<vmem_shared>>
    tpu.enqueue_indirect_dma source(%dma_start3A_237 : memref<120x128xf32, #tpu.memory_space<vmem>>) target(%dma_start3A_243 : memref<10112x128xf32, #tpu.memory_space<vmem_shared>>) offsets(%dma_start3A_240 : memref<120xi32, #tpu.memory_space<vmem>>) semaphore(%arg18 : memref<!tpu.dma_semaphore, #tpu.memory_space<semaphore_mem>>) {add = true}
    %dma_wait3A_244 = arith.constant 0 : i32
    %dma_wait3A_245 = arith.constant 0 : i32
    %dma_wait3A_246 = arith.constant 0 : i32
    %dma_wait3A_247 = tpu.memref_slice %arg8[%dma_wait3A_244, %dma_wait3A_245, %dma_wait3A_246] : memref<3x120x128xf32, #tpu.memory_space<vmem>> -> memref<1x120x128xf32, #tpu.memory_space<vmem>>
    %dma_wait3A_248 = tpu.memref_squeeze %dma_wait3A_247 : memref<1x120x128xf32, #tpu.memory_space<vmem>> -> memref<120x128xf32, #tpu.memory_space<vmem>>
    %dma_wait3A_249 = arith.constant 0 : i32
    %dma_wait3A_250 = arith.constant 0 : i32
    %dma_wait3A_251 = tpu.memref_slice %arg6[%dma_wait3A_249, %dma_wait3A_250] : memref<10112x128xf32, #tpu.memory_space<vmem_shared>> -> memref<120x128xf32, #tpu.memory_space<vmem_shared>>
    %dma_wait3A_252 = arith.constant 0 : i32
    %dma_wait3A_253 = arith.constant 0 : i32
    %dma_wait3A_254 = tpu.memref_slice %arg6[%dma_wait3A_252, %dma_wait3A_253] : memref<10112x128xf32, #tpu.memory_space<vmem_shared>> -> memref<120x128xf32, #tpu.memory_space<vmem_shared>>
    %dma_wait3A_255 = arith.constant 0 : i32
    %dma_wait3A_256 = arith.constant 0 : i32
    %dma_wait3A_257 = tpu.memref_slice %arg8[%dma_wait3A_244, %dma_wait3A_255, %dma_wait3A_256] : memref<3x120x128xf32, #tpu.memory_space<vmem>> -> memref<1x120x128xf32, #tpu.memory_space<vmem>>
    %dma_wait3A_258 = tpu.memref_squeeze %dma_wait3A_257 : memref<1x120x128xf32, #tpu.memory_space<vmem>> -> memref<120x128xf32, #tpu.memory_space<vmem>>
    tpu.wait_dma2 semaphore(%arg18 : memref<!tpu.dma_semaphore, #tpu.memory_space<semaphore_mem>>) src(%dma_wait3A_258 : memref<120x128xf32, #tpu.memory_space<vmem>>) dst(%dma_wait3A_254 : memref<120x128xf32, #tpu.memory_space<vmem_shared>>)
    %dma_start3A_259 = arith.constant 6 : i32
    %dma_start3A_260 = arith.constant 0 : i32
    %dma_start3A_261 = arith.constant 0 : i32
    %dma_start3A_262 = arith.constant 0 : i32
    %dma_start3A_263 = tpu.memref_slice %arg7[%dma_start3A_260, %dma_start3A_261, %dma_start3A_262] : memref<6x2x120xi32, #tpu.memory_space<vmem>> -> memref<1x2x120xi32, #tpu.memory_space<vmem>>
    %dma_start3A_264 = tpu.memref_squeeze %dma_start3A_263 : memref<1x2x120xi32, #tpu.memory_space<vmem>> -> memref<2x120xi32, #tpu.memory_space<vmem>>
    %dma_start3A_265 = arith.constant 0 : i32
    %dma_start3A_266 = arith.constant 0 : i32
    %dma_start3A_267 = tpu.memref_slice %arg3[%add3A, %dma_start3A_259, %dma_start3A_265, %dma_start3A_266] : memref<32x84x2x120xi32, #tpu.memory_space<hbm>> -> memref<1x1x2x120xi32, #tpu.memory_space<hbm>>
    %dma_start3A_268 = tpu.memref_squeeze %dma_start3A_267 : memref<1x1x2x120xi32, #tpu.memory_space<hbm>> -> memref<2x120xi32, #tpu.memory_space<hbm>>
    %dma_start3A_269 = arith.constant 0 : i32
    %dma_start3A_270 = arith.constant 0 : i32
    %dma_start3A_271 = tpu.memref_slice %arg7[%dma_start3A_260, %dma_start3A_269, %dma_start3A_270] : memref<6x2x120xi32, #tpu.memory_space<vmem>> -> memref<1x2x120xi32, #tpu.memory_space<vmem>>
    %dma_start3A_272 = tpu.memref_squeeze %dma_start3A_271 : memref<1x2x120xi32, #tpu.memory_space<vmem>> -> memref<2x120xi32, #tpu.memory_space<vmem>>
    %dma_start3A_273 = arith.constant 0 : i32
    %dma_start3A_274 = arith.constant 0 : i32
    %dma_start3A_275 = tpu.memref_slice %arg3[%add3A, %dma_start3A_259, %dma_start3A_273, %dma_start3A_274] : memref<32x84x2x120xi32, #tpu.memory_space<hbm>> -> memref<1x1x2x120xi32, #tpu.memory_space<hbm>>
    %dma_start3A_276 = tpu.memref_squeeze %dma_start3A_275 : memref<1x1x2x120xi32, #tpu.memory_space<hbm>> -> memref<2x120xi32, #tpu.memory_space<hbm>>
    tpu.enqueue_dma source(%dma_start3A_276 : memref<2x120xi32, #tpu.memory_space<hbm>>) target(%dma_start3A_272 : memref<2x120xi32, #tpu.memory_space<vmem>>) target_semaphore(%arg9 : memref<!tpu.dma_semaphore, #tpu.memory_space<semaphore_mem>>)
    %dma_wait3A_277 = arith.constant 0 : i32
    %dma_wait3A_278 = arith.constant 3 : i32
    %dma_wait3A_279 = arith.constant 0 : i32
    %dma_wait3A_280 = arith.constant 0 : i32
    %dma_wait3A_281 = tpu.memref_slice %arg7[%dma_wait3A_278, %dma_wait3A_279, %dma_wait3A_280] : memref<6x2x120xi32, #tpu.memory_space<vmem>> -> memref<1x2x120xi32, #tpu.memory_space<vmem>>
    %dma_wait3A_282 = tpu.memref_squeeze %dma_wait3A_281 : memref<1x2x120xi32, #tpu.memory_space<vmem>> -> memref<2x120xi32, #tpu.memory_space<vmem>>
    %dma_wait3A_283 = arith.constant 0 : i32
    %dma_wait3A_284 = arith.constant 0 : i32
    %dma_wait3A_285 = tpu.memref_slice %arg3[%add3A, %dma_wait3A_277, %dma_wait3A_283, %dma_wait3A_284] : memref<32x84x2x120xi32, #tpu.memory_space<hbm>> -> memref<1x1x2x120xi32, #tpu.memory_space<hbm>>
    %dma_wait3A_286 = tpu.memref_squeeze %dma_wait3A_285 : memref<1x1x2x120xi32, #tpu.memory_space<hbm>> -> memref<2x120xi32, #tpu.memory_space<hbm>>
    %dma_wait3A_287 = arith.constant 0 : i32
    %dma_wait3A_288 = arith.constant 0 : i32
    %dma_wait3A_289 = tpu.memref_slice %arg7[%dma_wait3A_278, %dma_wait3A_287, %dma_wait3A_288] : memref<6x2x120xi32, #tpu.memory_space<vmem>> -> memref<1x2x120xi32, #tpu.memory_space<vmem>>
    %dma_wait3A_290 = tpu.memref_squeeze %dma_wait3A_289 : memref<1x2x120xi32, #tpu.memory_space<vmem>> -> memref<2x120xi32, #tpu.memory_space<vmem>>
    %dma_wait3A_291 = arith.constant 0 : i32
    %dma_wait3A_292 = arith.constant 0 : i32
    %dma_wait3A_293 = tpu.memref_slice %arg3[%add3A, %dma_wait3A_277, %dma_wait3A_291, %dma_wait3A_292] : memref<32x84x2x120xi32, #tpu.memory_space<hbm>> -> memref<1x1x2x120xi32, #tpu.memory_space<hbm>>
    %dma_wait3A_294 = tpu.memref_squeeze %dma_wait3A_293 : memref<1x1x2x120xi32, #tpu.memory_space<hbm>> -> memref<2x120xi32, #tpu.memory_space<hbm>>
    tpu.wait_dma2 semaphore(%arg12 : memref<!tpu.dma_semaphore, #tpu.memory_space<semaphore_mem>>) src(%dma_wait3A_294 : memref<2x120xi32, #tpu.memory_space<hbm>>) dst(%dma_wait3A_290 : memref<2x120xi32, #tpu.memory_space<vmem>>)
    %dma_start3A_295 = arith.constant 3 : i32
    %dma_start3A_296 = arith.constant 0 : i32
    %dma_start3A_297 = arith.constant 0 : i32
    %dma_start3A_298 = arith.constant 0 : i32
    %dma_start3A_299 = arith.constant 0 : i32
    %dma_start3A_300 = tpu.memref_slice %arg8[%dma_start3A_297, %dma_start3A_298, %dma_start3A_299] : memref<3x120x128xf32, #tpu.memory_space<vmem>> -> memref<1x120x128xf32, #tpu.memory_space<vmem>>
    %dma_start3A_301 = tpu.memref_squeeze %dma_start3A_300 : memref<1x120x128xf32, #tpu.memory_space<vmem>> -> memref<120x128xf32, #tpu.memory_space<vmem>>
    %dma_start3A_302 = arith.constant 0 : i32
    %dma_start3A_303 = tpu.memref_slice %arg7[%dma_start3A_295, %dma_start3A_296, %dma_start3A_302] : memref<6x2x120xi32, #tpu.memory_space<vmem>> -> memref<1x1x120xi32, #tpu.memory_space<vmem>>
    %dma_start3A_304 = tpu.memref_squeeze %dma_start3A_303 : memref<1x1x120xi32, #tpu.memory_space<vmem>> -> memref<120xi32, #tpu.memory_space<vmem>>
    %dma_start3A_305 = arith.constant 0 : i32
    %dma_start3A_306 = arith.constant 0 : i32
    %dma_start3A_307 = tpu.memref_slice %arg2[%dma_start3A_305, %dma_start3A_306] : memref<10112x128xf32, #tpu.memory_space<hbm>> -> memref<10112x128xf32, #tpu.memory_space<hbm>>
    tpu.enqueue_indirect_dma source(%dma_start3A_307 : memref<10112x128xf32, #tpu.memory_space<hbm>>) target(%dma_start3A_301 : memref<120x128xf32, #tpu.memory_space<vmem>>) offsets(%dma_start3A_304 : memref<120xi32, #tpu.memory_space<vmem>>) semaphore(%arg15 : memref<!tpu.dma_semaphore, #tpu.memory_space<semaphore_mem>>)
    %dma_wait3A_308 = arith.constant 1 : i32
    %dma_wait3A_309 = arith.constant 0 : i32
    %dma_wait3A_310 = arith.constant 0 : i32
    %dma_wait3A_311 = tpu.memref_slice %arg8[%dma_wait3A_308, %dma_wait3A_309, %dma_wait3A_310] : memref<3x120x128xf32, #tpu.memory_space<vmem>> -> memref<1x120x128xf32, #tpu.memory_space<vmem>>
    %dma_wait3A_312 = tpu.memref_squeeze %dma_wait3A_311 : memref<1x120x128xf32, #tpu.memory_space<vmem>> -> memref<120x128xf32, #tpu.memory_space<vmem>>
    %dma_wait3A_313 = arith.constant 0 : i32
    %dma_wait3A_314 = arith.constant 0 : i32
    %dma_wait3A_315 = tpu.memref_slice %arg2[%dma_wait3A_313, %dma_wait3A_314] : memref<10112x128xf32, #tpu.memory_space<hbm>> -> memref<120x128xf32, #tpu.memory_space<hbm>>
    %dma_wait3A_316 = arith.constant 0 : i32
    %dma_wait3A_317 = arith.constant 0 : i32
    %dma_wait3A_318 = tpu.memref_slice %arg8[%dma_wait3A_308, %dma_wait3A_316, %dma_wait3A_317] : memref<3x120x128xf32, #tpu.memory_space<vmem>> -> memref<1x120x128xf32, #tpu.memory_space<vmem>>
    %dma_wait3A_319 = tpu.memref_squeeze %dma_wait3A_318 : memref<1x120x128xf32, #tpu.memory_space<vmem>> -> memref<120x128xf32, #tpu.memory_space<vmem>>
    %dma_wait3A_320 = arith.constant 0 : i32
    %dma_wait3A_321 = arith.constant 0 : i32
    %dma_wait3A_322 = tpu.memref_slice %arg2[%dma_wait3A_320, %dma_wait3A_321] : memref<10112x128xf32, #tpu.memory_space<hbm>> -> memref<120x128xf32, #tpu.memory_space<hbm>>
    tpu.wait_dma2 semaphore(%arg16 : memref<!tpu.dma_semaphore, #tpu.memory_space<semaphore_mem>>) src(%dma_wait3A_322 : memref<120x128xf32, #tpu.memory_space<hbm>>) dst(%dma_wait3A_319 : memref<120x128xf32, #tpu.memory_space<vmem>>)
    %dma_start3A_323 = arith.constant 1 : i32
    %dma_start3A_324 = arith.constant 1 : i32
    %dma_start3A_325 = arith.constant 1 : i32
    %dma_start3A_326 = arith.constant 0 : i32
    %dma_start3A_327 = arith.constant 0 : i32
    %dma_start3A_328 = tpu.memref_slice %arg8[%dma_start3A_323, %dma_start3A_326, %dma_start3A_327] : memref<3x120x128xf32, #tpu.memory_space<vmem>> -> memref<1x120x128xf32, #tpu.memory_space<vmem>>
    %dma_start3A_329 = tpu.memref_squeeze %dma_start3A_328 : memref<1x120x128xf32, #tpu.memory_space<vmem>> -> memref<120x128xf32, #tpu.memory_space<vmem>>
    %dma_start3A_330 = arith.constant 0 : i32
    %dma_start3A_331 = tpu.memref_slice %arg7[%dma_start3A_324, %dma_start3A_325, %dma_start3A_330] : memref<6x2x120xi32, #tpu.memory_space<vmem>> -> memref<1x1x120xi32, #tpu.memory_space<vmem>>
    %dma_start3A_332 = tpu.memref_squeeze %dma_start3A_331 : memref<1x1x120xi32, #tpu.memory_space<vmem>> -> memref<120xi32, #tpu.memory_space<vmem>>
    %dma_start3A_333 = arith.constant 0 : i32
    %dma_start3A_334 = arith.constant 0 : i32
    %dma_start3A_335 = tpu.memref_slice %arg6[%dma_start3A_333, %dma_start3A_334] : memref<10112x128xf32, #tpu.memory_space<vmem_shared>> -> memref<10112x128xf32, #tpu.memory_space<vmem_shared>>
    tpu.enqueue_indirect_dma source(%dma_start3A_329 : memref<120x128xf32, #tpu.memory_space<vmem>>) target(%dma_start3A_335 : memref<10112x128xf32, #tpu.memory_space<vmem_shared>>) offsets(%dma_start3A_332 : memref<120xi32, #tpu.memory_space<vmem>>) semaphore(%arg19 : memref<!tpu.dma_semaphore, #tpu.memory_space<semaphore_mem>>) {add = true}
    %dma_wait3A_336 = arith.constant 1 : i32
    %dma_wait3A_337 = arith.constant 0 : i32
    %dma_wait3A_338 = arith.constant 0 : i32
    %dma_wait3A_339 = tpu.memref_slice %arg8[%dma_wait3A_336, %dma_wait3A_337, %dma_wait3A_338] : memref<3x120x128xf32, #tpu.memory_space<vmem>> -> memref<1x120x128xf32, #tpu.memory_space<vmem>>
    %dma_wait3A_340 = tpu.memref_squeeze %dma_wait3A_339 : memref<1x120x128xf32, #tpu.memory_space<vmem>> -> memref<120x128xf32, #tpu.memory_space<vmem>>
    %dma_wait3A_341 = arith.constant 0 : i32
    %dma_wait3A_342 = arith.constant 0 : i32
    %dma_wait3A_343 = tpu.memref_slice %arg6[%dma_wait3A_341, %dma_wait3A_342] : memref<10112x128xf32, #tpu.memory_space<vmem_shared>> -> memref<120x128xf32, #tpu.memory_space<vmem_shared>>
    %dma_wait3A_344 = arith.constant 0 : i32
    %dma_wait3A_345 = arith.constant 0 : i32
    %dma_wait3A_346 = tpu.memref_slice %arg6[%dma_wait3A_344, %dma_wait3A_345] : memref<10112x128xf32, #tpu.memory_space<vmem_shared>> -> memref<120x128xf32, #tpu.memory_space<vmem_shared>>
    %dma_wait3A_347 = arith.constant 0 : i32
    %dma_wait3A_348 = arith.constant 0 : i32
    %dma_wait3A_349 = tpu.memref_slice %arg8[%dma_wait3A_336, %dma_wait3A_347, %dma_wait3A_348] : memref<3x120x128xf32, #tpu.memory_space<vmem>> -> memref<1x120x128xf32, #tpu.memory_space<vmem>>
    %dma_wait3A_350 = tpu.memref_squeeze %dma_wait3A_349 : memref<1x120x128xf32, #tpu.memory_space<vmem>> -> memref<120x128xf32, #tpu.memory_space<vmem>>
    tpu.wait_dma2 semaphore(%arg19 : memref<!tpu.dma_semaphore, #tpu.memory_space<semaphore_mem>>) src(%dma_wait3A_350 : memref<120x128xf32, #tpu.memory_space<vmem>>) dst(%dma_wait3A_346 : memref<120x128xf32, #tpu.memory_space<vmem_shared>>)
    %dma_start3A_351 = arith.constant 7 : i32
    %dma_start3A_352 = arith.constant 1 : i32
    %dma_start3A_353 = arith.constant 0 : i32
    %dma_start3A_354 = arith.constant 0 : i32
    %dma_start3A_355 = tpu.memref_slice %arg7[%dma_start3A_352, %dma_start3A_353, %dma_start3A_354] : memref<6x2x120xi32, #tpu.memory_space<vmem>> -> memref<1x2x120xi32, #tpu.memory_space<vmem>>
    %dma_start3A_356 = tpu.memref_squeeze %dma_start3A_355 : memref<1x2x120xi32, #tpu.memory_space<vmem>> -> memref<2x120xi32, #tpu.memory_space<vmem>>
    %dma_start3A_357 = arith.constant 0 : i32
    %dma_start3A_358 = arith.constant 0 : i32
    %dma_start3A_359 = tpu.memref_slice %arg3[%add3A, %dma_start3A_351, %dma_start3A_357, %dma_start3A_358] : memref<32x84x2x120xi32, #tpu.memory_space<hbm>> -> memref<1x1x2x120xi32, #tpu.memory_space<hbm>>
    %dma_start3A_360 = tpu.memref_squeeze %dma_start3A_359 : memref<1x1x2x120xi32, #tpu.memory_space<hbm>> -> memref<2x120xi32, #tpu.memory_space<hbm>>
    %dma_start3A_361 = arith.constant 0 : i32
    %dma_start3A_362 = arith.constant 0 : i32
    %dma_start3A_363 = tpu.memref_slice %arg7[%dma_start3A_352, %dma_start3A_361, %dma_start3A_362] : memref<6x2x120xi32, #tpu.memory_space<vmem>> -> memref<1x2x120xi32, #tpu.memory_space<vmem>>
    %dma_start3A_364 = tpu.memref_squeeze %dma_start3A_363 : memref<1x2x120xi32, #tpu.memory_space<vmem>> -> memref<2x120xi32, #tpu.memory_space<vmem>>
    %dma_start3A_365 = arith.constant 0 : i32
    %dma_start3A_366 = arith.constant 0 : i32
    %dma_start3A_367 = tpu.memref_slice %arg3[%add3A, %dma_start3A_351, %dma_start3A_365, %dma_start3A_366] : memref<32x84x2x120xi32, #tpu.memory_space<hbm>> -> memref<1x1x2x120xi32, #tpu.memory_space<hbm>>
    %dma_start3A_368 = tpu.memref_squeeze %dma_start3A_367 : memref<1x1x2x120xi32, #tpu.memory_space<hbm>> -> memref<2x120xi32, #tpu.memory_space<hbm>>
    tpu.enqueue_dma source(%dma_start3A_368 : memref<2x120xi32, #tpu.memory_space<hbm>>) target(%dma_start3A_364 : memref<2x120xi32, #tpu.memory_space<vmem>>) target_semaphore(%arg10 : memref<!tpu.dma_semaphore, #tpu.memory_space<semaphore_mem>>)
    %dma_wait3A_369 = arith.constant 0 : i32
    %dma_wait3A_370 = arith.constant 4 : i32
    %dma_wait3A_371 = arith.constant 0 : i32
    %dma_wait3A_372 = arith.constant 0 : i32
    %dma_wait3A_373 = tpu.memref_slice %arg7[%dma_wait3A_370, %dma_wait3A_371, %dma_wait3A_372] : memref<6x2x120xi32, #tpu.memory_space<vmem>> -> memref<1x2x120xi32, #tpu.memory_space<vmem>>
    %dma_wait3A_374 = tpu.memref_squeeze %dma_wait3A_373 : memref<1x2x120xi32, #tpu.memory_space<vmem>> -> memref<2x120xi32, #tpu.memory_space<vmem>>
    %dma_wait3A_375 = arith.constant 0 : i32
    %dma_wait3A_376 = arith.constant 0 : i32
    %dma_wait3A_377 = tpu.memref_slice %arg3[%add3A, %dma_wait3A_369, %dma_wait3A_375, %dma_wait3A_376] : memref<32x84x2x120xi32, #tpu.memory_space<hbm>> -> memref<1x1x2x120xi32, #tpu.memory_space<hbm>>
    %dma_wait3A_378 = tpu.memref_squeeze %dma_wait3A_377 : memref<1x1x2x120xi32, #tpu.memory_space<hbm>> -> memref<2x120xi32, #tpu.memory_space<hbm>>
    %dma_wait3A_379 = arith.constant 0 : i32
    %dma_wait3A_380 = arith.constant 0 : i32
    %dma_wait3A_381 = tpu.memref_slice %arg7[%dma_wait3A_370, %dma_wait3A_379, %dma_wait3A_380] : memref<6x2x120xi32, #tpu.memory_space<vmem>> -> memref<1x2x120xi32, #tpu.memory_space<vmem>>
    %dma_wait3A_382 = tpu.memref_squeeze %dma_wait3A_381 : memref<1x2x120xi32, #tpu.memory_space<vmem>> -> memref<2x120xi32, #tpu.memory_space<vmem>>
    %dma_wait3A_383 = arith.constant 0 : i32
    %dma_wait3A_384 = arith.constant 0 : i32
    %dma_wait3A_385 = tpu.memref_slice %arg3[%add3A, %dma_wait3A_369, %dma_wait3A_383, %dma_wait3A_384] : memref<32x84x2x120xi32, #tpu.memory_space<hbm>> -> memref<1x1x2x120xi32, #tpu.memory_space<hbm>>
    %dma_wait3A_386 = tpu.memref_squeeze %dma_wait3A_385 : memref<1x1x2x120xi32, #tpu.memory_space<hbm>> -> memref<2x120xi32, #tpu.memory_space<hbm>>
    tpu.wait_dma2 semaphore(%arg13 : memref<!tpu.dma_semaphore, #tpu.memory_space<semaphore_mem>>) src(%dma_wait3A_386 : memref<2x120xi32, #tpu.memory_space<hbm>>) dst(%dma_wait3A_382 : memref<2x120xi32, #tpu.memory_space<vmem>>)
    %dma_start3A_387 = arith.constant 4 : i32
    %dma_start3A_388 = arith.constant 0 : i32
    %dma_start3A_389 = arith.constant 1 : i32
    %dma_start3A_390 = arith.constant 0 : i32
    %dma_start3A_391 = arith.constant 0 : i32
    %dma_start3A_392 = tpu.memref_slice %arg8[%dma_start3A_389, %dma_start3A_390, %dma_start3A_391] : memref<3x120x128xf32, #tpu.memory_space<vmem>> -> memref<1x120x128xf32, #tpu.memory_space<vmem>>
    %dma_start3A_393 = tpu.memref_squeeze %dma_start3A_392 : memref<1x120x128xf32, #tpu.memory_space<vmem>> -> memref<120x128xf32, #tpu.memory_space<vmem>>
    %dma_start3A_394 = arith.constant 0 : i32
    %dma_start3A_395 = tpu.memref_slice %arg7[%dma_start3A_387, %dma_start3A_388, %dma_start3A_394] : memref<6x2x120xi32, #tpu.memory_space<vmem>> -> memref<1x1x120xi32, #tpu.memory_space<vmem>>
    %dma_start3A_396 = tpu.memref_squeeze %dma_start3A_395 : memref<1x1x120xi32, #tpu.memory_space<vmem>> -> memref<120xi32, #tpu.memory_space<vmem>>
    %dma_start3A_397 = arith.constant 0 : i32
    %dma_start3A_398 = arith.constant 0 : i32
    %dma_start3A_399 = tpu.memref_slice %arg2[%dma_start3A_397, %dma_start3A_398] : memref<10112x128xf32, #tpu.memory_space<hbm>> -> memref<10112x128xf32, #tpu.memory_space<hbm>>
    tpu.enqueue_indirect_dma source(%dma_start3A_399 : memref<10112x128xf32, #tpu.memory_space<hbm>>) target(%dma_start3A_393 : memref<120x128xf32, #tpu.memory_space<vmem>>) offsets(%dma_start3A_396 : memref<120xi32, #tpu.memory_space<vmem>>) semaphore(%arg16 : memref<!tpu.dma_semaphore, #tpu.memory_space<semaphore_mem>>)
    %dma_wait3A_400 = arith.constant 2 : i32
    %dma_wait3A_401 = arith.constant 0 : i32
    %dma_wait3A_402 = arith.constant 0 : i32
    %dma_wait3A_403 = tpu.memref_slice %arg8[%dma_wait3A_400, %dma_wait3A_401, %dma_wait3A_402] : memref<3x120x128xf32, #tpu.memory_space<vmem>> -> memref<1x120x128xf32, #tpu.memory_space<vmem>>
    %dma_wait3A_404 = tpu.memref_squeeze %dma_wait3A_403 : memref<1x120x128xf32, #tpu.memory_space<vmem>> -> memref<120x128xf32, #tpu.memory_space<vmem>>
    %dma_wait3A_405 = arith.constant 0 : i32
    %dma_wait3A_406 = arith.constant 0 : i32
    %dma_wait3A_407 = tpu.memref_slice %arg2[%dma_wait3A_405, %dma_wait3A_406] : memref<10112x128xf32, #tpu.memory_space<hbm>> -> memref<120x128xf32, #tpu.memory_space<hbm>>
    %dma_wait3A_408 = arith.constant 0 : i32
    %dma_wait3A_409 = arith.constant 0 : i32
    %dma_wait3A_410 = tpu.memref_slice %arg8[%dma_wait3A_400, %dma_wait3A_408, %dma_wait3A_409] : memref<3x120x128xf32, #tpu.memory_space<vmem>> -> memref<1x120x128xf32, #tpu.memory_space<vmem>>
    %dma_wait3A_411 = tpu.memref_squeeze %dma_wait3A_410 : memref<1x120x128xf32, #tpu.memory_space<vmem>> -> memref<120x128xf32, #tpu.memory_space<vmem>>
    %dma_wait3A_412 = arith.constant 0 : i32
    %dma_wait3A_413 = arith.constant 0 : i32
    %dma_wait3A_414 = tpu.memref_slice %arg2[%dma_wait3A_412, %dma_wait3A_413] : memref<10112x128xf32, #tpu.memory_space<hbm>> -> memref<120x128xf32, #tpu.memory_space<hbm>>
    tpu.wait_dma2 semaphore(%arg17 : memref<!tpu.dma_semaphore, #tpu.memory_space<semaphore_mem>>) src(%dma_wait3A_414 : memref<120x128xf32, #tpu.memory_space<hbm>>) dst(%dma_wait3A_411 : memref<120x128xf32, #tpu.memory_space<vmem>>)
    %dma_start3A_415 = arith.constant 2 : i32
    %dma_start3A_416 = arith.constant 2 : i32
    %dma_start3A_417 = arith.constant 1 : i32
    %dma_start3A_418 = arith.constant 0 : i32
    %dma_start3A_419 = arith.constant 0 : i32
    %dma_start3A_420 = tpu.memref_slice %arg8[%dma_start3A_415, %dma_start3A_418, %dma_start3A_419] : memref<3x120x128xf32, #tpu.memory_space<vmem>> -> memref<1x120x128xf32, #tpu.memory_space<vmem>>
    %dma_start3A_421 = tpu.memref_squeeze %dma_start3A_420 : memref<1x120x128xf32, #tpu.memory_space<vmem>> -> memref<120x128xf32, #tpu.memory_space<vmem>>
    %dma_start3A_422 = arith.constant 0 : i32
    %dma_start3A_423 = tpu.memref_slice %arg7[%dma_start3A_416, %dma_start3A_417, %dma_start3A_422] : memref<6x2x120xi32, #tpu.memory_space<vmem>> -> memref<1x1x120xi32, #tpu.memory_space<vmem>>
    %dma_start3A_424 = tpu.memref_squeeze %dma_start3A_423 : memref<1x1x120xi32, #tpu.memory_space<vmem>> -> memref<120xi32, #tpu.memory_space<vmem>>
    %dma_start3A_425 = arith.constant 0 : i32
    %dma_start3A_426 = arith.constant 0 : i32
    %dma_start3A_427 = tpu.memref_slice %arg6[%dma_start3A_425, %dma_start3A_426] : memref<10112x128xf32, #tpu.memory_space<vmem_shared>> -> memref<10112x128xf32, #tpu.memory_space<vmem_shared>>
    tpu.enqueue_indirect_dma source(%dma_start3A_421 : memref<120x128xf32, #tpu.memory_space<vmem>>) target(%dma_start3A_427 : memref<10112x128xf32, #tpu.memory_space<vmem_shared>>) offsets(%dma_start3A_424 : memref<120xi32, #tpu.memory_space<vmem>>) semaphore(%arg20 : memref<!tpu.dma_semaphore, #tpu.memory_space<semaphore_mem>>) {add = true}
    %dma_wait3A_428 = arith.constant 2 : i32
    %dma_wait3A_429 = arith.constant 0 : i32
    %dma_wait3A_430 = arith.constant 0 : i32
    %dma_wait3A_431 = tpu.memref_slice %arg8[%dma_wait3A_428, %dma_wait3A_429, %dma_wait3A_430] : memref<3x120x128xf32, #tpu.memory_space<vmem>> -> memref<1x120x128xf32, #tpu.memory_space<vmem>>
    %dma_wait3A_432 = tpu.memref_squeeze %dma_wait3A_431 : memref<1x120x128xf32, #tpu.memory_space<vmem>> -> memref<120x128xf32, #tpu.memory_space<vmem>>
    %dma_wait3A_433 = arith.constant 0 : i32
    %dma_wait3A_434 = arith.constant 0 : i32
    %dma_wait3A_435 = tpu.memref_slice %arg6[%dma_wait3A_433, %dma_wait3A_434] : memref<10112x128xf32, #tpu.memory_space<vmem_shared>> -> memref<120x128xf32, #tpu.memory_space<vmem_shared>>
    %dma_wait3A_436 = arith.constant 0 : i32
    %dma_wait3A_437 = arith.constant 0 : i32
    %dma_wait3A_438 = tpu.memref_slice %arg6[%dma_wait3A_436, %dma_wait3A_437] : memref<10112x128xf32, #tpu.memory_space<vmem_shared>> -> memref<120x128xf32, #tpu.memory_space<vmem_shared>>
    %dma_wait3A_439 = arith.constant 0 : i32
    %dma_wait3A_440 = arith.constant 0 : i32
    %dma_wait3A_441 = tpu.memref_slice %arg8[%dma_wait3A_428, %dma_wait3A_439, %dma_wait3A_440] : memref<3x120x128xf32, #tpu.memory_space<vmem>> -> memref<1x120x128xf32, #tpu.memory_space<vmem>>
    %dma_wait3A_442 = tpu.memref_squeeze %dma_wait3A_441 : memref<1x120x128xf32, #tpu.memory_space<vmem>> -> memref<120x128xf32, #tpu.memory_space<vmem>>
    tpu.wait_dma2 semaphore(%arg20 : memref<!tpu.dma_semaphore, #tpu.memory_space<semaphore_mem>>) src(%dma_wait3A_442 : memref<120x128xf32, #tpu.memory_space<vmem>>) dst(%dma_wait3A_438 : memref<120x128xf32, #tpu.memory_space<vmem_shared>>)
    %dma_start3A_443 = arith.constant 8 : i32
    %dma_start3A_444 = arith.constant 2 : i32
    %dma_start3A_445 = arith.constant 0 : i32
    %dma_start3A_446 = arith.constant 0 : i32
    %dma_start3A_447 = tpu.memref_slice %arg7[%dma_start3A_444, %dma_start3A_445, %dma_start3A_446] : memref<6x2x120xi32, #tpu.memory_space<vmem>> -> memref<1x2x120xi32, #tpu.memory_space<vmem>>
    %dma_start3A_448 = tpu.memref_squeeze %dma_start3A_447 : memref<1x2x120xi32, #tpu.memory_space<vmem>> -> memref<2x120xi32, #tpu.memory_space<vmem>>
    %dma_start3A_449 = arith.constant 0 : i32
    %dma_start3A_450 = arith.constant 0 : i32
    %dma_start3A_451 = tpu.memref_slice %arg3[%add3A, %dma_start3A_443, %dma_start3A_449, %dma_start3A_450] : memref<32x84x2x120xi32, #tpu.memory_space<hbm>> -> memref<1x1x2x120xi32, #tpu.memory_space<hbm>>
    %dma_start3A_452 = tpu.memref_squeeze %dma_start3A_451 : memref<1x1x2x120xi32, #tpu.memory_space<hbm>> -> memref<2x120xi32, #tpu.memory_space<hbm>>
    %dma_start3A_453 = arith.constant 0 : i32
    %dma_start3A_454 = arith.constant 0 : i32
    %dma_start3A_455 = tpu.memref_slice %arg7[%dma_start3A_444, %dma_start3A_453, %dma_start3A_454] : memref<6x2x120xi32, #tpu.memory_space<vmem>> -> memref<1x2x120xi32, #tpu.memory_space<vmem>>
    %dma_start3A_456 = tpu.memref_squeeze %dma_start3A_455 : memref<1x2x120xi32, #tpu.memory_space<vmem>> -> memref<2x120xi32, #tpu.memory_space<vmem>>
    %dma_start3A_457 = arith.constant 0 : i32
    %dma_start3A_458 = arith.constant 0 : i32
    %dma_start3A_459 = tpu.memref_slice %arg3[%add3A, %dma_start3A_443, %dma_start3A_457, %dma_start3A_458] : memref<32x84x2x120xi32, #tpu.memory_space<hbm>> -> memref<1x1x2x120xi32, #tpu.memory_space<hbm>>
    %dma_start3A_460 = tpu.memref_squeeze %dma_start3A_459 : memref<1x1x2x120xi32, #tpu.memory_space<hbm>> -> memref<2x120xi32, #tpu.memory_space<hbm>>
    tpu.enqueue_dma source(%dma_start3A_460 : memref<2x120xi32, #tpu.memory_space<hbm>>) target(%dma_start3A_456 : memref<2x120xi32, #tpu.memory_space<vmem>>) target_semaphore(%arg11 : memref<!tpu.dma_semaphore, #tpu.memory_space<semaphore_mem>>)
    %dma_wait3A_461 = arith.constant 0 : i32
    %dma_wait3A_462 = arith.constant 5 : i32
    %dma_wait3A_463 = arith.constant 0 : i32
    %dma_wait3A_464 = arith.constant 0 : i32
    %dma_wait3A_465 = tpu.memref_slice %arg7[%dma_wait3A_462, %dma_wait3A_463, %dma_wait3A_464] : memref<6x2x120xi32, #tpu.memory_space<vmem>> -> memref<1x2x120xi32, #tpu.memory_space<vmem>>
    %dma_wait3A_466 = tpu.memref_squeeze %dma_wait3A_465 : memref<1x2x120xi32, #tpu.memory_space<vmem>> -> memref<2x120xi32, #tpu.memory_space<vmem>>
    %dma_wait3A_467 = arith.constant 0 : i32
    %dma_wait3A_468 = arith.constant 0 : i32
    %dma_wait3A_469 = tpu.memref_slice %arg3[%add3A, %dma_wait3A_461, %dma_wait3A_467, %dma_wait3A_468] : memref<32x84x2x120xi32, #tpu.memory_space<hbm>> -> memref<1x1x2x120xi32, #tpu.memory_space<hbm>>
    %dma_wait3A_470 = tpu.memref_squeeze %dma_wait3A_469 : memref<1x1x2x120xi32, #tpu.memory_space<hbm>> -> memref<2x120xi32, #tpu.memory_space<hbm>>
    %dma_wait3A_471 = arith.constant 0 : i32
    %dma_wait3A_472 = arith.constant 0 : i32
    %dma_wait3A_473 = tpu.memref_slice %arg7[%dma_wait3A_462, %dma_wait3A_471, %dma_wait3A_472] : memref<6x2x120xi32, #tpu.memory_space<vmem>> -> memref<1x2x120xi32, #tpu.memory_space<vmem>>
    %dma_wait3A_474 = tpu.memref_squeeze %dma_wait3A_473 : memref<1x2x120xi32, #tpu.memory_space<vmem>> -> memref<2x120xi32, #tpu.memory_space<vmem>>
    %dma_wait3A_475 = arith.constant 0 : i32
    %dma_wait3A_476 = arith.constant 0 : i32
    %dma_wait3A_477 = tpu.memref_slice %arg3[%add3A, %dma_wait3A_461, %dma_wait3A_475, %dma_wait3A_476] : memref<32x84x2x120xi32, #tpu.memory_space<hbm>> -> memref<1x1x2x120xi32, #tpu.memory_space<hbm>>
    %dma_wait3A_478 = tpu.memref_squeeze %dma_wait3A_477 : memref<1x1x2x120xi32, #tpu.memory_space<hbm>> -> memref<2x120xi32, #tpu.memory_space<hbm>>
    tpu.wait_dma2 semaphore(%arg14 : memref<!tpu.dma_semaphore, #tpu.memory_space<semaphore_mem>>) src(%dma_wait3A_478 : memref<2x120xi32, #tpu.memory_space<hbm>>) dst(%dma_wait3A_474 : memref<2x120xi32, #tpu.memory_space<vmem>>)
    %dma_start3A_479 = arith.constant 5 : i32
    %dma_start3A_480 = arith.constant 0 : i32
    %dma_start3A_481 = arith.constant 2 : i32
    %dma_start3A_482 = arith.constant 0 : i32
    %dma_start3A_483 = arith.constant 0 : i32
    %dma_start3A_484 = tpu.memref_slice %arg8[%dma_start3A_481, %dma_start3A_482, %dma_start3A_483] : memref<3x120x128xf32, #tpu.memory_space<vmem>> -> memref<1x120x128xf32, #tpu.memory_space<vmem>>
    %dma_start3A_485 = tpu.memref_squeeze %dma_start3A_484 : memref<1x120x128xf32, #tpu.memory_space<vmem>> -> memref<120x128xf32, #tpu.memory_space<vmem>>
    %dma_start3A_486 = arith.constant 0 : i32
    %dma_start3A_487 = tpu.memref_slice %arg7[%dma_start3A_479, %dma_start3A_480, %dma_start3A_486] : memref<6x2x120xi32, #tpu.memory_space<vmem>> -> memref<1x1x120xi32, #tpu.memory_space<vmem>>
    %dma_start3A_488 = tpu.memref_squeeze %dma_start3A_487 : memref<1x1x120xi32, #tpu.memory_space<vmem>> -> memref<120xi32, #tpu.memory_space<vmem>>
    %dma_start3A_489 = arith.constant 0 : i32
    %dma_start3A_490 = arith.constant 0 : i32
    %dma_start3A_491 = tpu.memref_slice %arg2[%dma_start3A_489, %dma_start3A_490] : memref<10112x128xf32, #tpu.memory_space<hbm>> -> memref<10112x128xf32, #tpu.memory_space<hbm>>
    tpu.enqueue_indirect_dma source(%dma_start3A_491 : memref<10112x128xf32, #tpu.memory_space<hbm>>) target(%dma_start3A_485 : memref<120x128xf32, #tpu.memory_space<vmem>>) offsets(%dma_start3A_488 : memref<120xi32, #tpu.memory_space<vmem>>) semaphore(%arg17 : memref<!tpu.dma_semaphore, #tpu.memory_space<semaphore_mem>>)
    %dma_wait3A_492 = arith.constant 0 : i32
    %dma_wait3A_493 = arith.constant 0 : i32
    %dma_wait3A_494 = arith.constant 0 : i32
    %dma_wait3A_495 = tpu.memref_slice %arg8[%dma_wait3A_492, %dma_wait3A_493, %dma_wait3A_494] : memref<3x120x128xf32, #tpu.memory_space<vmem>> -> memref<1x120x128xf32, #tpu.memory_space<vmem>>
    %dma_wait3A_496 = tpu.memref_squeeze %dma_wait3A_495 : memref<1x120x128xf32, #tpu.memory_space<vmem>> -> memref<120x128xf32, #tpu.memory_space<vmem>>
    %dma_wait3A_497 = arith.constant 0 : i32
    %dma_wait3A_498 = arith.constant 0 : i32
    %dma_wait3A_499 = tpu.memref_slice %arg2[%dma_wait3A_497, %dma_wait3A_498] : memref<10112x128xf32, #tpu.memory_space<hbm>> -> memref<120x128xf32, #tpu.memory_space<hbm>>
    %dma_wait3A_500 = arith.constant 0 : i32
    %dma_wait3A_501 = arith.constant 0 : i32
    %dma_wait3A_502 = tpu.memref_slice %arg8[%dma_wait3A_492, %dma_wait3A_500, %dma_wait3A_501] : memref<3x120x128xf32, #tpu.memory_space<vmem>> -> memref<1x120x128xf32, #tpu.memory_space<vmem>>
    %dma_wait3A_503 = tpu.memref_squeeze %dma_wait3A_502 : memref<1x120x128xf32, #tpu.memory_space<vmem>> -> memref<120x128xf32, #tpu.memory_space<vmem>>
    %dma_wait3A_504 = arith.constant 0 : i32
    %dma_wait3A_505 = arith.constant 0 : i32
    %dma_wait3A_506 = tpu.memref_slice %arg2[%dma_wait3A_504, %dma_wait3A_505] : memref<10112x128xf32, #tpu.memory_space<hbm>> -> memref<120x128xf32, #tpu.memory_space<hbm>>
    tpu.wait_dma2 semaphore(%arg15 : memref<!tpu.dma_semaphore, #tpu.memory_space<semaphore_mem>>) src(%dma_wait3A_506 : memref<120x128xf32, #tpu.memory_space<hbm>>) dst(%dma_wait3A_503 : memref<120x128xf32, #tpu.memory_space<vmem>>)
    %dma_start3A_507 = arith.constant 0 : i32
    %dma_start3A_508 = arith.constant 3 : i32
    %dma_start3A_509 = arith.constant 1 : i32
    %dma_start3A_510 = arith.constant 0 : i32
    %dma_start3A_511 = arith.constant 0 : i32
    %dma_start3A_512 = tpu.memref_slice %arg8[%dma_start3A_507, %dma_start3A_510, %dma_start3A_511] : memref<3x120x128xf32, #tpu.memory_space<vmem>> -> memref<1x120x128xf32, #tpu.memory_space<vmem>>
    %dma_start3A_513 = tpu.memref_squeeze %dma_start3A_512 : memref<1x120x128xf32, #tpu.memory_space<vmem>> -> memref<120x128xf32, #tpu.memory_space<vmem>>
    %dma_start3A_514 = arith.constant 0 : i32
    %dma_start3A_515 = tpu.memref_slice %arg7[%dma_start3A_508, %dma_start3A_509, %dma_start3A_514] : memref<6x2x120xi32, #tpu.memory_space<vmem>> -> memref<1x1x120xi32, #tpu.memory_space<vmem>>
    %dma_start3A_516 = tpu.memref_squeeze %dma_start3A_515 : memref<1x1x120xi32, #tpu.memory_space<vmem>> -> memref<120xi32, #tpu.memory_space<vmem>>
    %dma_start3A_517 = arith.constant 0 : i32
    %dma_start3A_518 = arith.constant 0 : i32
    %dma_start3A_519 = tpu.memref_slice %arg6[%dma_start3A_517, %dma_start3A_518] : memref<10112x128xf32, #tpu.memory_space<vmem_shared>> -> memref<10112x128xf32, #tpu.memory_space<vmem_shared>>
    tpu.enqueue_indirect_dma source(%dma_start3A_513 : memref<120x128xf32, #tpu.memory_space<vmem>>) target(%dma_start3A_519 : memref<10112x128xf32, #tpu.memory_space<vmem_shared>>) offsets(%dma_start3A_516 : memref<120xi32, #tpu.memory_space<vmem>>) semaphore(%arg18 : memref<!tpu.dma_semaphore, #tpu.memory_space<semaphore_mem>>) {add = true}
    %scan3A = arith.constant 1 : i32
    %scan3A_520 = arith.constant 12 : i32
    %scan3A_521 = arith.addi %scan3A, %scan3A_520 : i32
    %scan3A_522 = arith.constant 1 : i32
    scf.for %scan3A_1128 = %scan3A to %scan3A_521 step %scan3A_522  : i32 {
      %mul3A_1129 = arith.constant 6 : i32
      %mul3A_1130 = arith.muli %scan3A_1128, %mul3A_1129 : i32
      %add3A_1131 = arith.constant 0 : i32
      %add3A_1132 = arith.addi %mul3A_1130, %add3A_1131 : i32
      %dma_wait3A_1133 = arith.constant 0 : i32
      %dma_wait3A_1134 = arith.constant 0 : i32
      %dma_wait3A_1135 = arith.constant 0 : i32
      %dma_wait3A_1136 = tpu.memref_slice %arg8[%dma_wait3A_1133, %dma_wait3A_1134, %dma_wait3A_1135] : memref<3x120x128xf32, #tpu.memory_space<vmem>> -> memref<1x120x128xf32, #tpu.memory_space<vmem>>
      %dma_wait3A_1137 = tpu.memref_squeeze %dma_wait3A_1136 : memref<1x120x128xf32, #tpu.memory_space<vmem>> -> memref<120x128xf32, #tpu.memory_space<vmem>>
      %dma_wait3A_1138 = arith.constant 0 : i32
      %dma_wait3A_1139 = arith.constant 0 : i32
      %dma_wait3A_1140 = tpu.memref_slice %arg6[%dma_wait3A_1138, %dma_wait3A_1139] : memref<10112x128xf32, #tpu.memory_space<vmem_shared>> -> memref<120x128xf32, #tpu.memory_space<vmem_shared>>
      %dma_wait3A_1141 = arith.constant 0 : i32
      %dma_wait3A_1142 = arith.constant 0 : i32
      %dma_wait3A_1143 = tpu.memref_slice %arg6[%dma_wait3A_1141, %dma_wait3A_1142] : memref<10112x128xf32, #tpu.memory_space<vmem_shared>> -> memref<120x128xf32, #tpu.memory_space<vmem_shared>>
      %dma_wait3A_1144 = arith.constant 0 : i32
      %dma_wait3A_1145 = arith.constant 0 : i32
      %dma_wait3A_1146 = tpu.memref_slice %arg8[%dma_wait3A_1133, %dma_wait3A_1144, %dma_wait3A_1145] : memref<3x120x128xf32, #tpu.memory_space<vmem>> -> memref<1x120x128xf32, #tpu.memory_space<vmem>>
      %dma_wait3A_1147 = tpu.memref_squeeze %dma_wait3A_1146 : memref<1x120x128xf32, #tpu.memory_space<vmem>> -> memref<120x128xf32, #tpu.memory_space<vmem>>
      tpu.wait_dma2 semaphore(%arg18 : memref<!tpu.dma_semaphore, #tpu.memory_space<semaphore_mem>>) src(%dma_wait3A_1147 : memref<120x128xf32, #tpu.memory_space<vmem>>) dst(%dma_wait3A_1143 : memref<120x128xf32, #tpu.memory_space<vmem_shared>>)
      %add3A_1148 = arith.constant 3 : i32
      %add3A_1149 = arith.addi %add3A_1132, %add3A_1148 : i32
      %dma_start3A_1150 = arith.constant 3 : i32
      %dma_start3A_1151 = arith.constant 0 : i32
      %dma_start3A_1152 = arith.constant 0 : i32
      %dma_start3A_1153 = tpu.memref_slice %arg7[%dma_start3A_1150, %dma_start3A_1151, %dma_start3A_1152] : memref<6x2x120xi32, #tpu.memory_space<vmem>> -> memref<1x2x120xi32, #tpu.memory_space<vmem>>
      %dma_start3A_1154 = tpu.memref_squeeze %dma_start3A_1153 : memref<1x2x120xi32, #tpu.memory_space<vmem>> -> memref<2x120xi32, #tpu.memory_space<vmem>>
      %dma_start3A_1155 = arith.constant 0 : i32
      %dma_start3A_1156 = arith.constant 0 : i32
      %dma_start3A_1157 = tpu.memref_slice %arg3[%add3A, %add3A_1149, %dma_start3A_1155, %dma_start3A_1156] : memref<32x84x2x120xi32, #tpu.memory_space<hbm>> -> memref<1x1x2x120xi32, #tpu.memory_space<hbm>>
      %dma_start3A_1158 = tpu.memref_squeeze %dma_start3A_1157 : memref<1x1x2x120xi32, #tpu.memory_space<hbm>> -> memref<2x120xi32, #tpu.memory_space<hbm>>
      %dma_start3A_1159 = arith.constant 0 : i32
      %dma_start3A_1160 = arith.constant 0 : i32
      %dma_start3A_1161 = tpu.memref_slice %arg7[%dma_start3A_1150, %dma_start3A_1159, %dma_start3A_1160] : memref<6x2x120xi32, #tpu.memory_space<vmem>> -> memref<1x2x120xi32, #tpu.memory_space<vmem>>
      %dma_start3A_1162 = tpu.memref_squeeze %dma_start3A_1161 : memref<1x2x120xi32, #tpu.memory_space<vmem>> -> memref<2x120xi32, #tpu.memory_space<vmem>>
      %dma_start3A_1163 = arith.constant 0 : i32
      %dma_start3A_1164 = arith.constant 0 : i32
      %dma_start3A_1165 = tpu.memref_slice %arg3[%add3A, %add3A_1149, %dma_start3A_1163, %dma_start3A_1164] : memref<32x84x2x120xi32, #tpu.memory_space<hbm>> -> memref<1x1x2x120xi32, #tpu.memory_space<hbm>>
      %dma_start3A_1166 = tpu.memref_squeeze %dma_start3A_1165 : memref<1x1x2x120xi32, #tpu.memory_space<hbm>> -> memref<2x120xi32, #tpu.memory_space<hbm>>
      tpu.enqueue_dma source(%dma_start3A_1166 : memref<2x120xi32, #tpu.memory_space<hbm>>) target(%dma_start3A_1162 : memref<2x120xi32, #tpu.memory_space<vmem>>) target_semaphore(%arg12 : memref<!tpu.dma_semaphore, #tpu.memory_space<semaphore_mem>>)
      %dma_wait3A_1167 = arith.constant 0 : i32
      %dma_wait3A_1168 = arith.constant 0 : i32
      %dma_wait3A_1169 = arith.constant 0 : i32
      %dma_wait3A_1170 = arith.constant 0 : i32
      %dma_wait3A_1171 = tpu.memref_slice %arg7[%dma_wait3A_1168, %dma_wait3A_1169, %dma_wait3A_1170] : memref<6x2x120xi32, #tpu.memory_space<vmem>> -> memref<1x2x120xi32, #tpu.memory_space<vmem>>
      %dma_wait3A_1172 = tpu.memref_squeeze %dma_wait3A_1171 : memref<1x2x120xi32, #tpu.memory_space<vmem>> -> memref<2x120xi32, #tpu.memory_space<vmem>>
      %dma_wait3A_1173 = arith.constant 0 : i32
      %dma_wait3A_1174 = arith.constant 0 : i32
      %dma_wait3A_1175 = tpu.memref_slice %arg3[%add3A, %dma_wait3A_1167, %dma_wait3A_1173, %dma_wait3A_1174] : memref<32x84x2x120xi32, #tpu.memory_space<hbm>> -> memref<1x1x2x120xi32, #tpu.memory_space<hbm>>
      %dma_wait3A_1176 = tpu.memref_squeeze %dma_wait3A_1175 : memref<1x1x2x120xi32, #tpu.memory_space<hbm>> -> memref<2x120xi32, #tpu.memory_space<hbm>>
      %dma_wait3A_1177 = arith.constant 0 : i32
      %dma_wait3A_1178 = arith.constant 0 : i32
      %dma_wait3A_1179 = tpu.memref_slice %arg7[%dma_wait3A_1168, %dma_wait3A_1177, %dma_wait3A_1178] : memref<6x2x120xi32, #tpu.memory_space<vmem>> -> memref<1x2x120xi32, #tpu.memory_space<vmem>>
      %dma_wait3A_1180 = tpu.memref_squeeze %dma_wait3A_1179 : memref<1x2x120xi32, #tpu.memory_space<vmem>> -> memref<2x120xi32, #tpu.memory_space<vmem>>
      %dma_wait3A_1181 = arith.constant 0 : i32
      %dma_wait3A_1182 = arith.constant 0 : i32
      %dma_wait3A_1183 = tpu.memref_slice %arg3[%add3A, %dma_wait3A_1167, %dma_wait3A_1181, %dma_wait3A_1182] : memref<32x84x2x120xi32, #tpu.memory_space<hbm>> -> memref<1x1x2x120xi32, #tpu.memory_space<hbm>>
      %dma_wait3A_1184 = tpu.memref_squeeze %dma_wait3A_1183 : memref<1x1x2x120xi32, #tpu.memory_space<hbm>> -> memref<2x120xi32, #tpu.memory_space<hbm>>
      tpu.wait_dma2 semaphore(%arg9 : memref<!tpu.dma_semaphore, #tpu.memory_space<semaphore_mem>>) src(%dma_wait3A_1184 : memref<2x120xi32, #tpu.memory_space<hbm>>) dst(%dma_wait3A_1180 : memref<2x120xi32, #tpu.memory_space<vmem>>)
      %dma_start3A_1185 = arith.constant 0 : i32
      %dma_start3A_1186 = arith.constant 0 : i32
      %dma_start3A_1187 = arith.constant 0 : i32
      %dma_start3A_1188 = arith.constant 0 : i32
      %dma_start3A_1189 = arith.constant 0 : i32
      %dma_start3A_1190 = tpu.memref_slice %arg8[%dma_start3A_1187, %dma_start3A_1188, %dma_start3A_1189] : memref<3x120x128xf32, #tpu.memory_space<vmem>> -> memref<1x120x128xf32, #tpu.memory_space<vmem>>
      %dma_start3A_1191 = tpu.memref_squeeze %dma_start3A_1190 : memref<1x120x128xf32, #tpu.memory_space<vmem>> -> memref<120x128xf32, #tpu.memory_space<vmem>>
      %dma_start3A_1192 = arith.constant 0 : i32
      %dma_start3A_1193 = tpu.memref_slice %arg7[%dma_start3A_1185, %dma_start3A_1186, %dma_start3A_1192] : memref<6x2x120xi32, #tpu.memory_space<vmem>> -> memref<1x1x120xi32, #tpu.memory_space<vmem>>
      %dma_start3A_1194 = tpu.memref_squeeze %dma_start3A_1193 : memref<1x1x120xi32, #tpu.memory_space<vmem>> -> memref<120xi32, #tpu.memory_space<vmem>>
      %dma_start3A_1195 = arith.constant 0 : i32
      %dma_start3A_1196 = arith.constant 0 : i32
      %dma_start3A_1197 = tpu.memref_slice %arg2[%dma_start3A_1195, %dma_start3A_1196] : memref<10112x128xf32, #tpu.memory_space<hbm>> -> memref<10112x128xf32, #tpu.memory_space<hbm>>
      tpu.enqueue_indirect_dma source(%dma_start3A_1197 : memref<10112x128xf32, #tpu.memory_space<hbm>>) target(%dma_start3A_1191 : memref<120x128xf32, #tpu.memory_space<vmem>>) offsets(%dma_start3A_1194 : memref<120xi32, #tpu.memory_space<vmem>>) semaphore(%arg15 : memref<!tpu.dma_semaphore, #tpu.memory_space<semaphore_mem>>)
      %dma_wait3A_1198 = arith.constant 1 : i32
      %dma_wait3A_1199 = arith.constant 0 : i32
      %dma_wait3A_1200 = arith.constant 0 : i32
      %dma_wait3A_1201 = tpu.memref_slice %arg8[%dma_wait3A_1198, %dma_wait3A_1199, %dma_wait3A_1200] : memref<3x120x128xf32, #tpu.memory_space<vmem>> -> memref<1x120x128xf32, #tpu.memory_space<vmem>>
      %dma_wait3A_1202 = tpu.memref_squeeze %dma_wait3A_1201 : memref<1x120x128xf32, #tpu.memory_space<vmem>> -> memref<120x128xf32, #tpu.memory_space<vmem>>
      %dma_wait3A_1203 = arith.constant 0 : i32
      %dma_wait3A_1204 = arith.constant 0 : i32
      %dma_wait3A_1205 = tpu.memref_slice %arg2[%dma_wait3A_1203, %dma_wait3A_1204] : memref<10112x128xf32, #tpu.memory_space<hbm>> -> memref<120x128xf32, #tpu.memory_space<hbm>>
      %dma_wait3A_1206 = arith.constant 0 : i32
      %dma_wait3A_1207 = arith.constant 0 : i32
      %dma_wait3A_1208 = tpu.memref_slice %arg8[%dma_wait3A_1198, %dma_wait3A_1206, %dma_wait3A_1207] : memref<3x120x128xf32, #tpu.memory_space<vmem>> -> memref<1x120x128xf32, #tpu.memory_space<vmem>>
      %dma_wait3A_1209 = tpu.memref_squeeze %dma_wait3A_1208 : memref<1x120x128xf32, #tpu.memory_space<vmem>> -> memref<120x128xf32, #tpu.memory_space<vmem>>
      %dma_wait3A_1210 = arith.constant 0 : i32
      %dma_wait3A_1211 = arith.constant 0 : i32
      %dma_wait3A_1212 = tpu.memref_slice %arg2[%dma_wait3A_1210, %dma_wait3A_1211] : memref<10112x128xf32, #tpu.memory_space<hbm>> -> memref<120x128xf32, #tpu.memory_space<hbm>>
      tpu.wait_dma2 semaphore(%arg16 : memref<!tpu.dma_semaphore, #tpu.memory_space<semaphore_mem>>) src(%dma_wait3A_1212 : memref<120x128xf32, #tpu.memory_space<hbm>>) dst(%dma_wait3A_1209 : memref<120x128xf32, #tpu.memory_space<vmem>>)
      %dma_start3A_1213 = arith.constant 1 : i32
      %dma_start3A_1214 = arith.constant 4 : i32
      %dma_start3A_1215 = arith.constant 1 : i32
      %dma_start3A_1216 = arith.constant 0 : i32
      %dma_start3A_1217 = arith.constant 0 : i32
      %dma_start3A_1218 = tpu.memref_slice %arg8[%dma_start3A_1213, %dma_start3A_1216, %dma_start3A_1217] : memref<3x120x128xf32, #tpu.memory_space<vmem>> -> memref<1x120x128xf32, #tpu.memory_space<vmem>>
      %dma_start3A_1219 = tpu.memref_squeeze %dma_start3A_1218 : memref<1x120x128xf32, #tpu.memory_space<vmem>> -> memref<120x128xf32, #tpu.memory_space<vmem>>
      %dma_start3A_1220 = arith.constant 0 : i32
      %dma_start3A_1221 = tpu.memref_slice %arg7[%dma_start3A_1214, %dma_start3A_1215, %dma_start3A_1220] : memref<6x2x120xi32, #tpu.memory_space<vmem>> -> memref<1x1x120xi32, #tpu.memory_space<vmem>>
      %dma_start3A_1222 = tpu.memref_squeeze %dma_start3A_1221 : memref<1x1x120xi32, #tpu.memory_space<vmem>> -> memref<120xi32, #tpu.memory_space<vmem>>
      %dma_start3A_1223 = arith.constant 0 : i32
      %dma_start3A_1224 = arith.constant 0 : i32
      %dma_start3A_1225 = tpu.memref_slice %arg6[%dma_start3A_1223, %dma_start3A_1224] : memref<10112x128xf32, #tpu.memory_space<vmem_shared>> -> memref<10112x128xf32, #tpu.memory_space<vmem_shared>>
      tpu.enqueue_indirect_dma source(%dma_start3A_1219 : memref<120x128xf32, #tpu.memory_space<vmem>>) target(%dma_start3A_1225 : memref<10112x128xf32, #tpu.memory_space<vmem_shared>>) offsets(%dma_start3A_1222 : memref<120xi32, #tpu.memory_space<vmem>>) semaphore(%arg19 : memref<!tpu.dma_semaphore, #tpu.memory_space<semaphore_mem>>) {add = true}
      %add3A_1226 = arith.constant 1 : i32
      %add3A_1227 = arith.addi %mul3A_1130, %add3A_1226 : i32
      %dma_wait3A_1228 = arith.constant 1 : i32
      %dma_wait3A_1229 = arith.constant 0 : i32
      %dma_wait3A_1230 = arith.constant 0 : i32
      %dma_wait3A_1231 = tpu.memref_slice %arg8[%dma_wait3A_1228, %dma_wait3A_1229, %dma_wait3A_1230] : memref<3x120x128xf32, #tpu.memory_space<vmem>> -> memref<1x120x128xf32, #tpu.memory_space<vmem>>
      %dma_wait3A_1232 = tpu.memref_squeeze %dma_wait3A_1231 : memref<1x120x128xf32, #tpu.memory_space<vmem>> -> memref<120x128xf32, #tpu.memory_space<vmem>>
      %dma_wait3A_1233 = arith.constant 0 : i32
      %dma_wait3A_1234 = arith.constant 0 : i32
      %dma_wait3A_1235 = tpu.memref_slice %arg6[%dma_wait3A_1233, %dma_wait3A_1234] : memref<10112x128xf32, #tpu.memory_space<vmem_shared>> -> memref<120x128xf32, #tpu.memory_space<vmem_shared>>
      %dma_wait3A_1236 = arith.constant 0 : i32
      %dma_wait3A_1237 = arith.constant 0 : i32
      %dma_wait3A_1238 = tpu.memref_slice %arg6[%dma_wait3A_1236, %dma_wait3A_1237] : memref<10112x128xf32, #tpu.memory_space<vmem_shared>> -> memref<120x128xf32, #tpu.memory_space<vmem_shared>>
      %dma_wait3A_1239 = arith.constant 0 : i32
      %dma_wait3A_1240 = arith.constant 0 : i32
      %dma_wait3A_1241 = tpu.memref_slice %arg8[%dma_wait3A_1228, %dma_wait3A_1239, %dma_wait3A_1240] : memref<3x120x128xf32, #tpu.memory_space<vmem>> -> memref<1x120x128xf32, #tpu.memory_space<vmem>>
      %dma_wait3A_1242 = tpu.memref_squeeze %dma_wait3A_1241 : memref<1x120x128xf32, #tpu.memory_space<vmem>> -> memref<120x128xf32, #tpu.memory_space<vmem>>
      tpu.wait_dma2 semaphore(%arg19 : memref<!tpu.dma_semaphore, #tpu.memory_space<semaphore_mem>>) src(%dma_wait3A_1242 : memref<120x128xf32, #tpu.memory_space<vmem>>) dst(%dma_wait3A_1238 : memref<120x128xf32, #tpu.memory_space<vmem_shared>>)
      %add3A_1243 = arith.constant 3 : i32
      %add3A_1244 = arith.addi %add3A_1227, %add3A_1243 : i32
      %dma_start3A_1245 = arith.constant 4 : i32
      %dma_start3A_1246 = arith.constant 0 : i32
      %dma_start3A_1247 = arith.constant 0 : i32
      %dma_start3A_1248 = tpu.memref_slice %arg7[%dma_start3A_1245, %dma_start3A_1246, %dma_start3A_1247] : memref<6x2x120xi32, #tpu.memory_space<vmem>> -> memref<1x2x120xi32, #tpu.memory_space<vmem>>
      %dma_start3A_1249 = tpu.memref_squeeze %dma_start3A_1248 : memref<1x2x120xi32, #tpu.memory_space<vmem>> -> memref<2x120xi32, #tpu.memory_space<vmem>>
      %dma_start3A_1250 = arith.constant 0 : i32
      %dma_start3A_1251 = arith.constant 0 : i32
      %dma_start3A_1252 = tpu.memref_slice %arg3[%add3A, %add3A_1244, %dma_start3A_1250, %dma_start3A_1251] : memref<32x84x2x120xi32, #tpu.memory_space<hbm>> -> memref<1x1x2x120xi32, #tpu.memory_space<hbm>>
      %dma_start3A_1253 = tpu.memref_squeeze %dma_start3A_1252 : memref<1x1x2x120xi32, #tpu.memory_space<hbm>> -> memref<2x120xi32, #tpu.memory_space<hbm>>
      %dma_start3A_1254 = arith.constant 0 : i32
      %dma_start3A_1255 = arith.constant 0 : i32
      %dma_start3A_1256 = tpu.memref_slice %arg7[%dma_start3A_1245, %dma_start3A_1254, %dma_start3A_1255] : memref<6x2x120xi32, #tpu.memory_space<vmem>> -> memref<1x2x120xi32, #tpu.memory_space<vmem>>
      %dma_start3A_1257 = tpu.memref_squeeze %dma_start3A_1256 : memref<1x2x120xi32, #tpu.memory_space<vmem>> -> memref<2x120xi32, #tpu.memory_space<vmem>>
      %dma_start3A_1258 = arith.constant 0 : i32
      %dma_start3A_1259 = arith.constant 0 : i32
      %dma_start3A_1260 = tpu.memref_slice %arg3[%add3A, %add3A_1244, %dma_start3A_1258, %dma_start3A_1259] : memref<32x84x2x120xi32, #tpu.memory_space<hbm>> -> memref<1x1x2x120xi32, #tpu.memory_space<hbm>>
      %dma_start3A_1261 = tpu.memref_squeeze %dma_start3A_1260 : memref<1x1x2x120xi32, #tpu.memory_space<hbm>> -> memref<2x120xi32, #tpu.memory_space<hbm>>
      tpu.enqueue_dma source(%dma_start3A_1261 : memref<2x120xi32, #tpu.memory_space<hbm>>) target(%dma_start3A_1257 : memref<2x120xi32, #tpu.memory_space<vmem>>) target_semaphore(%arg13 : memref<!tpu.dma_semaphore, #tpu.memory_space<semaphore_mem>>)
      %dma_wait3A_1262 = arith.constant 0 : i32
      %dma_wait3A_1263 = arith.constant 1 : i32
      %dma_wait3A_1264 = arith.constant 0 : i32
      %dma_wait3A_1265 = arith.constant 0 : i32
      %dma_wait3A_1266 = tpu.memref_slice %arg7[%dma_wait3A_1263, %dma_wait3A_1264, %dma_wait3A_1265] : memref<6x2x120xi32, #tpu.memory_space<vmem>> -> memref<1x2x120xi32, #tpu.memory_space<vmem>>
      %dma_wait3A_1267 = tpu.memref_squeeze %dma_wait3A_1266 : memref<1x2x120xi32, #tpu.memory_space<vmem>> -> memref<2x120xi32, #tpu.memory_space<vmem>>
      %dma_wait3A_1268 = arith.constant 0 : i32
      %dma_wait3A_1269 = arith.constant 0 : i32
      %dma_wait3A_1270 = tpu.memref_slice %arg3[%add3A, %dma_wait3A_1262, %dma_wait3A_1268, %dma_wait3A_1269] : memref<32x84x2x120xi32, #tpu.memory_space<hbm>> -> memref<1x1x2x120xi32, #tpu.memory_space<hbm>>
      %dma_wait3A_1271 = tpu.memref_squeeze %dma_wait3A_1270 : memref<1x1x2x120xi32, #tpu.memory_space<hbm>> -> memref<2x120xi32, #tpu.memory_space<hbm>>
      %dma_wait3A_1272 = arith.constant 0 : i32
      %dma_wait3A_1273 = arith.constant 0 : i32
      %dma_wait3A_1274 = tpu.memref_slice %arg7[%dma_wait3A_1263, %dma_wait3A_1272, %dma_wait3A_1273] : memref<6x2x120xi32, #tpu.memory_space<vmem>> -> memref<1x2x120xi32, #tpu.memory_space<vmem>>
      %dma_wait3A_1275 = tpu.memref_squeeze %dma_wait3A_1274 : memref<1x2x120xi32, #tpu.memory_space<vmem>> -> memref<2x120xi32, #tpu.memory_space<vmem>>
      %dma_wait3A_1276 = arith.constant 0 : i32
      %dma_wait3A_1277 = arith.constant 0 : i32
      %dma_wait3A_1278 = tpu.memref_slice %arg3[%add3A, %dma_wait3A_1262, %dma_wait3A_1276, %dma_wait3A_1277] : memref<32x84x2x120xi32, #tpu.memory_space<hbm>> -> memref<1x1x2x120xi32, #tpu.memory_space<hbm>>
      %dma_wait3A_1279 = tpu.memref_squeeze %dma_wait3A_1278 : memref<1x1x2x120xi32, #tpu.memory_space<hbm>> -> memref<2x120xi32, #tpu.memory_space<hbm>>
      tpu.wait_dma2 semaphore(%arg10 : memref<!tpu.dma_semaphore, #tpu.memory_space<semaphore_mem>>) src(%dma_wait3A_1279 : memref<2x120xi32, #tpu.memory_space<hbm>>) dst(%dma_wait3A_1275 : memref<2x120xi32, #tpu.memory_space<vmem>>)
      %dma_start3A_1280 = arith.constant 1 : i32
      %dma_start3A_1281 = arith.constant 0 : i32
      %dma_start3A_1282 = arith.constant 1 : i32
      %dma_start3A_1283 = arith.constant 0 : i32
      %dma_start3A_1284 = arith.constant 0 : i32
      %dma_start3A_1285 = tpu.memref_slice %arg8[%dma_start3A_1282, %dma_start3A_1283, %dma_start3A_1284] : memref<3x120x128xf32, #tpu.memory_space<vmem>> -> memref<1x120x128xf32, #tpu.memory_space<vmem>>
      %dma_start3A_1286 = tpu.memref_squeeze %dma_start3A_1285 : memref<1x120x128xf32, #tpu.memory_space<vmem>> -> memref<120x128xf32, #tpu.memory_space<vmem>>
      %dma_start3A_1287 = arith.constant 0 : i32
      %dma_start3A_1288 = tpu.memref_slice %arg7[%dma_start3A_1280, %dma_start3A_1281, %dma_start3A_1287] : memref<6x2x120xi32, #tpu.memory_space<vmem>> -> memref<1x1x120xi32, #tpu.memory_space<vmem>>
      %dma_start3A_1289 = tpu.memref_squeeze %dma_start3A_1288 : memref<1x1x120xi32, #tpu.memory_space<vmem>> -> memref<120xi32, #tpu.memory_space<vmem>>
      %dma_start3A_1290 = arith.constant 0 : i32
      %dma_start3A_1291 = arith.constant 0 : i32
      %dma_start3A_1292 = tpu.memref_slice %arg2[%dma_start3A_1290, %dma_start3A_1291] : memref<10112x128xf32, #tpu.memory_space<hbm>> -> memref<10112x128xf32, #tpu.memory_space<hbm>>
      tpu.enqueue_indirect_dma source(%dma_start3A_1292 : memref<10112x128xf32, #tpu.memory_space<hbm>>) target(%dma_start3A_1286 : memref<120x128xf32, #tpu.memory_space<vmem>>) offsets(%dma_start3A_1289 : memref<120xi32, #tpu.memory_space<vmem>>) semaphore(%arg16 : memref<!tpu.dma_semaphore, #tpu.memory_space<semaphore_mem>>)
      %dma_wait3A_1293 = arith.constant 2 : i32
      %dma_wait3A_1294 = arith.constant 0 : i32
      %dma_wait3A_1295 = arith.constant 0 : i32
      %dma_wait3A_1296 = tpu.memref_slice %arg8[%dma_wait3A_1293, %dma_wait3A_1294, %dma_wait3A_1295] : memref<3x120x128xf32, #tpu.memory_space<vmem>> -> memref<1x120x128xf32, #tpu.memory_space<vmem>>
      %dma_wait3A_1297 = tpu.memref_squeeze %dma_wait3A_1296 : memref<1x120x128xf32, #tpu.memory_space<vmem>> -> memref<120x128xf32, #tpu.memory_space<vmem>>
      %dma_wait3A_1298 = arith.constant 0 : i32
      %dma_wait3A_1299 = arith.constant 0 : i32
      %dma_wait3A_1300 = tpu.memref_slice %arg2[%dma_wait3A_1298, %dma_wait3A_1299] : memref<10112x128xf32, #tpu.memory_space<hbm>> -> memref<120x128xf32, #tpu.memory_space<hbm>>
      %dma_wait3A_1301 = arith.constant 0 : i32
      %dma_wait3A_1302 = arith.constant 0 : i32
      %dma_wait3A_1303 = tpu.memref_slice %arg8[%dma_wait3A_1293, %dma_wait3A_1301, %dma_wait3A_1302] : memref<3x120x128xf32, #tpu.memory_space<vmem>> -> memref<1x120x128xf32, #tpu.memory_space<vmem>>
      %dma_wait3A_1304 = tpu.memref_squeeze %dma_wait3A_1303 : memref<1x120x128xf32, #tpu.memory_space<vmem>> -> memref<120x128xf32, #tpu.memory_space<vmem>>
      %dma_wait3A_1305 = arith.constant 0 : i32
      %dma_wait3A_1306 = arith.constant 0 : i32
      %dma_wait3A_1307 = tpu.memref_slice %arg2[%dma_wait3A_1305, %dma_wait3A_1306] : memref<10112x128xf32, #tpu.memory_space<hbm>> -> memref<120x128xf32, #tpu.memory_space<hbm>>
      tpu.wait_dma2 semaphore(%arg17 : memref<!tpu.dma_semaphore, #tpu.memory_space<semaphore_mem>>) src(%dma_wait3A_1307 : memref<120x128xf32, #tpu.memory_space<hbm>>) dst(%dma_wait3A_1304 : memref<120x128xf32, #tpu.memory_space<vmem>>)
      %dma_start3A_1308 = arith.constant 2 : i32
      %dma_start3A_1309 = arith.constant 5 : i32
      %dma_start3A_1310 = arith.constant 1 : i32
      %dma_start3A_1311 = arith.constant 0 : i32
      %dma_start3A_1312 = arith.constant 0 : i32
      %dma_start3A_1313 = tpu.memref_slice %arg8[%dma_start3A_1308, %dma_start3A_1311, %dma_start3A_1312] : memref<3x120x128xf32, #tpu.memory_space<vmem>> -> memref<1x120x128xf32, #tpu.memory_space<vmem>>
      %dma_start3A_1314 = tpu.memref_squeeze %dma_start3A_1313 : memref<1x120x128xf32, #tpu.memory_space<vmem>> -> memref<120x128xf32, #tpu.memory_space<vmem>>
      %dma_start3A_1315 = arith.constant 0 : i32
      %dma_start3A_1316 = tpu.memref_slice %arg7[%dma_start3A_1309, %dma_start3A_1310, %dma_start3A_1315] : memref<6x2x120xi32, #tpu.memory_space<vmem>> -> memref<1x1x120xi32, #tpu.memory_space<vmem>>
      %dma_start3A_1317 = tpu.memref_squeeze %dma_start3A_1316 : memref<1x1x120xi32, #tpu.memory_space<vmem>> -> memref<120xi32, #tpu.memory_space<vmem>>
      %dma_start3A_1318 = arith.constant 0 : i32
      %dma_start3A_1319 = arith.constant 0 : i32
      %dma_start3A_1320 = tpu.memref_slice %arg6[%dma_start3A_1318, %dma_start3A_1319] : memref<10112x128xf32, #tpu.memory_space<vmem_shared>> -> memref<10112x128xf32, #tpu.memory_space<vmem_shared>>
      tpu.enqueue_indirect_dma source(%dma_start3A_1314 : memref<120x128xf32, #tpu.memory_space<vmem>>) target(%dma_start3A_1320 : memref<10112x128xf32, #tpu.memory_space<vmem_shared>>) offsets(%dma_start3A_1317 : memref<120xi32, #tpu.memory_space<vmem>>) semaphore(%arg20 : memref<!tpu.dma_semaphore, #tpu.memory_space<semaphore_mem>>) {add = true}
      %add3A_1321 = arith.constant 2 : i32
      %add3A_1322 = arith.addi %mul3A_1130, %add3A_1321 : i32
      %dma_wait3A_1323 = arith.constant 2 : i32
      %dma_wait3A_1324 = arith.constant 0 : i32
      %dma_wait3A_1325 = arith.constant 0 : i32
      %dma_wait3A_1326 = tpu.memref_slice %arg8[%dma_wait3A_1323, %dma_wait3A_1324, %dma_wait3A_1325] : memref<3x120x128xf32, #tpu.memory_space<vmem>> -> memref<1x120x128xf32, #tpu.memory_space<vmem>>
      %dma_wait3A_1327 = tpu.memref_squeeze %dma_wait3A_1326 : memref<1x120x128xf32, #tpu.memory_space<vmem>> -> memref<120x128xf32, #tpu.memory_space<vmem>>
      %dma_wait3A_1328 = arith.constant 0 : i32
      %dma_wait3A_1329 = arith.constant 0 : i32
      %dma_wait3A_1330 = tpu.memref_slice %arg6[%dma_wait3A_1328, %dma_wait3A_1329] : memref<10112x128xf32, #tpu.memory_space<vmem_shared>> -> memref<120x128xf32, #tpu.memory_space<vmem_shared>>
      %dma_wait3A_1331 = arith.constant 0 : i32
      %dma_wait3A_1332 = arith.constant 0 : i32
      %dma_wait3A_1333 = tpu.memref_slice %arg6[%dma_wait3A_1331, %dma_wait3A_1332] : memref<10112x128xf32, #tpu.memory_space<vmem_shared>> -> memref<120x128xf32, #tpu.memory_space<vmem_shared>>
      %dma_wait3A_1334 = arith.constant 0 : i32
      %dma_wait3A_1335 = arith.constant 0 : i32
      %dma_wait3A_1336 = tpu.memref_slice %arg8[%dma_wait3A_1323, %dma_wait3A_1334, %dma_wait3A_1335] : memref<3x120x128xf32, #tpu.memory_space<vmem>> -> memref<1x120x128xf32, #tpu.memory_space<vmem>>
      %dma_wait3A_1337 = tpu.memref_squeeze %dma_wait3A_1336 : memref<1x120x128xf32, #tpu.memory_space<vmem>> -> memref<120x128xf32, #tpu.memory_space<vmem>>
      tpu.wait_dma2 semaphore(%arg20 : memref<!tpu.dma_semaphore, #tpu.memory_space<semaphore_mem>>) src(%dma_wait3A_1337 : memref<120x128xf32, #tpu.memory_space<vmem>>) dst(%dma_wait3A_1333 : memref<120x128xf32, #tpu.memory_space<vmem_shared>>)
      %add3A_1338 = arith.constant 3 : i32
      %add3A_1339 = arith.addi %add3A_1322, %add3A_1338 : i32
      %dma_start3A_1340 = arith.constant 5 : i32
      %dma_start3A_1341 = arith.constant 0 : i32
      %dma_start3A_1342 = arith.constant 0 : i32
      %dma_start3A_1343 = tpu.memref_slice %arg7[%dma_start3A_1340, %dma_start3A_1341, %dma_start3A_1342] : memref<6x2x120xi32, #tpu.memory_space<vmem>> -> memref<1x2x120xi32, #tpu.memory_space<vmem>>
      %dma_start3A_1344 = tpu.memref_squeeze %dma_start3A_1343 : memref<1x2x120xi32, #tpu.memory_space<vmem>> -> memref<2x120xi32, #tpu.memory_space<vmem>>
      %dma_start3A_1345 = arith.constant 0 : i32
      %dma_start3A_1346 = arith.constant 0 : i32
      %dma_start3A_1347 = tpu.memref_slice %arg3[%add3A, %add3A_1339, %dma_start3A_1345, %dma_start3A_1346] : memref<32x84x2x120xi32, #tpu.memory_space<hbm>> -> memref<1x1x2x120xi32, #tpu.memory_space<hbm>>
      %dma_start3A_1348 = tpu.memref_squeeze %dma_start3A_1347 : memref<1x1x2x120xi32, #tpu.memory_space<hbm>> -> memref<2x120xi32, #tpu.memory_space<hbm>>
      %dma_start3A_1349 = arith.constant 0 : i32
      %dma_start3A_1350 = arith.constant 0 : i32
      %dma_start3A_1351 = tpu.memref_slice %arg7[%dma_start3A_1340, %dma_start3A_1349, %dma_start3A_1350] : memref<6x2x120xi32, #tpu.memory_space<vmem>> -> memref<1x2x120xi32, #tpu.memory_space<vmem>>
      %dma_start3A_1352 = tpu.memref_squeeze %dma_start3A_1351 : memref<1x2x120xi32, #tpu.memory_space<vmem>> -> memref<2x120xi32, #tpu.memory_space<vmem>>
      %dma_start3A_1353 = arith.constant 0 : i32
      %dma_start3A_1354 = arith.constant 0 : i32
      %dma_start3A_1355 = tpu.memref_slice %arg3[%add3A, %add3A_1339, %dma_start3A_1353, %dma_start3A_1354] : memref<32x84x2x120xi32, #tpu.memory_space<hbm>> -> memref<1x1x2x120xi32, #tpu.memory_space<hbm>>
      %dma_start3A_1356 = tpu.memref_squeeze %dma_start3A_1355 : memref<1x1x2x120xi32, #tpu.memory_space<hbm>> -> memref<2x120xi32, #tpu.memory_space<hbm>>
      tpu.enqueue_dma source(%dma_start3A_1356 : memref<2x120xi32, #tpu.memory_space<hbm>>) target(%dma_start3A_1352 : memref<2x120xi32, #tpu.memory_space<vmem>>) target_semaphore(%arg14 : memref<!tpu.dma_semaphore, #tpu.memory_space<semaphore_mem>>)
      %dma_wait3A_1357 = arith.constant 0 : i32
      %dma_wait3A_1358 = arith.constant 2 : i32
      %dma_wait3A_1359 = arith.constant 0 : i32
      %dma_wait3A_1360 = arith.constant 0 : i32
      %dma_wait3A_1361 = tpu.memref_slice %arg7[%dma_wait3A_1358, %dma_wait3A_1359, %dma_wait3A_1360] : memref<6x2x120xi32, #tpu.memory_space<vmem>> -> memref<1x2x120xi32, #tpu.memory_space<vmem>>
      %dma_wait3A_1362 = tpu.memref_squeeze %dma_wait3A_1361 : memref<1x2x120xi32, #tpu.memory_space<vmem>> -> memref<2x120xi32, #tpu.memory_space<vmem>>
      %dma_wait3A_1363 = arith.constant 0 : i32
      %dma_wait3A_1364 = arith.constant 0 : i32
      %dma_wait3A_1365 = tpu.memref_slice %arg3[%add3A, %dma_wait3A_1357, %dma_wait3A_1363, %dma_wait3A_1364] : memref<32x84x2x120xi32, #tpu.memory_space<hbm>> -> memref<1x1x2x120xi32, #tpu.memory_space<hbm>>
      %dma_wait3A_1366 = tpu.memref_squeeze %dma_wait3A_1365 : memref<1x1x2x120xi32, #tpu.memory_space<hbm>> -> memref<2x120xi32, #tpu.memory_space<hbm>>
      %dma_wait3A_1367 = arith.constant 0 : i32
      %dma_wait3A_1368 = arith.constant 0 : i32
      %dma_wait3A_1369 = tpu.memref_slice %arg7[%dma_wait3A_1358, %dma_wait3A_1367, %dma_wait3A_1368] : memref<6x2x120xi32, #tpu.memory_space<vmem>> -> memref<1x2x120xi32, #tpu.memory_space<vmem>>
      %dma_wait3A_1370 = tpu.memref_squeeze %dma_wait3A_1369 : memref<1x2x120xi32, #tpu.memory_space<vmem>> -> memref<2x120xi32, #tpu.memory_space<vmem>>
      %dma_wait3A_1371 = arith.constant 0 : i32
      %dma_wait3A_1372 = arith.constant 0 : i32
      %dma_wait3A_1373 = tpu.memref_slice %arg3[%add3A, %dma_wait3A_1357, %dma_wait3A_1371, %dma_wait3A_1372] : memref<32x84x2x120xi32, #tpu.memory_space<hbm>> -> memref<1x1x2x120xi32, #tpu.memory_space<hbm>>
      %dma_wait3A_1374 = tpu.memref_squeeze %dma_wait3A_1373 : memref<1x1x2x120xi32, #tpu.memory_space<hbm>> -> memref<2x120xi32, #tpu.memory_space<hbm>>
      tpu.wait_dma2 semaphore(%arg11 : memref<!tpu.dma_semaphore, #tpu.memory_space<semaphore_mem>>) src(%dma_wait3A_1374 : memref<2x120xi32, #tpu.memory_space<hbm>>) dst(%dma_wait3A_1370 : memref<2x120xi32, #tpu.memory_space<vmem>>)
      %dma_start3A_1375 = arith.constant 2 : i32
      %dma_start3A_1376 = arith.constant 0 : i32
      %dma_start3A_1377 = arith.constant 2 : i32
      %dma_start3A_1378 = arith.constant 0 : i32
      %dma_start3A_1379 = arith.constant 0 : i32
      %dma_start3A_1380 = tpu.memref_slice %arg8[%dma_start3A_1377, %dma_start3A_1378, %dma_start3A_1379] : memref<3x120x128xf32, #tpu.memory_space<vmem>> -> memref<1x120x128xf32, #tpu.memory_space<vmem>>
      %dma_start3A_1381 = tpu.memref_squeeze %dma_start3A_1380 : memref<1x120x128xf32, #tpu.memory_space<vmem>> -> memref<120x128xf32, #tpu.memory_space<vmem>>
      %dma_start3A_1382 = arith.constant 0 : i32
      %dma_start3A_1383 = tpu.memref_slice %arg7[%dma_start3A_1375, %dma_start3A_1376, %dma_start3A_1382] : memref<6x2x120xi32, #tpu.memory_space<vmem>> -> memref<1x1x120xi32, #tpu.memory_space<vmem>>
      %dma_start3A_1384 = tpu.memref_squeeze %dma_start3A_1383 : memref<1x1x120xi32, #tpu.memory_space<vmem>> -> memref<120xi32, #tpu.memory_space<vmem>>
      %dma_start3A_1385 = arith.constant 0 : i32
      %dma_start3A_1386 = arith.constant 0 : i32
      %dma_start3A_1387 = tpu.memref_slice %arg2[%dma_start3A_1385, %dma_start3A_1386] : memref<10112x128xf32, #tpu.memory_space<hbm>> -> memref<10112x128xf32, #tpu.memory_space<hbm>>
      tpu.enqueue_indirect_dma source(%dma_start3A_1387 : memref<10112x128xf32, #tpu.memory_space<hbm>>) target(%dma_start3A_1381 : memref<120x128xf32, #tpu.memory_space<vmem>>) offsets(%dma_start3A_1384 : memref<120xi32, #tpu.memory_space<vmem>>) semaphore(%arg17 : memref<!tpu.dma_semaphore, #tpu.memory_space<semaphore_mem>>)
      %dma_wait3A_1388 = arith.constant 0 : i32
      %dma_wait3A_1389 = arith.constant 0 : i32
      %dma_wait3A_1390 = arith.constant 0 : i32
      %dma_wait3A_1391 = tpu.memref_slice %arg8[%dma_wait3A_1388, %dma_wait3A_1389, %dma_wait3A_1390] : memref<3x120x128xf32, #tpu.memory_space<vmem>> -> memref<1x120x128xf32, #tpu.memory_space<vmem>>
      %dma_wait3A_1392 = tpu.memref_squeeze %dma_wait3A_1391 : memref<1x120x128xf32, #tpu.memory_space<vmem>> -> memref<120x128xf32, #tpu.memory_space<vmem>>
      %dma_wait3A_1393 = arith.constant 0 : i32
      %dma_wait3A_1394 = arith.constant 0 : i32
      %dma_wait3A_1395 = tpu.memref_slice %arg2[%dma_wait3A_1393, %dma_wait3A_1394] : memref<10112x128xf32, #tpu.memory_space<hbm>> -> memref<120x128xf32, #tpu.memory_space<hbm>>
      %dma_wait3A_1396 = arith.constant 0 : i32
      %dma_wait3A_1397 = arith.constant 0 : i32
      %dma_wait3A_1398 = tpu.memref_slice %arg8[%dma_wait3A_1388, %dma_wait3A_1396, %dma_wait3A_1397] : memref<3x120x128xf32, #tpu.memory_space<vmem>> -> memref<1x120x128xf32, #tpu.memory_space<vmem>>
      %dma_wait3A_1399 = tpu.memref_squeeze %dma_wait3A_1398 : memref<1x120x128xf32, #tpu.memory_space<vmem>> -> memref<120x128xf32, #tpu.memory_space<vmem>>
      %dma_wait3A_1400 = arith.constant 0 : i32
      %dma_wait3A_1401 = arith.constant 0 : i32
      %dma_wait3A_1402 = tpu.memref_slice %arg2[%dma_wait3A_1400, %dma_wait3A_1401] : memref<10112x128xf32, #tpu.memory_space<hbm>> -> memref<120x128xf32, #tpu.memory_space<hbm>>
      tpu.wait_dma2 semaphore(%arg15 : memref<!tpu.dma_semaphore, #tpu.memory_space<semaphore_mem>>) src(%dma_wait3A_1402 : memref<120x128xf32, #tpu.memory_space<hbm>>) dst(%dma_wait3A_1399 : memref<120x128xf32, #tpu.memory_space<vmem>>)
      %dma_start3A_1403 = arith.constant 0 : i32
      %dma_start3A_1404 = arith.constant 0 : i32
      %dma_start3A_1405 = arith.constant 1 : i32
      %dma_start3A_1406 = arith.constant 0 : i32
      %dma_start3A_1407 = arith.constant 0 : i32
      %dma_start3A_1408 = tpu.memref_slice %arg8[%dma_start3A_1403, %dma_start3A_1406, %dma_start3A_1407] : memref<3x120x128xf32, #tpu.memory_space<vmem>> -> memref<1x120x128xf32, #tpu.memory_space<vmem>>
      %dma_start3A_1409 = tpu.memref_squeeze %dma_start3A_1408 : memref<1x120x128xf32, #tpu.memory_space<vmem>> -> memref<120x128xf32, #tpu.memory_space<vmem>>
      %dma_start3A_1410 = arith.constant 0 : i32
      %dma_start3A_1411 = tpu.memref_slice %arg7[%dma_start3A_1404, %dma_start3A_1405, %dma_start3A_1410] : memref<6x2x120xi32, #tpu.memory_space<vmem>> -> memref<1x1x120xi32, #tpu.memory_space<vmem>>
      %dma_start3A_1412 = tpu.memref_squeeze %dma_start3A_1411 : memref<1x1x120xi32, #tpu.memory_space<vmem>> -> memref<120xi32, #tpu.memory_space<vmem>>
      %dma_start3A_1413 = arith.constant 0 : i32
      %dma_start3A_1414 = arith.constant 0 : i32
      %dma_start3A_1415 = tpu.memref_slice %arg6[%dma_start3A_1413, %dma_start3A_1414] : memref<10112x128xf32, #tpu.memory_space<vmem_shared>> -> memref<10112x128xf32, #tpu.memory_space<vmem_shared>>
      tpu.enqueue_indirect_dma source(%dma_start3A_1409 : memref<120x128xf32, #tpu.memory_space<vmem>>) target(%dma_start3A_1415 : memref<10112x128xf32, #tpu.memory_space<vmem_shared>>) offsets(%dma_start3A_1412 : memref<120xi32, #tpu.memory_space<vmem>>) semaphore(%arg18 : memref<!tpu.dma_semaphore, #tpu.memory_space<semaphore_mem>>) {add = true}
      %add3A_1416 = arith.constant 3 : i32
      %add3A_1417 = arith.addi %mul3A_1130, %add3A_1416 : i32
      %dma_wait3A_1418 = arith.constant 0 : i32
      %dma_wait3A_1419 = arith.constant 0 : i32
      %dma_wait3A_1420 = arith.constant 0 : i32
      %dma_wait3A_1421 = tpu.memref_slice %arg8[%dma_wait3A_1418, %dma_wait3A_1419, %dma_wait3A_1420] : memref<3x120x128xf32, #tpu.memory_space<vmem>> -> memref<1x120x128xf32, #tpu.memory_space<vmem>>
      %dma_wait3A_1422 = tpu.memref_squeeze %dma_wait3A_1421 : memref<1x120x128xf32, #tpu.memory_space<vmem>> -> memref<120x128xf32, #tpu.memory_space<vmem>>
      %dma_wait3A_1423 = arith.constant 0 : i32
      %dma_wait3A_1424 = arith.constant 0 : i32
      %dma_wait3A_1425 = tpu.memref_slice %arg6[%dma_wait3A_1423, %dma_wait3A_1424] : memref<10112x128xf32, #tpu.memory_space<vmem_shared>> -> memref<120x128xf32, #tpu.memory_space<vmem_shared>>
      %dma_wait3A_1426 = arith.constant 0 : i32
      %dma_wait3A_1427 = arith.constant 0 : i32
      %dma_wait3A_1428 = tpu.memref_slice %arg6[%dma_wait3A_1426, %dma_wait3A_1427] : memref<10112x128xf32, #tpu.memory_space<vmem_shared>> -> memref<120x128xf32, #tpu.memory_space<vmem_shared>>
      %dma_wait3A_1429 = arith.constant 0 : i32
      %dma_wait3A_1430 = arith.constant 0 : i32
      %dma_wait3A_1431 = tpu.memref_slice %arg8[%dma_wait3A_1418, %dma_wait3A_1429, %dma_wait3A_1430] : memref<3x120x128xf32, #tpu.memory_space<vmem>> -> memref<1x120x128xf32, #tpu.memory_space<vmem>>
      %dma_wait3A_1432 = tpu.memref_squeeze %dma_wait3A_1431 : memref<1x120x128xf32, #tpu.memory_space<vmem>> -> memref<120x128xf32, #tpu.memory_space<vmem>>
      tpu.wait_dma2 semaphore(%arg18 : memref<!tpu.dma_semaphore, #tpu.memory_space<semaphore_mem>>) src(%dma_wait3A_1432 : memref<120x128xf32, #tpu.memory_space<vmem>>) dst(%dma_wait3A_1428 : memref<120x128xf32, #tpu.memory_space<vmem_shared>>)
      %add3A_1433 = arith.constant 3 : i32
      %add3A_1434 = arith.addi %add3A_1417, %add3A_1433 : i32
      %dma_start3A_1435 = arith.constant 0 : i32
      %dma_start3A_1436 = arith.constant 0 : i32
      %dma_start3A_1437 = arith.constant 0 : i32
      %dma_start3A_1438 = tpu.memref_slice %arg7[%dma_start3A_1435, %dma_start3A_1436, %dma_start3A_1437] : memref<6x2x120xi32, #tpu.memory_space<vmem>> -> memref<1x2x120xi32, #tpu.memory_space<vmem>>
      %dma_start3A_1439 = tpu.memref_squeeze %dma_start3A_1438 : memref<1x2x120xi32, #tpu.memory_space<vmem>> -> memref<2x120xi32, #tpu.memory_space<vmem>>
      %dma_start3A_1440 = arith.constant 0 : i32
      %dma_start3A_1441 = arith.constant 0 : i32
      %dma_start3A_1442 = tpu.memref_slice %arg3[%add3A, %add3A_1434, %dma_start3A_1440, %dma_start3A_1441] : memref<32x84x2x120xi32, #tpu.memory_space<hbm>> -> memref<1x1x2x120xi32, #tpu.memory_space<hbm>>
      %dma_start3A_1443 = tpu.memref_squeeze %dma_start3A_1442 : memref<1x1x2x120xi32, #tpu.memory_space<hbm>> -> memref<2x120xi32, #tpu.memory_space<hbm>>
      %dma_start3A_1444 = arith.constant 0 : i32
      %dma_start3A_1445 = arith.constant 0 : i32
      %dma_start3A_1446 = tpu.memref_slice %arg7[%dma_start3A_1435, %dma_start3A_1444, %dma_start3A_1445] : memref<6x2x120xi32, #tpu.memory_space<vmem>> -> memref<1x2x120xi32, #tpu.memory_space<vmem>>
      %dma_start3A_1447 = tpu.memref_squeeze %dma_start3A_1446 : memref<1x2x120xi32, #tpu.memory_space<vmem>> -> memref<2x120xi32, #tpu.memory_space<vmem>>
      %dma_start3A_1448 = arith.constant 0 : i32
      %dma_start3A_1449 = arith.constant 0 : i32
      %dma_start3A_1450 = tpu.memref_slice %arg3[%add3A, %add3A_1434, %dma_start3A_1448, %dma_start3A_1449] : memref<32x84x2x120xi32, #tpu.memory_space<hbm>> -> memref<1x1x2x120xi32, #tpu.memory_space<hbm>>
      %dma_start3A_1451 = tpu.memref_squeeze %dma_start3A_1450 : memref<1x1x2x120xi32, #tpu.memory_space<hbm>> -> memref<2x120xi32, #tpu.memory_space<hbm>>
      tpu.enqueue_dma source(%dma_start3A_1451 : memref<2x120xi32, #tpu.memory_space<hbm>>) target(%dma_start3A_1447 : memref<2x120xi32, #tpu.memory_space<vmem>>) target_semaphore(%arg9 : memref<!tpu.dma_semaphore, #tpu.memory_space<semaphore_mem>>)
      %dma_wait3A_1452 = arith.constant 0 : i32
      %dma_wait3A_1453 = arith.constant 3 : i32
      %dma_wait3A_1454 = arith.constant 0 : i32
      %dma_wait3A_1455 = arith.constant 0 : i32
      %dma_wait3A_1456 = tpu.memref_slice %arg7[%dma_wait3A_1453, %dma_wait3A_1454, %dma_wait3A_1455] : memref<6x2x120xi32, #tpu.memory_space<vmem>> -> memref<1x2x120xi32, #tpu.memory_space<vmem>>
      %dma_wait3A_1457 = tpu.memref_squeeze %dma_wait3A_1456 : memref<1x2x120xi32, #tpu.memory_space<vmem>> -> memref<2x120xi32, #tpu.memory_space<vmem>>
      %dma_wait3A_1458 = arith.constant 0 : i32
      %dma_wait3A_1459 = arith.constant 0 : i32
      %dma_wait3A_1460 = tpu.memref_slice %arg3[%add3A, %dma_wait3A_1452, %dma_wait3A_1458, %dma_wait3A_1459] : memref<32x84x2x120xi32, #tpu.memory_space<hbm>> -> memref<1x1x2x120xi32, #tpu.memory_space<hbm>>
      %dma_wait3A_1461 = tpu.memref_squeeze %dma_wait3A_1460 : memref<1x1x2x120xi32, #tpu.memory_space<hbm>> -> memref<2x120xi32, #tpu.memory_space<hbm>>
      %dma_wait3A_1462 = arith.constant 0 : i32
      %dma_wait3A_1463 = arith.constant 0 : i32
      %dma_wait3A_1464 = tpu.memref_slice %arg7[%dma_wait3A_1453, %dma_wait3A_1462, %dma_wait3A_1463] : memref<6x2x120xi32, #tpu.memory_space<vmem>> -> memref<1x2x120xi32, #tpu.memory_space<vmem>>
      %dma_wait3A_1465 = tpu.memref_squeeze %dma_wait3A_1464 : memref<1x2x120xi32, #tpu.memory_space<vmem>> -> memref<2x120xi32, #tpu.memory_space<vmem>>
      %dma_wait3A_1466 = arith.constant 0 : i32
      %dma_wait3A_1467 = arith.constant 0 : i32
      %dma_wait3A_1468 = tpu.memref_slice %arg3[%add3A, %dma_wait3A_1452, %dma_wait3A_1466, %dma_wait3A_1467] : memref<32x84x2x120xi32, #tpu.memory_space<hbm>> -> memref<1x1x2x120xi32, #tpu.memory_space<hbm>>
      %dma_wait3A_1469 = tpu.memref_squeeze %dma_wait3A_1468 : memref<1x1x2x120xi32, #tpu.memory_space<hbm>> -> memref<2x120xi32, #tpu.memory_space<hbm>>
      tpu.wait_dma2 semaphore(%arg12 : memref<!tpu.dma_semaphore, #tpu.memory_space<semaphore_mem>>) src(%dma_wait3A_1469 : memref<2x120xi32, #tpu.memory_space<hbm>>) dst(%dma_wait3A_1465 : memref<2x120xi32, #tpu.memory_space<vmem>>)
      %dma_start3A_1470 = arith.constant 3 : i32
      %dma_start3A_1471 = arith.constant 0 : i32
      %dma_start3A_1472 = arith.constant 0 : i32
      %dma_start3A_1473 = arith.constant 0 : i32
      %dma_start3A_1474 = arith.constant 0 : i32
      %dma_start3A_1475 = tpu.memref_slice %arg8[%dma_start3A_1472, %dma_start3A_1473, %dma_start3A_1474] : memref<3x120x128xf32, #tpu.memory_space<vmem>> -> memref<1x120x128xf32, #tpu.memory_space<vmem>>
      %dma_start3A_1476 = tpu.memref_squeeze %dma_start3A_1475 : memref<1x120x128xf32, #tpu.memory_space<vmem>> -> memref<120x128xf32, #tpu.memory_space<vmem>>
      %dma_start3A_1477 = arith.constant 0 : i32
      %dma_start3A_1478 = tpu.memref_slice %arg7[%dma_start3A_1470, %dma_start3A_1471, %dma_start3A_1477] : memref<6x2x120xi32, #tpu.memory_space<vmem>> -> memref<1x1x120xi32, #tpu.memory_space<vmem>>
      %dma_start3A_1479 = tpu.memref_squeeze %dma_start3A_1478 : memref<1x1x120xi32, #tpu.memory_space<vmem>> -> memref<120xi32, #tpu.memory_space<vmem>>
      %dma_start3A_1480 = arith.constant 0 : i32
      %dma_start3A_1481 = arith.constant 0 : i32
      %dma_start3A_1482 = tpu.memref_slice %arg2[%dma_start3A_1480, %dma_start3A_1481] : memref<10112x128xf32, #tpu.memory_space<hbm>> -> memref<10112x128xf32, #tpu.memory_space<hbm>>
      tpu.enqueue_indirect_dma source(%dma_start3A_1482 : memref<10112x128xf32, #tpu.memory_space<hbm>>) target(%dma_start3A_1476 : memref<120x128xf32, #tpu.memory_space<vmem>>) offsets(%dma_start3A_1479 : memref<120xi32, #tpu.memory_space<vmem>>) semaphore(%arg15 : memref<!tpu.dma_semaphore, #tpu.memory_space<semaphore_mem>>)
      %dma_wait3A_1483 = arith.constant 1 : i32
      %dma_wait3A_1484 = arith.constant 0 : i32
      %dma_wait3A_1485 = arith.constant 0 : i32
      %dma_wait3A_1486 = tpu.memref_slice %arg8[%dma_wait3A_1483, %dma_wait3A_1484, %dma_wait3A_1485] : memref<3x120x128xf32, #tpu.memory_space<vmem>> -> memref<1x120x128xf32, #tpu.memory_space<vmem>>
      %dma_wait3A_1487 = tpu.memref_squeeze %dma_wait3A_1486 : memref<1x120x128xf32, #tpu.memory_space<vmem>> -> memref<120x128xf32, #tpu.memory_space<vmem>>
      %dma_wait3A_1488 = arith.constant 0 : i32
      %dma_wait3A_1489 = arith.constant 0 : i32
      %dma_wait3A_1490 = tpu.memref_slice %arg2[%dma_wait3A_1488, %dma_wait3A_1489] : memref<10112x128xf32, #tpu.memory_space<hbm>> -> memref<120x128xf32, #tpu.memory_space<hbm>>
      %dma_wait3A_1491 = arith.constant 0 : i32
      %dma_wait3A_1492 = arith.constant 0 : i32
      %dma_wait3A_1493 = tpu.memref_slice %arg8[%dma_wait3A_1483, %dma_wait3A_1491, %dma_wait3A_1492] : memref<3x120x128xf32, #tpu.memory_space<vmem>> -> memref<1x120x128xf32, #tpu.memory_space<vmem>>
      %dma_wait3A_1494 = tpu.memref_squeeze %dma_wait3A_1493 : memref<1x120x128xf32, #tpu.memory_space<vmem>> -> memref<120x128xf32, #tpu.memory_space<vmem>>
      %dma_wait3A_1495 = arith.constant 0 : i32
      %dma_wait3A_1496 = arith.constant 0 : i32
      %dma_wait3A_1497 = tpu.memref_slice %arg2[%dma_wait3A_1495, %dma_wait3A_1496] : memref<10112x128xf32, #tpu.memory_space<hbm>> -> memref<120x128xf32, #tpu.memory_space<hbm>>
      tpu.wait_dma2 semaphore(%arg16 : memref<!tpu.dma_semaphore, #tpu.memory_space<semaphore_mem>>) src(%dma_wait3A_1497 : memref<120x128xf32, #tpu.memory_space<hbm>>) dst(%dma_wait3A_1494 : memref<120x128xf32, #tpu.memory_space<vmem>>)
      %dma_start3A_1498 = arith.constant 1 : i32
      %dma_start3A_1499 = arith.constant 1 : i32
      %dma_start3A_1500 = arith.constant 1 : i32
      %dma_start3A_1501 = arith.constant 0 : i32
      %dma_start3A_1502 = arith.constant 0 : i32
      %dma_start3A_1503 = tpu.memref_slice %arg8[%dma_start3A_1498, %dma_start3A_1501, %dma_start3A_1502] : memref<3x120x128xf32, #tpu.memory_space<vmem>> -> memref<1x120x128xf32, #tpu.memory_space<vmem>>
      %dma_start3A_1504 = tpu.memref_squeeze %dma_start3A_1503 : memref<1x120x128xf32, #tpu.memory_space<vmem>> -> memref<120x128xf32, #tpu.memory_space<vmem>>
      %dma_start3A_1505 = arith.constant 0 : i32
      %dma_start3A_1506 = tpu.memref_slice %arg7[%dma_start3A_1499, %dma_start3A_1500, %dma_start3A_1505] : memref<6x2x120xi32, #tpu.memory_space<vmem>> -> memref<1x1x120xi32, #tpu.memory_space<vmem>>
      %dma_start3A_1507 = tpu.memref_squeeze %dma_start3A_1506 : memref<1x1x120xi32, #tpu.memory_space<vmem>> -> memref<120xi32, #tpu.memory_space<vmem>>
      %dma_start3A_1508 = arith.constant 0 : i32
      %dma_start3A_1509 = arith.constant 0 : i32
      %dma_start3A_1510 = tpu.memref_slice %arg6[%dma_start3A_1508, %dma_start3A_1509] : memref<10112x128xf32, #tpu.memory_space<vmem_shared>> -> memref<10112x128xf32, #tpu.memory_space<vmem_shared>>
      tpu.enqueue_indirect_dma source(%dma_start3A_1504 : memref<120x128xf32, #tpu.memory_space<vmem>>) target(%dma_start3A_1510 : memref<10112x128xf32, #tpu.memory_space<vmem_shared>>) offsets(%dma_start3A_1507 : memref<120xi32, #tpu.memory_space<vmem>>) semaphore(%arg19 : memref<!tpu.dma_semaphore, #tpu.memory_space<semaphore_mem>>) {add = true}
      %add3A_1511 = arith.constant 4 : i32
      %add3A_1512 = arith.addi %mul3A_1130, %add3A_1511 : i32
      %dma_wait3A_1513 = arith.constant 1 : i32
      %dma_wait3A_1514 = arith.constant 0 : i32
      %dma_wait3A_1515 = arith.constant 0 : i32
      %dma_wait3A_1516 = tpu.memref_slice %arg8[%dma_wait3A_1513, %dma_wait3A_1514, %dma_wait3A_1515] : memref<3x120x128xf32, #tpu.memory_space<vmem>> -> memref<1x120x128xf32, #tpu.memory_space<vmem>>
      %dma_wait3A_1517 = tpu.memref_squeeze %dma_wait3A_1516 : memref<1x120x128xf32, #tpu.memory_space<vmem>> -> memref<120x128xf32, #tpu.memory_space<vmem>>
      %dma_wait3A_1518 = arith.constant 0 : i32
      %dma_wait3A_1519 = arith.constant 0 : i32
      %dma_wait3A_1520 = tpu.memref_slice %arg6[%dma_wait3A_1518, %dma_wait3A_1519] : memref<10112x128xf32, #tpu.memory_space<vmem_shared>> -> memref<120x128xf32, #tpu.memory_space<vmem_shared>>
      %dma_wait3A_1521 = arith.constant 0 : i32
      %dma_wait3A_1522 = arith.constant 0 : i32
      %dma_wait3A_1523 = tpu.memref_slice %arg6[%dma_wait3A_1521, %dma_wait3A_1522] : memref<10112x128xf32, #tpu.memory_space<vmem_shared>> -> memref<120x128xf32, #tpu.memory_space<vmem_shared>>
      %dma_wait3A_1524 = arith.constant 0 : i32
      %dma_wait3A_1525 = arith.constant 0 : i32
      %dma_wait3A_1526 = tpu.memref_slice %arg8[%dma_wait3A_1513, %dma_wait3A_1524, %dma_wait3A_1525] : memref<3x120x128xf32, #tpu.memory_space<vmem>> -> memref<1x120x128xf32, #tpu.memory_space<vmem>>
      %dma_wait3A_1527 = tpu.memref_squeeze %dma_wait3A_1526 : memref<1x120x128xf32, #tpu.memory_space<vmem>> -> memref<120x128xf32, #tpu.memory_space<vmem>>
      tpu.wait_dma2 semaphore(%arg19 : memref<!tpu.dma_semaphore, #tpu.memory_space<semaphore_mem>>) src(%dma_wait3A_1527 : memref<120x128xf32, #tpu.memory_space<vmem>>) dst(%dma_wait3A_1523 : memref<120x128xf32, #tpu.memory_space<vmem_shared>>)
      %add3A_1528 = arith.constant 3 : i32
      %add3A_1529 = arith.addi %add3A_1512, %add3A_1528 : i32
      %dma_start3A_1530 = arith.constant 1 : i32
      %dma_start3A_1531 = arith.constant 0 : i32
      %dma_start3A_1532 = arith.constant 0 : i32
      %dma_start3A_1533 = tpu.memref_slice %arg7[%dma_start3A_1530, %dma_start3A_1531, %dma_start3A_1532] : memref<6x2x120xi32, #tpu.memory_space<vmem>> -> memref<1x2x120xi32, #tpu.memory_space<vmem>>
      %dma_start3A_1534 = tpu.memref_squeeze %dma_start3A_1533 : memref<1x2x120xi32, #tpu.memory_space<vmem>> -> memref<2x120xi32, #tpu.memory_space<vmem>>
      %dma_start3A_1535 = arith.constant 0 : i32
      %dma_start3A_1536 = arith.constant 0 : i32
      %dma_start3A_1537 = tpu.memref_slice %arg3[%add3A, %add3A_1529, %dma_start3A_1535, %dma_start3A_1536] : memref<32x84x2x120xi32, #tpu.memory_space<hbm>> -> memref<1x1x2x120xi32, #tpu.memory_space<hbm>>
      %dma_start3A_1538 = tpu.memref_squeeze %dma_start3A_1537 : memref<1x1x2x120xi32, #tpu.memory_space<hbm>> -> memref<2x120xi32, #tpu.memory_space<hbm>>
      %dma_start3A_1539 = arith.constant 0 : i32
      %dma_start3A_1540 = arith.constant 0 : i32
      %dma_start3A_1541 = tpu.memref_slice %arg7[%dma_start3A_1530, %dma_start3A_1539, %dma_start3A_1540] : memref<6x2x120xi32, #tpu.memory_space<vmem>> -> memref<1x2x120xi32, #tpu.memory_space<vmem>>
      %dma_start3A_1542 = tpu.memref_squeeze %dma_start3A_1541 : memref<1x2x120xi32, #tpu.memory_space<vmem>> -> memref<2x120xi32, #tpu.memory_space<vmem>>
      %dma_start3A_1543 = arith.constant 0 : i32
      %dma_start3A_1544 = arith.constant 0 : i32
      %dma_start3A_1545 = tpu.memref_slice %arg3[%add3A, %add3A_1529, %dma_start3A_1543, %dma_start3A_1544] : memref<32x84x2x120xi32, #tpu.memory_space<hbm>> -> memref<1x1x2x120xi32, #tpu.memory_space<hbm>>
      %dma_start3A_1546 = tpu.memref_squeeze %dma_start3A_1545 : memref<1x1x2x120xi32, #tpu.memory_space<hbm>> -> memref<2x120xi32, #tpu.memory_space<hbm>>
      tpu.enqueue_dma source(%dma_start3A_1546 : memref<2x120xi32, #tpu.memory_space<hbm>>) target(%dma_start3A_1542 : memref<2x120xi32, #tpu.memory_space<vmem>>) target_semaphore(%arg10 : memref<!tpu.dma_semaphore, #tpu.memory_space<semaphore_mem>>)
      %dma_wait3A_1547 = arith.constant 0 : i32
      %dma_wait3A_1548 = arith.constant 4 : i32
      %dma_wait3A_1549 = arith.constant 0 : i32
      %dma_wait3A_1550 = arith.constant 0 : i32
      %dma_wait3A_1551 = tpu.memref_slice %arg7[%dma_wait3A_1548, %dma_wait3A_1549, %dma_wait3A_1550] : memref<6x2x120xi32, #tpu.memory_space<vmem>> -> memref<1x2x120xi32, #tpu.memory_space<vmem>>
      %dma_wait3A_1552 = tpu.memref_squeeze %dma_wait3A_1551 : memref<1x2x120xi32, #tpu.memory_space<vmem>> -> memref<2x120xi32, #tpu.memory_space<vmem>>
      %dma_wait3A_1553 = arith.constant 0 : i32
      %dma_wait3A_1554 = arith.constant 0 : i32
      %dma_wait3A_1555 = tpu.memref_slice %arg3[%add3A, %dma_wait3A_1547, %dma_wait3A_1553, %dma_wait3A_1554] : memref<32x84x2x120xi32, #tpu.memory_space<hbm>> -> memref<1x1x2x120xi32, #tpu.memory_space<hbm>>
      %dma_wait3A_1556 = tpu.memref_squeeze %dma_wait3A_1555 : memref<1x1x2x120xi32, #tpu.memory_space<hbm>> -> memref<2x120xi32, #tpu.memory_space<hbm>>
      %dma_wait3A_1557 = arith.constant 0 : i32
      %dma_wait3A_1558 = arith.constant 0 : i32
      %dma_wait3A_1559 = tpu.memref_slice %arg7[%dma_wait3A_1548, %dma_wait3A_1557, %dma_wait3A_1558] : memref<6x2x120xi32, #tpu.memory_space<vmem>> -> memref<1x2x120xi32, #tpu.memory_space<vmem>>
      %dma_wait3A_1560 = tpu.memref_squeeze %dma_wait3A_1559 : memref<1x2x120xi32, #tpu.memory_space<vmem>> -> memref<2x120xi32, #tpu.memory_space<vmem>>
      %dma_wait3A_1561 = arith.constant 0 : i32
      %dma_wait3A_1562 = arith.constant 0 : i32
      %dma_wait3A_1563 = tpu.memref_slice %arg3[%add3A, %dma_wait3A_1547, %dma_wait3A_1561, %dma_wait3A_1562] : memref<32x84x2x120xi32, #tpu.memory_space<hbm>> -> memref<1x1x2x120xi32, #tpu.memory_space<hbm>>
      %dma_wait3A_1564 = tpu.memref_squeeze %dma_wait3A_1563 : memref<1x1x2x120xi32, #tpu.memory_space<hbm>> -> memref<2x120xi32, #tpu.memory_space<hbm>>
      tpu.wait_dma2 semaphore(%arg13 : memref<!tpu.dma_semaphore, #tpu.memory_space<semaphore_mem>>) src(%dma_wait3A_1564 : memref<2x120xi32, #tpu.memory_space<hbm>>) dst(%dma_wait3A_1560 : memref<2x120xi32, #tpu.memory_space<vmem>>)
      %dma_start3A_1565 = arith.constant 4 : i32
      %dma_start3A_1566 = arith.constant 0 : i32
      %dma_start3A_1567 = arith.constant 1 : i32
      %dma_start3A_1568 = arith.constant 0 : i32
      %dma_start3A_1569 = arith.constant 0 : i32
      %dma_start3A_1570 = tpu.memref_slice %arg8[%dma_start3A_1567, %dma_start3A_1568, %dma_start3A_1569] : memref<3x120x128xf32, #tpu.memory_space<vmem>> -> memref<1x120x128xf32, #tpu.memory_space<vmem>>
      %dma_start3A_1571 = tpu.memref_squeeze %dma_start3A_1570 : memref<1x120x128xf32, #tpu.memory_space<vmem>> -> memref<120x128xf32, #tpu.memory_space<vmem>>
      %dma_start3A_1572 = arith.constant 0 : i32
      %dma_start3A_1573 = tpu.memref_slice %arg7[%dma_start3A_1565, %dma_start3A_1566, %dma_start3A_1572] : memref<6x2x120xi32, #tpu.memory_space<vmem>> -> memref<1x1x120xi32, #tpu.memory_space<vmem>>
      %dma_start3A_1574 = tpu.memref_squeeze %dma_start3A_1573 : memref<1x1x120xi32, #tpu.memory_space<vmem>> -> memref<120xi32, #tpu.memory_space<vmem>>
      %dma_start3A_1575 = arith.constant 0 : i32
      %dma_start3A_1576 = arith.constant 0 : i32
      %dma_start3A_1577 = tpu.memref_slice %arg2[%dma_start3A_1575, %dma_start3A_1576] : memref<10112x128xf32, #tpu.memory_space<hbm>> -> memref<10112x128xf32, #tpu.memory_space<hbm>>
      tpu.enqueue_indirect_dma source(%dma_start3A_1577 : memref<10112x128xf32, #tpu.memory_space<hbm>>) target(%dma_start3A_1571 : memref<120x128xf32, #tpu.memory_space<vmem>>) offsets(%dma_start3A_1574 : memref<120xi32, #tpu.memory_space<vmem>>) semaphore(%arg16 : memref<!tpu.dma_semaphore, #tpu.memory_space<semaphore_mem>>)
      %dma_wait3A_1578 = arith.constant 2 : i32
      %dma_wait3A_1579 = arith.constant 0 : i32
      %dma_wait3A_1580 = arith.constant 0 : i32
      %dma_wait3A_1581 = tpu.memref_slice %arg8[%dma_wait3A_1578, %dma_wait3A_1579, %dma_wait3A_1580] : memref<3x120x128xf32, #tpu.memory_space<vmem>> -> memref<1x120x128xf32, #tpu.memory_space<vmem>>
      %dma_wait3A_1582 = tpu.memref_squeeze %dma_wait3A_1581 : memref<1x120x128xf32, #tpu.memory_space<vmem>> -> memref<120x128xf32, #tpu.memory_space<vmem>>
      %dma_wait3A_1583 = arith.constant 0 : i32
      %dma_wait3A_1584 = arith.constant 0 : i32
      %dma_wait3A_1585 = tpu.memref_slice %arg2[%dma_wait3A_1583, %dma_wait3A_1584] : memref<10112x128xf32, #tpu.memory_space<hbm>> -> memref<120x128xf32, #tpu.memory_space<hbm>>
      %dma_wait3A_1586 = arith.constant 0 : i32
      %dma_wait3A_1587 = arith.constant 0 : i32
      %dma_wait3A_1588 = tpu.memref_slice %arg8[%dma_wait3A_1578, %dma_wait3A_1586, %dma_wait3A_1587] : memref<3x120x128xf32, #tpu.memory_space<vmem>> -> memref<1x120x128xf32, #tpu.memory_space<vmem>>
      %dma_wait3A_1589 = tpu.memref_squeeze %dma_wait3A_1588 : memref<1x120x128xf32, #tpu.memory_space<vmem>> -> memref<120x128xf32, #tpu.memory_space<vmem>>
      %dma_wait3A_1590 = arith.constant 0 : i32
      %dma_wait3A_1591 = arith.constant 0 : i32
      %dma_wait3A_1592 = tpu.memref_slice %arg2[%dma_wait3A_1590, %dma_wait3A_1591] : memref<10112x128xf32, #tpu.memory_space<hbm>> -> memref<120x128xf32, #tpu.memory_space<hbm>>
      tpu.wait_dma2 semaphore(%arg17 : memref<!tpu.dma_semaphore, #tpu.memory_space<semaphore_mem>>) src(%dma_wait3A_1592 : memref<120x128xf32, #tpu.memory_space<hbm>>) dst(%dma_wait3A_1589 : memref<120x128xf32, #tpu.memory_space<vmem>>)
      %dma_start3A_1593 = arith.constant 2 : i32
      %dma_start3A_1594 = arith.constant 2 : i32
      %dma_start3A_1595 = arith.constant 1 : i32
      %dma_start3A_1596 = arith.constant 0 : i32
      %dma_start3A_1597 = arith.constant 0 : i32
      %dma_start3A_1598 = tpu.memref_slice %arg8[%dma_start3A_1593, %dma_start3A_1596, %dma_start3A_1597] : memref<3x120x128xf32, #tpu.memory_space<vmem>> -> memref<1x120x128xf32, #tpu.memory_space<vmem>>
      %dma_start3A_1599 = tpu.memref_squeeze %dma_start3A_1598 : memref<1x120x128xf32, #tpu.memory_space<vmem>> -> memref<120x128xf32, #tpu.memory_space<vmem>>
      %dma_start3A_1600 = arith.constant 0 : i32
      %dma_start3A_1601 = tpu.memref_slice %arg7[%dma_start3A_1594, %dma_start3A_1595, %dma_start3A_1600] : memref<6x2x120xi32, #tpu.memory_space<vmem>> -> memref<1x1x120xi32, #tpu.memory_space<vmem>>
      %dma_start3A_1602 = tpu.memref_squeeze %dma_start3A_1601 : memref<1x1x120xi32, #tpu.memory_space<vmem>> -> memref<120xi32, #tpu.memory_space<vmem>>
      %dma_start3A_1603 = arith.constant 0 : i32
      %dma_start3A_1604 = arith.constant 0 : i32
      %dma_start3A_1605 = tpu.memref_slice %arg6[%dma_start3A_1603, %dma_start3A_1604] : memref<10112x128xf32, #tpu.memory_space<vmem_shared>> -> memref<10112x128xf32, #tpu.memory_space<vmem_shared>>
      tpu.enqueue_indirect_dma source(%dma_start3A_1599 : memref<120x128xf32, #tpu.memory_space<vmem>>) target(%dma_start3A_1605 : memref<10112x128xf32, #tpu.memory_space<vmem_shared>>) offsets(%dma_start3A_1602 : memref<120xi32, #tpu.memory_space<vmem>>) semaphore(%arg20 : memref<!tpu.dma_semaphore, #tpu.memory_space<semaphore_mem>>) {add = true}
      %add3A_1606 = arith.constant 5 : i32
      %add3A_1607 = arith.addi %mul3A_1130, %add3A_1606 : i32
      %dma_wait3A_1608 = arith.constant 2 : i32
      %dma_wait3A_1609 = arith.constant 0 : i32
      %dma_wait3A_1610 = arith.constant 0 : i32
      %dma_wait3A_1611 = tpu.memref_slice %arg8[%dma_wait3A_1608, %dma_wait3A_1609, %dma_wait3A_1610] : memref<3x120x128xf32, #tpu.memory_space<vmem>> -> memref<1x120x128xf32, #tpu.memory_space<vmem>>
      %dma_wait3A_1612 = tpu.memref_squeeze %dma_wait3A_1611 : memref<1x120x128xf32, #tpu.memory_space<vmem>> -> memref<120x128xf32, #tpu.memory_space<vmem>>
      %dma_wait3A_1613 = arith.constant 0 : i32
      %dma_wait3A_1614 = arith.constant 0 : i32
      %dma_wait3A_1615 = tpu.memref_slice %arg6[%dma_wait3A_1613, %dma_wait3A_1614] : memref<10112x128xf32, #tpu.memory_space<vmem_shared>> -> memref<120x128xf32, #tpu.memory_space<vmem_shared>>
      %dma_wait3A_1616 = arith.constant 0 : i32
      %dma_wait3A_1617 = arith.constant 0 : i32
      %dma_wait3A_1618 = tpu.memref_slice %arg6[%dma_wait3A_1616, %dma_wait3A_1617] : memref<10112x128xf32, #tpu.memory_space<vmem_shared>> -> memref<120x128xf32, #tpu.memory_space<vmem_shared>>
      %dma_wait3A_1619 = arith.constant 0 : i32
      %dma_wait3A_1620 = arith.constant 0 : i32
      %dma_wait3A_1621 = tpu.memref_slice %arg8[%dma_wait3A_1608, %dma_wait3A_1619, %dma_wait3A_1620] : memref<3x120x128xf32, #tpu.memory_space<vmem>> -> memref<1x120x128xf32, #tpu.memory_space<vmem>>
      %dma_wait3A_1622 = tpu.memref_squeeze %dma_wait3A_1621 : memref<1x120x128xf32, #tpu.memory_space<vmem>> -> memref<120x128xf32, #tpu.memory_space<vmem>>
      tpu.wait_dma2 semaphore(%arg20 : memref<!tpu.dma_semaphore, #tpu.memory_space<semaphore_mem>>) src(%dma_wait3A_1622 : memref<120x128xf32, #tpu.memory_space<vmem>>) dst(%dma_wait3A_1618 : memref<120x128xf32, #tpu.memory_space<vmem_shared>>)
      %add3A_1623 = arith.constant 3 : i32
      %add3A_1624 = arith.addi %add3A_1607, %add3A_1623 : i32
      %dma_start3A_1625 = arith.constant 2 : i32
      %dma_start3A_1626 = arith.constant 0 : i32
      %dma_start3A_1627 = arith.constant 0 : i32
      %dma_start3A_1628 = tpu.memref_slice %arg7[%dma_start3A_1625, %dma_start3A_1626, %dma_start3A_1627] : memref<6x2x120xi32, #tpu.memory_space<vmem>> -> memref<1x2x120xi32, #tpu.memory_space<vmem>>
      %dma_start3A_1629 = tpu.memref_squeeze %dma_start3A_1628 : memref<1x2x120xi32, #tpu.memory_space<vmem>> -> memref<2x120xi32, #tpu.memory_space<vmem>>
      %dma_start3A_1630 = arith.constant 0 : i32
      %dma_start3A_1631 = arith.constant 0 : i32
      %dma_start3A_1632 = tpu.memref_slice %arg3[%add3A, %add3A_1624, %dma_start3A_1630, %dma_start3A_1631] : memref<32x84x2x120xi32, #tpu.memory_space<hbm>> -> memref<1x1x2x120xi32, #tpu.memory_space<hbm>>
      %dma_start3A_1633 = tpu.memref_squeeze %dma_start3A_1632 : memref<1x1x2x120xi32, #tpu.memory_space<hbm>> -> memref<2x120xi32, #tpu.memory_space<hbm>>
      %dma_start3A_1634 = arith.constant 0 : i32
      %dma_start3A_1635 = arith.constant 0 : i32
      %dma_start3A_1636 = tpu.memref_slice %arg7[%dma_start3A_1625, %dma_start3A_1634, %dma_start3A_1635] : memref<6x2x120xi32, #tpu.memory_space<vmem>> -> memref<1x2x120xi32, #tpu.memory_space<vmem>>
      %dma_start3A_1637 = tpu.memref_squeeze %dma_start3A_1636 : memref<1x2x120xi32, #tpu.memory_space<vmem>> -> memref<2x120xi32, #tpu.memory_space<vmem>>
      %dma_start3A_1638 = arith.constant 0 : i32
      %dma_start3A_1639 = arith.constant 0 : i32
      %dma_start3A_1640 = tpu.memref_slice %arg3[%add3A, %add3A_1624, %dma_start3A_1638, %dma_start3A_1639] : memref<32x84x2x120xi32, #tpu.memory_space<hbm>> -> memref<1x1x2x120xi32, #tpu.memory_space<hbm>>
      %dma_start3A_1641 = tpu.memref_squeeze %dma_start3A_1640 : memref<1x1x2x120xi32, #tpu.memory_space<hbm>> -> memref<2x120xi32, #tpu.memory_space<hbm>>
      tpu.enqueue_dma source(%dma_start3A_1641 : memref<2x120xi32, #tpu.memory_space<hbm>>) target(%dma_start3A_1637 : memref<2x120xi32, #tpu.memory_space<vmem>>) target_semaphore(%arg11 : memref<!tpu.dma_semaphore, #tpu.memory_space<semaphore_mem>>)
      %dma_wait3A_1642 = arith.constant 0 : i32
      %dma_wait3A_1643 = arith.constant 5 : i32
      %dma_wait3A_1644 = arith.constant 0 : i32
      %dma_wait3A_1645 = arith.constant 0 : i32
      %dma_wait3A_1646 = tpu.memref_slice %arg7[%dma_wait3A_1643, %dma_wait3A_1644, %dma_wait3A_1645] : memref<6x2x120xi32, #tpu.memory_space<vmem>> -> memref<1x2x120xi32, #tpu.memory_space<vmem>>
      %dma_wait3A_1647 = tpu.memref_squeeze %dma_wait3A_1646 : memref<1x2x120xi32, #tpu.memory_space<vmem>> -> memref<2x120xi32, #tpu.memory_space<vmem>>
      %dma_wait3A_1648 = arith.constant 0 : i32
      %dma_wait3A_1649 = arith.constant 0 : i32
      %dma_wait3A_1650 = tpu.memref_slice %arg3[%add3A, %dma_wait3A_1642, %dma_wait3A_1648, %dma_wait3A_1649] : memref<32x84x2x120xi32, #tpu.memory_space<hbm>> -> memref<1x1x2x120xi32, #tpu.memory_space<hbm>>
      %dma_wait3A_1651 = tpu.memref_squeeze %dma_wait3A_1650 : memref<1x1x2x120xi32, #tpu.memory_space<hbm>> -> memref<2x120xi32, #tpu.memory_space<hbm>>
      %dma_wait3A_1652 = arith.constant 0 : i32
      %dma_wait3A_1653 = arith.constant 0 : i32
      %dma_wait3A_1654 = tpu.memref_slice %arg7[%dma_wait3A_1643, %dma_wait3A_1652, %dma_wait3A_1653] : memref<6x2x120xi32, #tpu.memory_space<vmem>> -> memref<1x2x120xi32, #tpu.memory_space<vmem>>
      %dma_wait3A_1655 = tpu.memref_squeeze %dma_wait3A_1654 : memref<1x2x120xi32, #tpu.memory_space<vmem>> -> memref<2x120xi32, #tpu.memory_space<vmem>>
      %dma_wait3A_1656 = arith.constant 0 : i32
      %dma_wait3A_1657 = arith.constant 0 : i32
      %dma_wait3A_1658 = tpu.memref_slice %arg3[%add3A, %dma_wait3A_1642, %dma_wait3A_1656, %dma_wait3A_1657] : memref<32x84x2x120xi32, #tpu.memory_space<hbm>> -> memref<1x1x2x120xi32, #tpu.memory_space<hbm>>
      %dma_wait3A_1659 = tpu.memref_squeeze %dma_wait3A_1658 : memref<1x1x2x120xi32, #tpu.memory_space<hbm>> -> memref<2x120xi32, #tpu.memory_space<hbm>>
      tpu.wait_dma2 semaphore(%arg14 : memref<!tpu.dma_semaphore, #tpu.memory_space<semaphore_mem>>) src(%dma_wait3A_1659 : memref<2x120xi32, #tpu.memory_space<hbm>>) dst(%dma_wait3A_1655 : memref<2x120xi32, #tpu.memory_space<vmem>>)
      %dma_start3A_1660 = arith.constant 5 : i32
      %dma_start3A_1661 = arith.constant 0 : i32
      %dma_start3A_1662 = arith.constant 2 : i32
      %dma_start3A_1663 = arith.constant 0 : i32
      %dma_start3A_1664 = arith.constant 0 : i32
      %dma_start3A_1665 = tpu.memref_slice %arg8[%dma_start3A_1662, %dma_start3A_1663, %dma_start3A_1664] : memref<3x120x128xf32, #tpu.memory_space<vmem>> -> memref<1x120x128xf32, #tpu.memory_space<vmem>>
      %dma_start3A_1666 = tpu.memref_squeeze %dma_start3A_1665 : memref<1x120x128xf32, #tpu.memory_space<vmem>> -> memref<120x128xf32, #tpu.memory_space<vmem>>
      %dma_start3A_1667 = arith.constant 0 : i32
      %dma_start3A_1668 = tpu.memref_slice %arg7[%dma_start3A_1660, %dma_start3A_1661, %dma_start3A_1667] : memref<6x2x120xi32, #tpu.memory_space<vmem>> -> memref<1x1x120xi32, #tpu.memory_space<vmem>>
      %dma_start3A_1669 = tpu.memref_squeeze %dma_start3A_1668 : memref<1x1x120xi32, #tpu.memory_space<vmem>> -> memref<120xi32, #tpu.memory_space<vmem>>
      %dma_start3A_1670 = arith.constant 0 : i32
      %dma_start3A_1671 = arith.constant 0 : i32
      %dma_start3A_1672 = tpu.memref_slice %arg2[%dma_start3A_1670, %dma_start3A_1671] : memref<10112x128xf32, #tpu.memory_space<hbm>> -> memref<10112x128xf32, #tpu.memory_space<hbm>>
      tpu.enqueue_indirect_dma source(%dma_start3A_1672 : memref<10112x128xf32, #tpu.memory_space<hbm>>) target(%dma_start3A_1666 : memref<120x128xf32, #tpu.memory_space<vmem>>) offsets(%dma_start3A_1669 : memref<120xi32, #tpu.memory_space<vmem>>) semaphore(%arg17 : memref<!tpu.dma_semaphore, #tpu.memory_space<semaphore_mem>>)
      %dma_wait3A_1673 = arith.constant 0 : i32
      %dma_wait3A_1674 = arith.constant 0 : i32
      %dma_wait3A_1675 = arith.constant 0 : i32
      %dma_wait3A_1676 = tpu.memref_slice %arg8[%dma_wait3A_1673, %dma_wait3A_1674, %dma_wait3A_1675] : memref<3x120x128xf32, #tpu.memory_space<vmem>> -> memref<1x120x128xf32, #tpu.memory_space<vmem>>
      %dma_wait3A_1677 = tpu.memref_squeeze %dma_wait3A_1676 : memref<1x120x128xf32, #tpu.memory_space<vmem>> -> memref<120x128xf32, #tpu.memory_space<vmem>>
      %dma_wait3A_1678 = arith.constant 0 : i32
      %dma_wait3A_1679 = arith.constant 0 : i32
      %dma_wait3A_1680 = tpu.memref_slice %arg2[%dma_wait3A_1678, %dma_wait3A_1679] : memref<10112x128xf32, #tpu.memory_space<hbm>> -> memref<120x128xf32, #tpu.memory_space<hbm>>
      %dma_wait3A_1681 = arith.constant 0 : i32
      %dma_wait3A_1682 = arith.constant 0 : i32
      %dma_wait3A_1683 = tpu.memref_slice %arg8[%dma_wait3A_1673, %dma_wait3A_1681, %dma_wait3A_1682] : memref<3x120x128xf32, #tpu.memory_space<vmem>> -> memref<1x120x128xf32, #tpu.memory_space<vmem>>
      %dma_wait3A_1684 = tpu.memref_squeeze %dma_wait3A_1683 : memref<1x120x128xf32, #tpu.memory_space<vmem>> -> memref<120x128xf32, #tpu.memory_space<vmem>>
      %dma_wait3A_1685 = arith.constant 0 : i32
      %dma_wait3A_1686 = arith.constant 0 : i32
      %dma_wait3A_1687 = tpu.memref_slice %arg2[%dma_wait3A_1685, %dma_wait3A_1686] : memref<10112x128xf32, #tpu.memory_space<hbm>> -> memref<120x128xf32, #tpu.memory_space<hbm>>
      tpu.wait_dma2 semaphore(%arg15 : memref<!tpu.dma_semaphore, #tpu.memory_space<semaphore_mem>>) src(%dma_wait3A_1687 : memref<120x128xf32, #tpu.memory_space<hbm>>) dst(%dma_wait3A_1684 : memref<120x128xf32, #tpu.memory_space<vmem>>)
      %dma_start3A_1688 = arith.constant 0 : i32
      %dma_start3A_1689 = arith.constant 3 : i32
      %dma_start3A_1690 = arith.constant 1 : i32
      %dma_start3A_1691 = arith.constant 0 : i32
      %dma_start3A_1692 = arith.constant 0 : i32
      %dma_start3A_1693 = tpu.memref_slice %arg8[%dma_start3A_1688, %dma_start3A_1691, %dma_start3A_1692] : memref<3x120x128xf32, #tpu.memory_space<vmem>> -> memref<1x120x128xf32, #tpu.memory_space<vmem>>
      %dma_start3A_1694 = tpu.memref_squeeze %dma_start3A_1693 : memref<1x120x128xf32, #tpu.memory_space<vmem>> -> memref<120x128xf32, #tpu.memory_space<vmem>>
      %dma_start3A_1695 = arith.constant 0 : i32
      %dma_start3A_1696 = tpu.memref_slice %arg7[%dma_start3A_1689, %dma_start3A_1690, %dma_start3A_1695] : memref<6x2x120xi32, #tpu.memory_space<vmem>> -> memref<1x1x120xi32, #tpu.memory_space<vmem>>
      %dma_start3A_1697 = tpu.memref_squeeze %dma_start3A_1696 : memref<1x1x120xi32, #tpu.memory_space<vmem>> -> memref<120xi32, #tpu.memory_space<vmem>>
      %dma_start3A_1698 = arith.constant 0 : i32
      %dma_start3A_1699 = arith.constant 0 : i32
      %dma_start3A_1700 = tpu.memref_slice %arg6[%dma_start3A_1698, %dma_start3A_1699] : memref<10112x128xf32, #tpu.memory_space<vmem_shared>> -> memref<10112x128xf32, #tpu.memory_space<vmem_shared>>
      tpu.enqueue_indirect_dma source(%dma_start3A_1694 : memref<120x128xf32, #tpu.memory_space<vmem>>) target(%dma_start3A_1700 : memref<10112x128xf32, #tpu.memory_space<vmem_shared>>) offsets(%dma_start3A_1697 : memref<120xi32, #tpu.memory_space<vmem>>) semaphore(%arg18 : memref<!tpu.dma_semaphore, #tpu.memory_space<semaphore_mem>>) {add = true}
    }
    %scan3A_523 = arith.constant 12 : i32
    %dma_wait3A_524 = arith.constant 0 : i32
    %dma_wait3A_525 = arith.constant 0 : i32
    %dma_wait3A_526 = arith.constant 0 : i32
    %dma_wait3A_527 = tpu.memref_slice %arg8[%dma_wait3A_524, %dma_wait3A_525, %dma_wait3A_526] : memref<3x120x128xf32, #tpu.memory_space<vmem>> -> memref<1x120x128xf32, #tpu.memory_space<vmem>>
    %dma_wait3A_528 = tpu.memref_squeeze %dma_wait3A_527 : memref<1x120x128xf32, #tpu.memory_space<vmem>> -> memref<120x128xf32, #tpu.memory_space<vmem>>
    %dma_wait3A_529 = arith.constant 0 : i32
    %dma_wait3A_530 = arith.constant 0 : i32
    %dma_wait3A_531 = tpu.memref_slice %arg6[%dma_wait3A_529, %dma_wait3A_530] : memref<10112x128xf32, #tpu.memory_space<vmem_shared>> -> memref<120x128xf32, #tpu.memory_space<vmem_shared>>
    %dma_wait3A_532 = arith.constant 0 : i32
    %dma_wait3A_533 = arith.constant 0 : i32
    %dma_wait3A_534 = tpu.memref_slice %arg6[%dma_wait3A_532, %dma_wait3A_533] : memref<10112x128xf32, #tpu.memory_space<vmem_shared>> -> memref<120x128xf32, #tpu.memory_space<vmem_shared>>
    %dma_wait3A_535 = arith.constant 0 : i32
    %dma_wait3A_536 = arith.constant 0 : i32
    %dma_wait3A_537 = tpu.memref_slice %arg8[%dma_wait3A_524, %dma_wait3A_535, %dma_wait3A_536] : memref<3x120x128xf32, #tpu.memory_space<vmem>> -> memref<1x120x128xf32, #tpu.memory_space<vmem>>
    %dma_wait3A_538 = tpu.memref_squeeze %dma_wait3A_537 : memref<1x120x128xf32, #tpu.memory_space<vmem>> -> memref<120x128xf32, #tpu.memory_space<vmem>>
    tpu.wait_dma2 semaphore(%arg18 : memref<!tpu.dma_semaphore, #tpu.memory_space<semaphore_mem>>) src(%dma_wait3A_538 : memref<120x128xf32, #tpu.memory_space<vmem>>) dst(%dma_wait3A_534 : memref<120x128xf32, #tpu.memory_space<vmem_shared>>)
    %dma_start3A_539 = arith.constant 81 : i32
    %dma_start3A_540 = arith.constant 3 : i32
    %dma_start3A_541 = arith.constant 0 : i32
    %dma_start3A_542 = arith.constant 0 : i32
    %dma_start3A_543 = tpu.memref_slice %arg7[%dma_start3A_540, %dma_start3A_541, %dma_start3A_542] : memref<6x2x120xi32, #tpu.memory_space<vmem>> -> memref<1x2x120xi32, #tpu.memory_space<vmem>>
    %dma_start3A_544 = tpu.memref_squeeze %dma_start3A_543 : memref<1x2x120xi32, #tpu.memory_space<vmem>> -> memref<2x120xi32, #tpu.memory_space<vmem>>
    %dma_start3A_545 = arith.constant 0 : i32
    %dma_start3A_546 = arith.constant 0 : i32
    %dma_start3A_547 = tpu.memref_slice %arg3[%add3A, %dma_start3A_539, %dma_start3A_545, %dma_start3A_546] : memref<32x84x2x120xi32, #tpu.memory_space<hbm>> -> memref<1x1x2x120xi32, #tpu.memory_space<hbm>>
    %dma_start3A_548 = tpu.memref_squeeze %dma_start3A_547 : memref<1x1x2x120xi32, #tpu.memory_space<hbm>> -> memref<2x120xi32, #tpu.memory_space<hbm>>
    %dma_start3A_549 = arith.constant 0 : i32
    %dma_start3A_550 = arith.constant 0 : i32
    %dma_start3A_551 = tpu.memref_slice %arg7[%dma_start3A_540, %dma_start3A_549, %dma_start3A_550] : memref<6x2x120xi32, #tpu.memory_space<vmem>> -> memref<1x2x120xi32, #tpu.memory_space<vmem>>
    %dma_start3A_552 = tpu.memref_squeeze %dma_start3A_551 : memref<1x2x120xi32, #tpu.memory_space<vmem>> -> memref<2x120xi32, #tpu.memory_space<vmem>>
    %dma_start3A_553 = arith.constant 0 : i32
    %dma_start3A_554 = arith.constant 0 : i32
    %dma_start3A_555 = tpu.memref_slice %arg3[%add3A, %dma_start3A_539, %dma_start3A_553, %dma_start3A_554] : memref<32x84x2x120xi32, #tpu.memory_space<hbm>> -> memref<1x1x2x120xi32, #tpu.memory_space<hbm>>
    %dma_start3A_556 = tpu.memref_squeeze %dma_start3A_555 : memref<1x1x2x120xi32, #tpu.memory_space<hbm>> -> memref<2x120xi32, #tpu.memory_space<hbm>>
    tpu.enqueue_dma source(%dma_start3A_556 : memref<2x120xi32, #tpu.memory_space<hbm>>) target(%dma_start3A_552 : memref<2x120xi32, #tpu.memory_space<vmem>>) target_semaphore(%arg12 : memref<!tpu.dma_semaphore, #tpu.memory_space<semaphore_mem>>)
    %dma_wait3A_557 = arith.constant 0 : i32
    %dma_wait3A_558 = arith.constant 0 : i32
    %dma_wait3A_559 = arith.constant 0 : i32
    %dma_wait3A_560 = arith.constant 0 : i32
    %dma_wait3A_561 = tpu.memref_slice %arg7[%dma_wait3A_558, %dma_wait3A_559, %dma_wait3A_560] : memref<6x2x120xi32, #tpu.memory_space<vmem>> -> memref<1x2x120xi32, #tpu.memory_space<vmem>>
    %dma_wait3A_562 = tpu.memref_squeeze %dma_wait3A_561 : memref<1x2x120xi32, #tpu.memory_space<vmem>> -> memref<2x120xi32, #tpu.memory_space<vmem>>
    %dma_wait3A_563 = arith.constant 0 : i32
    %dma_wait3A_564 = arith.constant 0 : i32
    %dma_wait3A_565 = tpu.memref_slice %arg3[%add3A, %dma_wait3A_557, %dma_wait3A_563, %dma_wait3A_564] : memref<32x84x2x120xi32, #tpu.memory_space<hbm>> -> memref<1x1x2x120xi32, #tpu.memory_space<hbm>>
    %dma_wait3A_566 = tpu.memref_squeeze %dma_wait3A_565 : memref<1x1x2x120xi32, #tpu.memory_space<hbm>> -> memref<2x120xi32, #tpu.memory_space<hbm>>
    %dma_wait3A_567 = arith.constant 0 : i32
    %dma_wait3A_568 = arith.constant 0 : i32
    %dma_wait3A_569 = tpu.memref_slice %arg7[%dma_wait3A_558, %dma_wait3A_567, %dma_wait3A_568] : memref<6x2x120xi32, #tpu.memory_space<vmem>> -> memref<1x2x120xi32, #tpu.memory_space<vmem>>
    %dma_wait3A_570 = tpu.memref_squeeze %dma_wait3A_569 : memref<1x2x120xi32, #tpu.memory_space<vmem>> -> memref<2x120xi32, #tpu.memory_space<vmem>>
    %dma_wait3A_571 = arith.constant 0 : i32
    %dma_wait3A_572 = arith.constant 0 : i32
    %dma_wait3A_573 = tpu.memref_slice %arg3[%add3A, %dma_wait3A_557, %dma_wait3A_571, %dma_wait3A_572] : memref<32x84x2x120xi32, #tpu.memory_space<hbm>> -> memref<1x1x2x120xi32, #tpu.memory_space<hbm>>
    %dma_wait3A_574 = tpu.memref_squeeze %dma_wait3A_573 : memref<1x1x2x120xi32, #tpu.memory_space<hbm>> -> memref<2x120xi32, #tpu.memory_space<hbm>>
    tpu.wait_dma2 semaphore(%arg9 : memref<!tpu.dma_semaphore, #tpu.memory_space<semaphore_mem>>) src(%dma_wait3A_574 : memref<2x120xi32, #tpu.memory_space<hbm>>) dst(%dma_wait3A_570 : memref<2x120xi32, #tpu.memory_space<vmem>>)
    %dma_start3A_575 = arith.constant 0 : i32
    %dma_start3A_576 = arith.constant 0 : i32
    %dma_start3A_577 = arith.constant 0 : i32
    %dma_start3A_578 = arith.constant 0 : i32
    %dma_start3A_579 = arith.constant 0 : i32
    %dma_start3A_580 = tpu.memref_slice %arg8[%dma_start3A_577, %dma_start3A_578, %dma_start3A_579] : memref<3x120x128xf32, #tpu.memory_space<vmem>> -> memref<1x120x128xf32, #tpu.memory_space<vmem>>
    %dma_start3A_581 = tpu.memref_squeeze %dma_start3A_580 : memref<1x120x128xf32, #tpu.memory_space<vmem>> -> memref<120x128xf32, #tpu.memory_space<vmem>>
    %dma_start3A_582 = arith.constant 0 : i32
    %dma_start3A_583 = tpu.memref_slice %arg7[%dma_start3A_575, %dma_start3A_576, %dma_start3A_582] : memref<6x2x120xi32, #tpu.memory_space<vmem>> -> memref<1x1x120xi32, #tpu.memory_space<vmem>>
    %dma_start3A_584 = tpu.memref_squeeze %dma_start3A_583 : memref<1x1x120xi32, #tpu.memory_space<vmem>> -> memref<120xi32, #tpu.memory_space<vmem>>
    %dma_start3A_585 = arith.constant 0 : i32
    %dma_start3A_586 = arith.constant 0 : i32
    %dma_start3A_587 = tpu.memref_slice %arg2[%dma_start3A_585, %dma_start3A_586] : memref<10112x128xf32, #tpu.memory_space<hbm>> -> memref<10112x128xf32, #tpu.memory_space<hbm>>
    tpu.enqueue_indirect_dma source(%dma_start3A_587 : memref<10112x128xf32, #tpu.memory_space<hbm>>) target(%dma_start3A_581 : memref<120x128xf32, #tpu.memory_space<vmem>>) offsets(%dma_start3A_584 : memref<120xi32, #tpu.memory_space<vmem>>) semaphore(%arg15 : memref<!tpu.dma_semaphore, #tpu.memory_space<semaphore_mem>>)
    %dma_wait3A_588 = arith.constant 1 : i32
    %dma_wait3A_589 = arith.constant 0 : i32
    %dma_wait3A_590 = arith.constant 0 : i32
    %dma_wait3A_591 = tpu.memref_slice %arg8[%dma_wait3A_588, %dma_wait3A_589, %dma_wait3A_590] : memref<3x120x128xf32, #tpu.memory_space<vmem>> -> memref<1x120x128xf32, #tpu.memory_space<vmem>>
    %dma_wait3A_592 = tpu.memref_squeeze %dma_wait3A_591 : memref<1x120x128xf32, #tpu.memory_space<vmem>> -> memref<120x128xf32, #tpu.memory_space<vmem>>
    %dma_wait3A_593 = arith.constant 0 : i32
    %dma_wait3A_594 = arith.constant 0 : i32
    %dma_wait3A_595 = tpu.memref_slice %arg2[%dma_wait3A_593, %dma_wait3A_594] : memref<10112x128xf32, #tpu.memory_space<hbm>> -> memref<120x128xf32, #tpu.memory_space<hbm>>
    %dma_wait3A_596 = arith.constant 0 : i32
    %dma_wait3A_597 = arith.constant 0 : i32
    %dma_wait3A_598 = tpu.memref_slice %arg8[%dma_wait3A_588, %dma_wait3A_596, %dma_wait3A_597] : memref<3x120x128xf32, #tpu.memory_space<vmem>> -> memref<1x120x128xf32, #tpu.memory_space<vmem>>
    %dma_wait3A_599 = tpu.memref_squeeze %dma_wait3A_598 : memref<1x120x128xf32, #tpu.memory_space<vmem>> -> memref<120x128xf32, #tpu.memory_space<vmem>>
    %dma_wait3A_600 = arith.constant 0 : i32
    %dma_wait3A_601 = arith.constant 0 : i32
    %dma_wait3A_602 = tpu.memref_slice %arg2[%dma_wait3A_600, %dma_wait3A_601] : memref<10112x128xf32, #tpu.memory_space<hbm>> -> memref<120x128xf32, #tpu.memory_space<hbm>>
    tpu.wait_dma2 semaphore(%arg16 : memref<!tpu.dma_semaphore, #tpu.memory_space<semaphore_mem>>) src(%dma_wait3A_602 : memref<120x128xf32, #tpu.memory_space<hbm>>) dst(%dma_wait3A_599 : memref<120x128xf32, #tpu.memory_space<vmem>>)
    %dma_start3A_603 = arith.constant 1 : i32
    %dma_start3A_604 = arith.constant 4 : i32
    %dma_start3A_605 = arith.constant 1 : i32
    %dma_start3A_606 = arith.constant 0 : i32
    %dma_start3A_607 = arith.constant 0 : i32
    %dma_start3A_608 = tpu.memref_slice %arg8[%dma_start3A_603, %dma_start3A_606, %dma_start3A_607] : memref<3x120x128xf32, #tpu.memory_space<vmem>> -> memref<1x120x128xf32, #tpu.memory_space<vmem>>
    %dma_start3A_609 = tpu.memref_squeeze %dma_start3A_608 : memref<1x120x128xf32, #tpu.memory_space<vmem>> -> memref<120x128xf32, #tpu.memory_space<vmem>>
    %dma_start3A_610 = arith.constant 0 : i32
    %dma_start3A_611 = tpu.memref_slice %arg7[%dma_start3A_604, %dma_start3A_605, %dma_start3A_610] : memref<6x2x120xi32, #tpu.memory_space<vmem>> -> memref<1x1x120xi32, #tpu.memory_space<vmem>>
    %dma_start3A_612 = tpu.memref_squeeze %dma_start3A_611 : memref<1x1x120xi32, #tpu.memory_space<vmem>> -> memref<120xi32, #tpu.memory_space<vmem>>
    %dma_start3A_613 = arith.constant 0 : i32
    %dma_start3A_614 = arith.constant 0 : i32
    %dma_start3A_615 = tpu.memref_slice %arg6[%dma_start3A_613, %dma_start3A_614] : memref<10112x128xf32, #tpu.memory_space<vmem_shared>> -> memref<10112x128xf32, #tpu.memory_space<vmem_shared>>
    tpu.enqueue_indirect_dma source(%dma_start3A_609 : memref<120x128xf32, #tpu.memory_space<vmem>>) target(%dma_start3A_615 : memref<10112x128xf32, #tpu.memory_space<vmem_shared>>) offsets(%dma_start3A_612 : memref<120xi32, #tpu.memory_space<vmem>>) semaphore(%arg19 : memref<!tpu.dma_semaphore, #tpu.memory_space<semaphore_mem>>) {add = true}
    %dma_wait3A_616 = arith.constant 1 : i32
    %dma_wait3A_617 = arith.constant 0 : i32
    %dma_wait3A_618 = arith.constant 0 : i32
    %dma_wait3A_619 = tpu.memref_slice %arg8[%dma_wait3A_616, %dma_wait3A_617, %dma_wait3A_618] : memref<3x120x128xf32, #tpu.memory_space<vmem>> -> memref<1x120x128xf32, #tpu.memory_space<vmem>>
    %dma_wait3A_620 = tpu.memref_squeeze %dma_wait3A_619 : memref<1x120x128xf32, #tpu.memory_space<vmem>> -> memref<120x128xf32, #tpu.memory_space<vmem>>
    %dma_wait3A_621 = arith.constant 0 : i32
    %dma_wait3A_622 = arith.constant 0 : i32
    %dma_wait3A_623 = tpu.memref_slice %arg6[%dma_wait3A_621, %dma_wait3A_622] : memref<10112x128xf32, #tpu.memory_space<vmem_shared>> -> memref<120x128xf32, #tpu.memory_space<vmem_shared>>
    %dma_wait3A_624 = arith.constant 0 : i32
    %dma_wait3A_625 = arith.constant 0 : i32
    %dma_wait3A_626 = tpu.memref_slice %arg6[%dma_wait3A_624, %dma_wait3A_625] : memref<10112x128xf32, #tpu.memory_space<vmem_shared>> -> memref<120x128xf32, #tpu.memory_space<vmem_shared>>
    %dma_wait3A_627 = arith.constant 0 : i32
    %dma_wait3A_628 = arith.constant 0 : i32
    %dma_wait3A_629 = tpu.memref_slice %arg8[%dma_wait3A_616, %dma_wait3A_627, %dma_wait3A_628] : memref<3x120x128xf32, #tpu.memory_space<vmem>> -> memref<1x120x128xf32, #tpu.memory_space<vmem>>
    %dma_wait3A_630 = tpu.memref_squeeze %dma_wait3A_629 : memref<1x120x128xf32, #tpu.memory_space<vmem>> -> memref<120x128xf32, #tpu.memory_space<vmem>>
    tpu.wait_dma2 semaphore(%arg19 : memref<!tpu.dma_semaphore, #tpu.memory_space<semaphore_mem>>) src(%dma_wait3A_630 : memref<120x128xf32, #tpu.memory_space<vmem>>) dst(%dma_wait3A_626 : memref<120x128xf32, #tpu.memory_space<vmem_shared>>)
    %dma_start3A_631 = arith.constant 82 : i32
    %dma_start3A_632 = arith.constant 4 : i32
    %dma_start3A_633 = arith.constant 0 : i32
    %dma_start3A_634 = arith.constant 0 : i32
    %dma_start3A_635 = tpu.memref_slice %arg7[%dma_start3A_632, %dma_start3A_633, %dma_start3A_634] : memref<6x2x120xi32, #tpu.memory_space<vmem>> -> memref<1x2x120xi32, #tpu.memory_space<vmem>>
    %dma_start3A_636 = tpu.memref_squeeze %dma_start3A_635 : memref<1x2x120xi32, #tpu.memory_space<vmem>> -> memref<2x120xi32, #tpu.memory_space<vmem>>
    %dma_start3A_637 = arith.constant 0 : i32
    %dma_start3A_638 = arith.constant 0 : i32
    %dma_start3A_639 = tpu.memref_slice %arg3[%add3A, %dma_start3A_631, %dma_start3A_637, %dma_start3A_638] : memref<32x84x2x120xi32, #tpu.memory_space<hbm>> -> memref<1x1x2x120xi32, #tpu.memory_space<hbm>>
    %dma_start3A_640 = tpu.memref_squeeze %dma_start3A_639 : memref<1x1x2x120xi32, #tpu.memory_space<hbm>> -> memref<2x120xi32, #tpu.memory_space<hbm>>
    %dma_start3A_641 = arith.constant 0 : i32
    %dma_start3A_642 = arith.constant 0 : i32
    %dma_start3A_643 = tpu.memref_slice %arg7[%dma_start3A_632, %dma_start3A_641, %dma_start3A_642] : memref<6x2x120xi32, #tpu.memory_space<vmem>> -> memref<1x2x120xi32, #tpu.memory_space<vmem>>
    %dma_start3A_644 = tpu.memref_squeeze %dma_start3A_643 : memref<1x2x120xi32, #tpu.memory_space<vmem>> -> memref<2x120xi32, #tpu.memory_space<vmem>>
    %dma_start3A_645 = arith.constant 0 : i32
    %dma_start3A_646 = arith.constant 0 : i32
    %dma_start3A_647 = tpu.memref_slice %arg3[%add3A, %dma_start3A_631, %dma_start3A_645, %dma_start3A_646] : memref<32x84x2x120xi32, #tpu.memory_space<hbm>> -> memref<1x1x2x120xi32, #tpu.memory_space<hbm>>
    %dma_start3A_648 = tpu.memref_squeeze %dma_start3A_647 : memref<1x1x2x120xi32, #tpu.memory_space<hbm>> -> memref<2x120xi32, #tpu.memory_space<hbm>>
    tpu.enqueue_dma source(%dma_start3A_648 : memref<2x120xi32, #tpu.memory_space<hbm>>) target(%dma_start3A_644 : memref<2x120xi32, #tpu.memory_space<vmem>>) target_semaphore(%arg13 : memref<!tpu.dma_semaphore, #tpu.memory_space<semaphore_mem>>)
    %dma_wait3A_649 = arith.constant 0 : i32
    %dma_wait3A_650 = arith.constant 1 : i32
    %dma_wait3A_651 = arith.constant 0 : i32
    %dma_wait3A_652 = arith.constant 0 : i32
    %dma_wait3A_653 = tpu.memref_slice %arg7[%dma_wait3A_650, %dma_wait3A_651, %dma_wait3A_652] : memref<6x2x120xi32, #tpu.memory_space<vmem>> -> memref<1x2x120xi32, #tpu.memory_space<vmem>>
    %dma_wait3A_654 = tpu.memref_squeeze %dma_wait3A_653 : memref<1x2x120xi32, #tpu.memory_space<vmem>> -> memref<2x120xi32, #tpu.memory_space<vmem>>
    %dma_wait3A_655 = arith.constant 0 : i32
    %dma_wait3A_656 = arith.constant 0 : i32
    %dma_wait3A_657 = tpu.memref_slice %arg3[%add3A, %dma_wait3A_649, %dma_wait3A_655, %dma_wait3A_656] : memref<32x84x2x120xi32, #tpu.memory_space<hbm>> -> memref<1x1x2x120xi32, #tpu.memory_space<hbm>>
    %dma_wait3A_658 = tpu.memref_squeeze %dma_wait3A_657 : memref<1x1x2x120xi32, #tpu.memory_space<hbm>> -> memref<2x120xi32, #tpu.memory_space<hbm>>
    %dma_wait3A_659 = arith.constant 0 : i32
    %dma_wait3A_660 = arith.constant 0 : i32
    %dma_wait3A_661 = tpu.memref_slice %arg7[%dma_wait3A_650, %dma_wait3A_659, %dma_wait3A_660] : memref<6x2x120xi32, #tpu.memory_space<vmem>> -> memref<1x2x120xi32, #tpu.memory_space<vmem>>
    %dma_wait3A_662 = tpu.memref_squeeze %dma_wait3A_661 : memref<1x2x120xi32, #tpu.memory_space<vmem>> -> memref<2x120xi32, #tpu.memory_space<vmem>>
    %dma_wait3A_663 = arith.constant 0 : i32
    %dma_wait3A_664 = arith.constant 0 : i32
    %dma_wait3A_665 = tpu.memref_slice %arg3[%add3A, %dma_wait3A_649, %dma_wait3A_663, %dma_wait3A_664] : memref<32x84x2x120xi32, #tpu.memory_space<hbm>> -> memref<1x1x2x120xi32, #tpu.memory_space<hbm>>
    %dma_wait3A_666 = tpu.memref_squeeze %dma_wait3A_665 : memref<1x1x2x120xi32, #tpu.memory_space<hbm>> -> memref<2x120xi32, #tpu.memory_space<hbm>>
    tpu.wait_dma2 semaphore(%arg10 : memref<!tpu.dma_semaphore, #tpu.memory_space<semaphore_mem>>) src(%dma_wait3A_666 : memref<2x120xi32, #tpu.memory_space<hbm>>) dst(%dma_wait3A_662 : memref<2x120xi32, #tpu.memory_space<vmem>>)
    %dma_start3A_667 = arith.constant 1 : i32
    %dma_start3A_668 = arith.constant 0 : i32
    %dma_start3A_669 = arith.constant 1 : i32
    %dma_start3A_670 = arith.constant 0 : i32
    %dma_start3A_671 = arith.constant 0 : i32
    %dma_start3A_672 = tpu.memref_slice %arg8[%dma_start3A_669, %dma_start3A_670, %dma_start3A_671] : memref<3x120x128xf32, #tpu.memory_space<vmem>> -> memref<1x120x128xf32, #tpu.memory_space<vmem>>
    %dma_start3A_673 = tpu.memref_squeeze %dma_start3A_672 : memref<1x120x128xf32, #tpu.memory_space<vmem>> -> memref<120x128xf32, #tpu.memory_space<vmem>>
    %dma_start3A_674 = arith.constant 0 : i32
    %dma_start3A_675 = tpu.memref_slice %arg7[%dma_start3A_667, %dma_start3A_668, %dma_start3A_674] : memref<6x2x120xi32, #tpu.memory_space<vmem>> -> memref<1x1x120xi32, #tpu.memory_space<vmem>>
    %dma_start3A_676 = tpu.memref_squeeze %dma_start3A_675 : memref<1x1x120xi32, #tpu.memory_space<vmem>> -> memref<120xi32, #tpu.memory_space<vmem>>
    %dma_start3A_677 = arith.constant 0 : i32
    %dma_start3A_678 = arith.constant 0 : i32
    %dma_start3A_679 = tpu.memref_slice %arg2[%dma_start3A_677, %dma_start3A_678] : memref<10112x128xf32, #tpu.memory_space<hbm>> -> memref<10112x128xf32, #tpu.memory_space<hbm>>
    tpu.enqueue_indirect_dma source(%dma_start3A_679 : memref<10112x128xf32, #tpu.memory_space<hbm>>) target(%dma_start3A_673 : memref<120x128xf32, #tpu.memory_space<vmem>>) offsets(%dma_start3A_676 : memref<120xi32, #tpu.memory_space<vmem>>) semaphore(%arg16 : memref<!tpu.dma_semaphore, #tpu.memory_space<semaphore_mem>>)
    %dma_wait3A_680 = arith.constant 2 : i32
    %dma_wait3A_681 = arith.constant 0 : i32
    %dma_wait3A_682 = arith.constant 0 : i32
    %dma_wait3A_683 = tpu.memref_slice %arg8[%dma_wait3A_680, %dma_wait3A_681, %dma_wait3A_682] : memref<3x120x128xf32, #tpu.memory_space<vmem>> -> memref<1x120x128xf32, #tpu.memory_space<vmem>>
    %dma_wait3A_684 = tpu.memref_squeeze %dma_wait3A_683 : memref<1x120x128xf32, #tpu.memory_space<vmem>> -> memref<120x128xf32, #tpu.memory_space<vmem>>
    %dma_wait3A_685 = arith.constant 0 : i32
    %dma_wait3A_686 = arith.constant 0 : i32
    %dma_wait3A_687 = tpu.memref_slice %arg2[%dma_wait3A_685, %dma_wait3A_686] : memref<10112x128xf32, #tpu.memory_space<hbm>> -> memref<120x128xf32, #tpu.memory_space<hbm>>
    %dma_wait3A_688 = arith.constant 0 : i32
    %dma_wait3A_689 = arith.constant 0 : i32
    %dma_wait3A_690 = tpu.memref_slice %arg8[%dma_wait3A_680, %dma_wait3A_688, %dma_wait3A_689] : memref<3x120x128xf32, #tpu.memory_space<vmem>> -> memref<1x120x128xf32, #tpu.memory_space<vmem>>
    %dma_wait3A_691 = tpu.memref_squeeze %dma_wait3A_690 : memref<1x120x128xf32, #tpu.memory_space<vmem>> -> memref<120x128xf32, #tpu.memory_space<vmem>>
    %dma_wait3A_692 = arith.constant 0 : i32
    %dma_wait3A_693 = arith.constant 0 : i32
    %dma_wait3A_694 = tpu.memref_slice %arg2[%dma_wait3A_692, %dma_wait3A_693] : memref<10112x128xf32, #tpu.memory_space<hbm>> -> memref<120x128xf32, #tpu.memory_space<hbm>>
    tpu.wait_dma2 semaphore(%arg17 : memref<!tpu.dma_semaphore, #tpu.memory_space<semaphore_mem>>) src(%dma_wait3A_694 : memref<120x128xf32, #tpu.memory_space<hbm>>) dst(%dma_wait3A_691 : memref<120x128xf32, #tpu.memory_space<vmem>>)
    %dma_start3A_695 = arith.constant 2 : i32
    %dma_start3A_696 = arith.constant 5 : i32
    %dma_start3A_697 = arith.constant 1 : i32
    %dma_start3A_698 = arith.constant 0 : i32
    %dma_start3A_699 = arith.constant 0 : i32
    %dma_start3A_700 = tpu.memref_slice %arg8[%dma_start3A_695, %dma_start3A_698, %dma_start3A_699] : memref<3x120x128xf32, #tpu.memory_space<vmem>> -> memref<1x120x128xf32, #tpu.memory_space<vmem>>
    %dma_start3A_701 = tpu.memref_squeeze %dma_start3A_700 : memref<1x120x128xf32, #tpu.memory_space<vmem>> -> memref<120x128xf32, #tpu.memory_space<vmem>>
    %dma_start3A_702 = arith.constant 0 : i32
    %dma_start3A_703 = tpu.memref_slice %arg7[%dma_start3A_696, %dma_start3A_697, %dma_start3A_702] : memref<6x2x120xi32, #tpu.memory_space<vmem>> -> memref<1x1x120xi32, #tpu.memory_space<vmem>>
    %dma_start3A_704 = tpu.memref_squeeze %dma_start3A_703 : memref<1x1x120xi32, #tpu.memory_space<vmem>> -> memref<120xi32, #tpu.memory_space<vmem>>
    %dma_start3A_705 = arith.constant 0 : i32
    %dma_start3A_706 = arith.constant 0 : i32
    %dma_start3A_707 = tpu.memref_slice %arg6[%dma_start3A_705, %dma_start3A_706] : memref<10112x128xf32, #tpu.memory_space<vmem_shared>> -> memref<10112x128xf32, #tpu.memory_space<vmem_shared>>
    tpu.enqueue_indirect_dma source(%dma_start3A_701 : memref<120x128xf32, #tpu.memory_space<vmem>>) target(%dma_start3A_707 : memref<10112x128xf32, #tpu.memory_space<vmem_shared>>) offsets(%dma_start3A_704 : memref<120xi32, #tpu.memory_space<vmem>>) semaphore(%arg20 : memref<!tpu.dma_semaphore, #tpu.memory_space<semaphore_mem>>) {add = true}
    %dma_wait3A_708 = arith.constant 2 : i32
    %dma_wait3A_709 = arith.constant 0 : i32
    %dma_wait3A_710 = arith.constant 0 : i32
    %dma_wait3A_711 = tpu.memref_slice %arg8[%dma_wait3A_708, %dma_wait3A_709, %dma_wait3A_710] : memref<3x120x128xf32, #tpu.memory_space<vmem>> -> memref<1x120x128xf32, #tpu.memory_space<vmem>>
    %dma_wait3A_712 = tpu.memref_squeeze %dma_wait3A_711 : memref<1x120x128xf32, #tpu.memory_space<vmem>> -> memref<120x128xf32, #tpu.memory_space<vmem>>
    %dma_wait3A_713 = arith.constant 0 : i32
    %dma_wait3A_714 = arith.constant 0 : i32
    %dma_wait3A_715 = tpu.memref_slice %arg6[%dma_wait3A_713, %dma_wait3A_714] : memref<10112x128xf32, #tpu.memory_space<vmem_shared>> -> memref<120x128xf32, #tpu.memory_space<vmem_shared>>
    %dma_wait3A_716 = arith.constant 0 : i32
    %dma_wait3A_717 = arith.constant 0 : i32
    %dma_wait3A_718 = tpu.memref_slice %arg6[%dma_wait3A_716, %dma_wait3A_717] : memref<10112x128xf32, #tpu.memory_space<vmem_shared>> -> memref<120x128xf32, #tpu.memory_space<vmem_shared>>
    %dma_wait3A_719 = arith.constant 0 : i32
    %dma_wait3A_720 = arith.constant 0 : i32
    %dma_wait3A_721 = tpu.memref_slice %arg8[%dma_wait3A_708, %dma_wait3A_719, %dma_wait3A_720] : memref<3x120x128xf32, #tpu.memory_space<vmem>> -> memref<1x120x128xf32, #tpu.memory_space<vmem>>
    %dma_wait3A_722 = tpu.memref_squeeze %dma_wait3A_721 : memref<1x120x128xf32, #tpu.memory_space<vmem>> -> memref<120x128xf32, #tpu.memory_space<vmem>>
    tpu.wait_dma2 semaphore(%arg20 : memref<!tpu.dma_semaphore, #tpu.memory_space<semaphore_mem>>) src(%dma_wait3A_722 : memref<120x128xf32, #tpu.memory_space<vmem>>) dst(%dma_wait3A_718 : memref<120x128xf32, #tpu.memory_space<vmem_shared>>)
    %dma_start3A_723 = arith.constant 83 : i32
    %dma_start3A_724 = arith.constant 5 : i32
    %dma_start3A_725 = arith.constant 0 : i32
    %dma_start3A_726 = arith.constant 0 : i32
    %dma_start3A_727 = tpu.memref_slice %arg7[%dma_start3A_724, %dma_start3A_725, %dma_start3A_726] : memref<6x2x120xi32, #tpu.memory_space<vmem>> -> memref<1x2x120xi32, #tpu.memory_space<vmem>>
    %dma_start3A_728 = tpu.memref_squeeze %dma_start3A_727 : memref<1x2x120xi32, #tpu.memory_space<vmem>> -> memref<2x120xi32, #tpu.memory_space<vmem>>
    %dma_start3A_729 = arith.constant 0 : i32
    %dma_start3A_730 = arith.constant 0 : i32
    %dma_start3A_731 = tpu.memref_slice %arg3[%add3A, %dma_start3A_723, %dma_start3A_729, %dma_start3A_730] : memref<32x84x2x120xi32, #tpu.memory_space<hbm>> -> memref<1x1x2x120xi32, #tpu.memory_space<hbm>>
    %dma_start3A_732 = tpu.memref_squeeze %dma_start3A_731 : memref<1x1x2x120xi32, #tpu.memory_space<hbm>> -> memref<2x120xi32, #tpu.memory_space<hbm>>
    %dma_start3A_733 = arith.constant 0 : i32
    %dma_start3A_734 = arith.constant 0 : i32
    %dma_start3A_735 = tpu.memref_slice %arg7[%dma_start3A_724, %dma_start3A_733, %dma_start3A_734] : memref<6x2x120xi32, #tpu.memory_space<vmem>> -> memref<1x2x120xi32, #tpu.memory_space<vmem>>
    %dma_start3A_736 = tpu.memref_squeeze %dma_start3A_735 : memref<1x2x120xi32, #tpu.memory_space<vmem>> -> memref<2x120xi32, #tpu.memory_space<vmem>>
    %dma_start3A_737 = arith.constant 0 : i32
    %dma_start3A_738 = arith.constant 0 : i32
    %dma_start3A_739 = tpu.memref_slice %arg3[%add3A, %dma_start3A_723, %dma_start3A_737, %dma_start3A_738] : memref<32x84x2x120xi32, #tpu.memory_space<hbm>> -> memref<1x1x2x120xi32, #tpu.memory_space<hbm>>
    %dma_start3A_740 = tpu.memref_squeeze %dma_start3A_739 : memref<1x1x2x120xi32, #tpu.memory_space<hbm>> -> memref<2x120xi32, #tpu.memory_space<hbm>>
    tpu.enqueue_dma source(%dma_start3A_740 : memref<2x120xi32, #tpu.memory_space<hbm>>) target(%dma_start3A_736 : memref<2x120xi32, #tpu.memory_space<vmem>>) target_semaphore(%arg14 : memref<!tpu.dma_semaphore, #tpu.memory_space<semaphore_mem>>)
    %dma_wait3A_741 = arith.constant 0 : i32
    %dma_wait3A_742 = arith.constant 2 : i32
    %dma_wait3A_743 = arith.constant 0 : i32
    %dma_wait3A_744 = arith.constant 0 : i32
    %dma_wait3A_745 = tpu.memref_slice %arg7[%dma_wait3A_742, %dma_wait3A_743, %dma_wait3A_744] : memref<6x2x120xi32, #tpu.memory_space<vmem>> -> memref<1x2x120xi32, #tpu.memory_space<vmem>>
    %dma_wait3A_746 = tpu.memref_squeeze %dma_wait3A_745 : memref<1x2x120xi32, #tpu.memory_space<vmem>> -> memref<2x120xi32, #tpu.memory_space<vmem>>
    %dma_wait3A_747 = arith.constant 0 : i32
    %dma_wait3A_748 = arith.constant 0 : i32
    %dma_wait3A_749 = tpu.memref_slice %arg3[%add3A, %dma_wait3A_741, %dma_wait3A_747, %dma_wait3A_748] : memref<32x84x2x120xi32, #tpu.memory_space<hbm>> -> memref<1x1x2x120xi32, #tpu.memory_space<hbm>>
    %dma_wait3A_750 = tpu.memref_squeeze %dma_wait3A_749 : memref<1x1x2x120xi32, #tpu.memory_space<hbm>> -> memref<2x120xi32, #tpu.memory_space<hbm>>
    %dma_wait3A_751 = arith.constant 0 : i32
    %dma_wait3A_752 = arith.constant 0 : i32
    %dma_wait3A_753 = tpu.memref_slice %arg7[%dma_wait3A_742, %dma_wait3A_751, %dma_wait3A_752] : memref<6x2x120xi32, #tpu.memory_space<vmem>> -> memref<1x2x120xi32, #tpu.memory_space<vmem>>
    %dma_wait3A_754 = tpu.memref_squeeze %dma_wait3A_753 : memref<1x2x120xi32, #tpu.memory_space<vmem>> -> memref<2x120xi32, #tpu.memory_space<vmem>>
    %dma_wait3A_755 = arith.constant 0 : i32
    %dma_wait3A_756 = arith.constant 0 : i32
    %dma_wait3A_757 = tpu.memref_slice %arg3[%add3A, %dma_wait3A_741, %dma_wait3A_755, %dma_wait3A_756] : memref<32x84x2x120xi32, #tpu.memory_space<hbm>> -> memref<1x1x2x120xi32, #tpu.memory_space<hbm>>
    %dma_wait3A_758 = tpu.memref_squeeze %dma_wait3A_757 : memref<1x1x2x120xi32, #tpu.memory_space<hbm>> -> memref<2x120xi32, #tpu.memory_space<hbm>>
    tpu.wait_dma2 semaphore(%arg11 : memref<!tpu.dma_semaphore, #tpu.memory_space<semaphore_mem>>) src(%dma_wait3A_758 : memref<2x120xi32, #tpu.memory_space<hbm>>) dst(%dma_wait3A_754 : memref<2x120xi32, #tpu.memory_space<vmem>>)
    %dma_start3A_759 = arith.constant 2 : i32
    %dma_start3A_760 = arith.constant 0 : i32
    %dma_start3A_761 = arith.constant 2 : i32
    %dma_start3A_762 = arith.constant 0 : i32
    %dma_start3A_763 = arith.constant 0 : i32
    %dma_start3A_764 = tpu.memref_slice %arg8[%dma_start3A_761, %dma_start3A_762, %dma_start3A_763] : memref<3x120x128xf32, #tpu.memory_space<vmem>> -> memref<1x120x128xf32, #tpu.memory_space<vmem>>
    %dma_start3A_765 = tpu.memref_squeeze %dma_start3A_764 : memref<1x120x128xf32, #tpu.memory_space<vmem>> -> memref<120x128xf32, #tpu.memory_space<vmem>>
    %dma_start3A_766 = arith.constant 0 : i32
    %dma_start3A_767 = tpu.memref_slice %arg7[%dma_start3A_759, %dma_start3A_760, %dma_start3A_766] : memref<6x2x120xi32, #tpu.memory_space<vmem>> -> memref<1x1x120xi32, #tpu.memory_space<vmem>>
    %dma_start3A_768 = tpu.memref_squeeze %dma_start3A_767 : memref<1x1x120xi32, #tpu.memory_space<vmem>> -> memref<120xi32, #tpu.memory_space<vmem>>
    %dma_start3A_769 = arith.constant 0 : i32
    %dma_start3A_770 = arith.constant 0 : i32
    %dma_start3A_771 = tpu.memref_slice %arg2[%dma_start3A_769, %dma_start3A_770] : memref<10112x128xf32, #tpu.memory_space<hbm>> -> memref<10112x128xf32, #tpu.memory_space<hbm>>
    tpu.enqueue_indirect_dma source(%dma_start3A_771 : memref<10112x128xf32, #tpu.memory_space<hbm>>) target(%dma_start3A_765 : memref<120x128xf32, #tpu.memory_space<vmem>>) offsets(%dma_start3A_768 : memref<120xi32, #tpu.memory_space<vmem>>) semaphore(%arg17 : memref<!tpu.dma_semaphore, #tpu.memory_space<semaphore_mem>>)
    %dma_wait3A_772 = arith.constant 0 : i32
    %dma_wait3A_773 = arith.constant 0 : i32
    %dma_wait3A_774 = arith.constant 0 : i32
    %dma_wait3A_775 = tpu.memref_slice %arg8[%dma_wait3A_772, %dma_wait3A_773, %dma_wait3A_774] : memref<3x120x128xf32, #tpu.memory_space<vmem>> -> memref<1x120x128xf32, #tpu.memory_space<vmem>>
    %dma_wait3A_776 = tpu.memref_squeeze %dma_wait3A_775 : memref<1x120x128xf32, #tpu.memory_space<vmem>> -> memref<120x128xf32, #tpu.memory_space<vmem>>
    %dma_wait3A_777 = arith.constant 0 : i32
    %dma_wait3A_778 = arith.constant 0 : i32
    %dma_wait3A_779 = tpu.memref_slice %arg2[%dma_wait3A_777, %dma_wait3A_778] : memref<10112x128xf32, #tpu.memory_space<hbm>> -> memref<120x128xf32, #tpu.memory_space<hbm>>
    %dma_wait3A_780 = arith.constant 0 : i32
    %dma_wait3A_781 = arith.constant 0 : i32
    %dma_wait3A_782 = tpu.memref_slice %arg8[%dma_wait3A_772, %dma_wait3A_780, %dma_wait3A_781] : memref<3x120x128xf32, #tpu.memory_space<vmem>> -> memref<1x120x128xf32, #tpu.memory_space<vmem>>
    %dma_wait3A_783 = tpu.memref_squeeze %dma_wait3A_782 : memref<1x120x128xf32, #tpu.memory_space<vmem>> -> memref<120x128xf32, #tpu.memory_space<vmem>>
    %dma_wait3A_784 = arith.constant 0 : i32
    %dma_wait3A_785 = arith.constant 0 : i32
    %dma_wait3A_786 = tpu.memref_slice %arg2[%dma_wait3A_784, %dma_wait3A_785] : memref<10112x128xf32, #tpu.memory_space<hbm>> -> memref<120x128xf32, #tpu.memory_space<hbm>>
    tpu.wait_dma2 semaphore(%arg15 : memref<!tpu.dma_semaphore, #tpu.memory_space<semaphore_mem>>) src(%dma_wait3A_786 : memref<120x128xf32, #tpu.memory_space<hbm>>) dst(%dma_wait3A_783 : memref<120x128xf32, #tpu.memory_space<vmem>>)
    %dma_start3A_787 = arith.constant 0 : i32
    %dma_start3A_788 = arith.constant 0 : i32
    %dma_start3A_789 = arith.constant 1 : i32
    %dma_start3A_790 = arith.constant 0 : i32
    %dma_start3A_791 = arith.constant 0 : i32
    %dma_start3A_792 = tpu.memref_slice %arg8[%dma_start3A_787, %dma_start3A_790, %dma_start3A_791] : memref<3x120x128xf32, #tpu.memory_space<vmem>> -> memref<1x120x128xf32, #tpu.memory_space<vmem>>
    %dma_start3A_793 = tpu.memref_squeeze %dma_start3A_792 : memref<1x120x128xf32, #tpu.memory_space<vmem>> -> memref<120x128xf32, #tpu.memory_space<vmem>>
    %dma_start3A_794 = arith.constant 0 : i32
    %dma_start3A_795 = tpu.memref_slice %arg7[%dma_start3A_788, %dma_start3A_789, %dma_start3A_794] : memref<6x2x120xi32, #tpu.memory_space<vmem>> -> memref<1x1x120xi32, #tpu.memory_space<vmem>>
    %dma_start3A_796 = tpu.memref_squeeze %dma_start3A_795 : memref<1x1x120xi32, #tpu.memory_space<vmem>> -> memref<120xi32, #tpu.memory_space<vmem>>
    %dma_start3A_797 = arith.constant 0 : i32
    %dma_start3A_798 = arith.constant 0 : i32
    %dma_start3A_799 = tpu.memref_slice %arg6[%dma_start3A_797, %dma_start3A_798] : memref<10112x128xf32, #tpu.memory_space<vmem_shared>> -> memref<10112x128xf32, #tpu.memory_space<vmem_shared>>
    tpu.enqueue_indirect_dma source(%dma_start3A_793 : memref<120x128xf32, #tpu.memory_space<vmem>>) target(%dma_start3A_799 : memref<10112x128xf32, #tpu.memory_space<vmem_shared>>) offsets(%dma_start3A_796 : memref<120xi32, #tpu.memory_space<vmem>>) semaphore(%arg18 : memref<!tpu.dma_semaphore, #tpu.memory_space<semaphore_mem>>) {add = true}
    %dma_wait3A_800 = arith.constant 0 : i32
    %dma_wait3A_801 = arith.constant 0 : i32
    %dma_wait3A_802 = arith.constant 0 : i32
    %dma_wait3A_803 = tpu.memref_slice %arg8[%dma_wait3A_800, %dma_wait3A_801, %dma_wait3A_802] : memref<3x120x128xf32, #tpu.memory_space<vmem>> -> memref<1x120x128xf32, #tpu.memory_space<vmem>>
    %dma_wait3A_804 = tpu.memref_squeeze %dma_wait3A_803 : memref<1x120x128xf32, #tpu.memory_space<vmem>> -> memref<120x128xf32, #tpu.memory_space<vmem>>
    %dma_wait3A_805 = arith.constant 0 : i32
    %dma_wait3A_806 = arith.constant 0 : i32
    %dma_wait3A_807 = tpu.memref_slice %arg6[%dma_wait3A_805, %dma_wait3A_806] : memref<10112x128xf32, #tpu.memory_space<vmem_shared>> -> memref<120x128xf32, #tpu.memory_space<vmem_shared>>
    %dma_wait3A_808 = arith.constant 0 : i32
    %dma_wait3A_809 = arith.constant 0 : i32
    %dma_wait3A_810 = tpu.memref_slice %arg6[%dma_wait3A_808, %dma_wait3A_809] : memref<10112x128xf32, #tpu.memory_space<vmem_shared>> -> memref<120x128xf32, #tpu.memory_space<vmem_shared>>
    %dma_wait3A_811 = arith.constant 0 : i32
    %dma_wait3A_812 = arith.constant 0 : i32
    %dma_wait3A_813 = tpu.memref_slice %arg8[%dma_wait3A_800, %dma_wait3A_811, %dma_wait3A_812] : memref<3x120x128xf32, #tpu.memory_space<vmem>> -> memref<1x120x128xf32, #tpu.memory_space<vmem>>
    %dma_wait3A_814 = tpu.memref_squeeze %dma_wait3A_813 : memref<1x120x128xf32, #tpu.memory_space<vmem>> -> memref<120x128xf32, #tpu.memory_space<vmem>>
    tpu.wait_dma2 semaphore(%arg18 : memref<!tpu.dma_semaphore, #tpu.memory_space<semaphore_mem>>) src(%dma_wait3A_814 : memref<120x128xf32, #tpu.memory_space<vmem>>) dst(%dma_wait3A_810 : memref<120x128xf32, #tpu.memory_space<vmem_shared>>)
    %dma_wait3A_815 = arith.constant 0 : i32
    %dma_wait3A_816 = arith.constant 3 : i32
    %dma_wait3A_817 = arith.constant 0 : i32
    %dma_wait3A_818 = arith.constant 0 : i32
    %dma_wait3A_819 = tpu.memref_slice %arg7[%dma_wait3A_816, %dma_wait3A_817, %dma_wait3A_818] : memref<6x2x120xi32, #tpu.memory_space<vmem>> -> memref<1x2x120xi32, #tpu.memory_space<vmem>>
    %dma_wait3A_820 = tpu.memref_squeeze %dma_wait3A_819 : memref<1x2x120xi32, #tpu.memory_space<vmem>> -> memref<2x120xi32, #tpu.memory_space<vmem>>
    %dma_wait3A_821 = arith.constant 0 : i32
    %dma_wait3A_822 = arith.constant 0 : i32
    %dma_wait3A_823 = tpu.memref_slice %arg3[%add3A, %dma_wait3A_815, %dma_wait3A_821, %dma_wait3A_822] : memref<32x84x2x120xi32, #tpu.memory_space<hbm>> -> memref<1x1x2x120xi32, #tpu.memory_space<hbm>>
    %dma_wait3A_824 = tpu.memref_squeeze %dma_wait3A_823 : memref<1x1x2x120xi32, #tpu.memory_space<hbm>> -> memref<2x120xi32, #tpu.memory_space<hbm>>
    %dma_wait3A_825 = arith.constant 0 : i32
    %dma_wait3A_826 = arith.constant 0 : i32
    %dma_wait3A_827 = tpu.memref_slice %arg7[%dma_wait3A_816, %dma_wait3A_825, %dma_wait3A_826] : memref<6x2x120xi32, #tpu.memory_space<vmem>> -> memref<1x2x120xi32, #tpu.memory_space<vmem>>
    %dma_wait3A_828 = tpu.memref_squeeze %dma_wait3A_827 : memref<1x2x120xi32, #tpu.memory_space<vmem>> -> memref<2x120xi32, #tpu.memory_space<vmem>>
    %dma_wait3A_829 = arith.constant 0 : i32
    %dma_wait3A_830 = arith.constant 0 : i32
    %dma_wait3A_831 = tpu.memref_slice %arg3[%add3A, %dma_wait3A_815, %dma_wait3A_829, %dma_wait3A_830] : memref<32x84x2x120xi32, #tpu.memory_space<hbm>> -> memref<1x1x2x120xi32, #tpu.memory_space<hbm>>
    %dma_wait3A_832 = tpu.memref_squeeze %dma_wait3A_831 : memref<1x1x2x120xi32, #tpu.memory_space<hbm>> -> memref<2x120xi32, #tpu.memory_space<hbm>>
    tpu.wait_dma2 semaphore(%arg12 : memref<!tpu.dma_semaphore, #tpu.memory_space<semaphore_mem>>) src(%dma_wait3A_832 : memref<2x120xi32, #tpu.memory_space<hbm>>) dst(%dma_wait3A_828 : memref<2x120xi32, #tpu.memory_space<vmem>>)
    %dma_start3A_833 = arith.constant 3 : i32
    %dma_start3A_834 = arith.constant 0 : i32
    %dma_start3A_835 = arith.constant 0 : i32
    %dma_start3A_836 = arith.constant 0 : i32
    %dma_start3A_837 = arith.constant 0 : i32
    %dma_start3A_838 = tpu.memref_slice %arg8[%dma_start3A_835, %dma_start3A_836, %dma_start3A_837] : memref<3x120x128xf32, #tpu.memory_space<vmem>> -> memref<1x120x128xf32, #tpu.memory_space<vmem>>
    %dma_start3A_839 = tpu.memref_squeeze %dma_start3A_838 : memref<1x120x128xf32, #tpu.memory_space<vmem>> -> memref<120x128xf32, #tpu.memory_space<vmem>>
    %dma_start3A_840 = arith.constant 0 : i32
    %dma_start3A_841 = tpu.memref_slice %arg7[%dma_start3A_833, %dma_start3A_834, %dma_start3A_840] : memref<6x2x120xi32, #tpu.memory_space<vmem>> -> memref<1x1x120xi32, #tpu.memory_space<vmem>>
    %dma_start3A_842 = tpu.memref_squeeze %dma_start3A_841 : memref<1x1x120xi32, #tpu.memory_space<vmem>> -> memref<120xi32, #tpu.memory_space<vmem>>
    %dma_start3A_843 = arith.constant 0 : i32
    %dma_start3A_844 = arith.constant 0 : i32
    %dma_start3A_845 = tpu.memref_slice %arg2[%dma_start3A_843, %dma_start3A_844] : memref<10112x128xf32, #tpu.memory_space<hbm>> -> memref<10112x128xf32, #tpu.memory_space<hbm>>
    tpu.enqueue_indirect_dma source(%dma_start3A_845 : memref<10112x128xf32, #tpu.memory_space<hbm>>) target(%dma_start3A_839 : memref<120x128xf32, #tpu.memory_space<vmem>>) offsets(%dma_start3A_842 : memref<120xi32, #tpu.memory_space<vmem>>) semaphore(%arg15 : memref<!tpu.dma_semaphore, #tpu.memory_space<semaphore_mem>>)
    %dma_wait3A_846 = arith.constant 1 : i32
    %dma_wait3A_847 = arith.constant 0 : i32
    %dma_wait3A_848 = arith.constant 0 : i32
    %dma_wait3A_849 = tpu.memref_slice %arg8[%dma_wait3A_846, %dma_wait3A_847, %dma_wait3A_848] : memref<3x120x128xf32, #tpu.memory_space<vmem>> -> memref<1x120x128xf32, #tpu.memory_space<vmem>>
    %dma_wait3A_850 = tpu.memref_squeeze %dma_wait3A_849 : memref<1x120x128xf32, #tpu.memory_space<vmem>> -> memref<120x128xf32, #tpu.memory_space<vmem>>
    %dma_wait3A_851 = arith.constant 0 : i32
    %dma_wait3A_852 = arith.constant 0 : i32
    %dma_wait3A_853 = tpu.memref_slice %arg2[%dma_wait3A_851, %dma_wait3A_852] : memref<10112x128xf32, #tpu.memory_space<hbm>> -> memref<120x128xf32, #tpu.memory_space<hbm>>
    %dma_wait3A_854 = arith.constant 0 : i32
    %dma_wait3A_855 = arith.constant 0 : i32
    %dma_wait3A_856 = tpu.memref_slice %arg8[%dma_wait3A_846, %dma_wait3A_854, %dma_wait3A_855] : memref<3x120x128xf32, #tpu.memory_space<vmem>> -> memref<1x120x128xf32, #tpu.memory_space<vmem>>
    %dma_wait3A_857 = tpu.memref_squeeze %dma_wait3A_856 : memref<1x120x128xf32, #tpu.memory_space<vmem>> -> memref<120x128xf32, #tpu.memory_space<vmem>>
    %dma_wait3A_858 = arith.constant 0 : i32
    %dma_wait3A_859 = arith.constant 0 : i32
    %dma_wait3A_860 = tpu.memref_slice %arg2[%dma_wait3A_858, %dma_wait3A_859] : memref<10112x128xf32, #tpu.memory_space<hbm>> -> memref<120x128xf32, #tpu.memory_space<hbm>>
    tpu.wait_dma2 semaphore(%arg16 : memref<!tpu.dma_semaphore, #tpu.memory_space<semaphore_mem>>) src(%dma_wait3A_860 : memref<120x128xf32, #tpu.memory_space<hbm>>) dst(%dma_wait3A_857 : memref<120x128xf32, #tpu.memory_space<vmem>>)
    %dma_start3A_861 = arith.constant 1 : i32
    %dma_start3A_862 = arith.constant 1 : i32
    %dma_start3A_863 = arith.constant 1 : i32
    %dma_start3A_864 = arith.constant 0 : i32
    %dma_start3A_865 = arith.constant 0 : i32
    %dma_start3A_866 = tpu.memref_slice %arg8[%dma_start3A_861, %dma_start3A_864, %dma_start3A_865] : memref<3x120x128xf32, #tpu.memory_space<vmem>> -> memref<1x120x128xf32, #tpu.memory_space<vmem>>
    %dma_start3A_867 = tpu.memref_squeeze %dma_start3A_866 : memref<1x120x128xf32, #tpu.memory_space<vmem>> -> memref<120x128xf32, #tpu.memory_space<vmem>>
    %dma_start3A_868 = arith.constant 0 : i32
    %dma_start3A_869 = tpu.memref_slice %arg7[%dma_start3A_862, %dma_start3A_863, %dma_start3A_868] : memref<6x2x120xi32, #tpu.memory_space<vmem>> -> memref<1x1x120xi32, #tpu.memory_space<vmem>>
    %dma_start3A_870 = tpu.memref_squeeze %dma_start3A_869 : memref<1x1x120xi32, #tpu.memory_space<vmem>> -> memref<120xi32, #tpu.memory_space<vmem>>
    %dma_start3A_871 = arith.constant 0 : i32
    %dma_start3A_872 = arith.constant 0 : i32
    %dma_start3A_873 = tpu.memref_slice %arg6[%dma_start3A_871, %dma_start3A_872] : memref<10112x128xf32, #tpu.memory_space<vmem_shared>> -> memref<10112x128xf32, #tpu.memory_space<vmem_shared>>
    tpu.enqueue_indirect_dma source(%dma_start3A_867 : memref<120x128xf32, #tpu.memory_space<vmem>>) target(%dma_start3A_873 : memref<10112x128xf32, #tpu.memory_space<vmem_shared>>) offsets(%dma_start3A_870 : memref<120xi32, #tpu.memory_space<vmem>>) semaphore(%arg19 : memref<!tpu.dma_semaphore, #tpu.memory_space<semaphore_mem>>) {add = true}
    %dma_wait3A_874 = arith.constant 1 : i32
    %dma_wait3A_875 = arith.constant 0 : i32
    %dma_wait3A_876 = arith.constant 0 : i32
    %dma_wait3A_877 = tpu.memref_slice %arg8[%dma_wait3A_874, %dma_wait3A_875, %dma_wait3A_876] : memref<3x120x128xf32, #tpu.memory_space<vmem>> -> memref<1x120x128xf32, #tpu.memory_space<vmem>>
    %dma_wait3A_878 = tpu.memref_squeeze %dma_wait3A_877 : memref<1x120x128xf32, #tpu.memory_space<vmem>> -> memref<120x128xf32, #tpu.memory_space<vmem>>
    %dma_wait3A_879 = arith.constant 0 : i32
    %dma_wait3A_880 = arith.constant 0 : i32
    %dma_wait3A_881 = tpu.memref_slice %arg6[%dma_wait3A_879, %dma_wait3A_880] : memref<10112x128xf32, #tpu.memory_space<vmem_shared>> -> memref<120x128xf32, #tpu.memory_space<vmem_shared>>
    %dma_wait3A_882 = arith.constant 0 : i32
    %dma_wait3A_883 = arith.constant 0 : i32
    %dma_wait3A_884 = tpu.memref_slice %arg6[%dma_wait3A_882, %dma_wait3A_883] : memref<10112x128xf32, #tpu.memory_space<vmem_shared>> -> memref<120x128xf32, #tpu.memory_space<vmem_shared>>
    %dma_wait3A_885 = arith.constant 0 : i32
    %dma_wait3A_886 = arith.constant 0 : i32
    %dma_wait3A_887 = tpu.memref_slice %arg8[%dma_wait3A_874, %dma_wait3A_885, %dma_wait3A_886] : memref<3x120x128xf32, #tpu.memory_space<vmem>> -> memref<1x120x128xf32, #tpu.memory_space<vmem>>
    %dma_wait3A_888 = tpu.memref_squeeze %dma_wait3A_887 : memref<1x120x128xf32, #tpu.memory_space<vmem>> -> memref<120x128xf32, #tpu.memory_space<vmem>>
    tpu.wait_dma2 semaphore(%arg19 : memref<!tpu.dma_semaphore, #tpu.memory_space<semaphore_mem>>) src(%dma_wait3A_888 : memref<120x128xf32, #tpu.memory_space<vmem>>) dst(%dma_wait3A_884 : memref<120x128xf32, #tpu.memory_space<vmem_shared>>)
    %dma_wait3A_889 = arith.constant 0 : i32
    %dma_wait3A_890 = arith.constant 4 : i32
    %dma_wait3A_891 = arith.constant 0 : i32
    %dma_wait3A_892 = arith.constant 0 : i32
    %dma_wait3A_893 = tpu.memref_slice %arg7[%dma_wait3A_890, %dma_wait3A_891, %dma_wait3A_892] : memref<6x2x120xi32, #tpu.memory_space<vmem>> -> memref<1x2x120xi32, #tpu.memory_space<vmem>>
    %dma_wait3A_894 = tpu.memref_squeeze %dma_wait3A_893 : memref<1x2x120xi32, #tpu.memory_space<vmem>> -> memref<2x120xi32, #tpu.memory_space<vmem>>
    %dma_wait3A_895 = arith.constant 0 : i32
    %dma_wait3A_896 = arith.constant 0 : i32
    %dma_wait3A_897 = tpu.memref_slice %arg3[%add3A, %dma_wait3A_889, %dma_wait3A_895, %dma_wait3A_896] : memref<32x84x2x120xi32, #tpu.memory_space<hbm>> -> memref<1x1x2x120xi32, #tpu.memory_space<hbm>>
    %dma_wait3A_898 = tpu.memref_squeeze %dma_wait3A_897 : memref<1x1x2x120xi32, #tpu.memory_space<hbm>> -> memref<2x120xi32, #tpu.memory_space<hbm>>
    %dma_wait3A_899 = arith.constant 0 : i32
    %dma_wait3A_900 = arith.constant 0 : i32
    %dma_wait3A_901 = tpu.memref_slice %arg7[%dma_wait3A_890, %dma_wait3A_899, %dma_wait3A_900] : memref<6x2x120xi32, #tpu.memory_space<vmem>> -> memref<1x2x120xi32, #tpu.memory_space<vmem>>
    %dma_wait3A_902 = tpu.memref_squeeze %dma_wait3A_901 : memref<1x2x120xi32, #tpu.memory_space<vmem>> -> memref<2x120xi32, #tpu.memory_space<vmem>>
    %dma_wait3A_903 = arith.constant 0 : i32
    %dma_wait3A_904 = arith.constant 0 : i32
    %dma_wait3A_905 = tpu.memref_slice %arg3[%add3A, %dma_wait3A_889, %dma_wait3A_903, %dma_wait3A_904] : memref<32x84x2x120xi32, #tpu.memory_space<hbm>> -> memref<1x1x2x120xi32, #tpu.memory_space<hbm>>
    %dma_wait3A_906 = tpu.memref_squeeze %dma_wait3A_905 : memref<1x1x2x120xi32, #tpu.memory_space<hbm>> -> memref<2x120xi32, #tpu.memory_space<hbm>>
    tpu.wait_dma2 semaphore(%arg13 : memref<!tpu.dma_semaphore, #tpu.memory_space<semaphore_mem>>) src(%dma_wait3A_906 : memref<2x120xi32, #tpu.memory_space<hbm>>) dst(%dma_wait3A_902 : memref<2x120xi32, #tpu.memory_space<vmem>>)
    %dma_start3A_907 = arith.constant 4 : i32
    %dma_start3A_908 = arith.constant 0 : i32
    %dma_start3A_909 = arith.constant 1 : i32
    %dma_start3A_910 = arith.constant 0 : i32
    %dma_start3A_911 = arith.constant 0 : i32
    %dma_start3A_912 = tpu.memref_slice %arg8[%dma_start3A_909, %dma_start3A_910, %dma_start3A_911] : memref<3x120x128xf32, #tpu.memory_space<vmem>> -> memref<1x120x128xf32, #tpu.memory_space<vmem>>
    %dma_start3A_913 = tpu.memref_squeeze %dma_start3A_912 : memref<1x120x128xf32, #tpu.memory_space<vmem>> -> memref<120x128xf32, #tpu.memory_space<vmem>>
    %dma_start3A_914 = arith.constant 0 : i32
    %dma_start3A_915 = tpu.memref_slice %arg7[%dma_start3A_907, %dma_start3A_908, %dma_start3A_914] : memref<6x2x120xi32, #tpu.memory_space<vmem>> -> memref<1x1x120xi32, #tpu.memory_space<vmem>>
    %dma_start3A_916 = tpu.memref_squeeze %dma_start3A_915 : memref<1x1x120xi32, #tpu.memory_space<vmem>> -> memref<120xi32, #tpu.memory_space<vmem>>
    %dma_start3A_917 = arith.constant 0 : i32
    %dma_start3A_918 = arith.constant 0 : i32
    %dma_start3A_919 = tpu.memref_slice %arg2[%dma_start3A_917, %dma_start3A_918] : memref<10112x128xf32, #tpu.memory_space<hbm>> -> memref<10112x128xf32, #tpu.memory_space<hbm>>
    tpu.enqueue_indirect_dma source(%dma_start3A_919 : memref<10112x128xf32, #tpu.memory_space<hbm>>) target(%dma_start3A_913 : memref<120x128xf32, #tpu.memory_space<vmem>>) offsets(%dma_start3A_916 : memref<120xi32, #tpu.memory_space<vmem>>) semaphore(%arg16 : memref<!tpu.dma_semaphore, #tpu.memory_space<semaphore_mem>>)
    %dma_wait3A_920 = arith.constant 2 : i32
    %dma_wait3A_921 = arith.constant 0 : i32
    %dma_wait3A_922 = arith.constant 0 : i32
    %dma_wait3A_923 = tpu.memref_slice %arg8[%dma_wait3A_920, %dma_wait3A_921, %dma_wait3A_922] : memref<3x120x128xf32, #tpu.memory_space<vmem>> -> memref<1x120x128xf32, #tpu.memory_space<vmem>>
    %dma_wait3A_924 = tpu.memref_squeeze %dma_wait3A_923 : memref<1x120x128xf32, #tpu.memory_space<vmem>> -> memref<120x128xf32, #tpu.memory_space<vmem>>
    %dma_wait3A_925 = arith.constant 0 : i32
    %dma_wait3A_926 = arith.constant 0 : i32
    %dma_wait3A_927 = tpu.memref_slice %arg2[%dma_wait3A_925, %dma_wait3A_926] : memref<10112x128xf32, #tpu.memory_space<hbm>> -> memref<120x128xf32, #tpu.memory_space<hbm>>
    %dma_wait3A_928 = arith.constant 0 : i32
    %dma_wait3A_929 = arith.constant 0 : i32
    %dma_wait3A_930 = tpu.memref_slice %arg8[%dma_wait3A_920, %dma_wait3A_928, %dma_wait3A_929] : memref<3x120x128xf32, #tpu.memory_space<vmem>> -> memref<1x120x128xf32, #tpu.memory_space<vmem>>
    %dma_wait3A_931 = tpu.memref_squeeze %dma_wait3A_930 : memref<1x120x128xf32, #tpu.memory_space<vmem>> -> memref<120x128xf32, #tpu.memory_space<vmem>>
    %dma_wait3A_932 = arith.constant 0 : i32
    %dma_wait3A_933 = arith.constant 0 : i32
    %dma_wait3A_934 = tpu.memref_slice %arg2[%dma_wait3A_932, %dma_wait3A_933] : memref<10112x128xf32, #tpu.memory_space<hbm>> -> memref<120x128xf32, #tpu.memory_space<hbm>>
    tpu.wait_dma2 semaphore(%arg17 : memref<!tpu.dma_semaphore, #tpu.memory_space<semaphore_mem>>) src(%dma_wait3A_934 : memref<120x128xf32, #tpu.memory_space<hbm>>) dst(%dma_wait3A_931 : memref<120x128xf32, #tpu.memory_space<vmem>>)
    %dma_start3A_935 = arith.constant 2 : i32
    %dma_start3A_936 = arith.constant 2 : i32
    %dma_start3A_937 = arith.constant 1 : i32
    %dma_start3A_938 = arith.constant 0 : i32
    %dma_start3A_939 = arith.constant 0 : i32
    %dma_start3A_940 = tpu.memref_slice %arg8[%dma_start3A_935, %dma_start3A_938, %dma_start3A_939] : memref<3x120x128xf32, #tpu.memory_space<vmem>> -> memref<1x120x128xf32, #tpu.memory_space<vmem>>
    %dma_start3A_941 = tpu.memref_squeeze %dma_start3A_940 : memref<1x120x128xf32, #tpu.memory_space<vmem>> -> memref<120x128xf32, #tpu.memory_space<vmem>>
    %dma_start3A_942 = arith.constant 0 : i32
    %dma_start3A_943 = tpu.memref_slice %arg7[%dma_start3A_936, %dma_start3A_937, %dma_start3A_942] : memref<6x2x120xi32, #tpu.memory_space<vmem>> -> memref<1x1x120xi32, #tpu.memory_space<vmem>>
    %dma_start3A_944 = tpu.memref_squeeze %dma_start3A_943 : memref<1x1x120xi32, #tpu.memory_space<vmem>> -> memref<120xi32, #tpu.memory_space<vmem>>
    %dma_start3A_945 = arith.constant 0 : i32
    %dma_start3A_946 = arith.constant 0 : i32
    %dma_start3A_947 = tpu.memref_slice %arg6[%dma_start3A_945, %dma_start3A_946] : memref<10112x128xf32, #tpu.memory_space<vmem_shared>> -> memref<10112x128xf32, #tpu.memory_space<vmem_shared>>
    tpu.enqueue_indirect_dma source(%dma_start3A_941 : memref<120x128xf32, #tpu.memory_space<vmem>>) target(%dma_start3A_947 : memref<10112x128xf32, #tpu.memory_space<vmem_shared>>) offsets(%dma_start3A_944 : memref<120xi32, #tpu.memory_space<vmem>>) semaphore(%arg20 : memref<!tpu.dma_semaphore, #tpu.memory_space<semaphore_mem>>) {add = true}
    %dma_wait3A_948 = arith.constant 2 : i32
    %dma_wait3A_949 = arith.constant 0 : i32
    %dma_wait3A_950 = arith.constant 0 : i32
    %dma_wait3A_951 = tpu.memref_slice %arg8[%dma_wait3A_948, %dma_wait3A_949, %dma_wait3A_950] : memref<3x120x128xf32, #tpu.memory_space<vmem>> -> memref<1x120x128xf32, #tpu.memory_space<vmem>>
    %dma_wait3A_952 = tpu.memref_squeeze %dma_wait3A_951 : memref<1x120x128xf32, #tpu.memory_space<vmem>> -> memref<120x128xf32, #tpu.memory_space<vmem>>
    %dma_wait3A_953 = arith.constant 0 : i32
    %dma_wait3A_954 = arith.constant 0 : i32
    %dma_wait3A_955 = tpu.memref_slice %arg6[%dma_wait3A_953, %dma_wait3A_954] : memref<10112x128xf32, #tpu.memory_space<vmem_shared>> -> memref<120x128xf32, #tpu.memory_space<vmem_shared>>
    %dma_wait3A_956 = arith.constant 0 : i32
    %dma_wait3A_957 = arith.constant 0 : i32
    %dma_wait3A_958 = tpu.memref_slice %arg6[%dma_wait3A_956, %dma_wait3A_957] : memref<10112x128xf32, #tpu.memory_space<vmem_shared>> -> memref<120x128xf32, #tpu.memory_space<vmem_shared>>
    %dma_wait3A_959 = arith.constant 0 : i32
    %dma_wait3A_960 = arith.constant 0 : i32
    %dma_wait3A_961 = tpu.memref_slice %arg8[%dma_wait3A_948, %dma_wait3A_959, %dma_wait3A_960] : memref<3x120x128xf32, #tpu.memory_space<vmem>> -> memref<1x120x128xf32, #tpu.memory_space<vmem>>
    %dma_wait3A_962 = tpu.memref_squeeze %dma_wait3A_961 : memref<1x120x128xf32, #tpu.memory_space<vmem>> -> memref<120x128xf32, #tpu.memory_space<vmem>>
    tpu.wait_dma2 semaphore(%arg20 : memref<!tpu.dma_semaphore, #tpu.memory_space<semaphore_mem>>) src(%dma_wait3A_962 : memref<120x128xf32, #tpu.memory_space<vmem>>) dst(%dma_wait3A_958 : memref<120x128xf32, #tpu.memory_space<vmem_shared>>)
    %dma_wait3A_963 = arith.constant 0 : i32
    %dma_wait3A_964 = arith.constant 5 : i32
    %dma_wait3A_965 = arith.constant 0 : i32
    %dma_wait3A_966 = arith.constant 0 : i32
    %dma_wait3A_967 = tpu.memref_slice %arg7[%dma_wait3A_964, %dma_wait3A_965, %dma_wait3A_966] : memref<6x2x120xi32, #tpu.memory_space<vmem>> -> memref<1x2x120xi32, #tpu.memory_space<vmem>>
    %dma_wait3A_968 = tpu.memref_squeeze %dma_wait3A_967 : memref<1x2x120xi32, #tpu.memory_space<vmem>> -> memref<2x120xi32, #tpu.memory_space<vmem>>
    %dma_wait3A_969 = arith.constant 0 : i32
    %dma_wait3A_970 = arith.constant 0 : i32
    %dma_wait3A_971 = tpu.memref_slice %arg3[%add3A, %dma_wait3A_963, %dma_wait3A_969, %dma_wait3A_970] : memref<32x84x2x120xi32, #tpu.memory_space<hbm>> -> memref<1x1x2x120xi32, #tpu.memory_space<hbm>>
    %dma_wait3A_972 = tpu.memref_squeeze %dma_wait3A_971 : memref<1x1x2x120xi32, #tpu.memory_space<hbm>> -> memref<2x120xi32, #tpu.memory_space<hbm>>
    %dma_wait3A_973 = arith.constant 0 : i32
    %dma_wait3A_974 = arith.constant 0 : i32
    %dma_wait3A_975 = tpu.memref_slice %arg7[%dma_wait3A_964, %dma_wait3A_973, %dma_wait3A_974] : memref<6x2x120xi32, #tpu.memory_space<vmem>> -> memref<1x2x120xi32, #tpu.memory_space<vmem>>
    %dma_wait3A_976 = tpu.memref_squeeze %dma_wait3A_975 : memref<1x2x120xi32, #tpu.memory_space<vmem>> -> memref<2x120xi32, #tpu.memory_space<vmem>>
    %dma_wait3A_977 = arith.constant 0 : i32
    %dma_wait3A_978 = arith.constant 0 : i32
    %dma_wait3A_979 = tpu.memref_slice %arg3[%add3A, %dma_wait3A_963, %dma_wait3A_977, %dma_wait3A_978] : memref<32x84x2x120xi32, #tpu.memory_space<hbm>> -> memref<1x1x2x120xi32, #tpu.memory_space<hbm>>
    %dma_wait3A_980 = tpu.memref_squeeze %dma_wait3A_979 : memref<1x1x2x120xi32, #tpu.memory_space<hbm>> -> memref<2x120xi32, #tpu.memory_space<hbm>>
    tpu.wait_dma2 semaphore(%arg14 : memref<!tpu.dma_semaphore, #tpu.memory_space<semaphore_mem>>) src(%dma_wait3A_980 : memref<2x120xi32, #tpu.memory_space<hbm>>) dst(%dma_wait3A_976 : memref<2x120xi32, #tpu.memory_space<vmem>>)
    %dma_start3A_981 = arith.constant 5 : i32
    %dma_start3A_982 = arith.constant 0 : i32
    %dma_start3A_983 = arith.constant 2 : i32
    %dma_start3A_984 = arith.constant 0 : i32
    %dma_start3A_985 = arith.constant 0 : i32
    %dma_start3A_986 = tpu.memref_slice %arg8[%dma_start3A_983, %dma_start3A_984, %dma_start3A_985] : memref<3x120x128xf32, #tpu.memory_space<vmem>> -> memref<1x120x128xf32, #tpu.memory_space<vmem>>
    %dma_start3A_987 = tpu.memref_squeeze %dma_start3A_986 : memref<1x120x128xf32, #tpu.memory_space<vmem>> -> memref<120x128xf32, #tpu.memory_space<vmem>>
    %dma_start3A_988 = arith.constant 0 : i32
    %dma_start3A_989 = tpu.memref_slice %arg7[%dma_start3A_981, %dma_start3A_982, %dma_start3A_988] : memref<6x2x120xi32, #tpu.memory_space<vmem>> -> memref<1x1x120xi32, #tpu.memory_space<vmem>>
    %dma_start3A_990 = tpu.memref_squeeze %dma_start3A_989 : memref<1x1x120xi32, #tpu.memory_space<vmem>> -> memref<120xi32, #tpu.memory_space<vmem>>
    %dma_start3A_991 = arith.constant 0 : i32
    %dma_start3A_992 = arith.constant 0 : i32
    %dma_start3A_993 = tpu.memref_slice %arg2[%dma_start3A_991, %dma_start3A_992] : memref<10112x128xf32, #tpu.memory_space<hbm>> -> memref<10112x128xf32, #tpu.memory_space<hbm>>
    tpu.enqueue_indirect_dma source(%dma_start3A_993 : memref<10112x128xf32, #tpu.memory_space<hbm>>) target(%dma_start3A_987 : memref<120x128xf32, #tpu.memory_space<vmem>>) offsets(%dma_start3A_990 : memref<120xi32, #tpu.memory_space<vmem>>) semaphore(%arg17 : memref<!tpu.dma_semaphore, #tpu.memory_space<semaphore_mem>>)
    %dma_wait3A_994 = arith.constant 0 : i32
    %dma_wait3A_995 = arith.constant 0 : i32
    %dma_wait3A_996 = arith.constant 0 : i32
    %dma_wait3A_997 = tpu.memref_slice %arg8[%dma_wait3A_994, %dma_wait3A_995, %dma_wait3A_996] : memref<3x120x128xf32, #tpu.memory_space<vmem>> -> memref<1x120x128xf32, #tpu.memory_space<vmem>>
    %dma_wait3A_998 = tpu.memref_squeeze %dma_wait3A_997 : memref<1x120x128xf32, #tpu.memory_space<vmem>> -> memref<120x128xf32, #tpu.memory_space<vmem>>
    %dma_wait3A_999 = arith.constant 0 : i32
    %dma_wait3A_1000 = arith.constant 0 : i32
    %dma_wait3A_1001 = tpu.memref_slice %arg2[%dma_wait3A_999, %dma_wait3A_1000] : memref<10112x128xf32, #tpu.memory_space<hbm>> -> memref<120x128xf32, #tpu.memory_space<hbm>>
    %dma_wait3A_1002 = arith.constant 0 : i32
    %dma_wait3A_1003 = arith.constant 0 : i32
    %dma_wait3A_1004 = tpu.memref_slice %arg8[%dma_wait3A_994, %dma_wait3A_1002, %dma_wait3A_1003] : memref<3x120x128xf32, #tpu.memory_space<vmem>> -> memref<1x120x128xf32, #tpu.memory_space<vmem>>
    %dma_wait3A_1005 = tpu.memref_squeeze %dma_wait3A_1004 : memref<1x120x128xf32, #tpu.memory_space<vmem>> -> memref<120x128xf32, #tpu.memory_space<vmem>>
    %dma_wait3A_1006 = arith.constant 0 : i32
    %dma_wait3A_1007 = arith.constant 0 : i32
    %dma_wait3A_1008 = tpu.memref_slice %arg2[%dma_wait3A_1006, %dma_wait3A_1007] : memref<10112x128xf32, #tpu.memory_space<hbm>> -> memref<120x128xf32, #tpu.memory_space<hbm>>
    tpu.wait_dma2 semaphore(%arg15 : memref<!tpu.dma_semaphore, #tpu.memory_space<semaphore_mem>>) src(%dma_wait3A_1008 : memref<120x128xf32, #tpu.memory_space<hbm>>) dst(%dma_wait3A_1005 : memref<120x128xf32, #tpu.memory_space<vmem>>)
    %dma_start3A_1009 = arith.constant 0 : i32
    %dma_start3A_1010 = arith.constant 3 : i32
    %dma_start3A_1011 = arith.constant 1 : i32
    %dma_start3A_1012 = arith.constant 0 : i32
    %dma_start3A_1013 = arith.constant 0 : i32
    %dma_start3A_1014 = tpu.memref_slice %arg8[%dma_start3A_1009, %dma_start3A_1012, %dma_start3A_1013] : memref<3x120x128xf32, #tpu.memory_space<vmem>> -> memref<1x120x128xf32, #tpu.memory_space<vmem>>
    %dma_start3A_1015 = tpu.memref_squeeze %dma_start3A_1014 : memref<1x120x128xf32, #tpu.memory_space<vmem>> -> memref<120x128xf32, #tpu.memory_space<vmem>>
    %dma_start3A_1016 = arith.constant 0 : i32
    %dma_start3A_1017 = tpu.memref_slice %arg7[%dma_start3A_1010, %dma_start3A_1011, %dma_start3A_1016] : memref<6x2x120xi32, #tpu.memory_space<vmem>> -> memref<1x1x120xi32, #tpu.memory_space<vmem>>
    %dma_start3A_1018 = tpu.memref_squeeze %dma_start3A_1017 : memref<1x1x120xi32, #tpu.memory_space<vmem>> -> memref<120xi32, #tpu.memory_space<vmem>>
    %dma_start3A_1019 = arith.constant 0 : i32
    %dma_start3A_1020 = arith.constant 0 : i32
    %dma_start3A_1021 = tpu.memref_slice %arg6[%dma_start3A_1019, %dma_start3A_1020] : memref<10112x128xf32, #tpu.memory_space<vmem_shared>> -> memref<10112x128xf32, #tpu.memory_space<vmem_shared>>
    tpu.enqueue_indirect_dma source(%dma_start3A_1015 : memref<120x128xf32, #tpu.memory_space<vmem>>) target(%dma_start3A_1021 : memref<10112x128xf32, #tpu.memory_space<vmem_shared>>) offsets(%dma_start3A_1018 : memref<120xi32, #tpu.memory_space<vmem>>) semaphore(%arg18 : memref<!tpu.dma_semaphore, #tpu.memory_space<semaphore_mem>>) {add = true}
    %dma_wait3A_1022 = arith.constant 1 : i32
    %dma_wait3A_1023 = arith.constant 0 : i32
    %dma_wait3A_1024 = arith.constant 0 : i32
    %dma_wait3A_1025 = tpu.memref_slice %arg8[%dma_wait3A_1022, %dma_wait3A_1023, %dma_wait3A_1024] : memref<3x120x128xf32, #tpu.memory_space<vmem>> -> memref<1x120x128xf32, #tpu.memory_space<vmem>>
    %dma_wait3A_1026 = tpu.memref_squeeze %dma_wait3A_1025 : memref<1x120x128xf32, #tpu.memory_space<vmem>> -> memref<120x128xf32, #tpu.memory_space<vmem>>
    %dma_wait3A_1027 = arith.constant 0 : i32
    %dma_wait3A_1028 = arith.constant 0 : i32
    %dma_wait3A_1029 = tpu.memref_slice %arg2[%dma_wait3A_1027, %dma_wait3A_1028] : memref<10112x128xf32, #tpu.memory_space<hbm>> -> memref<120x128xf32, #tpu.memory_space<hbm>>
    %dma_wait3A_1030 = arith.constant 0 : i32
    %dma_wait3A_1031 = arith.constant 0 : i32
    %dma_wait3A_1032 = tpu.memref_slice %arg8[%dma_wait3A_1022, %dma_wait3A_1030, %dma_wait3A_1031] : memref<3x120x128xf32, #tpu.memory_space<vmem>> -> memref<1x120x128xf32, #tpu.memory_space<vmem>>
    %dma_wait3A_1033 = tpu.memref_squeeze %dma_wait3A_1032 : memref<1x120x128xf32, #tpu.memory_space<vmem>> -> memref<120x128xf32, #tpu.memory_space<vmem>>
    %dma_wait3A_1034 = arith.constant 0 : i32
    %dma_wait3A_1035 = arith.constant 0 : i32
    %dma_wait3A_1036 = tpu.memref_slice %arg2[%dma_wait3A_1034, %dma_wait3A_1035] : memref<10112x128xf32, #tpu.memory_space<hbm>> -> memref<120x128xf32, #tpu.memory_space<hbm>>
    tpu.wait_dma2 semaphore(%arg16 : memref<!tpu.dma_semaphore, #tpu.memory_space<semaphore_mem>>) src(%dma_wait3A_1036 : memref<120x128xf32, #tpu.memory_space<hbm>>) dst(%dma_wait3A_1033 : memref<120x128xf32, #tpu.memory_space<vmem>>)
    %dma_start3A_1037 = arith.constant 1 : i32
    %dma_start3A_1038 = arith.constant 4 : i32
    %dma_start3A_1039 = arith.constant 1 : i32
    %dma_start3A_1040 = arith.constant 0 : i32
    %dma_start3A_1041 = arith.constant 0 : i32
    %dma_start3A_1042 = tpu.memref_slice %arg8[%dma_start3A_1037, %dma_start3A_1040, %dma_start3A_1041] : memref<3x120x128xf32, #tpu.memory_space<vmem>> -> memref<1x120x128xf32, #tpu.memory_space<vmem>>
    %dma_start3A_1043 = tpu.memref_squeeze %dma_start3A_1042 : memref<1x120x128xf32, #tpu.memory_space<vmem>> -> memref<120x128xf32, #tpu.memory_space<vmem>>
    %dma_start3A_1044 = arith.constant 0 : i32
    %dma_start3A_1045 = tpu.memref_slice %arg7[%dma_start3A_1038, %dma_start3A_1039, %dma_start3A_1044] : memref<6x2x120xi32, #tpu.memory_space<vmem>> -> memref<1x1x120xi32, #tpu.memory_space<vmem>>
    %dma_start3A_1046 = tpu.memref_squeeze %dma_start3A_1045 : memref<1x1x120xi32, #tpu.memory_space<vmem>> -> memref<120xi32, #tpu.memory_space<vmem>>
    %dma_start3A_1047 = arith.constant 0 : i32
    %dma_start3A_1048 = arith.constant 0 : i32
    %dma_start3A_1049 = tpu.memref_slice %arg6[%dma_start3A_1047, %dma_start3A_1048] : memref<10112x128xf32, #tpu.memory_space<vmem_shared>> -> memref<10112x128xf32, #tpu.memory_space<vmem_shared>>
    tpu.enqueue_indirect_dma source(%dma_start3A_1043 : memref<120x128xf32, #tpu.memory_space<vmem>>) target(%dma_start3A_1049 : memref<10112x128xf32, #tpu.memory_space<vmem_shared>>) offsets(%dma_start3A_1046 : memref<120xi32, #tpu.memory_space<vmem>>) semaphore(%arg19 : memref<!tpu.dma_semaphore, #tpu.memory_space<semaphore_mem>>) {add = true}
    %dma_wait3A_1050 = arith.constant 2 : i32
    %dma_wait3A_1051 = arith.constant 0 : i32
    %dma_wait3A_1052 = arith.constant 0 : i32
    %dma_wait3A_1053 = tpu.memref_slice %arg8[%dma_wait3A_1050, %dma_wait3A_1051, %dma_wait3A_1052] : memref<3x120x128xf32, #tpu.memory_space<vmem>> -> memref<1x120x128xf32, #tpu.memory_space<vmem>>
    %dma_wait3A_1054 = tpu.memref_squeeze %dma_wait3A_1053 : memref<1x120x128xf32, #tpu.memory_space<vmem>> -> memref<120x128xf32, #tpu.memory_space<vmem>>
    %dma_wait3A_1055 = arith.constant 0 : i32
    %dma_wait3A_1056 = arith.constant 0 : i32
    %dma_wait3A_1057 = tpu.memref_slice %arg2[%dma_wait3A_1055, %dma_wait3A_1056] : memref<10112x128xf32, #tpu.memory_space<hbm>> -> memref<120x128xf32, #tpu.memory_space<hbm>>
    %dma_wait3A_1058 = arith.constant 0 : i32
    %dma_wait3A_1059 = arith.constant 0 : i32
    %dma_wait3A_1060 = tpu.memref_slice %arg8[%dma_wait3A_1050, %dma_wait3A_1058, %dma_wait3A_1059] : memref<3x120x128xf32, #tpu.memory_space<vmem>> -> memref<1x120x128xf32, #tpu.memory_space<vmem>>
    %dma_wait3A_1061 = tpu.memref_squeeze %dma_wait3A_1060 : memref<1x120x128xf32, #tpu.memory_space<vmem>> -> memref<120x128xf32, #tpu.memory_space<vmem>>
    %dma_wait3A_1062 = arith.constant 0 : i32
    %dma_wait3A_1063 = arith.constant 0 : i32
    %dma_wait3A_1064 = tpu.memref_slice %arg2[%dma_wait3A_1062, %dma_wait3A_1063] : memref<10112x128xf32, #tpu.memory_space<hbm>> -> memref<120x128xf32, #tpu.memory_space<hbm>>
    tpu.wait_dma2 semaphore(%arg17 : memref<!tpu.dma_semaphore, #tpu.memory_space<semaphore_mem>>) src(%dma_wait3A_1064 : memref<120x128xf32, #tpu.memory_space<hbm>>) dst(%dma_wait3A_1061 : memref<120x128xf32, #tpu.memory_space<vmem>>)
    %dma_start3A_1065 = arith.constant 2 : i32
    %dma_start3A_1066 = arith.constant 5 : i32
    %dma_start3A_1067 = arith.constant 1 : i32
    %dma_start3A_1068 = arith.constant 0 : i32
    %dma_start3A_1069 = arith.constant 0 : i32
    %dma_start3A_1070 = tpu.memref_slice %arg8[%dma_start3A_1065, %dma_start3A_1068, %dma_start3A_1069] : memref<3x120x128xf32, #tpu.memory_space<vmem>> -> memref<1x120x128xf32, #tpu.memory_space<vmem>>
    %dma_start3A_1071 = tpu.memref_squeeze %dma_start3A_1070 : memref<1x120x128xf32, #tpu.memory_space<vmem>> -> memref<120x128xf32, #tpu.memory_space<vmem>>
    %dma_start3A_1072 = arith.constant 0 : i32
    %dma_start3A_1073 = tpu.memref_slice %arg7[%dma_start3A_1066, %dma_start3A_1067, %dma_start3A_1072] : memref<6x2x120xi32, #tpu.memory_space<vmem>> -> memref<1x1x120xi32, #tpu.memory_space<vmem>>
    %dma_start3A_1074 = tpu.memref_squeeze %dma_start3A_1073 : memref<1x1x120xi32, #tpu.memory_space<vmem>> -> memref<120xi32, #tpu.memory_space<vmem>>
    %dma_start3A_1075 = arith.constant 0 : i32
    %dma_start3A_1076 = arith.constant 0 : i32
    %dma_start3A_1077 = tpu.memref_slice %arg6[%dma_start3A_1075, %dma_start3A_1076] : memref<10112x128xf32, #tpu.memory_space<vmem_shared>> -> memref<10112x128xf32, #tpu.memory_space<vmem_shared>>
    tpu.enqueue_indirect_dma source(%dma_start3A_1071 : memref<120x128xf32, #tpu.memory_space<vmem>>) target(%dma_start3A_1077 : memref<10112x128xf32, #tpu.memory_space<vmem_shared>>) offsets(%dma_start3A_1074 : memref<120xi32, #tpu.memory_space<vmem>>) semaphore(%arg20 : memref<!tpu.dma_semaphore, #tpu.memory_space<semaphore_mem>>) {add = true}
    %dma_wait3A_1078 = arith.constant 0 : i32
    %dma_wait3A_1079 = arith.constant 0 : i32
    %dma_wait3A_1080 = arith.constant 0 : i32
    %dma_wait3A_1081 = tpu.memref_slice %arg8[%dma_wait3A_1078, %dma_wait3A_1079, %dma_wait3A_1080] : memref<3x120x128xf32, #tpu.memory_space<vmem>> -> memref<1x120x128xf32, #tpu.memory_space<vmem>>
    %dma_wait3A_1082 = tpu.memref_squeeze %dma_wait3A_1081 : memref<1x120x128xf32, #tpu.memory_space<vmem>> -> memref<120x128xf32, #tpu.memory_space<vmem>>
    %dma_wait3A_1083 = arith.constant 0 : i32
    %dma_wait3A_1084 = arith.constant 0 : i32
    %dma_wait3A_1085 = tpu.memref_slice %arg6[%dma_wait3A_1083, %dma_wait3A_1084] : memref<10112x128xf32, #tpu.memory_space<vmem_shared>> -> memref<120x128xf32, #tpu.memory_space<vmem_shared>>
    %dma_wait3A_1086 = arith.constant 0 : i32
    %dma_wait3A_1087 = arith.constant 0 : i32
    %dma_wait3A_1088 = tpu.memref_slice %arg6[%dma_wait3A_1086, %dma_wait3A_1087] : memref<10112x128xf32, #tpu.memory_space<vmem_shared>> -> memref<120x128xf32, #tpu.memory_space<vmem_shared>>
    %dma_wait3A_1089 = arith.constant 0 : i32
    %dma_wait3A_1090 = arith.constant 0 : i32
    %dma_wait3A_1091 = tpu.memref_slice %arg8[%dma_wait3A_1078, %dma_wait3A_1089, %dma_wait3A_1090] : memref<3x120x128xf32, #tpu.memory_space<vmem>> -> memref<1x120x128xf32, #tpu.memory_space<vmem>>
    %dma_wait3A_1092 = tpu.memref_squeeze %dma_wait3A_1091 : memref<1x120x128xf32, #tpu.memory_space<vmem>> -> memref<120x128xf32, #tpu.memory_space<vmem>>
    tpu.wait_dma2 semaphore(%arg18 : memref<!tpu.dma_semaphore, #tpu.memory_space<semaphore_mem>>) src(%dma_wait3A_1092 : memref<120x128xf32, #tpu.memory_space<vmem>>) dst(%dma_wait3A_1088 : memref<120x128xf32, #tpu.memory_space<vmem_shared>>)
    %dma_wait3A_1093 = arith.constant 1 : i32
    %dma_wait3A_1094 = arith.constant 0 : i32
    %dma_wait3A_1095 = arith.constant 0 : i32
    %dma_wait3A_1096 = tpu.memref_slice %arg8[%dma_wait3A_1093, %dma_wait3A_1094, %dma_wait3A_1095] : memref<3x120x128xf32, #tpu.memory_space<vmem>> -> memref<1x120x128xf32, #tpu.memory_space<vmem>>
    %dma_wait3A_1097 = tpu.memref_squeeze %dma_wait3A_1096 : memref<1x120x128xf32, #tpu.memory_space<vmem>> -> memref<120x128xf32, #tpu.memory_space<vmem>>
    %dma_wait3A_1098 = arith.constant 0 : i32
    %dma_wait3A_1099 = arith.constant 0 : i32
    %dma_wait3A_1100 = tpu.memref_slice %arg6[%dma_wait3A_1098, %dma_wait3A_1099] : memref<10112x128xf32, #tpu.memory_space<vmem_shared>> -> memref<120x128xf32, #tpu.memory_space<vmem_shared>>
    %dma_wait3A_1101 = arith.constant 0 : i32
    %dma_wait3A_1102 = arith.constant 0 : i32
    %dma_wait3A_1103 = tpu.memref_slice %arg6[%dma_wait3A_1101, %dma_wait3A_1102] : memref<10112x128xf32, #tpu.memory_space<vmem_shared>> -> memref<120x128xf32, #tpu.memory_space<vmem_shared>>
    %dma_wait3A_1104 = arith.constant 0 : i32
    %dma_wait3A_1105 = arith.constant 0 : i32
    %dma_wait3A_1106 = tpu.memref_slice %arg8[%dma_wait3A_1093, %dma_wait3A_1104, %dma_wait3A_1105] : memref<3x120x128xf32, #tpu.memory_space<vmem>> -> memref<1x120x128xf32, #tpu.memory_space<vmem>>
    %dma_wait3A_1107 = tpu.memref_squeeze %dma_wait3A_1106 : memref<1x120x128xf32, #tpu.memory_space<vmem>> -> memref<120x128xf32, #tpu.memory_space<vmem>>
    tpu.wait_dma2 semaphore(%arg19 : memref<!tpu.dma_semaphore, #tpu.memory_space<semaphore_mem>>) src(%dma_wait3A_1107 : memref<120x128xf32, #tpu.memory_space<vmem>>) dst(%dma_wait3A_1103 : memref<120x128xf32, #tpu.memory_space<vmem_shared>>)
    %dma_wait3A_1108 = arith.constant 2 : i32
    %dma_wait3A_1109 = arith.constant 0 : i32
    %dma_wait3A_1110 = arith.constant 0 : i32
    %dma_wait3A_1111 = tpu.memref_slice %arg8[%dma_wait3A_1108, %dma_wait3A_1109, %dma_wait3A_1110] : memref<3x120x128xf32, #tpu.memory_space<vmem>> -> memref<1x120x128xf32, #tpu.memory_space<vmem>>
    %dma_wait3A_1112 = tpu.memref_squeeze %dma_wait3A_1111 : memref<1x120x128xf32, #tpu.memory_space<vmem>> -> memref<120x128xf32, #tpu.memory_space<vmem>>
    %dma_wait3A_1113 = arith.constant 0 : i32
    %dma_wait3A_1114 = arith.constant 0 : i32
    %dma_wait3A_1115 = tpu.memref_slice %arg6[%dma_wait3A_1113, %dma_wait3A_1114] : memref<10112x128xf32, #tpu.memory_space<vmem_shared>> -> memref<120x128xf32, #tpu.memory_space<vmem_shared>>
    %dma_wait3A_1116 = arith.constant 0 : i32
    %dma_wait3A_1117 = arith.constant 0 : i32
    %dma_wait3A_1118 = tpu.memref_slice %arg6[%dma_wait3A_1116, %dma_wait3A_1117] : memref<10112x128xf32, #tpu.memory_space<vmem_shared>> -> memref<120x128xf32, #tpu.memory_space<vmem_shared>>
    %dma_wait3A_1119 = arith.constant 0 : i32
    %dma_wait3A_1120 = arith.constant 0 : i32
    %dma_wait3A_1121 = tpu.memref_slice %arg8[%dma_wait3A_1108, %dma_wait3A_1119, %dma_wait3A_1120] : memref<3x120x128xf32, #tpu.memory_space<vmem>> -> memref<1x120x128xf32, #tpu.memory_space<vmem>>
    %dma_wait3A_1122 = tpu.memref_squeeze %dma_wait3A_1121 : memref<1x120x128xf32, #tpu.memory_space<vmem>> -> memref<120x128xf32, #tpu.memory_space<vmem>>
    tpu.wait_dma2 semaphore(%arg20 : memref<!tpu.dma_semaphore, #tpu.memory_space<semaphore_mem>>) src(%dma_wait3A_1122 : memref<120x128xf32, #tpu.memory_space<vmem>>) dst(%dma_wait3A_1118 : memref<120x128xf32, #tpu.memory_space<vmem_shared>>)
    %barrier3A_1123 = arith.constant 0 : index
    tpu.barrier barrier_id(%barrier3A_1123)
    %mul3A_1124 = arith.constant 632 : i32
    %mul3A_1125 = arith.muli %arg1, %mul3A_1124 : i32
    %mul3A_1126 = arith.constant 632 : i32
    %mul3A_1127 = arith.muli %arg1, %mul3A_1126 : i32
    "tpu.region"() ({
      %run_scoped3A = tpu.sem_alloc : memref<!tpu.dma_semaphore, #tpu.memory_space<semaphore_mem>>
      %dma_start3A_1128 = arith.constant 0 : i32
      %dma_start3A_1129 = tpu.memref_slice %arg5[%arg0, %mul3A_1127, %dma_start3A_1128] : memref<2x10112x128xf32, #tpu.memory_space<hbm>> -> memref<1x632x128xf32, #tpu.memory_space<hbm>>
      %dma_start3A_1130 = tpu.memref_squeeze %dma_start3A_1129 : memref<1x632x128xf32, #tpu.memory_space<hbm>> -> memref<632x128xf32, #tpu.memory_space<hbm>>
      %dma_start3A_1131 = arith.constant 0 : i32
      %dma_start3A_1132 = tpu.memref_slice %arg6[%mul3A_1125, %dma_start3A_1131] : memref<10112x128xf32, #tpu.memory_space<vmem_shared>> -> memref<632x128xf32, #tpu.memory_space<vmem_shared>>
      tpu.enqueue_dma source(%dma_start3A_1132 : memref<632x128xf32, #tpu.memory_space<vmem_shared>>) target(%dma_start3A_1130 : memref<632x128xf32, #tpu.memory_space<hbm>>) target_semaphore(%run_scoped3A : memref<!tpu.dma_semaphore, #tpu.memory_space<semaphore_mem>>)
      %dma_wait3A_1133 = arith.constant 0 : i32
      %dma_wait3A_1134 = tpu.memref_slice %arg5[%arg0, %mul3A_1127, %dma_wait3A_1133] : memref<2x10112x128xf32, #tpu.memory_space<hbm>> -> memref<1x632x128xf32, #tpu.memory_space<hbm>>
      %dma_wait3A_1135 = tpu.memref_squeeze %dma_wait3A_1134 : memref<1x632x128xf32, #tpu.memory_space<hbm>> -> memref<632x128xf32, #tpu.memory_space<hbm>>
      %dma_wait3A_1136 = arith.constant 0 : i32
      %dma_wait3A_1137 = tpu.memref_slice %arg6[%mul3A_1125, %dma_wait3A_1136] : memref<10112x128xf32, #tpu.memory_space<vmem_shared>> -> memref<632x128xf32, #tpu.memory_space<vmem_shared>>
      tpu.wait_dma2 semaphore(%run_scoped3A : memref<!tpu.dma_semaphore, #tpu.memory_space<semaphore_mem>>) src(%dma_wait3A_1137 : memref<632x128xf32, #tpu.memory_space<vmem_shared>>) dst(%dma_wait3A_1135 : memref<632x128xf32, #tpu.memory_space<hbm>>)
      tpu.yield
    }) : () -> ()
    return
  }
}

module attributes {stable_mosaic.version = 14 : i64} {
  func.func @_dense_body(%arg0: memref<10112x128xf32, #tpu.memory_space<vmem>>, %arg1: memref<2x10112x128xf32, #tpu.memory_space<vmem>>, %arg2: memref<1x1xf32, #tpu.memory_space<vmem>>, %arg3: memref<128x128xf32, #tpu.memory_space<vmem>>, %arg4: memref<1x128xf32, #tpu.memory_space<vmem>>, %arg5: memref<1x128xf32, #tpu.memory_space<vmem>>, %arg6: memref<1x128xf32, #tpu.memory_space<vmem>>, %arg7: memref<10112x128xf32, #tpu.memory_space<vmem>>) attributes {dimension_semantics = [], scalar_prefetch = 0 : i64, scratch_operands = 0 : i64, tpu.core_type = #tpu.core_type<tc>} {
    %get3A = arith.constant 0 : index
    %get3A_0 = arith.constant 0 : index
    %get3A_1 = vector.load %arg0[%get3A, %get3A_0] : memref<10112x128xf32, #tpu.memory_space<vmem>>, vector<10000x128xf32>
    %get3A_2 = arith.constant 0 : index
    %get3A_3 = arith.constant 0 : index
    %get3A_4 = arith.constant 0 : index
    %get3A_5 = vector.load %arg1[%get3A_2, %get3A_3, %get3A_4] : memref<2x10112x128xf32, #tpu.memory_space<vmem>>, vector<1x10000x128xf32>
    %get3A_6 = vector.shape_cast %get3A_5 : vector<1x10000x128xf32> to vector<10000x128xf32>
    %get3A_7 = arith.constant 1 : index
    %get3A_8 = arith.constant 0 : index
    %get3A_9 = arith.constant 0 : index
    %get3A_10 = vector.load %arg1[%get3A_7, %get3A_8, %get3A_9] : memref<2x10112x128xf32, #tpu.memory_space<vmem>>, vector<1x10000x128xf32>
    %get3A_11 = vector.shape_cast %get3A_10 : vector<1x10000x128xf32> to vector<10000x128xf32>
    %add3A = arith.addf %get3A_6, %get3A_11 : vector<10000x128xf32>
    %get3A_12 = arith.constant 0 : index
    %get3A_13 = arith.constant 0 : index
    %get3A_14 = vector.load %arg2[%get3A_12, %get3A_13] : memref<1x1xf32, #tpu.memory_space<vmem>>, vector<1x1xf32>
    %get3A_15 = vector.extract %get3A_14[0, 0] : f32 from vector<1x1xf32>
    %add3A_16 = arith.constant 1.000000e+00 : f32
    %add3A_17 = arith.addf %add3A_16, %get3A_15 : f32
    %mul3A = vector.broadcast %add3A_17 : f32 to vector<10000x128xf32>
    %mul3A_18 = arith.mulf %mul3A, %get3A_1 : vector<10000x128xf32>
    %add3A_19 = arith.addf %mul3A_18, %add3A : vector<10000x128xf32>
    %get3A_20 = arith.constant 0 : index
    %get3A_21 = arith.constant 0 : index
    %get3A_22 = vector.load %arg3[%get3A_20, %get3A_21] : memref<128x128xf32, #tpu.memory_space<vmem>>, vector<128x128xf32>
    %dot_general3A = arith.constant dense<0.000000e+00> : vector<10000x128xf32>
    %dot_general3A_23 = tpu.matmul %add3A_19, %get3A_22, %dot_general3A {dimension_numbers = #tpu.dot_dimension_numbers<[1], [1], [0], [0], [0, 0, 1, 0], [], []>, transpose_lhs_hint = false} : vector<10000x128xf32>, vector<128x128xf32>, vector<10000x128xf32> -> vector<10000x128xf32>
    %get3A_24 = arith.constant 0 : index
    %get3A_25 = arith.constant 0 : index
    %get3A_26 = vector.load %arg4[%get3A_24, %get3A_25] : memref<1x128xf32, #tpu.memory_space<vmem>>, vector<1x128xf32>
    %add3A_27 = vector.broadcast %get3A_26 : vector<1x128xf32> to vector<10000x128xf32>
    %add3A_28 = arith.addf %dot_general3A_23, %add3A_27 : vector<10000x128xf32>
    %reduce_sum3A = arith.constant dense<0.000000e+00> : vector<128xf32>
    %reduce_sum3A_29 = vector.multi_reduction <add>, %add3A_28, %reduce_sum3A [0] : vector<10000x128xf32> to vector<128xf32>
    %broadcast_in_dim3A = vector.shape_cast %reduce_sum3A_29 : vector<128xf32> to vector<1x128xf32>
    %div3A = arith.constant 1.000000e+04 : f32
    %div3A_30 = vector.broadcast %div3A : f32 to vector<1x128xf32>
    %div3A_31 = arith.divf %broadcast_in_dim3A, %div3A_30 : vector<1x128xf32>
    %sub3A = vector.broadcast %div3A_31 : vector<1x128xf32> to vector<10000x128xf32>
    %sub3A_32 = arith.subf %add3A_28, %sub3A : vector<10000x128xf32>
    %integer_pow3A = arith.mulf %sub3A_32, %sub3A_32 : vector<10000x128xf32>
    %reduce_sum3A_33 = arith.constant dense<0.000000e+00> : vector<128xf32>
    %reduce_sum3A_34 = vector.multi_reduction <add>, %integer_pow3A, %reduce_sum3A_33 [0] : vector<10000x128xf32> to vector<128xf32>
    %broadcast_in_dim3A_35 = vector.shape_cast %reduce_sum3A_34 : vector<128xf32> to vector<1x128xf32>
    %div3A_36 = arith.constant 1.000000e+04 : f32
    %div3A_37 = vector.broadcast %div3A_36 : f32 to vector<1x128xf32>
    %div3A_38 = arith.divf %broadcast_in_dim3A_35, %div3A_37 : vector<1x128xf32>
    %sub3A_39 = vector.broadcast %div3A_31 : vector<1x128xf32> to vector<10000x128xf32>
    %sub3A_40 = arith.subf %add3A_28, %sub3A_39 : vector<10000x128xf32>
    %add3A_41 = arith.constant 9.99999974E-6 : f32
    %add3A_42 = vector.broadcast %add3A_41 : f32 to vector<1x128xf32>
    %add3A_43 = arith.addf %div3A_38, %add3A_42 : vector<1x128xf32>
    %rsqrt3A = math.rsqrt %add3A_43 : vector<1x128xf32>
    %mul3A_44 = vector.broadcast %rsqrt3A : vector<1x128xf32> to vector<10000x128xf32>
    %mul3A_45 = arith.mulf %sub3A_40, %mul3A_44 : vector<10000x128xf32>
    %get3A_46 = arith.constant 0 : index
    %get3A_47 = arith.constant 0 : index
    %get3A_48 = vector.load %arg5[%get3A_46, %get3A_47] : memref<1x128xf32, #tpu.memory_space<vmem>>, vector<1x128xf32>
    %mul3A_49 = vector.broadcast %get3A_48 : vector<1x128xf32> to vector<10000x128xf32>
    %mul3A_50 = arith.mulf %mul3A_45, %mul3A_49 : vector<10000x128xf32>
    %get3A_51 = arith.constant 0 : index
    %get3A_52 = arith.constant 0 : index
    %get3A_53 = vector.load %arg6[%get3A_51, %get3A_52] : memref<1x128xf32, #tpu.memory_space<vmem>>, vector<1x128xf32>
    %add3A_54 = vector.broadcast %get3A_53 : vector<1x128xf32> to vector<10000x128xf32>
    %add3A_55 = arith.addf %mul3A_50, %add3A_54 : vector<10000x128xf32>
    %max3A = arith.constant 0.000000e+00 : f32
    %max3A_56 = vector.broadcast %max3A : f32 to vector<10000x128xf32>
    %max3A_57 = arith.maximumf %add3A_55, %max3A_56 : vector<10000x128xf32>
    %swap3A = arith.constant 0 : index
    %swap3A_58 = arith.constant 0 : index
    %swap3A_59 = vector.load %arg7[%swap3A, %swap3A_58] : memref<10112x128xf32, #tpu.memory_space<vmem>>, vector<10000x128xf32>
    tpu.vector_store %arg7[%swap3A, %swap3A_58], %max3A_57 {strides = array<i32>} : memref<10112x128xf32, #tpu.memory_space<vmem>>, vector<10000x128xf32>,
    %broadcast_in_dim3A_60 = arith.constant 0.000000e+00 : f32
    %broadcast_in_dim3A_61 = vector.broadcast %broadcast_in_dim3A_60 : f32 to vector<112x128xf32>
    %swap3A_62 = arith.constant 10000 : index
    %swap3A_63 = arith.constant 0 : index
    %swap3A_64 = vector.load %arg7[%swap3A_62, %swap3A_63] : memref<10112x128xf32, #tpu.memory_space<vmem>>, vector<112x128xf32>
    tpu.vector_store %arg7[%swap3A_62, %swap3A_63], %broadcast_in_dim3A_61 {strides = array<i32>} : memref<10112x128xf32, #tpu.memory_space<vmem>>, vector<112x128xf32>,
    return
  }
}

module attributes {stable_mosaic.version = 14 : i64} {
  func.func @_dense_body(%arg0: memref<10112x128xf32, #tpu.memory_space<vmem>>, %arg1: memref<2x10112x128xf32, #tpu.memory_space<vmem>>, %arg2: memref<1x1xf32, #tpu.memory_space<vmem>>, %arg3: memref<128x128xf32, #tpu.memory_space<vmem>>, %arg4: memref<1x128xf32, #tpu.memory_space<vmem>>, %arg5: memref<1x128xf32, #tpu.memory_space<vmem>>, %arg6: memref<1x128xf32, #tpu.memory_space<vmem>>, %arg7: memref<10000x128xf32, #tpu.memory_space<vmem>>) attributes {dimension_semantics = [], scalar_prefetch = 0 : i64, scratch_operands = 0 : i64, tpu.core_type = #tpu.core_type<tc>} {
    %get3A = arith.constant 0 : index
    %get3A_0 = arith.constant 0 : index
    %get3A_1 = vector.load %arg0[%get3A, %get3A_0] : memref<10112x128xf32, #tpu.memory_space<vmem>>, vector<10000x128xf32>
    %get3A_2 = arith.constant 0 : index
    %get3A_3 = arith.constant 0 : index
    %get3A_4 = arith.constant 0 : index
    %get3A_5 = vector.load %arg1[%get3A_2, %get3A_3, %get3A_4] : memref<2x10112x128xf32, #tpu.memory_space<vmem>>, vector<1x10000x128xf32>
    %get3A_6 = vector.shape_cast %get3A_5 : vector<1x10000x128xf32> to vector<10000x128xf32>
    %get3A_7 = arith.constant 1 : index
    %get3A_8 = arith.constant 0 : index
    %get3A_9 = arith.constant 0 : index
    %get3A_10 = vector.load %arg1[%get3A_7, %get3A_8, %get3A_9] : memref<2x10112x128xf32, #tpu.memory_space<vmem>>, vector<1x10000x128xf32>
    %get3A_11 = vector.shape_cast %get3A_10 : vector<1x10000x128xf32> to vector<10000x128xf32>
    %add3A = arith.addf %get3A_6, %get3A_11 : vector<10000x128xf32>
    %get3A_12 = arith.constant 0 : index
    %get3A_13 = arith.constant 0 : index
    %get3A_14 = vector.load %arg2[%get3A_12, %get3A_13] : memref<1x1xf32, #tpu.memory_space<vmem>>, vector<1x1xf32>
    %get3A_15 = vector.extract %get3A_14[0, 0] : f32 from vector<1x1xf32>
    %add3A_16 = arith.constant 1.000000e+00 : f32
    %add3A_17 = arith.addf %add3A_16, %get3A_15 : f32
    %mul3A = vector.broadcast %add3A_17 : f32 to vector<10000x128xf32>
    %mul3A_18 = arith.mulf %mul3A, %get3A_1 : vector<10000x128xf32>
    %add3A_19 = arith.addf %mul3A_18, %add3A : vector<10000x128xf32>
    %get3A_20 = arith.constant 0 : index
    %get3A_21 = arith.constant 0 : index
    %get3A_22 = vector.load %arg3[%get3A_20, %get3A_21] : memref<128x128xf32, #tpu.memory_space<vmem>>, vector<128x128xf32>
    %dot_general3A = arith.constant dense<0.000000e+00> : vector<10000x128xf32>
    %dot_general3A_23 = tpu.matmul %add3A_19, %get3A_22, %dot_general3A {dimension_numbers = #tpu.dot_dimension_numbers<[1], [1], [0], [0], [0, 0, 1, 0], [], []>, transpose_lhs_hint = false} : vector<10000x128xf32>, vector<128x128xf32>, vector<10000x128xf32> -> vector<10000x128xf32>
    %get3A_24 = arith.constant 0 : index
    %get3A_25 = arith.constant 0 : index
    %get3A_26 = vector.load %arg4[%get3A_24, %get3A_25] : memref<1x128xf32, #tpu.memory_space<vmem>>, vector<1x128xf32>
    %add3A_27 = vector.broadcast %get3A_26 : vector<1x128xf32> to vector<10000x128xf32>
    %add3A_28 = arith.addf %dot_general3A_23, %add3A_27 : vector<10000x128xf32>
    %reduce_sum3A = arith.constant dense<0.000000e+00> : vector<128xf32>
    %reduce_sum3A_29 = vector.multi_reduction <add>, %add3A_28, %reduce_sum3A [0] : vector<10000x128xf32> to vector<128xf32>
    %broadcast_in_dim3A = vector.shape_cast %reduce_sum3A_29 : vector<128xf32> to vector<1x128xf32>
    %div3A = arith.constant 1.000000e+04 : f32
    %div3A_30 = vector.broadcast %div3A : f32 to vector<1x128xf32>
    %div3A_31 = arith.divf %broadcast_in_dim3A, %div3A_30 : vector<1x128xf32>
    %sub3A = vector.broadcast %div3A_31 : vector<1x128xf32> to vector<10000x128xf32>
    %sub3A_32 = arith.subf %add3A_28, %sub3A : vector<10000x128xf32>
    %integer_pow3A = arith.mulf %sub3A_32, %sub3A_32 : vector<10000x128xf32>
    %reduce_sum3A_33 = arith.constant dense<0.000000e+00> : vector<128xf32>
    %reduce_sum3A_34 = vector.multi_reduction <add>, %integer_pow3A, %reduce_sum3A_33 [0] : vector<10000x128xf32> to vector<128xf32>
    %broadcast_in_dim3A_35 = vector.shape_cast %reduce_sum3A_34 : vector<128xf32> to vector<1x128xf32>
    %div3A_36 = arith.constant 1.000000e+04 : f32
    %div3A_37 = vector.broadcast %div3A_36 : f32 to vector<1x128xf32>
    %div3A_38 = arith.divf %broadcast_in_dim3A_35, %div3A_37 : vector<1x128xf32>
    %sub3A_39 = vector.broadcast %div3A_31 : vector<1x128xf32> to vector<10000x128xf32>
    %sub3A_40 = arith.subf %add3A_28, %sub3A_39 : vector<10000x128xf32>
    %add3A_41 = arith.constant 9.99999974E-6 : f32
    %add3A_42 = vector.broadcast %add3A_41 : f32 to vector<1x128xf32>
    %add3A_43 = arith.addf %div3A_38, %add3A_42 : vector<1x128xf32>
    %rsqrt3A = math.rsqrt %add3A_43 : vector<1x128xf32>
    %mul3A_44 = vector.broadcast %rsqrt3A : vector<1x128xf32> to vector<10000x128xf32>
    %mul3A_45 = arith.mulf %sub3A_40, %mul3A_44 : vector<10000x128xf32>
    %get3A_46 = arith.constant 0 : index
    %get3A_47 = arith.constant 0 : index
    %get3A_48 = vector.load %arg5[%get3A_46, %get3A_47] : memref<1x128xf32, #tpu.memory_space<vmem>>, vector<1x128xf32>
    %mul3A_49 = vector.broadcast %get3A_48 : vector<1x128xf32> to vector<10000x128xf32>
    %mul3A_50 = arith.mulf %mul3A_45, %mul3A_49 : vector<10000x128xf32>
    %get3A_51 = arith.constant 0 : index
    %get3A_52 = arith.constant 0 : index
    %get3A_53 = vector.load %arg6[%get3A_51, %get3A_52] : memref<1x128xf32, #tpu.memory_space<vmem>>, vector<1x128xf32>
    %add3A_54 = vector.broadcast %get3A_53 : vector<1x128xf32> to vector<10000x128xf32>
    %add3A_55 = arith.addf %mul3A_50, %add3A_54 : vector<10000x128xf32>
    %max3A = arith.constant 0.000000e+00 : f32
    %max3A_56 = vector.broadcast %max3A : f32 to vector<10000x128xf32>
    %max3A_57 = arith.maximumf %add3A_55, %max3A_56 : vector<10000x128xf32>
    %swap3A = arith.constant 0 : index
    %swap3A_58 = arith.constant 0 : index
    %swap3A_59 = vector.load %arg7[%swap3A, %swap3A_58] : memref<10000x128xf32, #tpu.memory_space<vmem>>, vector<10000x128xf32>
    tpu.vector_store %arg7[%swap3A, %swap3A_58], %max3A_57 {strides = array<i32>} : memref<10000x128xf32, #tpu.memory_space<vmem>>, vector<10000x128xf32>,
    return
  }
}

</mosaic_0001>

<sc_bundles>
// kernel: kernel.6.cloned.1.call-start
scs
__scs_entry_jumppad:
0x0: {  	(pc) =	sbr.rel $0x88, $3  }
0x1: {  	(tag) =	ssettag $0x0;
	lr =	simm.s32 $0x1  }
0x2: {  	[smem:$0x3F95] =	sst lr;
	_ =	strace $0xD0000000  }
0x3: {  	_ = 	snop  }
0x4: {  	_ = 	snop  }
0x5: {  	_ = 	snop  }
0x6: {  	_ = 	snop  }
0x7: {  	_ = 	snop  }
__scs_overlays_trampoline_lowered:
0x8: {  	[smem:$0x3FA4] =	sst s0  }
0x9: {  	[smem:$0x3FA5] =	sst s1  }
0xa: {  	[smem:$0x3FA6] =	sst s2  }
0xb: {  	[smem:$0x3FA7] =	sst s3  }
0xc: {  	[smem:$0x3FA8] =	sst s4  }
0xd: {  	[smem:$0x3FA9] =	sst s5  }
0xe: {  	[smem:$0x3FAA] =	sst s6  }
0xf: {  	[smem:$0x3FAB] =	sst s7  }
0x10: {  	[smem:$0x3FAC] =	sst s8  }
0x11: {  	[smem:$0x3FAD] =	sst s9;
	s0 =	simm.s32 @!p0 $0x0  }
0x12: {  	s1 =	sld [smem:$0x3F93];
	s0 =	simm.s32 @p0 $0x1  }
0x13: {  	[smem:$0x3FAE] =	sst s0;
	s0 =	simm.s32 @!p1 $0x0  }
0x14: {  	s2 =	sld [smem:$0x3F92];
	s0 =	simm.s32 @p1 $0x1  }
0x15: {  	[smem:$0x3FAF] =	sst s0;
	s0 =	simm.s32 @!p2 $0x0  }
0x16: {  	s3 =	sld [smem:$0x3FDB];
	s0 =	simm.s32 @p2 $0x1  }
0x17: {  	s4 =	simm.s32 $0x1BF5;
	[smem:$0x3FB1] =	sst s0  }
0x18: {  	s0 =	sld [smem:$0x3F94];
	_ =	swait.ge [sflag:s4], $0x0  }
0x19: {  	s7 =	sld [smem:$0x3F95]  }
0x1a: {  	s8 =	sadd.s32 $0xFFFFE003, lr  }
0x1b: {  	s9 =	sadd.s32 $0xFFFFFEF7, lr;
	s5 =	simm.s32 $0xFFFFFFFF;
	p2 =	slt.u32 s8, $0xFFFFF086  }
0x1c: {  	p1 =	slt.u32 s9, $0xF7A;
	s5 =	simm.s32 @!p2 $0x0  }
0x1d: {  	s5 =	simm.s32 @p1 $0x1;
	p0 =	seq.s32 s7, s2  }
0x1e: {  	s7 =	smul.u32 @!p0 $0xF7A, s2;
	p2 =	seq.s32 @!p0 s5, $0x0  }
0x1f: {  	s9 =	smul.u32 $0xF7A, s1;
	s8 =	simm.s32 @!p0 $0x1BF5;
	p2 =	por !p2, p0  }
0x20: {  	[sflag:s8] =	ssyncset.s32 @!p0 $0xFFFFF086;
	s6 =	sadd.s32 @!p0 s3, s7;
	s7 =	simm.s32 @!p0 $0x108  }
0x21: {  	s3 =	sadd.s32 s3, s9;
	s6 =	sadd.s32 @!p0 $0x88, s6;
	s7 =	simm.s32 @p2 $0x1082  }
0x22: {  	[simem:s7], [sflag:s8] =	dma.local @!p0 [hbm:s6], $0xF7A  }
0x23: {  	s9 =	sor.u32 $0xD0000000, s2;
	s6 =	simm.s32 $0x108;
	_ =	swait.ge @!p0 [sflag:s8], $0x0  }
0x24: {  	s3 =	sadd.s32 $0x88, s3;
	s6 =	simm.s32 @!p1 $0x1082;
	[sflag:s4] =	ssyncset.s32 $0xFFFFF086  }
0x25: {  	[simem:s6], [sflag:s4] =	dma.local [hbm:s3], $0xF7A  }
0x26: {  	[smem:$0x3F95] =	sst s1;
	(tag) =	ssettag s2;
	_ =	strace s9  }
0x27: {  	s1 =	sld [smem:$0x3FA5]  }
0x28: {  	s2 =	sld [smem:$0x3FA6]  }
0x29: {  	s4 =	sld [smem:$0x3FA8]  }
0x2a: {  	p0 =	seq.s32 s5, $0x0;
	s5 =	sld [smem:$0x3FA9]  }
0x2b: {  	s6 =	sld [smem:$0x3FAA]  }
0x2c: {  	s7 =	sld [smem:$0x3FAB]  }
0x2d: {  	s3 =	simm.s32 $0x108;
	s8 =	sld [smem:$0x3FAC]  }
0x2e: {  	s3 =	simm.s32 @!p0 $0x1082;
	s9 =	sld [smem:$0x3FAD]  }
0x2f: {  	lr =	sadd.s32 s0, s3;
	s0 =	sld [smem:$0x3FA4]  }
0x30: {  	s3 =	sld [smem:$0x3FA7]  }
0x31: {  	[smem:$0x3FB0] =	sst s10  }
0x32: {  	s10 =	sld [smem:$0x3FAE];
	_ =	sdelay $0x3  }
0x33: {  	p0 =	seq.s32 s10, $0x1;
	s10 =	sld [smem:$0x3FB0];
	_ =	sdelay $0x3  }
0x34: {  	[smem:$0x3FB0] =	sst s10  }
0x35: {  	s10 =	sld [smem:$0x3FAF];
	_ =	sdelay $0x3  }
0x36: {  	p1 =	seq.s32 s10, $0x1;
	s10 =	sld [smem:$0x3FB0];
	_ =	sdelay $0x3  }
0x37: {  	[smem:$0x3FB0] =	sst s10  }
0x38: {  	s10 =	sld [smem:$0x3FB1]  }
0x39: {  	_ = 	snop;
	(pc) =	sbr.ind lr, $3  }
0x3a: {  	_ = 	snop  }
0x3b: {  	_ = 	snop  }
0x3c: {  	p2 =	seq.s32 s10, $0x1;
	s10 =	sld [smem:$0x3FB0]  }
0x3d: {  	_ =	shalt  }
0x3e: {  	_ =	shalt  }
0x3f: {  	_ =	shalt  }
0x40: {  	_ =	shalt  }
0x41: {  	_ =	shalt  }
0x42: {  	_ =	shalt  }
0x43: {  	_ =	shalt  }
0x44: {  	_ =	shalt  }
0x45: {  	_ =	shalt  }
0x46: {  	_ =	shalt  }
0x47: {  	_ =	shalt  }
0x48: {  	_ =	shalt  }
0x49: {  	_ =	shalt  }
0x4a: {  	_ =	shalt  }
0x4b: {  	_ =	shalt  }
0x4c: {  	_ =	shalt  }
0x4d: {  	_ =	shalt  }
0x4e: {  	_ =	shalt  }
0x4f: {  	_ =	shalt  }
0x50: {  	_ =	shalt  }
0x51: {  	_ =	shalt  }
0x52: {  	_ =	shalt  }
0x53: {  	_ =	shalt  }
0x54: {  	_ =	shalt  }
0x55: {  	_ =	shalt  }
0x56: {  	_ =	shalt  }
0x57: {  	_ =	shalt  }
0x58: {  	_ =	shalt  }
0x59: {  	_ =	shalt  }
0x5a: {  	_ =	shalt  }
0x5b: {  	_ =	shalt  }
0x5c: {  	_ =	shalt  }
0x5d: {  	_ =	shalt  }
0x5e: {  	_ =	shalt  }
0x5f: {  	_ =	shalt  }
0x60: {  	_ =	shalt  }
0x61: {  	_ =	shalt  }
0x62: {  	_ =	shalt  }
0x63: {  	_ =	shalt  }
0x64: {  	_ =	shalt  }
0x65: {  	_ =	shalt  }
0x66: {  	_ =	shalt  }
0x67: {  	_ =	shalt  }
0x68: {  	_ =	shalt  }
0x69: {  	_ =	shalt  }
0x6a: {  	_ =	shalt  }
0x6b: {  	_ =	shalt  }
0x6c: {  	_ =	shalt  }
0x6d: {  	_ =	shalt  }
0x6e: {  	_ =	shalt  }
0x6f: {  	_ =	shalt  }
0x70: {  	_ =	shalt  }
0x71: {  	_ =	shalt  }
0x72: {  	_ =	shalt  }
0x73: {  	_ =	shalt  }
0x74: {  	_ =	shalt  }
0x75: {  	_ =	shalt  }
0x76: {  	_ =	shalt  }
0x77: {  	_ =	shalt  }
0x78: {  	_ =	shalt  }
0x79: {  	_ =	shalt  }
0x7a: {  	_ =	shalt  }
0x7b: {  	_ =	shalt  }
0x7c: {  	_ =	shalt  }
0x7d: {  	_ =	shalt  }
0x7e: {  	_ =	shalt  }
0x7f: {  	_ =	shalt  }
0x80: {  	_ =	shalt  }
0x81: {  	_ =	shalt  }
0x82: {  	_ =	shalt  }
0x83: {  	_ =	shalt  }
0x84: {  	_ =	shalt  }
0x85: {  	_ =	shalt  }
0x86: {  	_ =	shalt  }
0x87: {  	_ =	shalt  }
.Lfunc_end0:
.L_simem_size_0:
called_computation_lowered:
.L_overlay_start_0:
0x88: {  	s2 =	sld [smem:$0x3FD9]  }
0x89: {  	s3 =	sld [smem:$0x3FFE];
	_ =	sdelay $0x1  }
0x8a: {  	s1 =	srdreg.scid  }
0x8b: {  	s0 =	sand.u32 $0x1, s1  }
0x8c: {  	s17 =	sshll.u32 s0, $0xA;
	s2 =	sadd.s32 s3, s2  }
0x8d: {  	s2 =	sadd.s32 s2, s17  }
0x8e: {  	[smem:$0x3FBC] =	sst s2  }
0x8f: {  	_ = 	snop  }
0x90: {  	s2 =	sld [smem:$0x3FD0];
	(tm) =	ssettm $0x1  }
0x91: {  	s18 =	sld [smem:$0x3FFB];
	_ =	sdelay $0x3  }
0x92: {  	_ =	strace s18  }
0x93: {  	s3 =	sld [smem:$0x3FFC];
	_ =	sdelay $0x3  }
0x94: {  	_ =	strace s3  }
0x95: {  	s3 =	sld [smem:$0x3FFD];
	_ =	sdelay $0x3  }
0x96: {  	_ =	strace s3  }
0x97: {  	_ =	strace $0x8FFFFFFF  }
0x98: {  	s19 =	sld [smem:$0x3FDB];
	_ =	sdelay $0x1  }
0x99: {  	s4 =	simm.s32 $_scs_section_size  }
0x9a: {  	s5 =	simm.s32 $_size__tile_overlayer_lowered;
	s6 =	simm.s32 $_tile_overlayer_lowered  }
0x9b: {  	s22 =	simm.s32 $0x1BFF;
	s21 =	sshll.u32 s6, $0x1;
	s3 =	sadd.s32 s4, s19  }
0x9c: {  	s7 =	simm.s32 $0x0;
	s20 =	sshll.u32 s5, $0x1;
	s5 =	sadd.s32 s21, s3  }
0x9d: {  	[timem:s7], [sflag:s22] =	dma.local [hbm:s5], s20  }
0x9e: {  	_ =	swait.ge [sflag:s22], s20  }
0x9f: {  	s4 =	ssub.s32 $0x0, s20;
	[sflag:s22] =	ssyncset.done $0x0  }
0xa0: {  	[sflag:s22] =	ssyncadd.s32 s4;
	_ =	sdelay $0x1  }
0xa1: {  	s23 =	simm.s32 $0x1B8B  }
0xa2: {  	_ =	swait.ge [sflag:s23], $0x1  }
0xa3: {  	[sflag:s23] =	ssyncset.done $0x0  }
0xa4: {  	s25 =	simm.s32 $0x1B8E;
	s24 =	sld [smem:$0x3FFE];
	[sflag:s23] =	ssyncadd.s32 $0xFFFFFFFF  }
0xa5: {  	s26 =	simm.s32 $execute0_lowered;
	[smem:$0x3FD2] =	sst s25  }
0xa6: {  	s5 =	sshll.u32 s26, $0x1;
	_ =	strace $0x80000046;
	[dreg:$0x1] =	wrdreg $0xFFFFFFFF  }
0xa7: {  	s28 =	simm.s32 $_size_execute0_lowered;
	s3 =	sadd.s32 s3, s5;
	[dreg:$0x0] =	wrdreg $0x0  }
0xa8: {  	s5 =	sshll.u32 s28, $0x1;
	[dreg:$0x2] =	wrdreg s3  }
0xa9: {  	[dreg:$0x3] =	wrdreg s5  }
0xaa: {  	[dreg:$0x4] =	wrdreg $0xC0  }
0xab: {  	_ =	task [dreg:s7], $0x5FFFF  }
0xac: {  	[dreg:$0x1] =	wrdreg $0xFFFFFFFF  }
0xad: {  	[dreg:$0x0] =	wrdreg $0x60  }
0xae: {  	[dreg:$0x2] =	wrdreg s24  }
0xaf: {  	[dreg:$0x3] =	wrdreg s2  }
0xb0: {  	[dreg:$0x4] =	wrdreg $0x0  }
0xb1: {  	[dreg:$0x5] =	wrdreg $0x9  }
0xb2: {  	_ =	task.clear_ibuf [dreg:s7], $0x6FFFF;
	_ =	strace $0x90000046  }
0xb3: {  	s29 =	simm.s32 $0x9;
	_ =	strace $0x80000048  }
0xb4: {  	_ =	swait.ge [sflag:s29], $0x1  }
0xb5: {  	[sflag:s29] =	ssyncadd.s32 $0xFFFFFFFF  }
0xb6: {  	_ =	strace $0x90000048  }
0xb7: {  	_ =	sfence  }
0xb8: {  	s30 =	sld [smem:$0x0];
	_ =	sdelay $0x2  }
0xb9: {  	s31 =	sshll.u32 s1, $0xD;
	s1 =	sshrl.u32 s1, $0x2  }
0xba: {  	s3 =	sand.u32 $0x4000, s31;
	s1 =	sadd.s32 s1, s30  }
0xbb: {  	s0 =	sor.u32 s3, s0;
	s1 =	sshll.u32 s1, $0x11  }
0xbc: {  	s0 =	sor.u32 s1, s0  }
0xbd: {  	s0 =	sadd.s32 $0x8F2B, s0  }
0xbe: {  	[sflag:s0] =	ssyncadd.remote.s32 $0x1  }
0xbf: {  	_ =	sfence.sel $0xFFFF  }
0xc0: {  	[dreg:$0x0] =	wrdreg $0xFFFFFFFF;
	(pc) =	sbr.abs _section_cstart, $3  }
0xc1: {  	[dreg:$0x1] =	wrdreg $0xFFFFFFFF  }
0xc2: {  	_ =	task.clear_ibuf [dreg:s7], $0x2FFFF;
	_ =	strace $0x9FFFFFFF  }
0xc3: {  	(tm) =	ssettm $0x7FFFFFFF  }
tec
execute0_lowered:
.L_overlay_start_1:
0x0: {  	(tag) =	ssettag $0x1  }
0x1: {  	s1 =	rddreg [dreg:$0x0]  }
0x2: {  	s0 =	rddreg [dreg:$0x1]  }
0x3: {  	s2 =	rddreg [dreg:$0x2];
	s11 =	stileid.u32  }
0x4: {  	s4 =	srdreg.scid;
	s3 =	simm.s32 $0x0;
	s28 =	simm.s32 $0x1  }
0x5: {  	s29 =	simm.s32 $0x78;
	s30 =	simm.s32 $0x14200;
	s5 =	smul.u32 $0x13C00, s11  }
0x6: {  	s31 =	simm.s32 $0x14000;
	s6 =	sand.u32 $0x1, s4;
	s17 =	smul.u32 $0x4F000, s11  }
0x7: {  	[smem:$0x7FF] =	sst s3;
	s4 =	sadd.s32 $0x2A00, s1;
	s22 =	smul.u32 $0xA800, s11  }
0x8: {  	s9 =	sshll.u32 s11, $0x1;
	s20 =	sshll.u32 s11, $0x6;
	s7 =	smul.u32 $0x13C000, s6  }
0x9: {  	_ =	strace $0x80000047;
	s18 =	ssub.s32 $0x2, s6;
	s9 =	sor.u32 s6, s9  }
0xa: {  	[dreg:$0xc] =	wrdreg s20;
	s23 =	sor.u32 $0x1C0D, s20;
	s6 =	smul.u32 $0x5400, s6  }
0xb: {  	s8 =	sshrl.u32 s5, $0x3;
	s10 =	sshrl.u32 s18, $0x1;
	s9 =	smul.u32 $0x5400, s9  }
0xc: {  	[dreg:$0xd] =	wrdreg s23;
	s8 =	sadd.s32 s8, s1;
	s5 =	sadd.s32 s5, s7  }
0xd: {  	s7 =	sshrl.u32 s17, $0x2;
	s6 =	sadd.s32 s6, s22;
	s5 =	sshrl.u32 s5, $0x3  }
0xe: {  	s7 =	sadd.s32 s7, s2;
	s19 =	sadd.s32 $0x2A200, s8;
	s21 =	sshrl.u32 s9, $0x3  }
0xf: {  	s13 =	sadd.s32 $0xE00, s6;
	s15 =	sadd.s32 $0xD00, s6;
	s20 =	sadd.s32 $0xB00, s6  }
0x10: {  	s23 =	sadd.s32 $0xA00, s6;
	s1 =	sadd.s32 s5, s1;
	[dreg:$0xa] =	wrdreg s7  }
0x11: {  	s5 =	ssub.s32 s18, s10;
	[dreg:$0xb] =	wrdreg s19;
	s9 =	sadd.s32 s0, s21  }
0x12: {  	s8 =	sshrl.u32 s15, $0x3;
	s7 =	sadd.s32 $0x20, s9;
	[dreg:$0xe] =	wrdreg s9  }
0x13: {  	s18 =	sadd.s32 $0xC00, s6;
	s24 =	sadd.s32 $0x40, s9;
	[dreg:$0xf] =	wrdreg s7  }
0x14: {  	s6 =	sadd.s32 $0x900, s6;
	s25 =	sadd.s32 $0x60, s9;
	[dreg:$0x10] =	wrdreg s24  }
0x15: {  	s15 =	simm.s32 $0x8;
	s26 =	sadd.s32 $0x80, s9;
	[dreg:$0x11] =	wrdreg s25  }
0x16: {  	s10 =	sadd.s32 $0xA0, s9;
	s11 =	sadd.s32 $0xC0, s9;
	[dreg:$0x12] =	wrdreg s26  }
0x17: {  	s12 =	sadd.s32 $0xE0, s9;
	s14 =	sadd.s32 $0x100, s9;
	[dreg:$0x13] =	wrdreg s10  }
0x18: {  	s16 =	sadd.s32 $0xA20, s9;
	s17 =	sadd.s32 s8, s0;
	[dreg:$0x14] =	wrdreg s11  }
0x19: {  	s19 =	sshrl.u32 s18, $0x3;
	s21 =	sadd.s32 $0xA40, s9;
	[dreg:$0x15] =	wrdreg s12  }
0x1a: {  	s8 =	sshrl.u32 s20, $0x3;
	s6 =	sshrl.u32 s6, $0x3;
	[dreg:$0x16] =	wrdreg s14  }
0x1b: {  	s1 =	sadd.s32 $0x51A00, s1;
	s18 =	simm.s32 $0x9;
	[dreg:$0x17] =	wrdreg s16  }
0x1c: {  	s20 =	simm.s32 $0xC;
	s7 =	sshrl.u32 s13, $0x3;
	[dreg:$0x5] =	wrdreg s17  }
0x1d: {  	[dreg:$0x18] =	wrdreg s21;
	s22 =	sadd.s32 s8, s0;
	s24 =	sshrl.u32 s23, $0x3  }
0x1e: {  	s25 =	sadd.s32 $0xA60, s9;
	[dreg:$0x1a] =	wrdreg s1;
	s26 =	smax.u32 s5, $0x1  }
0x1f: {  	s23 =	simm.s32 $0x13C00;
	s1 =	simm.s32 $0x17E00;
	s8 =	simm.s32 $0x3  }
0x20: {  	s10 =	simm.s32 $0x1BA00;
	s11 =	simm.s32 $0x7;
	s13 =	simm.s32 $0xA  }
0x21: {  	s14 =	simm.s32 $0x4;
	s17 =	simm.s32 $0xB;
	[dreg:$0x7] =	wrdreg s22  }
0x22: {  	s21 =	simm.s32 $0x6;
	s9 =	simm.s32 $0x14080;
	[dreg:$0x19] =	wrdreg s25  }
0x23: {  	s5 =	simm.s32 $0x14180;
	s7 =	sadd.s32 s7, s0;
	[dreg:$0x1b] =	wrdreg s26  }
0x24: {  	s25 =	simm.s32 $0x13E00;
	s26 =	simm.s32 $0x13F00;
	s22 =	simm.s32 $0x13F80  }
0x25: {  	[dreg:$0x4] =	wrdreg s7;
	s7 =	sadd.s32 s19, s0;
	s19 =	simm.s32 $0x0  }
0x26: {  	[dreg:$0x6] =	wrdreg s7;
	s7 =	sadd.s32 s24, s0;
	s0 =	sadd.s32 s6, s0  }
0x27: {  	s24 =	simm.s32 $0x13D00;
	s6 =	simm.s32 $0x14100;
	[dreg:$0x8] =	wrdreg s7  }
0x28: {  	[dreg:$0x9] =	wrdreg s0;
	s0 =	simm.s32 $0x2;
	s7 =	simm.s32 $0x5  }
.LBB2_1:
0x29: {  	[dreg:$0x1c] =	wrdreg s19  }
0x2a: {  	s12 =	rddreg [dreg:$0xa]  }
0x2b: {  	s16 =	rddreg [dreg:$0xd]  }
0x2c: {  	s19 =	sshrl.u32 s12, $0x3;
	s12 =	rddreg [dreg:$0xb]  }
0x2d: {  	[dreg:$0x1d] =	wrdreg s19  }
0x2e: {  	[spmem:s19], [sflag:s16] =	dma.local [hbm:s12], $0x2780  }
0x2f: {  	s12 =	rddreg [dreg:$0xe]  }
0x30: {  	[tilespmem:s23], [sflag:$0x1] =	stream.linear.gather [hbm4b:s12+s3], $0x100, $0x38;
	[tilespmem:$0x1F600] =	vst v63  }
0x31: {  	s19 =	rddreg [dreg:$0xf]  }
0x32: {  	[tilespmem:s24], [sflag:$0x2] =	stream.linear.gather [hbm4b:s19+s3], $0x100, $0x38;
	[tilespmem:$0x1F600] =	vst v63  }
0x33: {  	s16 =	rddreg [dreg:$0x10]  }
0x34: {  	[tilespmem:s25], [sflag:$0x3] =	stream.linear.gather [hbm4b:s16+s3], $0x100, $0x38;
	[tilespmem:$0x1F600] =	vst v63  }
0x35: {  	s19 =	rddreg [dreg:$0x11]  }
0x36: {  	[tilespmem:s26], [sflag:$0x4] =	stream.linear.gather [hbm4b:s19+s3], $0x100, $0x38;
	[tilespmem:$0x1F600] =	vst v63  }
0x37: {  	_ =	swait.ge [sflag:s28], $0x100  }
0x38: {  	[sflag:s28] =	ssyncset.done $0x0  }
0x39: {  	[sflag:s28] =	ssyncadd.s32 $0xFFFFFF00  }
0x3a: {  	[tilespmem:s30], [sflag:$0x7] =	stream.indirect.gather [hbm4b:s4+s29], $0x80, s23, s29, $0xb8;
	[tilespmem:$0x1F600] =	vst v63  }
0x3b: {  	s16 =	rddreg [dreg:$0x12]  }
0x3c: {  	[tilespmem:s31], [sflag:$0x5] =	stream.linear.gather [hbm4b:s16+s3], $0x100, $0x38;
	[tilespmem:$0x1F600] =	vst v63  }
0x3d: {  	_ =	swait.ge [sflag:s0], $0x100  }
0x3e: {  	[sflag:s0] =	ssyncset.done $0x0  }
0x3f: {  	s19 =	simm.s32 $0xD;
	[sflag:s0] =	ssyncadd.s32 $0xFFFFFF00  }
0x40: {  	[tilespmem:s1], [sflag:$0x8] =	stream.indirect.gather [hbm4b:s4+s29], $0x80, s24, s29, $0xb8;
	[tilespmem:$0x1F600] =	vst v63  }
0x41: {  	_ =	swait.ge [sflag:s19], $0x2780  }
0x42: {  	[sflag:s19] =	ssyncset.done $0x0  }
0x43: {  	[sflag:s19] =	ssyncadd.s32 $0xFFFFD880  }
0x44: {  	[bflag:$0x0] =	sbarrier.arrive $0xFFFF  }
0x45: {  	s16 =	rddreg [dreg:$0x13]  }
0x46: {  	[tilespmem:s6], [sflag:$0x6] =	stream.linear.gather [hbm4b:s16+s3], $0x100, $0x38;
	[tilespmem:$0x1F600] =	vst v63  }
0x47: {  	_ =	swait.ge [sflag:s8], $0x100  }
0x48: {  	[sflag:s8] =	ssyncset.done $0x0  }
0x49: {  	[sflag:s8] =	ssyncadd.s32 $0xFFFFFF00  }
0x4a: {  	[tilespmem:s10], [sflag:$0x9] =	stream.indirect.gather [hbm4b:s4+s29], $0x80, s25, s29, $0xb8;
	[tilespmem:$0x1F600] =	vst v63  }
0x4b: {  	_ =	swait.ge [sflag:s11], $0x3C00  }
0x4c: {  	[sflag:s11] =	ssyncset.done $0x0  }
0x4d: {  	s16 =	simm.s32 $0x13C80;
	[sflag:s11] =	ssyncadd.s32 $0xFFFFC400  }
0x4e: {  	[spmem:s2] =	stream.indirect.scatter.add.f32 [tilespmem:s30], [sflag:$0xA], $0x80, s16, s29, $0xb8;
	[tilespmem:$0x1F600] =	vst v63  }
0x4f: {  	_ =	swait.ge [sflag:s13], $0x3C00  }
0x50: {  	[sflag:s13] =	ssyncset.done $0x0  }
0x51: {  	s19 =	rddreg [dreg:$0x14];
	[sflag:s13] =	ssyncadd.s32 $0xFFFFC400  }
0x52: {  	[tilespmem:s23], [sflag:$0x1] =	stream.linear.gather [hbm4b:s19+s3], $0x100, $0x38;
	[tilespmem:$0x1F600] =	vst v63  }
0x53: {  	_ =	swait.ge [sflag:s14], $0x100  }
0x54: {  	[sflag:s14] =	ssyncset.done $0x0  }
0x55: {  	[sflag:s14] =	ssyncadd.s32 $0xFFFFFF00  }
0x56: {  	[tilespmem:s30], [sflag:$0x7] =	stream.indirect.gather [hbm4b:s4+s29], $0x80, s26, s29, $0xb8;
	[tilespmem:$0x1F600] =	vst v63  }
0x57: {  	_ =	swait.ge [sflag:s15], $0x3C00  }
0x58: {  	[sflag:s15] =	ssyncset.done $0x0  }
0x59: {  	s19 =	simm.s32 $0x13D80;
	[sflag:s15] =	ssyncadd.s32 $0xFFFFC400  }
0x5a: {  	[spmem:s2] =	stream.indirect.scatter.add.f32 [tilespmem:s1], [sflag:$0xB], $0x80, s19, s29, $0xb8;
	[tilespmem:$0x1F600] =	vst v63  }
0x5b: {  	_ =	swait.ge [sflag:s17], $0x3C00  }
0x5c: {  	[sflag:s17] =	ssyncset.done $0x0  }
0x5d: {  	s12 =	rddreg [dreg:$0x15];
	[sflag:s17] =	ssyncadd.s32 $0xFFFFC400  }
0x5e: {  	[tilespmem:s24], [sflag:$0x2] =	stream.linear.gather [hbm4b:s12+s3], $0x100, $0x38;
	[tilespmem:$0x1F600] =	vst v63  }
0x5f: {  	_ =	swait.ge [sflag:s7], $0x100  }
0x60: {  	[sflag:s7] =	ssyncset.done $0x0  }
0x61: {  	[sflag:s7] =	ssyncadd.s32 $0xFFFFFF00  }
0x62: {  	[tilespmem:s1], [sflag:$0x8] =	stream.indirect.gather [hbm4b:s4+s29], $0x80, s31, s29, $0xb8;
	[tilespmem:$0x1F600] =	vst v63  }
0x63: {  	_ =	swait.ge [sflag:s18], $0x3C00  }
0x64: {  	[sflag:s18] =	ssyncset.done $0x0  }
0x65: {  	s12 =	simm.s32 $0x13E80;
	[sflag:s18] =	ssyncadd.s32 $0xFFFFC400  }
0x66: {  	[spmem:s2] =	stream.indirect.scatter.add.f32 [tilespmem:s10], [sflag:$0xC], $0x80, s12, s29, $0xb8;
	[tilespmem:$0x1F600] =	vst v63  }
0x67: {  	_ =	swait.ge [sflag:s20], $0x3C00  }
0x68: {  	[sflag:s20] =	ssyncset.done $0x0  }
0x69: {  	s12 =	rddreg [dreg:$0x16];
	[sflag:s20] =	ssyncadd.s32 $0xFFFFC400  }
0x6a: {  	[tilespmem:s25], [sflag:$0x3] =	stream.linear.gather [hbm4b:s12+s3], $0x100, $0x38;
	[tilespmem:$0x1F600] =	vst v63  }
0x6b: {  	_ =	swait.ge [sflag:s21], $0x100  }
0x6c: {  	[sflag:s21] =	ssyncset.done $0x0  }
0x6d: {  	[sflag:s21] =	ssyncadd.s32 $0xFFFFFF00  }
0x6e: {  	[tilespmem:s10], [sflag:$0x9] =	stream.indirect.gather [hbm4b:s4+s29], $0x80, s6, s29, $0xb8;
	[tilespmem:$0x1F600] =	vst v63  }
0x6f: {  	_ =	swait.ge [sflag:s11], $0x3C00  }
0x70: {  	[sflag:s11] =	ssyncset.done $0x0  }
0x71: {  	[sflag:s11] =	ssyncadd.s32 $0xFFFFC400  }
0x72: {  	[spmem:s2] =	stream.indirect.scatter.add.f32 [tilespmem:s30], [sflag:$0xA], $0x80, s22, s29, $0xb8;
	[tilespmem:$0x1F600] =	vst v63  }
0x73: {  	_ =	swait.ge [sflag:s13], $0x3C00  }
0x74: {  	s12 =	rddreg [dreg:$0x9];
	[sflag:s13] =	ssyncset.done $0x0  }
0x75: {  	[sflag:s13] =	ssyncadd.s32 $0xFFFFC400;
	s12 =	sadd.s32 $0x0, s12  }
0x76: {  	[tilespmem:s26], [sflag:$0x4] =	stream.linear.gather [hbm4b:s12+s3], $0x100, $0x38;
	[tilespmem:$0x1F600] =	vst v63  }
0x77: {  	_ =	swait.ge [sflag:s28], $0x100  }
0x78: {  	[sflag:s28] =	ssyncset.done $0x0  }
0x79: {  	[sflag:s28] =	ssyncadd.s32 $0xFFFFFF00  }
0x7a: {  	[tilespmem:s30], [sflag:$0x7] =	stream.indirect.gather [hbm4b:s4+s29], $0x80, s23, s29, $0xb8;
	[tilespmem:$0x1F600] =	vst v63  }
0x7b: {  	_ =	swait.ge [sflag:s15], $0x3C00  }
0x7c: {  	[sflag:s15] =	ssyncset.done $0x0  }
0x7d: {  	[sflag:s15] =	ssyncadd.s32 $0xFFFFC400  }
0x7e: {  	[spmem:s2] =	stream.indirect.scatter.add.f32 [tilespmem:s1], [sflag:$0xB], $0x80, s9, s29, $0xb8;
	[tilespmem:$0x1F600] =	vst v63  }
0x7f: {  	_ =	swait.ge [sflag:s17], $0x3C00  }
0x80: {  	s12 =	rddreg [dreg:$0x8];
	[sflag:s17] =	ssyncset.done $0x0  }
0x81: {  	[sflag:s17] =	ssyncadd.s32 $0xFFFFC400;
	s12 =	sadd.s32 $0x0, s12  }
0x82: {  	[tilespmem:s31], [sflag:$0x5] =	stream.linear.gather [hbm4b:s12+s3], $0x100, $0x38;
	[tilespmem:$0x1F600] =	vst v63  }
0x83: {  	_ =	swait.ge [sflag:s0], $0x100  }
0x84: {  	[sflag:s0] =	ssyncset.done $0x0  }
0x85: {  	[sflag:s0] =	ssyncadd.s32 $0xFFFFFF00  }
0x86: {  	[tilespmem:s1], [sflag:$0x8] =	stream.indirect.gather [hbm4b:s4+s29], $0x80, s24, s29, $0xb8;
	[tilespmem:$0x1F600] =	vst v63  }
0x87: {  	_ =	swait.ge [sflag:s18], $0x3C00  }
0x88: {  	[sflag:s18] =	ssyncset.done $0x0  }
0x89: {  	[sflag:s18] =	ssyncadd.s32 $0xFFFFC400  }
0x8a: {  	[spmem:s2] =	stream.indirect.scatter.add.f32 [tilespmem:s10], [sflag:$0xC], $0x80, s5, s29, $0xb8;
	[tilespmem:$0x1F600] =	vst v63  }
0x8b: {  	_ =	swait.ge [sflag:s20], $0x3C00  }
0x8c: {  	s12 =	rddreg [dreg:$0x7];
	[sflag:s20] =	ssyncset.done $0x0  }
0x8d: {  	[sflag:s20] =	ssyncadd.s32 $0xFFFFC400;
	s12 =	sadd.s32 $0x0, s12  }
0x8e: {  	[tilespmem:s6], [sflag:$0x6] =	stream.linear.gather [hbm4b:s12+s3], $0x100, $0x38;
	[tilespmem:$0x1F600] =	vst v63  }
0x8f: {  	_ =	swait.ge [sflag:s8], $0x100  }
0x90: {  	[sflag:s8] =	ssyncset.done $0x0  }
0x91: {  	[sflag:s8] =	ssyncadd.s32 $0xFFFFFF00  }
0x92: {  	[tilespmem:s10], [sflag:$0x9] =	stream.indirect.gather [hbm4b:s4+s29], $0x80, s25, s29, $0xb8;
	[tilespmem:$0x1F600] =	vst v63  }
0x93: {  	_ =	swait.ge [sflag:s11], $0x3C00  }
0x94: {  	[sflag:s11] =	ssyncset.done $0x0  }
0x95: {  	[sflag:s11] =	ssyncadd.s32 $0xFFFFC400  }
0x96: {  	[spmem:s2] =	stream.indirect.scatter.add.f32 [tilespmem:s30], [sflag:$0xA], $0x80, s16, s29, $0xb8;
	[tilespmem:$0x1F600] =	vst v63  }
0x97: {  	_ =	swait.ge [sflag:s13], $0x3C00  }
0x98: {  	s16 =	rddreg [dreg:$0x6];
	[sflag:s13] =	ssyncset.done $0x0  }
0x99: {  	[sflag:s13] =	ssyncadd.s32 $0xFFFFC400;
	s12 =	sadd.s32 $0x0, s16  }
0x9a: {  	[tilespmem:s23], [sflag:$0x1] =	stream.linear.gather [hbm4b:s12+s3], $0x100, $0x38;
	[tilespmem:$0x1F600] =	vst v63  }
0x9b: {  	_ =	swait.ge [sflag:s14], $0x100  }
0x9c: {  	[sflag:s14] =	ssyncset.done $0x0  }
0x9d: {  	[sflag:s14] =	ssyncadd.s32 $0xFFFFFF00  }
0x9e: {  	[tilespmem:s30], [sflag:$0x7] =	stream.indirect.gather [hbm4b:s4+s29], $0x80, s26, s29, $0xb8;
	[tilespmem:$0x1F600] =	vst v63  }
0x9f: {  	_ =	swait.ge [sflag:s15], $0x3C00  }
0xa0: {  	[sflag:s15] =	ssyncset.done $0x0  }
0xa1: {  	[sflag:s15] =	ssyncadd.s32 $0xFFFFC400  }
0xa2: {  	[spmem:s2] =	stream.indirect.scatter.add.f32 [tilespmem:s1], [sflag:$0xB], $0x80, s19, s29, $0xb8;
	[tilespmem:$0x1F600] =	vst v63  }
0xa3: {  	_ =	swait.ge [sflag:s17], $0x3C00  }
0xa4: {  	s19 =	rddreg [dreg:$0x5];
	[sflag:s17] =	ssyncset.done $0x0  }
0xa5: {  	[sflag:s17] =	ssyncadd.s32 $0xFFFFC400;
	s12 =	sadd.s32 $0x0, s19  }
0xa6: {  	[tilespmem:s24], [sflag:$0x2] =	stream.linear.gather [hbm4b:s12+s3], $0x100, $0x38;
	[tilespmem:$0x1F600] =	vst v63  }
0xa7: {  	_ =	swait.ge [sflag:s7], $0x100  }
0xa8: {  	[sflag:s7] =	ssyncset.done $0x0  }
0xa9: {  	[sflag:s7] =	ssyncadd.s32 $0xFFFFFF00  }
0xaa: {  	[tilespmem:s1], [sflag:$0x8] =	stream.indirect.gather [hbm4b:s4+s29], $0x80, s31, s29, $0xb8;
	[tilespmem:$0x1F600] =	vst v63  }
0xab: {  	_ =	swait.ge [sflag:s18], $0x3C00  }
0xac: {  	[sflag:s18] =	ssyncset.done $0x0  }
0xad: {  	s16 =	simm.s32 $0x13E80;
	[sflag:s18] =	ssyncadd.s32 $0xFFFFC400  }
0xae: {  	[spmem:s2] =	stream.indirect.scatter.add.f32 [tilespmem:s10], [sflag:$0xC], $0x80, s16, s29, $0xb8;
	[tilespmem:$0x1F600] =	vst v63  }
0xaf: {  	_ =	swait.ge [sflag:s20], $0x3C00  }
0xb0: {  	s19 =	rddreg [dreg:$0x4];
	[sflag:s20] =	ssyncset.done $0x0  }
0xb1: {  	[sflag:s20] =	ssyncadd.s32 $0xFFFFC400;
	s12 =	sadd.s32 $0x0, s19  }
0xb2: {  	[tilespmem:s25], [sflag:$0x3] =	stream.linear.gather [hbm4b:s12+s3], $0x100, $0x38;
	[tilespmem:$0x1F600] =	vst v63  }
0xb3: {  	_ =	swait.ge [sflag:s21], $0x100  }
0xb4: {  	[sflag:s21] =	ssyncset.done $0x0  }
0xb5: {  	[sflag:s21] =	ssyncadd.s32 $0xFFFFFF00  }
0xb6: {  	[tilespmem:s10], [sflag:$0x9] =	stream.indirect.gather [hbm4b:s4+s29], $0x80, s6, s29, $0xb8;
	[tilespmem:$0x1F600] =	vst v63  }
0xb7: {  	_ =	swait.ge [sflag:s11], $0x3C00  }
0xb8: {  	[sflag:s11] =	ssyncset.done $0x0  }
0xb9: {  	s12 =	simm.s32 $0xC0;
	[sflag:s11] =	ssyncadd.s32 $0xFFFFC400  }
.LBB2_2:
0xba: {  	[spmem:s2] =	stream.indirect.scatter.add.f32 [tilespmem:s30], [sflag:$0xA], $0x80, s22, s29, $0xb8;
	[tilespmem:$0x1F600] =	vst v63  }
0xbb: {  	_ =	swait.ge [sflag:s13], $0x3C00  }
0xbc: {  	s16 =	smov.u32 s12;
	s19 =	rddreg [dreg:$0x9];
	[sflag:s13] =	ssyncset.done $0x0  }
0xbd: {  	[sflag:s13] =	ssyncadd.s32 $0xFFFFC400;
	s19 =	sadd.s32 s16, s19  }
0xbe: {  	[tilespmem:s26], [sflag:$0x4] =	stream.linear.gather [hbm4b:s19+s3], $0x100, $0x38;
	[tilespmem:$0x1F600] =	vst v63  }
0xbf: {  	_ =	swait.ge [sflag:s28], $0x100  }
0xc0: {  	[sflag:s28] =	ssyncset.done $0x0  }
0xc1: {  	[sflag:s28] =	ssyncadd.s32 $0xFFFFFF00  }
0xc2: {  	[tilespmem:s30], [sflag:$0x7] =	stream.indirect.gather [hbm4b:s4+s29], $0x80, s23, s29, $0xb8;
	[tilespmem:$0x1F600] =	vst v63  }
0xc3: {  	_ =	swait.ge [sflag:s15], $0x3C00  }
0xc4: {  	[sflag:s15] =	ssyncset.done $0x0  }
0xc5: {  	[sflag:s15] =	ssyncadd.s32 $0xFFFFC400  }
0xc6: {  	[spmem:s2] =	stream.indirect.scatter.add.f32 [tilespmem:s1], [sflag:$0xB], $0x80, s9, s29, $0xb8;
	[tilespmem:$0x1F600] =	vst v63  }
0xc7: {  	_ =	swait.ge [sflag:s17], $0x3C00  }
0xc8: {  	s19 =	rddreg [dreg:$0x8];
	[sflag:s17] =	ssyncset.done $0x0  }
0xc9: {  	[sflag:s17] =	ssyncadd.s32 $0xFFFFC400;
	s19 =	sadd.s32 s16, s19  }
0xca: {  	[tilespmem:s31], [sflag:$0x5] =	stream.linear.gather [hbm4b:s19+s3], $0x100, $0x38;
	[tilespmem:$0x1F600] =	vst v63  }
0xcb: {  	_ =	swait.ge [sflag:s0], $0x100  }
0xcc: {  	[sflag:s0] =	ssyncset.done $0x0  }
0xcd: {  	[sflag:s0] =	ssyncadd.s32 $0xFFFFFF00  }
0xce: {  	[tilespmem:s1], [sflag:$0x8] =	stream.indirect.gather [hbm4b:s4+s29], $0x80, s24, s29, $0xb8;
	[tilespmem:$0x1F600] =	vst v63  }
0xcf: {  	_ =	swait.ge [sflag:s18], $0x3C00  }
0xd0: {  	[sflag:s18] =	ssyncset.done $0x0  }
0xd1: {  	[sflag:s18] =	ssyncadd.s32 $0xFFFFC400  }
0xd2: {  	[spmem:s2] =	stream.indirect.scatter.add.f32 [tilespmem:s10], [sflag:$0xC], $0x80, s5, s29, $0xb8;
	[tilespmem:$0x1F600] =	vst v63  }
0xd3: {  	_ =	swait.ge [sflag:s20], $0x3C00  }
0xd4: {  	s19 =	rddreg [dreg:$0x7];
	[sflag:s20] =	ssyncset.done $0x0  }
0xd5: {  	[sflag:s20] =	ssyncadd.s32 $0xFFFFC400;
	s19 =	sadd.s32 s16, s19  }
0xd6: {  	[tilespmem:s6], [sflag:$0x6] =	stream.linear.gather [hbm4b:s19+s3], $0x100, $0x38;
	[tilespmem:$0x1F600] =	vst v63  }
0xd7: {  	_ =	swait.ge [sflag:s8], $0x100  }
0xd8: {  	[sflag:s8] =	ssyncset.done $0x0  }
0xd9: {  	[sflag:s8] =	ssyncadd.s32 $0xFFFFFF00  }
0xda: {  	[tilespmem:s10], [sflag:$0x9] =	stream.indirect.gather [hbm4b:s4+s29], $0x80, s25, s29, $0xb8;
	[tilespmem:$0x1F600] =	vst v63  }
0xdb: {  	_ =	swait.ge [sflag:s11], $0x3C00  }
0xdc: {  	[sflag:s11] =	ssyncset.done $0x0  }
0xdd: {  	s19 =	simm.s32 $0x13C80;
	[sflag:s11] =	ssyncadd.s32 $0xFFFFC400  }
0xde: {  	[spmem:s2] =	stream.indirect.scatter.add.f32 [tilespmem:s30], [sflag:$0xA], $0x80, s19, s29, $0xb8;
	[tilespmem:$0x1F600] =	vst v63  }
0xdf: {  	_ =	swait.ge [sflag:s13], $0x3C00  }
0xe0: {  	s19 =	rddreg [dreg:$0x6];
	[sflag:s13] =	ssyncset.done $0x0  }
0xe1: {  	[sflag:s13] =	ssyncadd.s32 $0xFFFFC400;
	s19 =	sadd.s32 s16, s19  }
0xe2: {  	[tilespmem:s23], [sflag:$0x1] =	stream.linear.gather [hbm4b:s19+s3], $0x100, $0x38;
	[tilespmem:$0x1F600] =	vst v63  }
0xe3: {  	_ =	swait.ge [sflag:s14], $0x100  }
0xe4: {  	[sflag:s14] =	ssyncset.done $0x0  }
0xe5: {  	[sflag:s14] =	ssyncadd.s32 $0xFFFFFF00  }
0xe6: {  	[tilespmem:s30], [sflag:$0x7] =	stream.indirect.gather [hbm4b:s4+s29], $0x80, s26, s29, $0xb8;
	[tilespmem:$0x1F600] =	vst v63  }
0xe7: {  	_ =	swait.ge [sflag:s15], $0x3C00  }
0xe8: {  	[sflag:s15] =	ssyncset.done $0x0  }
0xe9: {  	s19 =	simm.s32 $0x13D80;
	[sflag:s15] =	ssyncadd.s32 $0xFFFFC400  }
0xea: {  	[spmem:s2] =	stream.indirect.scatter.add.f32 [tilespmem:s1], [sflag:$0xB], $0x80, s19, s29, $0xb8;
	[tilespmem:$0x1F600] =	vst v63  }
0xeb: {  	_ =	swait.ge [sflag:s17], $0x3C00  }
0xec: {  	s19 =	rddreg [dreg:$0x5];
	[sflag:s17] =	ssyncset.done $0x0  }
0xed: {  	[sflag:s17] =	ssyncadd.s32 $0xFFFFC400;
	s19 =	sadd.s32 s16, s19  }
0xee: {  	[tilespmem:s24], [sflag:$0x2] =	stream.linear.gather [hbm4b:s19+s3], $0x100, $0x38;
	[tilespmem:$0x1F600] =	vst v63  }
0xef: {  	_ =	swait.ge [sflag:s7], $0x100  }
0xf0: {  	[sflag:s7] =	ssyncset.done $0x0  }
0xf1: {  	[sflag:s7] =	ssyncadd.s32 $0xFFFFFF00  }
0xf2: {  	[tilespmem:s1], [sflag:$0x8] =	stream.indirect.gather [hbm4b:s4+s29], $0x80, s31, s29, $0xb8;
	[tilespmem:$0x1F600] =	vst v63  }
0xf3: {  	_ =	swait.ge [sflag:s18], $0x3C00  }
0xf4: {  	[sflag:s18] =	ssyncset.done $0x0  }
0xf5: {  	s19 =	simm.s32 $0x13E80;
	[sflag:s18] =	ssyncadd.s32 $0xFFFFC400  }
0xf6: {  	[spmem:s2] =	stream.indirect.scatter.add.f32 [tilespmem:s10], [sflag:$0xC], $0x80, s19, s29, $0xb8;
	[tilespmem:$0x1F600] =	vst v63  }
0xf7: {  	_ =	swait.ge [sflag:s20], $0x3C00  }
0xf8: {  	s19 =	rddreg [dreg:$0x4];
	[sflag:s20] =	ssyncset.done $0x0  }
0xf9: {  	[sflag:s20] =	ssyncadd.s32 $0xFFFFC400;
	s16 =	sadd.s32 s16, s19  }
0xfa: {  	[tilespmem:s25], [sflag:$0x3] =	stream.linear.gather [hbm4b:s16+s3], $0x100, $0x38;
	[tilespmem:$0x1F600] =	vst v63  }
0xfb: {  	_ =	swait.ge [sflag:s21], $0x100  }
0xfc: {  	p0 =	sne.s32 s12, $0x840;
	[sflag:s21] =	ssyncset.done $0x0  }
.Ltmp0:
0xfd: {  	[sflag:s21] =	ssyncadd.s32 $0xFFFFFF00;
	(pc) =	sbr.rel @p0 .LBB2_2-.Ltmp0, $4  }
0xfe: {  	[tilespmem:s10], [sflag:$0x9] =	stream.indirect.gather [hbm4b:s4+s29], $0x80, s6, s29, $0xb8;
	[tilespmem:$0x1F600] =	vst v63  }
0xff: {  	_ =	swait.ge [sflag:s11], $0x3C00  }
0x100: {  	[sflag:s11] =	ssyncset.done $0x0  }
0x101: {  	s12 =	sadd.s32 $0xC0, s12;
	[sflag:s11] =	ssyncadd.s32 $0xFFFFC400  }
0x102: {  	s5 =	simm.s32 $0x13F80  }
0x103: {  	[spmem:s2] =	stream.indirect.scatter.add.f32 [tilespmem:s30], [sflag:$0xA], $0x80, s5, s29, $0xb8;
	[tilespmem:$0x1F600] =	vst v63  }
0x104: {  	_ =	swait.ge [sflag:s13], $0x3C00  }
0x105: {  	[sflag:s13] =	ssyncset.done $0x0  }
0x106: {  	s12 =	rddreg [dreg:$0x17];
	[sflag:s13] =	ssyncadd.s32 $0xFFFFC400  }
0x107: {  	[tilespmem:s26], [sflag:$0x4] =	stream.linear.gather [hbm4b:s12+s3], $0x100, $0x38;
	[tilespmem:$0x1F600] =	vst v63  }
0x108: {  	_ =	swait.ge [sflag:s28], $0x100  }
0x109: {  	[sflag:s28] =	ssyncset.done $0x0  }
0x10a: {  	[sflag:s28] =	ssyncadd.s32 $0xFFFFFF00  }
0x10b: {  	[tilespmem:s30], [sflag:$0x7] =	stream.indirect.gather [hbm4b:s4+s29], $0x80, s23, s29, $0xb8;
	[tilespmem:$0x1F600] =	vst v63  }
0x10c: {  	_ =	swait.ge [sflag:s15], $0x3C00  }
0x10d: {  	[sflag:s15] =	ssyncset.done $0x0  }
0x10e: {  	s19 =	simm.s32 $0x14080;
	[sflag:s15] =	ssyncadd.s32 $0xFFFFC400  }
0x10f: {  	[spmem:s2] =	stream.indirect.scatter.add.f32 [tilespmem:s1], [sflag:$0xB], $0x80, s19, s29, $0xb8;
	[tilespmem:$0x1F600] =	vst v63  }
0x110: {  	_ =	swait.ge [sflag:s17], $0x3C00  }
0x111: {  	[sflag:s17] =	ssyncset.done $0x0  }
0x112: {  	s16 =	rddreg [dreg:$0x18];
	[sflag:s17] =	ssyncadd.s32 $0xFFFFC400  }
0x113: {  	[tilespmem:s31], [sflag:$0x5] =	stream.linear.gather [hbm4b:s16+s3], $0x100, $0x38;
	[tilespmem:$0x1F600] =	vst v63  }
0x114: {  	_ =	swait.ge [sflag:s0], $0x100  }
0x115: {  	[sflag:s0] =	ssyncset.done $0x0  }
0x116: {  	[sflag:s0] =	ssyncadd.s32 $0xFFFFFF00  }
0x117: {  	[tilespmem:s1], [sflag:$0x8] =	stream.indirect.gather [hbm4b:s4+s29], $0x80, s24, s29, $0xb8;
	[tilespmem:$0x1F600] =	vst v63  }
0x118: {  	_ =	swait.ge [sflag:s18], $0x3C00  }
0x119: {  	[sflag:s18] =	ssyncset.done $0x0  }
0x11a: {  	s16 =	simm.s32 $0x14180;
	[sflag:s18] =	ssyncadd.s32 $0xFFFFC400  }
0x11b: {  	[spmem:s2] =	stream.indirect.scatter.add.f32 [tilespmem:s10], [sflag:$0xC], $0x80, s16, s29, $0xb8;
	[tilespmem:$0x1F600] =	vst v63  }
0x11c: {  	_ =	swait.ge [sflag:s20], $0x3C00  }
0x11d: {  	[sflag:s20] =	ssyncset.done $0x0  }
0x11e: {  	s22 =	rddreg [dreg:$0x19];
	[sflag:s20] =	ssyncadd.s32 $0xFFFFC400  }
0x11f: {  	[tilespmem:s6], [sflag:$0x6] =	stream.linear.gather [hbm4b:s22+s3], $0x100, $0x38;
	[tilespmem:$0x1F600] =	vst v63  }
0x120: {  	_ =	swait.ge [sflag:s8], $0x100  }
0x121: {  	[sflag:s8] =	ssyncset.done $0x0  }
0x122: {  	[sflag:s8] =	ssyncadd.s32 $0xFFFFFF00  }
0x123: {  	[tilespmem:s10], [sflag:$0x9] =	stream.indirect.gather [hbm4b:s4+s29], $0x80, s25, s29, $0xb8;
	[tilespmem:$0x1F600] =	vst v63  }
0x124: {  	_ =	swait.ge [sflag:s11], $0x3C00  }
0x125: {  	[sflag:s11] =	ssyncset.done $0x0  }
0x126: {  	s5 =	simm.s32 $0x13C80;
	[sflag:s11] =	ssyncadd.s32 $0xFFFFC400  }
0x127: {  	[spmem:s2] =	stream.indirect.scatter.add.f32 [tilespmem:s30], [sflag:$0xA], $0x80, s5, s29, $0xb8;
	[tilespmem:$0x1F600] =	vst v63  }
0x128: {  	_ =	swait.ge [sflag:s13], $0x3C00  }
0x129: {  	[sflag:s13] =	ssyncset.done $0x0  }
0x12a: {  	[sflag:s13] =	ssyncadd.s32 $0xFFFFC400  }
0x12b: {  	_ =	swait.ge [sflag:s14], $0x100  }
0x12c: {  	[sflag:s14] =	ssyncset.done $0x0  }
0x12d: {  	[sflag:s14] =	ssyncadd.s32 $0xFFFFFF00  }
0x12e: {  	[tilespmem:s30], [sflag:$0x7] =	stream.indirect.gather [hbm4b:s4+s29], $0x80, s26, s29, $0xb8;
	[tilespmem:$0x1F600] =	vst v63  }
0x12f: {  	_ =	swait.ge [sflag:s15], $0x3C00  }
0x130: {  	[sflag:s15] =	ssyncset.done $0x0  }
0x131: {  	s9 =	simm.s32 $0x13D80;
	[sflag:s15] =	ssyncadd.s32 $0xFFFFC400  }
0x132: {  	[spmem:s2] =	stream.indirect.scatter.add.f32 [tilespmem:s1], [sflag:$0xB], $0x80, s9, s29, $0xb8;
	[tilespmem:$0x1F600] =	vst v63  }
0x133: {  	_ =	swait.ge [sflag:s17], $0x3C00  }
0x134: {  	[sflag:s17] =	ssyncset.done $0x0  }
0x135: {  	[sflag:s17] =	ssyncadd.s32 $0xFFFFC400  }
0x136: {  	_ =	swait.ge [sflag:s7], $0x100  }
0x137: {  	[sflag:s7] =	ssyncset.done $0x0  }
0x138: {  	[sflag:s7] =	ssyncadd.s32 $0xFFFFFF00  }
0x139: {  	[tilespmem:s1], [sflag:$0x8] =	stream.indirect.gather [hbm4b:s4+s29], $0x80, s31, s29, $0xb8;
	[tilespmem:$0x1F600] =	vst v63  }
0x13a: {  	_ =	swait.ge [sflag:s18], $0x3C00  }
0x13b: {  	[sflag:s18] =	ssyncset.done $0x0  }
0x13c: {  	s9 =	simm.s32 $0x13E80;
	[sflag:s18] =	ssyncadd.s32 $0xFFFFC400  }
0x13d: {  	[spmem:s2] =	stream.indirect.scatter.add.f32 [tilespmem:s10], [sflag:$0xC], $0x80, s9, s29, $0xb8;
	[tilespmem:$0x1F600] =	vst v63  }
0x13e: {  	_ =	swait.ge [sflag:s20], $0x3C00  }
0x13f: {  	[sflag:s20] =	ssyncset.done $0x0  }
0x140: {  	[sflag:s20] =	ssyncadd.s32 $0xFFFFC400  }
0x141: {  	_ =	swait.ge [sflag:s21], $0x100  }
0x142: {  	[sflag:s21] =	ssyncset.done $0x0  }
0x143: {  	[sflag:s21] =	ssyncadd.s32 $0xFFFFFF00  }
0x144: {  	[tilespmem:s10], [sflag:$0x9] =	stream.indirect.gather [hbm4b:s4+s29], $0x80, s6, s29, $0xb8;
	[tilespmem:$0x1F600] =	vst v63  }
0x145: {  	_ =	swait.ge [sflag:s11], $0x3C00  }
0x146: {  	[sflag:s11] =	ssyncset.done $0x0  }
0x147: {  	s12 =	simm.s32 $0x13F80;
	[sflag:s11] =	ssyncadd.s32 $0xFFFFC400  }
0x148: {  	[spmem:s2] =	stream.indirect.scatter.add.f32 [tilespmem:s30], [sflag:$0xA], $0x80, s12, s29, $0xb8;
	[tilespmem:$0x1F600] =	vst v63  }
0x149: {  	_ =	swait.ge [sflag:s15], $0x3C00  }
0x14a: {  	[sflag:s15] =	ssyncset.done $0x0  }
0x14b: {  	[sflag:s15] =	ssyncadd.s32 $0xFFFFC400  }
0x14c: {  	[spmem:s2] =	stream.indirect.scatter.add.f32 [tilespmem:s1], [sflag:$0xB], $0x80, s19, s29, $0xb8;
	[tilespmem:$0x1F600] =	vst v63  }
0x14d: {  	_ =	swait.ge [sflag:s18], $0x3C00  }
0x14e: {  	[sflag:s18] =	ssyncset.done $0x0  }
0x14f: {  	[sflag:s18] =	ssyncadd.s32 $0xFFFFC400  }
0x150: {  	[spmem:s2] =	stream.indirect.scatter.add.f32 [tilespmem:s10], [sflag:$0xC], $0x80, s16, s29, $0xb8;
	[tilespmem:$0x1F600] =	vst v63  }
0x151: {  	_ =	swait.ge [sflag:s13], $0x3C00  }
0x152: {  	[sflag:s13] =	ssyncset.done $0x0  }
0x153: {  	[sflag:s13] =	ssyncadd.s32 $0xFFFFC400  }
0x154: {  	_ =	swait.ge [sflag:s17], $0x3C00  }
0x155: {  	[sflag:s17] =	ssyncset.done $0x0  }
0x156: {  	[sflag:s17] =	ssyncadd.s32 $0xFFFFC400  }
0x157: {  	_ =	swait.ge [sflag:s20], $0x3C00  }
0x158: {  	[sflag:s20] =	ssyncset.done $0x0  }
0x159: {  	[sflag:s20] =	ssyncadd.s32 $0xFFFFC400  }
0x15a: {  	[bflag:$0x0] =	sbarrier.arrive $0xFFFF  }
0x15b: {  	s19 =	rddreg [dreg:$0xc]  }
0x15c: {  	s16 =	rddreg [dreg:$0x1a]  }
0x15d: {  	s12 =	sor.u32 $0x1C0E, s19;
	s19 =	rddreg [dreg:$0x1d]  }
0x15e: {  	[hbm:s16], [sflag:s12] =	dma.local [spmem:s19], $0x2780  }
0x15f: {  	s16 =	simm.s32 $0xE  }
0x160: {  	_ =	swait.ge [sflag:s16], $0x2780  }
0x161: {  	s12 =	rddreg [dreg:$0x1c]  }
0x162: {  	s19 =	sadd.s32 $0x1, s12;
	s12 =	rddreg [dreg:$0x1b]  }
0x163: {  	p0 =	sne.s32 s19, s12  }
.Ltmp1:
0x164: {  	_ = 	snop;
	(pc) =	sbr.rel @p0 .LBB2_1-.Ltmp1, $3  }
0x165: {  	_ =	sdelay $0x1  }
0x166: {  	s22 =	simm.s32 $0x13F80;
	[sflag:s16] =	ssyncset.done $0x0  }
0x167: {  	s5 =	simm.s32 $0x14180;
	s9 =	simm.s32 $0x14080;
	[sflag:s16] =	ssyncadd.s32 $0xFFFFD880  }
0x168: {  	_ =	sfence.sel $0x180000  }
0x169: {  	[bflag:$0x0] =	sbarrier.arrive $0xFFFF  }
0x16a: {  	_ =	strace $0x90000047  }
0x16b: {  	s0 =	stileid.u32;
	[bflag:$0x2] =	sbarrier.arrive $0xFFFF  }
0x16c: {  	p0 =	sne.s32 s0, $0x0;
	s0 =	rddreg [dreg:$0x3]  }
0x16d: {  	s0 =	sadd.s32 @!p0 $0x100000, s0  }
0x16e: {  	[sflag:s0] =	ssyncadd.tile.s32 @!p0 $0x1;
	_ =	shalt  }
.Lfunc_end2:
_tile_overlayer_lowered:
.L_overlay_start_2:
0x16f: {  	(tag) =	ssettag $0x2  }
0x170: {  	s0 =	rddreg [dreg:$0x0];
	s2 =	stileid.u32  }
0x171: {  	s1 =	rddreg [dreg:$0x1];
	p0 =	sne.s32 s2, $0x0  }
0x172: {  	s3 =	rddreg [dreg:$0x2];
	[bflag:$0x3] =	sbarrier.arrive $0xFFFF;
	s2 =	simm.s32 @!p0 $0x1C0E  }
0x173: {  	[timem:s3], [sflag:s2] =	dma.local @!p0 [hbm:s0], s1  }
0x174: {  	s0 =	simm.s32 @!p0 $0xE  }
0x175: {  	_ =	swait.ge @!p0 [sflag:s0], s1  }
0x176: {  	s1 =	ssub.s32 @!p0 $0x0, s1;
	[sflag:s0] =	ssyncset.done @!p0 $0x0  }
0x177: {  	[sflag:s0] =	ssyncadd.s32 @!p0 s1  }
0x178: {  	[bflag:$0x3] =	sbarrier.arrive $0xFFFF  }
0x179: {  	_ =	shalt  }

// kernel: kernel.9.cloned.1.call-start
scs
__scs_entry_jumppad:
0x0: {  	(pc) =	sbr.rel $0x88, $3  }
0x1: {  	(tag) =	ssettag $0x0;
	lr =	simm.s32 $0x1  }
0x2: {  	[smem:$0x3F95] =	sst lr;
	_ =	strace $0xD0000000  }
0x3: {  	_ = 	snop  }
0x4: {  	_ = 	snop  }
0x5: {  	_ = 	snop  }
0x6: {  	_ = 	snop  }
0x7: {  	_ = 	snop  }
__scs_overlays_trampoline_lowered:
0x8: {  	[smem:$0x3FA4] =	sst s0  }
0x9: {  	[smem:$0x3FA5] =	sst s1  }
0xa: {  	[smem:$0x3FA6] =	sst s2  }
0xb: {  	[smem:$0x3FA7] =	sst s3  }
0xc: {  	[smem:$0x3FA8] =	sst s4  }
0xd: {  	[smem:$0x3FA9] =	sst s5  }
0xe: {  	[smem:$0x3FAA] =	sst s6  }
0xf: {  	[smem:$0x3FAB] =	sst s7  }
0x10: {  	[smem:$0x3FAC] =	sst s8  }
0x11: {  	[smem:$0x3FAD] =	sst s9;
	s0 =	simm.s32 @!p0 $0x0  }
0x12: {  	s1 =	sld [smem:$0x3F93];
	s0 =	simm.s32 @p0 $0x1  }
0x13: {  	[smem:$0x3FAE] =	sst s0;
	s0 =	simm.s32 @!p1 $0x0  }
0x14: {  	s2 =	sld [smem:$0x3F92];
	s0 =	simm.s32 @p1 $0x1  }
0x15: {  	[smem:$0x3FAF] =	sst s0;
	s0 =	simm.s32 @!p2 $0x0  }
0x16: {  	s3 =	sld [smem:$0x3FDB];
	s0 =	simm.s32 @p2 $0x1  }
0x17: {  	s4 =	simm.s32 $0x1BF5;
	[smem:$0x3FB1] =	sst s0  }
0x18: {  	s0 =	sld [smem:$0x3F94];
	_ =	swait.ge [sflag:s4], $0x0  }
0x19: {  	s7 =	sld [smem:$0x3F95]  }
0x1a: {  	s8 =	sadd.s32 $0xFFFFE003, lr  }
0x1b: {  	s9 =	sadd.s32 $0xFFFFFEF7, lr;
	s5 =	simm.s32 $0xFFFFFFFF;
	p2 =	slt.u32 s8, $0xFFFFF086  }
0x1c: {  	p1 =	slt.u32 s9, $0xF7A;
	s5 =	simm.s32 @!p2 $0x0  }
0x1d: {  	s5 =	simm.s32 @p1 $0x1;
	p0 =	seq.s32 s7, s2  }
0x1e: {  	s7 =	smul.u32 @!p0 $0xF7A, s2;
	p2 =	seq.s32 @!p0 s5, $0x0  }
0x1f: {  	s9 =	smul.u32 $0xF7A, s1;
	s8 =	simm.s32 @!p0 $0x1BF5;
	p2 =	por !p2, p0  }
0x20: {  	[sflag:s8] =	ssyncset.s32 @!p0 $0xFFFFF086;
	s6 =	sadd.s32 @!p0 s3, s7;
	s7 =	simm.s32 @!p0 $0x108  }
0x21: {  	s3 =	sadd.s32 s3, s9;
	s6 =	sadd.s32 @!p0 $0x88, s6;
	s7 =	simm.s32 @p2 $0x1082  }
0x22: {  	[simem:s7], [sflag:s8] =	dma.local @!p0 [hbm:s6], $0xF7A  }
0x23: {  	s9 =	sor.u32 $0xD0000000, s2;
	s6 =	simm.s32 $0x108;
	_ =	swait.ge @!p0 [sflag:s8], $0x0  }
0x24: {  	s3 =	sadd.s32 $0x88, s3;
	s6 =	simm.s32 @!p1 $0x1082;
	[sflag:s4] =	ssyncset.s32 $0xFFFFF086  }
0x25: {  	[simem:s6], [sflag:s4] =	dma.local [hbm:s3], $0xF7A  }
0x26: {  	[smem:$0x3F95] =	sst s1;
	(tag) =	ssettag s2;
	_ =	strace s9  }
0x27: {  	s1 =	sld [smem:$0x3FA5]  }
0x28: {  	s2 =	sld [smem:$0x3FA6]  }
0x29: {  	s4 =	sld [smem:$0x3FA8]  }
0x2a: {  	p0 =	seq.s32 s5, $0x0;
	s5 =	sld [smem:$0x3FA9]  }
0x2b: {  	s6 =	sld [smem:$0x3FAA]  }
0x2c: {  	s7 =	sld [smem:$0x3FAB]  }
0x2d: {  	s3 =	simm.s32 $0x108;
	s8 =	sld [smem:$0x3FAC]  }
0x2e: {  	s3 =	simm.s32 @!p0 $0x1082;
	s9 =	sld [smem:$0x3FAD]  }
0x2f: {  	lr =	sadd.s32 s0, s3;
	s0 =	sld [smem:$0x3FA4]  }
0x30: {  	s3 =	sld [smem:$0x3FA7]  }
0x31: {  	[smem:$0x3FB0] =	sst s10  }
0x32: {  	s10 =	sld [smem:$0x3FAE];
	_ =	sdelay $0x3  }
0x33: {  	p0 =	seq.s32 s10, $0x1;
	s10 =	sld [smem:$0x3FB0];
	_ =	sdelay $0x3  }
0x34: {  	[smem:$0x3FB0] =	sst s10  }
0x35: {  	s10 =	sld [smem:$0x3FAF];
	_ =	sdelay $0x3  }
0x36: {  	p1 =	seq.s32 s10, $0x1;
	s10 =	sld [smem:$0x3FB0];
	_ =	sdelay $0x3  }
0x37: {  	[smem:$0x3FB0] =	sst s10  }
0x38: {  	s10 =	sld [smem:$0x3FB1]  }
0x39: {  	_ = 	snop;
	(pc) =	sbr.ind lr, $3  }
0x3a: {  	_ = 	snop  }
0x3b: {  	_ = 	snop  }
0x3c: {  	p2 =	seq.s32 s10, $0x1;
	s10 =	sld [smem:$0x3FB0]  }
0x3d: {  	_ =	shalt  }
0x3e: {  	_ =	shalt  }
0x3f: {  	_ =	shalt  }
0x40: {  	_ =	shalt  }
0x41: {  	_ =	shalt  }
0x42: {  	_ =	shalt  }
0x43: {  	_ =	shalt  }
0x44: {  	_ =	shalt  }
0x45: {  	_ =	shalt  }
0x46: {  	_ =	shalt  }
0x47: {  	_ =	shalt  }
0x48: {  	_ =	shalt  }
0x49: {  	_ =	shalt  }
0x4a: {  	_ =	shalt  }
0x4b: {  	_ =	shalt  }
0x4c: {  	_ =	shalt  }
0x4d: {  	_ =	shalt  }
0x4e: {  	_ =	shalt  }
0x4f: {  	_ =	shalt  }
0x50: {  	_ =	shalt  }
0x51: {  	_ =	shalt  }
0x52: {  	_ =	shalt  }
0x53: {  	_ =	shalt  }
0x54: {  	_ =	shalt  }
0x55: {  	_ =	shalt  }
0x56: {  	_ =	shalt  }
0x57: {  	_ =	shalt  }
0x58: {  	_ =	shalt  }
0x59: {  	_ =	shalt  }
0x5a: {  	_ =	shalt  }
0x5b: {  	_ =	shalt  }
0x5c: {  	_ =	shalt  }
0x5d: {  	_ =	shalt  }
0x5e: {  	_ =	shalt  }
0x5f: {  	_ =	shalt  }
0x60: {  	_ =	shalt  }
0x61: {  	_ =	shalt  }
0x62: {  	_ =	shalt  }
0x63: {  	_ =	shalt  }
0x64: {  	_ =	shalt  }
0x65: {  	_ =	shalt  }
0x66: {  	_ =	shalt  }
0x67: {  	_ =	shalt  }
0x68: {  	_ =	shalt  }
0x69: {  	_ =	shalt  }
0x6a: {  	_ =	shalt  }
0x6b: {  	_ =	shalt  }
0x6c: {  	_ =	shalt  }
0x6d: {  	_ =	shalt  }
0x6e: {  	_ =	shalt  }
0x6f: {  	_ =	shalt  }
0x70: {  	_ =	shalt  }
0x71: {  	_ =	shalt  }
0x72: {  	_ =	shalt  }
0x73: {  	_ =	shalt  }
0x74: {  	_ =	shalt  }
0x75: {  	_ =	shalt  }
0x76: {  	_ =	shalt  }
0x77: {  	_ =	shalt  }
0x78: {  	_ =	shalt  }
0x79: {  	_ =	shalt  }
0x7a: {  	_ =	shalt  }
0x7b: {  	_ =	shalt  }
0x7c: {  	_ =	shalt  }
0x7d: {  	_ =	shalt  }
0x7e: {  	_ =	shalt  }
0x7f: {  	_ =	shalt  }
0x80: {  	_ =	shalt  }
0x81: {  	_ =	shalt  }
0x82: {  	_ =	shalt  }
0x83: {  	_ =	shalt  }
0x84: {  	_ =	shalt  }
0x85: {  	_ =	shalt  }
0x86: {  	_ =	shalt  }
0x87: {  	_ =	shalt  }
.Lfunc_end0:
.L_simem_size_0:
called_computation.1_lowered:
.L_overlay_start_0:
0x88: {  	s2 =	sld [smem:$0x3FD9]  }
0x89: {  	s3 =	sld [smem:$0x3FFE];
	_ =	sdelay $0x1  }
0x8a: {  	s1 =	srdreg.scid  }
0x8b: {  	s0 =	sand.u32 $0x1, s1  }
0x8c: {  	s17 =	sshll.u32 s0, $0xA;
	s2 =	sadd.s32 s3, s2  }
0x8d: {  	s2 =	sadd.s32 s2, s17  }
0x8e: {  	[smem:$0x3FBC] =	sst s2  }
0x8f: {  	_ = 	snop  }
0x90: {  	s2 =	sld [smem:$0x3FD0];
	(tm) =	ssettm $0x1  }
0x91: {  	s18 =	sld [smem:$0x3FFB];
	_ =	sdelay $0x3  }
0x92: {  	_ =	strace s18  }
0x93: {  	s3 =	sld [smem:$0x3FFC];
	_ =	sdelay $0x3  }
0x94: {  	_ =	strace s3  }
0x95: {  	s3 =	sld [smem:$0x3FFD];
	_ =	sdelay $0x3  }
0x96: {  	_ =	strace s3  }
0x97: {  	_ =	strace $0x8FFFFFFF  }
0x98: {  	s19 =	sld [smem:$0x3FDB];
	_ =	sdelay $0x1  }
0x99: {  	s4 =	simm.s32 $_scs_section_size  }
0x9a: {  	s5 =	simm.s32 $_size__tile_overlayer_lowered;
	s6 =	simm.s32 $_tile_overlayer_lowered  }
0x9b: {  	s22 =	simm.s32 $0x1BFF;
	s21 =	sshll.u32 s6, $0x1;
	s3 =	sadd.s32 s4, s19  }
0x9c: {  	s7 =	simm.s32 $0x0;
	s20 =	sshll.u32 s5, $0x1;
	s5 =	sadd.s32 s21, s3  }
0x9d: {  	[timem:s7], [sflag:s22] =	dma.local [hbm:s5], s20  }
0x9e: {  	_ =	swait.ge [sflag:s22], s20  }
0x9f: {  	s4 =	ssub.s32 $0x0, s20;
	[sflag:s22] =	ssyncset.done $0x0  }
0xa0: {  	[sflag:s22] =	ssyncadd.s32 s4;
	_ =	sdelay $0x1  }
0xa1: {  	s23 =	simm.s32 $0x1B8B  }
0xa2: {  	_ =	swait.ge [sflag:s23], $0x1  }
0xa3: {  	[sflag:s23] =	ssyncset.done $0x0  }
0xa4: {  	s25 =	simm.s32 $0x1B8E;
	s24 =	sld [smem:$0x3FFE];
	[sflag:s23] =	ssyncadd.s32 $0xFFFFFFFF  }
0xa5: {  	s26 =	simm.s32 $execute0_lowered;
	[smem:$0x3FD2] =	sst s25  }
0xa6: {  	s5 =	sshll.u32 s26, $0x1;
	_ =	strace $0x80000049;
	[dreg:$0x1] =	wrdreg $0xFFFFFFFF  }
0xa7: {  	s28 =	simm.s32 $_size_execute0_lowered;
	s3 =	sadd.s32 s3, s5;
	[dreg:$0x0] =	wrdreg $0x0  }
0xa8: {  	s5 =	sshll.u32 s28, $0x1;
	[dreg:$0x2] =	wrdreg s3  }
0xa9: {  	[dreg:$0x3] =	wrdreg s5  }
0xaa: {  	[dreg:$0x4] =	wrdreg $0xC0  }
0xab: {  	_ =	task [dreg:s7], $0x5FFFF  }
0xac: {  	[dreg:$0x1] =	wrdreg $0xFFFFFFFF  }
0xad: {  	[dreg:$0x0] =	wrdreg $0x60  }
0xae: {  	[dreg:$0x2] =	wrdreg s24  }
0xaf: {  	[dreg:$0x3] =	wrdreg s2  }
0xb0: {  	[dreg:$0x4] =	wrdreg $0x0  }
0xb1: {  	[dreg:$0x5] =	wrdreg $0x9  }
0xb2: {  	_ =	task.clear_ibuf [dreg:s7], $0x6FFFF;
	_ =	strace $0x90000049  }
0xb3: {  	s29 =	simm.s32 $0x9;
	_ =	strace $0x8000004B  }
0xb4: {  	_ =	swait.ge [sflag:s29], $0x1  }
0xb5: {  	[sflag:s29] =	ssyncadd.s32 $0xFFFFFFFF  }
0xb6: {  	_ =	strace $0x9000004B  }
0xb7: {  	_ =	sfence  }
0xb8: {  	s30 =	sld [smem:$0x0];
	_ =	sdelay $0x2  }
0xb9: {  	s31 =	sshll.u32 s1, $0xD;
	s1 =	sshrl.u32 s1, $0x2  }
0xba: {  	s3 =	sand.u32 $0x4000, s31;
	s1 =	sadd.s32 s1, s30  }
0xbb: {  	s0 =	sor.u32 s3, s0;
	s1 =	sshll.u32 s1, $0x11  }
0xbc: {  	s0 =	sor.u32 s1, s0  }
0xbd: {  	s0 =	sadd.s32 $0x8F2B, s0  }
0xbe: {  	[sflag:s0] =	ssyncadd.remote.s32 $0x1  }
0xbf: {  	_ =	sfence.sel $0xFFFF  }
0xc0: {  	[dreg:$0x0] =	wrdreg $0xFFFFFFFF;
	(pc) =	sbr.abs _section_cstart, $3  }
0xc1: {  	[dreg:$0x1] =	wrdreg $0xFFFFFFFF  }
0xc2: {  	_ =	task.clear_ibuf [dreg:s7], $0x2FFFF;
	_ =	strace $0x9FFFFFFF  }
0xc3: {  	(tm) =	ssettm $0x7FFFFFFF  }
tec
execute0_lowered:
.L_overlay_start_1:
0x0: {  	(tag) =	ssettag $0x1  }
0x1: {  	s1 =	rddreg [dreg:$0x0]  }
0x2: {  	s0 =	rddreg [dreg:$0x1]  }
0x3: {  	s2 =	rddreg [dreg:$0x2];
	s11 =	stileid.u32  }
0x4: {  	s4 =	srdreg.scid;
	s3 =	simm.s32 $0x0;
	s28 =	simm.s32 $0x1  }
0x5: {  	s29 =	simm.s32 $0x78;
	s30 =	simm.s32 $0x14200;
	s5 =	smul.u32 $0x13C00, s11  }
0x6: {  	s31 =	simm.s32 $0x14000;
	s6 =	sand.u32 $0x1, s4;
	s17 =	smul.u32 $0x4F000, s11  }
0x7: {  	[smem:$0x7FF] =	sst s3;
	s4 =	sadd.s32 $0x2A00, s1;
	s22 =	smul.u32 $0xA800, s11  }
0x8: {  	s9 =	sshll.u32 s11, $0x1;
	s20 =	sshll.u32 s11, $0x6;
	s7 =	smul.u32 $0x13C000, s6  }
0x9: {  	_ =	strace $0x8000004A;
	s18 =	ssub.s32 $0x2, s6;
	s9 =	sor.u32 s6, s9  }
0xa: {  	[dreg:$0xc] =	wrdreg s20;
	s23 =	sor.u32 $0x1C0D, s20;
	s6 =	smul.u32 $0x5400, s6  }
0xb: {  	s8 =	sshrl.u32 s5, $0x3;
	s10 =	sshrl.u32 s18, $0x1;
	s9 =	smul.u32 $0x5400, s9  }
0xc: {  	[dreg:$0xd] =	wrdreg s23;
	s8 =	sadd.s32 s8, s1;
	s5 =	sadd.s32 s5, s7  }
0xd: {  	s7 =	sshrl.u32 s17, $0x2;
	s6 =	sadd.s32 s6, s22;
	s5 =	sshrl.u32 s5, $0x3  }
0xe: {  	s7 =	sadd.s32 s7, s2;
	s19 =	sadd.s32 $0x2A200, s8;
	s21 =	sshrl.u32 s9, $0x3  }
0xf: {  	s13 =	sadd.s32 $0xE00, s6;
	s15 =	sadd.s32 $0xD00, s6;
	s20 =	sadd.s32 $0xB00, s6  }
0x10: {  	s23 =	sadd.s32 $0xA00, s6;
	s1 =	sadd.s32 s5, s1;
	[dreg:$0xa] =	wrdreg s7  }
0x11: {  	s5 =	ssub.s32 s18, s10;
	[dreg:$0xb] =	wrdreg s19;
	s9 =	sadd.s32 s0, s21  }
0x12: {  	s8 =	sshrl.u32 s15, $0x3;
	s7 =	sadd.s32 $0x20, s9;
	[dreg:$0xe] =	wrdreg s9  }
0x13: {  	s18 =	sadd.s32 $0xC00, s6;
	s24 =	sadd.s32 $0x40, s9;
	[dreg:$0xf] =	wrdreg s7  }
0x14: {  	s6 =	sadd.s32 $0x900, s6;
	s25 =	sadd.s32 $0x60, s9;
	[dreg:$0x10] =	wrdreg s24  }
0x15: {  	s15 =	simm.s32 $0x8;
	s26 =	sadd.s32 $0x80, s9;
	[dreg:$0x11] =	wrdreg s25  }
0x16: {  	s10 =	sadd.s32 $0xA0, s9;
	s11 =	sadd.s32 $0xC0, s9;
	[dreg:$0x12] =	wrdreg s26  }
0x17: {  	s12 =	sadd.s32 $0xE0, s9;
	s14 =	sadd.s32 $0x100, s9;
	[dreg:$0x13] =	wrdreg s10  }
0x18: {  	s16 =	sadd.s32 $0xA20, s9;
	s17 =	sadd.s32 s8, s0;
	[dreg:$0x14] =	wrdreg s11  }
0x19: {  	s19 =	sshrl.u32 s18, $0x3;
	s21 =	sadd.s32 $0xA40, s9;
	[dreg:$0x15] =	wrdreg s12  }
0x1a: {  	s8 =	sshrl.u32 s20, $0x3;
	s6 =	sshrl.u32 s6, $0x3;
	[dreg:$0x16] =	wrdreg s14  }
0x1b: {  	s1 =	sadd.s32 $0x51A00, s1;
	s18 =	simm.s32 $0x9;
	[dreg:$0x17] =	wrdreg s16  }
0x1c: {  	s20 =	simm.s32 $0xC;
	s7 =	sshrl.u32 s13, $0x3;
	[dreg:$0x5] =	wrdreg s17  }
0x1d: {  	[dreg:$0x18] =	wrdreg s21;
	s22 =	sadd.s32 s8, s0;
	s24 =	sshrl.u32 s23, $0x3  }
0x1e: {  	s25 =	sadd.s32 $0xA60, s9;
	[dreg:$0x1a] =	wrdreg s1;
	s26 =	smax.u32 s5, $0x1  }
0x1f: {  	s23 =	simm.s32 $0x13C00;
	s1 =	simm.s32 $0x17E00;
	s8 =	simm.s32 $0x3  }
0x20: {  	s10 =	simm.s32 $0x1BA00;
	s11 =	simm.s32 $0x7;
	s13 =	simm.s32 $0xA  }
0x21: {  	s14 =	simm.s32 $0x4;
	s17 =	simm.s32 $0xB;
	[dreg:$0x7] =	wrdreg s22  }
0x22: {  	s21 =	simm.s32 $0x6;
	s9 =	simm.s32 $0x14080;
	[dreg:$0x19] =	wrdreg s25  }
0x23: {  	s5 =	simm.s32 $0x14180;
	s7 =	sadd.s32 s7, s0;
	[dreg:$0x1b] =	wrdreg s26  }
0x24: {  	s25 =	simm.s32 $0x13E00;
	s26 =	simm.s32 $0x13F00;
	s22 =	simm.s32 $0x13F80  }
0x25: {  	[dreg:$0x4] =	wrdreg s7;
	s7 =	sadd.s32 s19, s0;
	s19 =	simm.s32 $0x0  }
0x26: {  	[dreg:$0x6] =	wrdreg s7;
	s7 =	sadd.s32 s24, s0;
	s0 =	sadd.s32 s6, s0  }
0x27: {  	s24 =	simm.s32 $0x13D00;
	s6 =	simm.s32 $0x14100;
	[dreg:$0x8] =	wrdreg s7  }
0x28: {  	[dreg:$0x9] =	wrdreg s0;
	s0 =	simm.s32 $0x2;
	s7 =	simm.s32 $0x5  }
.LBB2_1:
0x29: {  	[dreg:$0x1c] =	wrdreg s19  }
0x2a: {  	s12 =	rddreg [dreg:$0xa]  }
0x2b: {  	s16 =	rddreg [dreg:$0xd]  }
0x2c: {  	s19 =	sshrl.u32 s12, $0x3;
	s12 =	rddreg [dreg:$0xb]  }
0x2d: {  	[dreg:$0x1d] =	wrdreg s19  }
0x2e: {  	[spmem:s19], [sflag:s16] =	dma.local [hbm:s12], $0x2780  }
0x2f: {  	s12 =	rddreg [dreg:$0xe]  }
0x30: {  	[tilespmem:s23], [sflag:$0x1] =	stream.linear.gather [hbm4b:s12+s3], $0x100, $0x38;
	[tilespmem:$0x1F600] =	vst v63  }
0x31: {  	s19 =	rddreg [dreg:$0xf]  }
0x32: {  	[tilespmem:s24], [sflag:$0x2] =	stream.linear.gather [hbm4b:s19+s3], $0x100, $0x38;
	[tilespmem:$0x1F600] =	vst v63  }
0x33: {  	s16 =	rddreg [dreg:$0x10]  }
0x34: {  	[tilespmem:s25], [sflag:$0x3] =	stream.linear.gather [hbm4b:s16+s3], $0x100, $0x38;
	[tilespmem:$0x1F600] =	vst v63  }
0x35: {  	s19 =	rddreg [dreg:$0x11]  }
0x36: {  	[tilespmem:s26], [sflag:$0x4] =	stream.linear.gather [hbm4b:s19+s3], $0x100, $0x38;
	[tilespmem:$0x1F600] =	vst v63  }
0x37: {  	_ =	swait.ge [sflag:s28], $0x100  }
0x38: {  	[sflag:s28] =	ssyncset.done $0x0  }
0x39: {  	[sflag:s28] =	ssyncadd.s32 $0xFFFFFF00  }
0x3a: {  	[tilespmem:s30], [sflag:$0x7] =	stream.indirect.gather [hbm4b:s4+s29], $0x80, s23, s29, $0xb8;
	[tilespmem:$0x1F600] =	vst v63  }
0x3b: {  	s16 =	rddreg [dreg:$0x12]  }
0x3c: {  	[tilespmem:s31], [sflag:$0x5] =	stream.linear.gather [hbm4b:s16+s3], $0x100, $0x38;
	[tilespmem:$0x1F600] =	vst v63  }
0x3d: {  	_ =	swait.ge [sflag:s0], $0x100  }
0x3e: {  	[sflag:s0] =	ssyncset.done $0x0  }
0x3f: {  	s19 =	simm.s32 $0xD;
	[sflag:s0] =	ssyncadd.s32 $0xFFFFFF00  }
0x40: {  	[tilespmem:s1], [sflag:$0x8] =	stream.indirect.gather [hbm4b:s4+s29], $0x80, s24, s29, $0xb8;
	[tilespmem:$0x1F600] =	vst v63  }
0x41: {  	_ =	swait.ge [sflag:s19], $0x2780  }
0x42: {  	[sflag:s19] =	ssyncset.done $0x0  }
0x43: {  	[sflag:s19] =	ssyncadd.s32 $0xFFFFD880  }
0x44: {  	[bflag:$0x0] =	sbarrier.arrive $0xFFFF  }
0x45: {  	s16 =	rddreg [dreg:$0x13]  }
0x46: {  	[tilespmem:s6], [sflag:$0x6] =	stream.linear.gather [hbm4b:s16+s3], $0x100, $0x38;
	[tilespmem:$0x1F600] =	vst v63  }
0x47: {  	_ =	swait.ge [sflag:s8], $0x100  }
0x48: {  	[sflag:s8] =	ssyncset.done $0x0  }
0x49: {  	[sflag:s8] =	ssyncadd.s32 $0xFFFFFF00  }
0x4a: {  	[tilespmem:s10], [sflag:$0x9] =	stream.indirect.gather [hbm4b:s4+s29], $0x80, s25, s29, $0xb8;
	[tilespmem:$0x1F600] =	vst v63  }
0x4b: {  	_ =	swait.ge [sflag:s11], $0x3C00  }
0x4c: {  	[sflag:s11] =	ssyncset.done $0x0  }
0x4d: {  	s16 =	simm.s32 $0x13C80;
	[sflag:s11] =	ssyncadd.s32 $0xFFFFC400  }
0x4e: {  	[spmem:s2] =	stream.indirect.scatter.add.f32 [tilespmem:s30], [sflag:$0xA], $0x80, s16, s29, $0xb8;
	[tilespmem:$0x1F600] =	vst v63  }
0x4f: {  	_ =	swait.ge [sflag:s13], $0x3C00  }
0x50: {  	[sflag:s13] =	ssyncset.done $0x0  }
0x51: {  	s19 =	rddreg [dreg:$0x14];
	[sflag:s13] =	ssyncadd.s32 $0xFFFFC400  }
0x52: {  	[tilespmem:s23], [sflag:$0x1] =	stream.linear.gather [hbm4b:s19+s3], $0x100, $0x38;
	[tilespmem:$0x1F600] =	vst v63  }
0x53: {  	_ =	swait.ge [sflag:s14], $0x100  }
0x54: {  	[sflag:s14] =	ssyncset.done $0x0  }
0x55: {  	[sflag:s14] =	ssyncadd.s32 $0xFFFFFF00  }
0x56: {  	[tilespmem:s30], [sflag:$0x7] =	stream.indirect.gather [hbm4b:s4+s29], $0x80, s26, s29, $0xb8;
	[tilespmem:$0x1F600] =	vst v63  }
0x57: {  	_ =	swait.ge [sflag:s15], $0x3C00  }
0x58: {  	[sflag:s15] =	ssyncset.done $0x0  }
0x59: {  	s19 =	simm.s32 $0x13D80;
	[sflag:s15] =	ssyncadd.s32 $0xFFFFC400  }
0x5a: {  	[spmem:s2] =	stream.indirect.scatter.add.f32 [tilespmem:s1], [sflag:$0xB], $0x80, s19, s29, $0xb8;
	[tilespmem:$0x1F600] =	vst v63  }
0x5b: {  	_ =	swait.ge [sflag:s17], $0x3C00  }
0x5c: {  	[sflag:s17] =	ssyncset.done $0x0  }
0x5d: {  	s12 =	rddreg [dreg:$0x15];
	[sflag:s17] =	ssyncadd.s32 $0xFFFFC400  }
0x5e: {  	[tilespmem:s24], [sflag:$0x2] =	stream.linear.gather [hbm4b:s12+s3], $0x100, $0x38;
	[tilespmem:$0x1F600] =	vst v63  }
0x5f: {  	_ =	swait.ge [sflag:s7], $0x100  }
0x60: {  	[sflag:s7] =	ssyncset.done $0x0  }
0x61: {  	[sflag:s7] =	ssyncadd.s32 $0xFFFFFF00  }
0x62: {  	[tilespmem:s1], [sflag:$0x8] =	stream.indirect.gather [hbm4b:s4+s29], $0x80, s31, s29, $0xb8;
	[tilespmem:$0x1F600] =	vst v63  }
0x63: {  	_ =	swait.ge [sflag:s18], $0x3C00  }
0x64: {  	[sflag:s18] =	ssyncset.done $0x0  }
0x65: {  	s12 =	simm.s32 $0x13E80;
	[sflag:s18] =	ssyncadd.s32 $0xFFFFC400  }
0x66: {  	[spmem:s2] =	stream.indirect.scatter.add.f32 [tilespmem:s10], [sflag:$0xC], $0x80, s12, s29, $0xb8;
	[tilespmem:$0x1F600] =	vst v63  }
0x67: {  	_ =	swait.ge [sflag:s20], $0x3C00  }
0x68: {  	[sflag:s20] =	ssyncset.done $0x0  }
0x69: {  	s12 =	rddreg [dreg:$0x16];
	[sflag:s20] =	ssyncadd.s32 $0xFFFFC400  }
0x6a: {  	[tilespmem:s25], [sflag:$0x3] =	stream.linear.gather [hbm4b:s12+s3], $0x100, $0x38;
	[tilespmem:$0x1F600] =	vst v63  }
0x6b: {  	_ =	swait.ge [sflag:s21], $0x100  }
0x6c: {  	[sflag:s21] =	ssyncset.done $0x0  }
0x6d: {  	[sflag:s21] =	ssyncadd.s32 $0xFFFFFF00  }
0x6e: {  	[tilespmem:s10], [sflag:$0x9] =	stream.indirect.gather [hbm4b:s4+s29], $0x80, s6, s29, $0xb8;
	[tilespmem:$0x1F600] =	vst v63  }
0x6f: {  	_ =	swait.ge [sflag:s11], $0x3C00  }
0x70: {  	[sflag:s11] =	ssyncset.done $0x0  }
0x71: {  	[sflag:s11] =	ssyncadd.s32 $0xFFFFC400  }
0x72: {  	[spmem:s2] =	stream.indirect.scatter.add.f32 [tilespmem:s30], [sflag:$0xA], $0x80, s22, s29, $0xb8;
	[tilespmem:$0x1F600] =	vst v63  }
0x73: {  	_ =	swait.ge [sflag:s13], $0x3C00  }
0x74: {  	s12 =	rddreg [dreg:$0x9];
	[sflag:s13] =	ssyncset.done $0x0  }
0x75: {  	[sflag:s13] =	ssyncadd.s32 $0xFFFFC400;
	s12 =	sadd.s32 $0x0, s12  }
0x76: {  	[tilespmem:s26], [sflag:$0x4] =	stream.linear.gather [hbm4b:s12+s3], $0x100, $0x38;
	[tilespmem:$0x1F600] =	vst v63  }
0x77: {  	_ =	swait.ge [sflag:s28], $0x100  }
0x78: {  	[sflag:s28] =	ssyncset.done $0x0  }
0x79: {  	[sflag:s28] =	ssyncadd.s32 $0xFFFFFF00  }
0x7a: {  	[tilespmem:s30], [sflag:$0x7] =	stream.indirect.gather [hbm4b:s4+s29], $0x80, s23, s29, $0xb8;
	[tilespmem:$0x1F600] =	vst v63  }
0x7b: {  	_ =	swait.ge [sflag:s15], $0x3C00  }
0x7c: {  	[sflag:s15] =	ssyncset.done $0x0  }
0x7d: {  	[sflag:s15] =	ssyncadd.s32 $0xFFFFC400  }
0x7e: {  	[spmem:s2] =	stream.indirect.scatter.add.f32 [tilespmem:s1], [sflag:$0xB], $0x80, s9, s29, $0xb8;
	[tilespmem:$0x1F600] =	vst v63  }
0x7f: {  	_ =	swait.ge [sflag:s17], $0x3C00  }
0x80: {  	s12 =	rddreg [dreg:$0x8];
	[sflag:s17] =	ssyncset.done $0x0  }
0x81: {  	[sflag:s17] =	ssyncadd.s32 $0xFFFFC400;
	s12 =	sadd.s32 $0x0, s12  }
0x82: {  	[tilespmem:s31], [sflag:$0x5] =	stream.linear.gather [hbm4b:s12+s3], $0x100, $0x38;
	[tilespmem:$0x1F600] =	vst v63  }
0x83: {  	_ =	swait.ge [sflag:s0], $0x100  }
0x84: {  	[sflag:s0] =	ssyncset.done $0x0  }
0x85: {  	[sflag:s0] =	ssyncadd.s32 $0xFFFFFF00  }
0x86: {  	[tilespmem:s1], [sflag:$0x8] =	stream.indirect.gather [hbm4b:s4+s29], $0x80, s24, s29, $0xb8;
	[tilespmem:$0x1F600] =	vst v63  }
0x87: {  	_ =	swait.ge [sflag:s18], $0x3C00  }
0x88: {  	[sflag:s18] =	ssyncset.done $0x0  }
0x89: {  	[sflag:s18] =	ssyncadd.s32 $0xFFFFC400  }
0x8a: {  	[spmem:s2] =	stream.indirect.scatter.add.f32 [tilespmem:s10], [sflag:$0xC], $0x80, s5, s29, $0xb8;
	[tilespmem:$0x1F600] =	vst v63  }
0x8b: {  	_ =	swait.ge [sflag:s20], $0x3C00  }
0x8c: {  	s12 =	rddreg [dreg:$0x7];
	[sflag:s20] =	ssyncset.done $0x0  }
0x8d: {  	[sflag:s20] =	ssyncadd.s32 $0xFFFFC400;
	s12 =	sadd.s32 $0x0, s12  }
0x8e: {  	[tilespmem:s6], [sflag:$0x6] =	stream.linear.gather [hbm4b:s12+s3], $0x100, $0x38;
	[tilespmem:$0x1F600] =	vst v63  }
0x8f: {  	_ =	swait.ge [sflag:s8], $0x100  }
0x90: {  	[sflag:s8] =	ssyncset.done $0x0  }
0x91: {  	[sflag:s8] =	ssyncadd.s32 $0xFFFFFF00  }
0x92: {  	[tilespmem:s10], [sflag:$0x9] =	stream.indirect.gather [hbm4b:s4+s29], $0x80, s25, s29, $0xb8;
	[tilespmem:$0x1F600] =	vst v63  }
0x93: {  	_ =	swait.ge [sflag:s11], $0x3C00  }
0x94: {  	[sflag:s11] =	ssyncset.done $0x0  }
0x95: {  	[sflag:s11] =	ssyncadd.s32 $0xFFFFC400  }
0x96: {  	[spmem:s2] =	stream.indirect.scatter.add.f32 [tilespmem:s30], [sflag:$0xA], $0x80, s16, s29, $0xb8;
	[tilespmem:$0x1F600] =	vst v63  }
0x97: {  	_ =	swait.ge [sflag:s13], $0x3C00  }
0x98: {  	s16 =	rddreg [dreg:$0x6];
	[sflag:s13] =	ssyncset.done $0x0  }
0x99: {  	[sflag:s13] =	ssyncadd.s32 $0xFFFFC400;
	s12 =	sadd.s32 $0x0, s16  }
0x9a: {  	[tilespmem:s23], [sflag:$0x1] =	stream.linear.gather [hbm4b:s12+s3], $0x100, $0x38;
	[tilespmem:$0x1F600] =	vst v63  }
0x9b: {  	_ =	swait.ge [sflag:s14], $0x100  }
0x9c: {  	[sflag:s14] =	ssyncset.done $0x0  }
0x9d: {  	[sflag:s14] =	ssyncadd.s32 $0xFFFFFF00  }
0x9e: {  	[tilespmem:s30], [sflag:$0x7] =	stream.indirect.gather [hbm4b:s4+s29], $0x80, s26, s29, $0xb8;
	[tilespmem:$0x1F600] =	vst v63  }
0x9f: {  	_ =	swait.ge [sflag:s15], $0x3C00  }
0xa0: {  	[sflag:s15] =	ssyncset.done $0x0  }
0xa1: {  	[sflag:s15] =	ssyncadd.s32 $0xFFFFC400  }
0xa2: {  	[spmem:s2] =	stream.indirect.scatter.add.f32 [tilespmem:s1], [sflag:$0xB], $0x80, s19, s29, $0xb8;
	[tilespmem:$0x1F600] =	vst v63  }
0xa3: {  	_ =	swait.ge [sflag:s17], $0x3C00  }
0xa4: {  	s19 =	rddreg [dreg:$0x5];
	[sflag:s17] =	ssyncset.done $0x0  }
0xa5: {  	[sflag:s17] =	ssyncadd.s32 $0xFFFFC400;
	s12 =	sadd.s32 $0x0, s19  }
0xa6: {  	[tilespmem:s24], [sflag:$0x2] =	stream.linear.gather [hbm4b:s12+s3], $0x100, $0x38;
	[tilespmem:$0x1F600] =	vst v63  }
0xa7: {  	_ =	swait.ge [sflag:s7], $0x100  }
0xa8: {  	[sflag:s7] =	ssyncset.done $0x0  }
0xa9: {  	[sflag:s7] =	ssyncadd.s32 $0xFFFFFF00  }
0xaa: {  	[tilespmem:s1], [sflag:$0x8] =	stream.indirect.gather [hbm4b:s4+s29], $0x80, s31, s29, $0xb8;
	[tilespmem:$0x1F600] =	vst v63  }
0xab: {  	_ =	swait.ge [sflag:s18], $0x3C00  }
0xac: {  	[sflag:s18] =	ssyncset.done $0x0  }
0xad: {  	s16 =	simm.s32 $0x13E80;
	[sflag:s18] =	ssyncadd.s32 $0xFFFFC400  }
0xae: {  	[spmem:s2] =	stream.indirect.scatter.add.f32 [tilespmem:s10], [sflag:$0xC], $0x80, s16, s29, $0xb8;
	[tilespmem:$0x1F600] =	vst v63  }
0xaf: {  	_ =	swait.ge [sflag:s20], $0x3C00  }
0xb0: {  	s19 =	rddreg [dreg:$0x4];
	[sflag:s20] =	ssyncset.done $0x0  }
0xb1: {  	[sflag:s20] =	ssyncadd.s32 $0xFFFFC400;
	s12 =	sadd.s32 $0x0, s19  }
0xb2: {  	[tilespmem:s25], [sflag:$0x3] =	stream.linear.gather [hbm4b:s12+s3], $0x100, $0x38;
	[tilespmem:$0x1F600] =	vst v63  }
0xb3: {  	_ =	swait.ge [sflag:s21], $0x100  }
0xb4: {  	[sflag:s21] =	ssyncset.done $0x0  }
0xb5: {  	[sflag:s21] =	ssyncadd.s32 $0xFFFFFF00  }
0xb6: {  	[tilespmem:s10], [sflag:$0x9] =	stream.indirect.gather [hbm4b:s4+s29], $0x80, s6, s29, $0xb8;
	[tilespmem:$0x1F600] =	vst v63  }
0xb7: {  	_ =	swait.ge [sflag:s11], $0x3C00  }
0xb8: {  	[sflag:s11] =	ssyncset.done $0x0  }
0xb9: {  	s12 =	simm.s32 $0xC0;
	[sflag:s11] =	ssyncadd.s32 $0xFFFFC400  }
.LBB2_2:
0xba: {  	[spmem:s2] =	stream.indirect.scatter.add.f32 [tilespmem:s30], [sflag:$0xA], $0x80, s22, s29, $0xb8;
	[tilespmem:$0x1F600] =	vst v63  }
0xbb: {  	_ =	swait.ge [sflag:s13], $0x3C00  }
0xbc: {  	s16 =	smov.u32 s12;
	s19 =	rddreg [dreg:$0x9];
	[sflag:s13] =	ssyncset.done $0x0  }
0xbd: {  	[sflag:s13] =	ssyncadd.s32 $0xFFFFC400;
	s19 =	sadd.s32 s16, s19  }
0xbe: {  	[tilespmem:s26], [sflag:$0x4] =	stream.linear.gather [hbm4b:s19+s3], $0x100, $0x38;
	[tilespmem:$0x1F600] =	vst v63  }
0xbf: {  	_ =	swait.ge [sflag:s28], $0x100  }
0xc0: {  	[sflag:s28] =	ssyncset.done $0x0  }
0xc1: {  	[sflag:s28] =	ssyncadd.s32 $0xFFFFFF00  }
0xc2: {  	[tilespmem:s30], [sflag:$0x7] =	stream.indirect.gather [hbm4b:s4+s29], $0x80, s23, s29, $0xb8;
	[tilespmem:$0x1F600] =	vst v63  }
0xc3: {  	_ =	swait.ge [sflag:s15], $0x3C00  }
0xc4: {  	[sflag:s15] =	ssyncset.done $0x0  }
0xc5: {  	[sflag:s15] =	ssyncadd.s32 $0xFFFFC400  }
0xc6: {  	[spmem:s2] =	stream.indirect.scatter.add.f32 [tilespmem:s1], [sflag:$0xB], $0x80, s9, s29, $0xb8;
	[tilespmem:$0x1F600] =	vst v63  }
0xc7: {  	_ =	swait.ge [sflag:s17], $0x3C00  }
0xc8: {  	s19 =	rddreg [dreg:$0x8];
	[sflag:s17] =	ssyncset.done $0x0  }
0xc9: {  	[sflag:s17] =	ssyncadd.s32 $0xFFFFC400;
	s19 =	sadd.s32 s16, s19  }
0xca: {  	[tilespmem:s31], [sflag:$0x5] =	stream.linear.gather [hbm4b:s19+s3], $0x100, $0x38;
	[tilespmem:$0x1F600] =	vst v63  }
0xcb: {  	_ =	swait.ge [sflag:s0], $0x100  }
0xcc: {  	[sflag:s0] =	ssyncset.done $0x0  }
0xcd: {  	[sflag:s0] =	ssyncadd.s32 $0xFFFFFF00  }
0xce: {  	[tilespmem:s1], [sflag:$0x8] =	stream.indirect.gather [hbm4b:s4+s29], $0x80, s24, s29, $0xb8;
	[tilespmem:$0x1F600] =	vst v63  }
0xcf: {  	_ =	swait.ge [sflag:s18], $0x3C00  }
0xd0: {  	[sflag:s18] =	ssyncset.done $0x0  }
0xd1: {  	[sflag:s18] =	ssyncadd.s32 $0xFFFFC400  }
0xd2: {  	[spmem:s2] =	stream.indirect.scatter.add.f32 [tilespmem:s10], [sflag:$0xC], $0x80, s5, s29, $0xb8;
	[tilespmem:$0x1F600] =	vst v63  }
0xd3: {  	_ =	swait.ge [sflag:s20], $0x3C00  }
0xd4: {  	s19 =	rddreg [dreg:$0x7];
	[sflag:s20] =	ssyncset.done $0x0  }
0xd5: {  	[sflag:s20] =	ssyncadd.s32 $0xFFFFC400;
	s19 =	sadd.s32 s16, s19  }
0xd6: {  	[tilespmem:s6], [sflag:$0x6] =	stream.linear.gather [hbm4b:s19+s3], $0x100, $0x38;
	[tilespmem:$0x1F600] =	vst v63  }
0xd7: {  	_ =	swait.ge [sflag:s8], $0x100  }
0xd8: {  	[sflag:s8] =	ssyncset.done $0x0  }
0xd9: {  	[sflag:s8] =	ssyncadd.s32 $0xFFFFFF00  }
0xda: {  	[tilespmem:s10], [sflag:$0x9] =	stream.indirect.gather [hbm4b:s4+s29], $0x80, s25, s29, $0xb8;
	[tilespmem:$0x1F600] =	vst v63  }
0xdb: {  	_ =	swait.ge [sflag:s11], $0x3C00  }
0xdc: {  	[sflag:s11] =	ssyncset.done $0x0  }
0xdd: {  	s19 =	simm.s32 $0x13C80;
	[sflag:s11] =	ssyncadd.s32 $0xFFFFC400  }
0xde: {  	[spmem:s2] =	stream.indirect.scatter.add.f32 [tilespmem:s30], [sflag:$0xA], $0x80, s19, s29, $0xb8;
	[tilespmem:$0x1F600] =	vst v63  }
0xdf: {  	_ =	swait.ge [sflag:s13], $0x3C00  }
0xe0: {  	s19 =	rddreg [dreg:$0x6];
	[sflag:s13] =	ssyncset.done $0x0  }
0xe1: {  	[sflag:s13] =	ssyncadd.s32 $0xFFFFC400;
	s19 =	sadd.s32 s16, s19  }
0xe2: {  	[tilespmem:s23], [sflag:$0x1] =	stream.linear.gather [hbm4b:s19+s3], $0x100, $0x38;
	[tilespmem:$0x1F600] =	vst v63  }
0xe3: {  	_ =	swait.ge [sflag:s14], $0x100  }
0xe4: {  	[sflag:s14] =	ssyncset.done $0x0  }
0xe5: {  	[sflag:s14] =	ssyncadd.s32 $0xFFFFFF00  }
0xe6: {  	[tilespmem:s30], [sflag:$0x7] =	stream.indirect.gather [hbm4b:s4+s29], $0x80, s26, s29, $0xb8;
	[tilespmem:$0x1F600] =	vst v63  }
0xe7: {  	_ =	swait.ge [sflag:s15], $0x3C00  }
0xe8: {  	[sflag:s15] =	ssyncset.done $0x0  }
0xe9: {  	s19 =	simm.s32 $0x13D80;
	[sflag:s15] =	ssyncadd.s32 $0xFFFFC400  }
0xea: {  	[spmem:s2] =	stream.indirect.scatter.add.f32 [tilespmem:s1], [sflag:$0xB], $0x80, s19, s29, $0xb8;
	[tilespmem:$0x1F600] =	vst v63  }
0xeb: {  	_ =	swait.ge [sflag:s17], $0x3C00  }
0xec: {  	s19 =	rddreg [dreg:$0x5];
	[sflag:s17] =	ssyncset.done $0x0  }
0xed: {  	[sflag:s17] =	ssyncadd.s32 $0xFFFFC400;
	s19 =	sadd.s32 s16, s19  }
0xee: {  	[tilespmem:s24], [sflag:$0x2] =	stream.linear.gather [hbm4b:s19+s3], $0x100, $0x38;
	[tilespmem:$0x1F600] =	vst v63  }
0xef: {  	_ =	swait.ge [sflag:s7], $0x100  }
0xf0: {  	[sflag:s7] =	ssyncset.done $0x0  }
0xf1: {  	[sflag:s7] =	ssyncadd.s32 $0xFFFFFF00  }
0xf2: {  	[tilespmem:s1], [sflag:$0x8] =	stream.indirect.gather [hbm4b:s4+s29], $0x80, s31, s29, $0xb8;
	[tilespmem:$0x1F600] =	vst v63  }
0xf3: {  	_ =	swait.ge [sflag:s18], $0x3C00  }
0xf4: {  	[sflag:s18] =	ssyncset.done $0x0  }
0xf5: {  	s19 =	simm.s32 $0x13E80;
	[sflag:s18] =	ssyncadd.s32 $0xFFFFC400  }
0xf6: {  	[spmem:s2] =	stream.indirect.scatter.add.f32 [tilespmem:s10], [sflag:$0xC], $0x80, s19, s29, $0xb8;
	[tilespmem:$0x1F600] =	vst v63  }
0xf7: {  	_ =	swait.ge [sflag:s20], $0x3C00  }
0xf8: {  	s19 =	rddreg [dreg:$0x4];
	[sflag:s20] =	ssyncset.done $0x0  }
0xf9: {  	[sflag:s20] =	ssyncadd.s32 $0xFFFFC400;
	s16 =	sadd.s32 s16, s19  }
0xfa: {  	[tilespmem:s25], [sflag:$0x3] =	stream.linear.gather [hbm4b:s16+s3], $0x100, $0x38;
	[tilespmem:$0x1F600] =	vst v63  }
0xfb: {  	_ =	swait.ge [sflag:s21], $0x100  }
0xfc: {  	p0 =	sne.s32 s12, $0x840;
	[sflag:s21] =	ssyncset.done $0x0  }
.Ltmp0:
0xfd: {  	[sflag:s21] =	ssyncadd.s32 $0xFFFFFF00;
	(pc) =	sbr.rel @p0 .LBB2_2-.Ltmp0, $4  }
0xfe: {  	[tilespmem:s10], [sflag:$0x9] =	stream.indirect.gather [hbm4b:s4+s29], $0x80, s6, s29, $0xb8;
	[tilespmem:$0x1F600] =	vst v63  }
0xff: {  	_ =	swait.ge [sflag:s11], $0x3C00  }
0x100: {  	[sflag:s11] =	ssyncset.done $0x0  }
0x101: {  	s12 =	sadd.s32 $0xC0, s12;
	[sflag:s11] =	ssyncadd.s32 $0xFFFFC400  }
0x102: {  	s5 =	simm.s32 $0x13F80  }
0x103: {  	[spmem:s2] =	stream.indirect.scatter.add.f32 [tilespmem:s30], [sflag:$0xA], $0x80, s5, s29, $0xb8;
	[tilespmem:$0x1F600] =	vst v63  }
0x104: {  	_ =	swait.ge [sflag:s13], $0x3C00  }
0x105: {  	[sflag:s13] =	ssyncset.done $0x0  }
0x106: {  	s12 =	rddreg [dreg:$0x17];
	[sflag:s13] =	ssyncadd.s32 $0xFFFFC400  }
0x107: {  	[tilespmem:s26], [sflag:$0x4] =	stream.linear.gather [hbm4b:s12+s3], $0x100, $0x38;
	[tilespmem:$0x1F600] =	vst v63  }
0x108: {  	_ =	swait.ge [sflag:s28], $0x100  }
0x109: {  	[sflag:s28] =	ssyncset.done $0x0  }
0x10a: {  	[sflag:s28] =	ssyncadd.s32 $0xFFFFFF00  }
0x10b: {  	[tilespmem:s30], [sflag:$0x7] =	stream.indirect.gather [hbm4b:s4+s29], $0x80, s23, s29, $0xb8;
	[tilespmem:$0x1F600] =	vst v63  }
0x10c: {  	_ =	swait.ge [sflag:s15], $0x3C00  }
0x10d: {  	[sflag:s15] =	ssyncset.done $0x0  }
0x10e: {  	s19 =	simm.s32 $0x14080;
	[sflag:s15] =	ssyncadd.s32 $0xFFFFC400  }
0x10f: {  	[spmem:s2] =	stream.indirect.scatter.add.f32 [tilespmem:s1], [sflag:$0xB], $0x80, s19, s29, $0xb8;
	[tilespmem:$0x1F600] =	vst v63  }
0x110: {  	_ =	swait.ge [sflag:s17], $0x3C00  }
0x111: {  	[sflag:s17] =	ssyncset.done $0x0  }
0x112: {  	s16 =	rddreg [dreg:$0x18];
	[sflag:s17] =	ssyncadd.s32 $0xFFFFC400  }
0x113: {  	[tilespmem:s31], [sflag:$0x5] =	stream.linear.gather [hbm4b:s16+s3], $0x100, $0x38;
	[tilespmem:$0x1F600] =	vst v63  }
0x114: {  	_ =	swait.ge [sflag:s0], $0x100  }
0x115: {  	[sflag:s0] =	ssyncset.done $0x0  }
0x116: {  	[sflag:s0] =	ssyncadd.s32 $0xFFFFFF00  }
0x117: {  	[tilespmem:s1], [sflag:$0x8] =	stream.indirect.gather [hbm4b:s4+s29], $0x80, s24, s29, $0xb8;
	[tilespmem:$0x1F600] =	vst v63  }
0x118: {  	_ =	swait.ge [sflag:s18], $0x3C00  }
0x119: {  	[sflag:s18] =	ssyncset.done $0x0  }
0x11a: {  	s16 =	simm.s32 $0x14180;
	[sflag:s18] =	ssyncadd.s32 $0xFFFFC400  }
0x11b: {  	[spmem:s2] =	stream.indirect.scatter.add.f32 [tilespmem:s10], [sflag:$0xC], $0x80, s16, s29, $0xb8;
	[tilespmem:$0x1F600] =	vst v63  }
0x11c: {  	_ =	swait.ge [sflag:s20], $0x3C00  }
0x11d: {  	[sflag:s20] =	ssyncset.done $0x0  }
0x11e: {  	s22 =	rddreg [dreg:$0x19];
	[sflag:s20] =	ssyncadd.s32 $0xFFFFC400  }
0x11f: {  	[tilespmem:s6], [sflag:$0x6] =	stream.linear.gather [hbm4b:s22+s3], $0x100, $0x38;
	[tilespmem:$0x1F600] =	vst v63  }
0x120: {  	_ =	swait.ge [sflag:s8], $0x100  }
0x121: {  	[sflag:s8] =	ssyncset.done $0x0  }
0x122: {  	[sflag:s8] =	ssyncadd.s32 $0xFFFFFF00  }
0x123: {  	[tilespmem:s10], [sflag:$0x9] =	stream.indirect.gather [hbm4b:s4+s29], $0x80, s25, s29, $0xb8;
	[tilespmem:$0x1F600] =	vst v63  }
0x124: {  	_ =	swait.ge [sflag:s11], $0x3C00  }
0x125: {  	[sflag:s11] =	ssyncset.done $0x0  }
0x126: {  	s5 =	simm.s32 $0x13C80;
	[sflag:s11] =	ssyncadd.s32 $0xFFFFC400  }
0x127: {  	[spmem:s2] =	stream.indirect.scatter.add.f32 [tilespmem:s30], [sflag:$0xA], $0x80, s5, s29, $0xb8;
	[tilespmem:$0x1F600] =	vst v63  }
0x128: {  	_ =	swait.ge [sflag:s13], $0x3C00  }
0x129: {  	[sflag:s13] =	ssyncset.done $0x0  }
0x12a: {  	[sflag:s13] =	ssyncadd.s32 $0xFFFFC400  }
0x12b: {  	_ =	swait.ge [sflag:s14], $0x100  }
0x12c: {  	[sflag:s14] =	ssyncset.done $0x0  }
0x12d: {  	[sflag:s14] =	ssyncadd.s32 $0xFFFFFF00  }
0x12e: {  	[tilespmem:s30], [sflag:$0x7] =	stream.indirect.gather [hbm4b:s4+s29], $0x80, s26, s29, $0xb8;
	[tilespmem:$0x1F600] =	vst v63  }
0x12f: {  	_ =	swait.ge [sflag:s15], $0x3C00  }
0x130: {  	[sflag:s15] =	ssyncset.done $0x0  }
0x131: {  	s9 =	simm.s32 $0x13D80;
	[sflag:s15] =	ssyncadd.s32 $0xFFFFC400  }
0x132: {  	[spmem:s2] =	stream.indirect.scatter.add.f32 [tilespmem:s1], [sflag:$0xB], $0x80, s9, s29, $0xb8;
	[tilespmem:$0x1F600] =	vst v63  }
0x133: {  	_ =	swait.ge [sflag:s17], $0x3C00  }
0x134: {  	[sflag:s17] =	ssyncset.done $0x0  }
0x135: {  	[sflag:s17] =	ssyncadd.s32 $0xFFFFC400  }
0x136: {  	_ =	swait.ge [sflag:s7], $0x100  }
0x137: {  	[sflag:s7] =	ssyncset.done $0x0  }
0x138: {  	[sflag:s7] =	ssyncadd.s32 $0xFFFFFF00  }
0x139: {  	[tilespmem:s1], [sflag:$0x8] =	stream.indirect.gather [hbm4b:s4+s29], $0x80, s31, s29, $0xb8;
	[tilespmem:$0x1F600] =	vst v63  }
0x13a: {  	_ =	swait.ge [sflag:s18], $0x3C00  }
0x13b: {  	[sflag:s18] =	ssyncset.done $0x0  }
0x13c: {  	s9 =	simm.s32 $0x13E80;
	[sflag:s18] =	ssyncadd.s32 $0xFFFFC400  }
0x13d: {  	[spmem:s2] =	stream.indirect.scatter.add.f32 [tilespmem:s10], [sflag:$0xC], $0x80, s9, s29, $0xb8;
	[tilespmem:$0x1F600] =	vst v63  }
0x13e: {  	_ =	swait.ge [sflag:s20], $0x3C00  }
0x13f: {  	[sflag:s20] =	ssyncset.done $0x0  }
0x140: {  	[sflag:s20] =	ssyncadd.s32 $0xFFFFC400  }
0x141: {  	_ =	swait.ge [sflag:s21], $0x100  }
0x142: {  	[sflag:s21] =	ssyncset.done $0x0  }
0x143: {  	[sflag:s21] =	ssyncadd.s32 $0xFFFFFF00  }
0x144: {  	[tilespmem:s10], [sflag:$0x9] =	stream.indirect.gather [hbm4b:s4+s29], $0x80, s6, s29, $0xb8;
	[tilespmem:$0x1F600] =	vst v63  }
0x145: {  	_ =	swait.ge [sflag:s11], $0x3C00  }
0x146: {  	[sflag:s11] =	ssyncset.done $0x0  }
0x147: {  	s12 =	simm.s32 $0x13F80;
	[sflag:s11] =	ssyncadd.s32 $0xFFFFC400  }
0x148: {  	[spmem:s2] =	stream.indirect.scatter.add.f32 [tilespmem:s30], [sflag:$0xA], $0x80, s12, s29, $0xb8;
	[tilespmem:$0x1F600] =	vst v63  }
0x149: {  	_ =	swait.ge [sflag:s15], $0x3C00  }
0x14a: {  	[sflag:s15] =	ssyncset.done $0x0  }
0x14b: {  	[sflag:s15] =	ssyncadd.s32 $0xFFFFC400  }
0x14c: {  	[spmem:s2] =	stream.indirect.scatter.add.f32 [tilespmem:s1], [sflag:$0xB], $0x80, s19, s29, $0xb8;
	[tilespmem:$0x1F600] =	vst v63  }
0x14d: {  	_ =	swait.ge [sflag:s18], $0x3C00  }
0x14e: {  	[sflag:s18] =	ssyncset.done $0x0  }
0x14f: {  	[sflag:s18] =	ssyncadd.s32 $0xFFFFC400  }
0x150: {  	[spmem:s2] =	stream.indirect.scatter.add.f32 [tilespmem:s10], [sflag:$0xC], $0x80, s16, s29, $0xb8;
	[tilespmem:$0x1F600] =	vst v63  }
0x151: {  	_ =	swait.ge [sflag:s13], $0x3C00  }
0x152: {  	[sflag:s13] =	ssyncset.done $0x0  }
0x153: {  	[sflag:s13] =	ssyncadd.s32 $0xFFFFC400  }
0x154: {  	_ =	swait.ge [sflag:s17], $0x3C00  }
0x155: {  	[sflag:s17] =	ssyncset.done $0x0  }
0x156: {  	[sflag:s17] =	ssyncadd.s32 $0xFFFFC400  }
0x157: {  	_ =	swait.ge [sflag:s20], $0x3C00  }
0x158: {  	[sflag:s20] =	ssyncset.done $0x0  }
0x159: {  	[sflag:s20] =	ssyncadd.s32 $0xFFFFC400  }
0x15a: {  	[bflag:$0x0] =	sbarrier.arrive $0xFFFF  }
0x15b: {  	s19 =	rddreg [dreg:$0xc]  }
0x15c: {  	s16 =	rddreg [dreg:$0x1a]  }
0x15d: {  	s12 =	sor.u32 $0x1C0E, s19;
	s19 =	rddreg [dreg:$0x1d]  }
0x15e: {  	[hbm:s16], [sflag:s12] =	dma.local [spmem:s19], $0x2780  }
0x15f: {  	s16 =	simm.s32 $0xE  }
0x160: {  	_ =	swait.ge [sflag:s16], $0x2780  }
0x161: {  	s12 =	rddreg [dreg:$0x1c]  }
0x162: {  	s19 =	sadd.s32 $0x1, s12;
	s12 =	rddreg [dreg:$0x1b]  }
0x163: {  	p0 =	sne.s32 s19, s12  }
.Ltmp1:
0x164: {  	_ = 	snop;
	(pc) =	sbr.rel @p0 .LBB2_1-.Ltmp1, $3  }
0x165: {  	_ =	sdelay $0x1  }
0x166: {  	s22 =	simm.s32 $0x13F80;
	[sflag:s16] =	ssyncset.done $0x0  }
0x167: {  	s5 =	simm.s32 $0x14180;
	s9 =	simm.s32 $0x14080;
	[sflag:s16] =	ssyncadd.s32 $0xFFFFD880  }
0x168: {  	_ =	sfence.sel $0x180000  }
0x169: {  	[bflag:$0x0] =	sbarrier.arrive $0xFFFF  }
0x16a: {  	_ =	strace $0x9000004A  }
0x16b: {  	s0 =	stileid.u32;
	[bflag:$0x2] =	sbarrier.arrive $0xFFFF  }
0x16c: {  	p0 =	sne.s32 s0, $0x0;
	s0 =	rddreg [dreg:$0x3]  }
0x16d: {  	s0 =	sadd.s32 @!p0 $0x100000, s0  }
0x16e: {  	[sflag:s0] =	ssyncadd.tile.s32 @!p0 $0x1;
	_ =	shalt  }
.Lfunc_end2:
_tile_overlayer_lowered:
.L_overlay_start_2:
0x16f: {  	(tag) =	ssettag $0x2  }
0x170: {  	s0 =	rddreg [dreg:$0x0];
	s2 =	stileid.u32  }
0x171: {  	s1 =	rddreg [dreg:$0x1];
	p0 =	sne.s32 s2, $0x0  }
0x172: {  	s3 =	rddreg [dreg:$0x2];
	[bflag:$0x3] =	sbarrier.arrive $0xFFFF;
	s2 =	simm.s32 @!p0 $0x1C0E  }
0x173: {  	[timem:s3], [sflag:s2] =	dma.local @!p0 [hbm:s0], s1  }
0x174: {  	s0 =	simm.s32 @!p0 $0xE  }
0x175: {  	_ =	swait.ge @!p0 [sflag:s0], s1  }
0x176: {  	s1 =	ssub.s32 @!p0 $0x0, s1;
	[sflag:s0] =	ssyncset.done @!p0 $0x0  }
0x177: {  	[sflag:s0] =	ssyncadd.s32 @!p0 s1  }
0x178: {  	[bflag:$0x3] =	sbarrier.arrive $0xFFFF  }
0x179: {  	_ =	shalt  }

</sc_bundles>
